<compile_context>
chip_gen: v7x
topology: tpu7x:2x2x1
jax: 0.10.2.dev20260603
libtpu: 0.0.44.dev20260713+nightly
codegen_flags: <defaults>
</compile_context>

<pallas_src>
import functools

import jax
import jax.numpy as jnp
from jax import lax
from jax.experimental import pallas as pl
from jax.experimental.pallas import tpu as pltpu
from jax.experimental.pallas import tpu_sc as plsc

_H = 8
_C = 16


def _node_projections(x, W_l, b_l, W_r, b_r):
    n, d = x.shape
    f = W_l.shape[1]
    bn = 1000
    body = lambda x_ref, wl, bl, wr, br, xl_ref, xr_ref: (
        xl_ref.__setitem__(
            ..., jnp.dot(x_ref[...], wl[...], preferred_element_type=jnp.float32) + bl[...]),
        xr_ref.__setitem__(
            ..., jnp.dot(x_ref[...], wr[...], preferred_element_type=jnp.float32) + br[...]),
    ) and None
    return pl.pallas_call(
        body,
        grid=(n // bn,),
        in_specs=[
            pl.BlockSpec((bn, d), lambda i: (i, 0)),
            pl.BlockSpec((d, f), lambda i: (0, 0)),
            pl.BlockSpec((1, f), lambda i: (0, 0)),
            pl.BlockSpec((d, f), lambda i: (0, 0)),
            pl.BlockSpec((1, f), lambda i: (0, 0)),
        ],
        out_specs=[pl.BlockSpec((bn, f), lambda i: (i, 0))] * 2,
        out_shape=[jax.ShapeDtypeStruct((n, f), jnp.float32)] * 2,
    )(x, W_l, b_l.reshape(1, -1), W_r, b_r.reshape(1, -1))


def _edge_projection(edge_attr, W_e):
    e, de = edge_attr.shape
    f = W_e.shape[1]
    be = 4000
    body = lambda a_ref, w_ref, o_ref: o_ref.__setitem__(
        ..., jnp.dot(a_ref[...], w_ref[...], preferred_element_type=jnp.float32))
    return pl.pallas_call(
        body,
        grid=(e // be,),
        in_specs=[
            pl.BlockSpec((be, de), lambda i: (i, 0)),
            pl.BlockSpec((de, f), lambda i: (0, 0)),
        ],
        out_specs=pl.BlockSpec((be, f), lambda i: (i, 0)),
        out_shape=jax.ShapeDtypeStruct((e, f), jnp.float32),
    )(edge_attr, W_e)


def _sc_message_pass(xl, xr, e, src, dst, att):
    n, f = xl.shape
    num_edges = src.shape[0]
    fd = f + _C
    nc, ns = 2, 16
    tiles = nc * ns
    ept = num_edges // tiles
    eb = 40
    nb = ept // eb
    ch = 128
    rpt = -(-n // (ns * ch)) * ch
    npad = ns * rpt
    nch = rpt // ch

    sbsz = 2000
    nsb = ept // sbsz
    nbs = sbsz // eb

    def body(xl_h, xr_h, e_h, src_h, dst_h, att_h, part_h,
             acc, sall, dall, didx0, didx1, xl0, xl1, xr0, xr1,
             ebuf, cb, attv, semg, seme, semi):
        cid = lax.axis_index("c")
        sid = lax.axis_index("s")
        wid = sid * nc + cid
        zv = jnp.zeros((16,), jnp.float32)
        didxs, xlsl, xrsl = (didx0, didx1), (xl0, xl1), (xr0, xr1)

        def zrow(i, carry):
            for j in range(fd // 16):
                cb[i, pl.ds(j * 16, 16)] = zv
            return carry
        lax.fori_loop(0, eb, zrow, 0)
        row0 = sid * rpt
        for k in range(rpt // eb):
            pltpu.sync_copy(cb, acc.at[pl.ds(row0 + k * eb, eb)])
        pltpu.sync_copy(att_h, attv)
        plsc.subcore_barrier()

        atts = [attv[h, :] for h in range(_H)]
        ohs = [jnp.where(lax.iota(jnp.int32, 16) == h, 1.0, 0.0)
               for h in range(_H)]
        ebase = wid * ept

        def issue(sbase, g, slot):
            off = g * eb
            pltpu.async_copy(dst_h.at[pl.ds(sbase + off, eb)],
                             didxs[slot], semi)
            pltpu.async_copy(xl_h.at[sall.at[pl.ds(off, eb)]],
                             xlsl[slot], semg)
            pltpu.async_copy(xr_h.at[dall.at[pl.ds(off, eb)]],
                             xrsl[slot], semg)

        def wait_in(slot):
            pltpu.make_async_copy(xl_h.at[didxs[slot]], xlsl[slot], semg).wait()
            pltpu.make_async_copy(xl_h.at[didxs[slot]], xrsl[slot], semg).wait()
            pltpu.make_async_copy(dst_h.at[pl.ds(0, eb)], didxs[slot],
                                  semi).wait()
            pltpu.make_async_copy(e_h.at[pl.ds(0, eb)], ebuf, seme).wait()

        def compute(slot):
            xlb, xrb = xlsl[slot], xrsl[slot]

            @plsc.parallel_loop(0, eb, unroll=5)
            def edge(i):
                dvec = zv
                for h in range(_H):
                    sl = pl.ds(h * 16, 16)
                    xlv = xlb[i, sl]
                    m = xlv + xrb[i, sl] + ebuf[i, sl]
                    m = jnp.maximum(m, 0.2 * m)
                    logit = jnp.sum(m * atts[h])
                    wv = jnp.exp(lax.broadcast(logit, (16,)))
                    cb[i, sl] = wv * xlv
                    dvec = dvec + wv * ohs[h]
                cb[i, pl.ds(f, 16)] = dvec

        def superbatch(s, carry):
            sbase = ebase + s * sbsz
            pltpu.sync_copy(src_h.at[pl.ds(sbase, sbsz)], sall)
            pltpu.sync_copy(dst_h.at[pl.ds(sbase, sbsz)], dall)
            issue(sbase, 0, 0)
            pltpu.async_copy(e_h.at[pl.ds(sbase, eb)], ebuf, seme)

            def pair(p, c2):
                for sl in range(2):
                    g = p * 2 + sl
                    nxt = 1 - sl

                    @pl.when(g + 1 < nbs)
                    def _():
                        issue(sbase, g + 1, nxt)

                    wait_in(sl)
                    compute(sl)

                    @pl.when(g + 1 < nbs)
                    def _():
                        pltpu.async_copy(
                            e_h.at[pl.ds(sbase + (g + 1) * eb, eb)],
                            ebuf, seme)

                    pltpu.sync_copy(cb, acc.at[didxs[sl]], add=True)
                return c2
            lax.fori_loop(0, nbs // 2, pair, 0)
            return carry
        lax.fori_loop(0, nsb, superbatch, 0)
        plsc.subcore_barrier()

        for k in range(nch):
            r = row0 + k * ch
            pltpu.sync_copy(acc.at[pl.ds(r, ch)], part_h.at[cid, pl.ds(r, ch)])

    mesh = plsc.VectorSubcoreMesh(core_axis_name="c", subcore_axis_name="s")
    kfn = pl.kernel(
        body,
        out_type=jax.ShapeDtypeStruct((nc, npad, fd), jnp.float32),
        mesh=mesh,
        compiler_params=pltpu.CompilerParams(
            needs_layout_passes=False, use_tc_tiling_on_sc=False),
        scratch_types=[
            pltpu.VMEM_SHARED((npad, fd), jnp.float32),
            pltpu.VMEM((sbsz,), jnp.int32),
            pltpu.VMEM((sbsz,), jnp.int32),
            pltpu.VMEM((eb,), jnp.int32),
            pltpu.VMEM((eb,), jnp.int32),
            pltpu.VMEM((eb, f), jnp.float32),
            pltpu.VMEM((eb, f), jnp.float32),
            pltpu.VMEM((eb, f), jnp.float32),
            pltpu.VMEM((eb, f), jnp.float32),
            pltpu.VMEM((eb, f), jnp.float32),
            pltpu.VMEM((eb, fd), jnp.float32),
            pltpu.VMEM((_H, _C), jnp.float32),
            pltpu.SemaphoreType.DMA,
            pltpu.SemaphoreType.DMA,
            pltpu.SemaphoreType.DMA,
        ],
    )
    return kfn(xl, xr, e, src, dst, att)


def _finalize(part, x, W_res, b_res, bias, gamma, beta):
    nc, _, fd = part.shape
    f = fd - _C
    n, d = x.shape
    bn = 1000

    def body(p0, p1, x_ref, wres, bres, bias2, gamma2, beta2, out_ref):
        p = p0[0] + p1[0]
        num = p[:, :f]
        den = p[:, f:fd]
        r = lax.broadcasted_iota(jnp.int32, (_C, f), 0)
        c = lax.broadcasted_iota(jnp.int32, (_C, f), 1)
        expand = (c // _C == r).astype(jnp.float32)
        den_b = jnp.dot(den, expand, preferred_element_type=jnp.float32)
        o = (num / (den_b + 1e-16) + bias2[...] + bres[...]
             + jnp.dot(x_ref[...], wres[...], preferred_element_type=jnp.float32))
        mu = jnp.mean(o, axis=-1, keepdims=True)
        dev = o - mu
        var = jnp.mean(dev * dev, axis=-1, keepdims=True)
        out_ref[...] = dev * lax.rsqrt(var + 1e-5) * gamma2[...] + beta2[...]

    return pl.pallas_call(
        body,
        grid=(n // bn,),
        in_specs=[
            pl.BlockSpec((1, bn, fd), lambda i: (0, i, 0)),
            pl.BlockSpec((1, bn, fd), lambda i: (1, i, 0)),
            pl.BlockSpec((bn, d), lambda i: (i, 0)),
            pl.BlockSpec((d, f), lambda i: (0, 0)),
            pl.BlockSpec((1, f), lambda i: (0, 0)),
            pl.BlockSpec((1, f), lambda i: (0, 0)),
            pl.BlockSpec((1, f), lambda i: (0, 0)),
            pl.BlockSpec((1, f), lambda i: (0, 0)),
        ],
        out_specs=pl.BlockSpec((bn, f), lambda i: (i, 0)),
        out_shape=jax.ShapeDtypeStruct((n, f), jnp.float32),
    )(part, part, x, W_res, b_res.reshape(1, -1), bias.reshape(1, -1),
      gamma.reshape(1, -1), beta.reshape(1, -1))


def kernel(x, edge_index, edge_attr, W_l, b_l, W_r, b_r, W_e, att,
           W_res, b_res, bias, gamma, beta):
    src = edge_index[0].astype(jnp.int32)
    dst = edge_index[1].astype(jnp.int32)
    xl, xr = _node_projections(x, W_l, b_l, W_r, b_r)
    e = _edge_projection(edge_attr, W_e)
    part = _sc_message_pass(xl, xr, e, src, dst, att)
    return _finalize(part, x, W_res, b_res, bias, gamma, beta)

# --- scband reference (transcript-rebuilt; emitter-appended) ---
"""Pipeline reference for scband-gatconv-encoder-layer-68264210202878 (READ-ONLY COPY).

The authoritative reference and input builder live on the scoring server;
editing this copy changes nothing except your own understanding.
"""

import jax, jax.numpy as jnp
import numpy as np

N = 10000
E = 320000
D = 128
DE = 16
H = 8
C = D // H  # 16


def setup_inputs(seed: int = 0) -> dict:
    key = jax.random.key(seed)
    ks = jax.random.split(key, 16)
    x = jax.random.normal(ks[0], (N, D), dtype=jnp.float32)
    edge_index = jax.random.randint(ks[1], (2, E), 0, N, dtype=jnp.int64)
    edge_attr = jax.random.normal(ks[2], (E, DE), dtype=jnp.float32)
    g = 1.0 / np.sqrt(D)
    ge = 1.0 / np.sqrt(DE)
    W_l = jax.random.normal(ks[3], (D, H * C), dtype=jnp.float32) * g
    b_l = jnp.zeros((H * C,), dtype=jnp.float32)
    W_r = jax.random.normal(ks[4], (D, H * C), dtype=jnp.float32) * g
    b_r = jnp.zeros((H * C,), dtype=jnp.float32)
    W_e = jax.random.normal(ks[5], (DE, H * C), dtype=jnp.float32) * ge
    att = jax.random.normal(ks[6], (H, C), dtype=jnp.float32) * (1.0 / np.sqrt(C))
    W_res = jax.random.normal(ks[7], (D, H * C), dtype=jnp.float32) * g
    b_res = jnp.zeros((H * C,), dtype=jnp.float32)
    bias = jnp.zeros((H * C,), dtype=jnp.float32)
    gamma = jnp.ones((D,), dtype=jnp.float32)
    beta = jnp.zeros((D,), dtype=jnp.float32)
    return {"x": x, "edge_index": edge_index, "edge_attr": edge_attr,
            "W_l": W_l, "b_l": b_l, "W_r": W_r, "b_r": b_r, "W_e": W_e,
            "att": att, "W_res": W_res, "b_res": b_res, "bias": bias,
            "gamma": gamma, "beta": beta}


def reference(x, edge_index, edge_attr, W_l, b_l, W_r, b_r, W_e, att, W_res, b_res, bias, gamma, beta):
    n = x.shape[0]
    src = edge_index[0]
    dst = edge_index[1]
    # GATv2Conv: separate linear transforms for source (lin_l) and target (lin_r)
    xl = (x @ W_l + b_l).reshape(n, H, C)
    xr = (x @ W_r + b_r).reshape(n, H, C)
    e = (edge_attr @ W_e).reshape(-1, H, C)
    # GATv2 attention: a^T LeakyReLU(x_l[src] + x_r[dst] + e)
    msg = xl[src] + xr[dst] + e                       # [E, H, C] (gather)
    msg = jax.nn.leaky_relu(msg, negative_slope=0.2)
    logits = jnp.sum(msg * att[None, :, :], axis=-1)  # [E, H]
    # softmax over incoming edges per destination node (segment softmax)
    mx = jax.ops.segment_max(logits, dst, num_segments=n)  # [N, H]
    mx = jnp.where(jnp.isfinite(mx), mx, 0.0)
    ex = jnp.exp(logits - mx[dst])
    den = jax.ops.segment_sum(ex, dst, num_segments=n)
    alpha = ex / (den[dst] + 1e-16)                   # [E, H]
    # weighted scatter-add of source messages (message = x_l[src] * alpha)
    out = jax.ops.segment_sum(alpha[:, :, None] * xl[src], dst, num_segments=n)  # [N, H, C]
    out = out.reshape(n, H * C)
    # residual projection + output bias (residual=True in GATv2Conv)
    out = out + bias + (x @ W_res + b_res)
    # LayerNorm
    mu = jnp.mean(out, axis=-1, keepdims=True)
    var = jnp.mean((out - mu) ** 2, axis=-1, keepdims=True)
    out = (out - mu) / jnp.sqrt(var + 1e-5) * gamma + beta
    return out

if __name__ == "__main__":
    import jax
    _d = setup_inputs()
    print(jax.jit(kernel)(*tuple(_d.values())))

</pallas_src>

<mosaic_0001>
#map = affine_map<(d0, d1) -> (0, 0)>
#map1 = affine_map<(d0, d1) -> (0)>
#map2 = affine_map<(d0, d1) -> (0, 0, 0)>
module attributes {stable_mosaic.version = 14 : i64} {
  func.func @body(%arg0: i32, %arg1: i32, %arg2: memref<10000x128xf32, #tpu.memory_space<hbm>>, %arg3: memref<10000x128xf32, #tpu.memory_space<hbm>>, %arg4: memref<320000x128xf32, #tpu.memory_space<hbm>>, %arg5: memref<320000xi32, #tpu.memory_space<hbm>>, %arg6: memref<320000xi32, #tpu.memory_space<hbm>>, %arg7: memref<8x16xf32, #tpu.memory_space<hbm>>, %arg8: memref<2x10240x144xf32, #tpu.memory_space<hbm>>, %arg9: memref<10240x144xf32, #tpu.memory_space<vmem_shared>>, %arg10: memref<2000xi32, #tpu.memory_space<vmem>>, %arg11: memref<2000xi32, #tpu.memory_space<vmem>>, %arg12: memref<40xi32, #tpu.memory_space<vmem>>, %arg13: memref<40xi32, #tpu.memory_space<vmem>>, %arg14: memref<40x128xf32, #tpu.memory_space<vmem>>, %arg15: memref<40x128xf32, #tpu.memory_space<vmem>>, %arg16: memref<40x128xf32, #tpu.memory_space<vmem>>, %arg17: memref<40x128xf32, #tpu.memory_space<vmem>>, %arg18: memref<40x128xf32, #tpu.memory_space<vmem>>, %arg19: memref<40x144xf32, #tpu.memory_space<vmem>>, %arg20: memref<8x16xf32, #tpu.memory_space<vmem>>, %arg21: memref<!tpu.dma_semaphore, #tpu.memory_space<semaphore_mem>>, %arg22: memref<!tpu.dma_semaphore, #tpu.memory_space<semaphore_mem>>, %arg23: memref<!tpu.dma_semaphore, #tpu.memory_space<semaphore_mem>>) attributes {dimension_semantics = [#tpu.dimension_semantics<core_parallel>, #tpu.dimension_semantics<subcore_parallel>], iteration_bounds = array<i64: 2, 16>, scalar_prefetch = 0 : i64, scratch_operands = 15 : i64, tpu.core_type = #tpu.core_type<sc_vector_subcore>, window_params = [{transform_indices = #map}, {transform_indices = #map}, {transform_indices = #map}, {transform_indices = #map1}, {transform_indices = #map1}, {transform_indices = #map}, {transform_indices = #map2}]} {
    %mul3A = arith.constant 2 : i32
    %mul3A_0 = arith.muli %arg1, %mul3A : i32
    %add3A = arith.addi %mul3A_0, %arg0 : i32
    %broadcast_in_dim3A = arith.constant 0.000000e+00 : f32
    %broadcast_in_dim3A_1 = vector.broadcast %broadcast_in_dim3A : f32 to vector<16xf32>
    %scan3A = arith.constant 0 : i32
    %scan3A_2 = arith.constant 0 : i32
    %scan3A_3 = arith.constant 40 : i32
    %scan3A_4 = arith.addi %scan3A_2, %scan3A_3 : i32
    %scan3A_5 = arith.constant 1 : i32
    scf.for %scan3A_159 = %scan3A_2 to %scan3A_4 step %scan3A_5  : i32 {
      %swap3A = arith.index_cast %scan3A_159 : i32 to index
      %swap3A_160 = arith.constant 0 : index
      %swap3A_161 = tpu.vector_load %arg19[%swap3A, %swap3A_160] {strides = array<i32>} : memref<40x144xf32, #tpu.memory_space<vmem>>, vector<16xf32>,
      tpu.vector_store %arg19[%swap3A, %swap3A_160], %broadcast_in_dim3A_1 {strides = array<i32>} : memref<40x144xf32, #tpu.memory_space<vmem>>, vector<16xf32>,
      %swap3A_162 = arith.index_cast %scan3A_159 : i32 to index
      %swap3A_163 = arith.constant 16 : index
      %swap3A_164 = tpu.vector_load %arg19[%swap3A_162, %swap3A_163] {strides = array<i32>} : memref<40x144xf32, #tpu.memory_space<vmem>>, vector<16xf32>,
      tpu.vector_store %arg19[%swap3A_162, %swap3A_163], %broadcast_in_dim3A_1 {strides = array<i32>} : memref<40x144xf32, #tpu.memory_space<vmem>>, vector<16xf32>,
      %swap3A_165 = arith.index_cast %scan3A_159 : i32 to index
      %swap3A_166 = arith.constant 32 : index
      %swap3A_167 = tpu.vector_load %arg19[%swap3A_165, %swap3A_166] {strides = array<i32>} : memref<40x144xf32, #tpu.memory_space<vmem>>, vector<16xf32>,
      tpu.vector_store %arg19[%swap3A_165, %swap3A_166], %broadcast_in_dim3A_1 {strides = array<i32>} : memref<40x144xf32, #tpu.memory_space<vmem>>, vector<16xf32>,
      %swap3A_168 = arith.index_cast %scan3A_159 : i32 to index
      %swap3A_169 = arith.constant 48 : index
      %swap3A_170 = tpu.vector_load %arg19[%swap3A_168, %swap3A_169] {strides = array<i32>} : memref<40x144xf32, #tpu.memory_space<vmem>>, vector<16xf32>,
      tpu.vector_store %arg19[%swap3A_168, %swap3A_169], %broadcast_in_dim3A_1 {strides = array<i32>} : memref<40x144xf32, #tpu.memory_space<vmem>>, vector<16xf32>,
      %swap3A_171 = arith.index_cast %scan3A_159 : i32 to index
      %swap3A_172 = arith.constant 64 : index
      %swap3A_173 = tpu.vector_load %arg19[%swap3A_171, %swap3A_172] {strides = array<i32>} : memref<40x144xf32, #tpu.memory_space<vmem>>, vector<16xf32>,
      tpu.vector_store %arg19[%swap3A_171, %swap3A_172], %broadcast_in_dim3A_1 {strides = array<i32>} : memref<40x144xf32, #tpu.memory_space<vmem>>, vector<16xf32>,
      %swap3A_174 = arith.index_cast %scan3A_159 : i32 to index
      %swap3A_175 = arith.constant 80 : index
      %swap3A_176 = tpu.vector_load %arg19[%swap3A_174, %swap3A_175] {strides = array<i32>} : memref<40x144xf32, #tpu.memory_space<vmem>>, vector<16xf32>,
      tpu.vector_store %arg19[%swap3A_174, %swap3A_175], %broadcast_in_dim3A_1 {strides = array<i32>} : memref<40x144xf32, #tpu.memory_space<vmem>>, vector<16xf32>,
      %swap3A_177 = arith.index_cast %scan3A_159 : i32 to index
      %swap3A_178 = arith.constant 96 : index
      %swap3A_179 = tpu.vector_load %arg19[%swap3A_177, %swap3A_178] {strides = array<i32>} : memref<40x144xf32, #tpu.memory_space<vmem>>, vector<16xf32>,
      tpu.vector_store %arg19[%swap3A_177, %swap3A_178], %broadcast_in_dim3A_1 {strides = array<i32>} : memref<40x144xf32, #tpu.memory_space<vmem>>, vector<16xf32>,
      %swap3A_180 = arith.index_cast %scan3A_159 : i32 to index
      %swap3A_181 = arith.constant 112 : index
      %swap3A_182 = tpu.vector_load %arg19[%swap3A_180, %swap3A_181] {strides = array<i32>} : memref<40x144xf32, #tpu.memory_space<vmem>>, vector<16xf32>,
      tpu.vector_store %arg19[%swap3A_180, %swap3A_181], %broadcast_in_dim3A_1 {strides = array<i32>} : memref<40x144xf32, #tpu.memory_space<vmem>>, vector<16xf32>,
      %swap3A_183 = arith.index_cast %scan3A_159 : i32 to index
      %swap3A_184 = arith.constant 128 : index
      %swap3A_185 = tpu.vector_load %arg19[%swap3A_183, %swap3A_184] {strides = array<i32>} : memref<40x144xf32, #tpu.memory_space<vmem>>, vector<16xf32>,
      tpu.vector_store %arg19[%swap3A_183, %swap3A_184], %broadcast_in_dim3A_1 {strides = array<i32>} : memref<40x144xf32, #tpu.memory_space<vmem>>, vector<16xf32>,
    }
    %scan3A_6 = arith.constant 40 : i32
    %mul3A_7 = arith.constant 640 : i32
    %mul3A_8 = arith.muli %arg1, %mul3A_7 : i32
    %add3A_9 = arith.constant 0 : i32
    %add3A_10 = arith.addi %mul3A_8, %add3A_9 : i32
    "tpu.region"() ({
      %run_scoped3A = tpu.sem_alloc : memref<!tpu.dma_semaphore, #tpu.memory_space<semaphore_mem>>
      %dma_start3A = arith.constant 0 : i32
      %dma_start3A_159 = tpu.memref_slice %arg9[%add3A_10, %dma_start3A] : memref<10240x144xf32, #tpu.memory_space<vmem_shared>> -> memref<40x144xf32, #tpu.memory_space<vmem_shared>>
      %dma_start3A_160 = arith.constant 0 : i32
      %dma_start3A_161 = tpu.memref_slice %arg9[%add3A_10, %dma_start3A_160] : memref<10240x144xf32, #tpu.memory_space<vmem_shared>> -> memref<40x144xf32, #tpu.memory_space<vmem_shared>>
      tpu.enqueue_dma source(%arg19 : memref<40x144xf32, #tpu.memory_space<vmem>>) target(%dma_start3A_161 : memref<40x144xf32, #tpu.memory_space<vmem_shared>>) target_semaphore(%run_scoped3A : memref<!tpu.dma_semaphore, #tpu.memory_space<semaphore_mem>>)
      %dma_wait3A = arith.constant 0 : i32
      %dma_wait3A_162 = tpu.memref_slice %arg9[%add3A_10, %dma_wait3A] : memref<10240x144xf32, #tpu.memory_space<vmem_shared>> -> memref<40x144xf32, #tpu.memory_space<vmem_shared>>
      %dma_wait3A_163 = arith.constant 0 : i32
      %dma_wait3A_164 = tpu.memref_slice %arg9[%add3A_10, %dma_wait3A_163] : memref<10240x144xf32, #tpu.memory_space<vmem_shared>> -> memref<40x144xf32, #tpu.memory_space<vmem_shared>>
      tpu.wait_dma2 semaphore(%run_scoped3A : memref<!tpu.dma_semaphore, #tpu.memory_space<semaphore_mem>>) src(%arg19 : memref<40x144xf32, #tpu.memory_space<vmem>>) dst(%dma_wait3A_164 : memref<40x144xf32, #tpu.memory_space<vmem_shared>>)
      tpu.yield
    }) : () -> ()
    %add3A_11 = arith.constant 40 : i32
    %add3A_12 = arith.addi %mul3A_8, %add3A_11 : i32
    "tpu.region"() ({
      %run_scoped3A = tpu.sem_alloc : memref<!tpu.dma_semaphore, #tpu.memory_space<semaphore_mem>>
      %dma_start3A = arith.constant 0 : i32
      %dma_start3A_159 = tpu.memref_slice %arg9[%add3A_12, %dma_start3A] : memref<10240x144xf32, #tpu.memory_space<vmem_shared>> -> memref<40x144xf32, #tpu.memory_space<vmem_shared>>
      %dma_start3A_160 = arith.constant 0 : i32
      %dma_start3A_161 = tpu.memref_slice %arg9[%add3A_12, %dma_start3A_160] : memref<10240x144xf32, #tpu.memory_space<vmem_shared>> -> memref<40x144xf32, #tpu.memory_space<vmem_shared>>
      tpu.enqueue_dma source(%arg19 : memref<40x144xf32, #tpu.memory_space<vmem>>) target(%dma_start3A_161 : memref<40x144xf32, #tpu.memory_space<vmem_shared>>) target_semaphore(%run_scoped3A : memref<!tpu.dma_semaphore, #tpu.memory_space<semaphore_mem>>)
      %dma_wait3A = arith.constant 0 : i32
      %dma_wait3A_162 = tpu.memref_slice %arg9[%add3A_12, %dma_wait3A] : memref<10240x144xf32, #tpu.memory_space<vmem_shared>> -> memref<40x144xf32, #tpu.memory_space<vmem_shared>>
      %dma_wait3A_163 = arith.constant 0 : i32
      %dma_wait3A_164 = tpu.memref_slice %arg9[%add3A_12, %dma_wait3A_163] : memref<10240x144xf32, #tpu.memory_space<vmem_shared>> -> memref<40x144xf32, #tpu.memory_space<vmem_shared>>
      tpu.wait_dma2 semaphore(%run_scoped3A : memref<!tpu.dma_semaphore, #tpu.memory_space<semaphore_mem>>) src(%arg19 : memref<40x144xf32, #tpu.memory_space<vmem>>) dst(%dma_wait3A_164 : memref<40x144xf32, #tpu.memory_space<vmem_shared>>)
      tpu.yield
    }) : () -> ()
    %add3A_13 = arith.constant 80 : i32
    %add3A_14 = arith.addi %mul3A_8, %add3A_13 : i32
    "tpu.region"() ({
      %run_scoped3A = tpu.sem_alloc : memref<!tpu.dma_semaphore, #tpu.memory_space<semaphore_mem>>
      %dma_start3A = arith.constant 0 : i32
      %dma_start3A_159 = tpu.memref_slice %arg9[%add3A_14, %dma_start3A] : memref<10240x144xf32, #tpu.memory_space<vmem_shared>> -> memref<40x144xf32, #tpu.memory_space<vmem_shared>>
      %dma_start3A_160 = arith.constant 0 : i32
      %dma_start3A_161 = tpu.memref_slice %arg9[%add3A_14, %dma_start3A_160] : memref<10240x144xf32, #tpu.memory_space<vmem_shared>> -> memref<40x144xf32, #tpu.memory_space<vmem_shared>>
      tpu.enqueue_dma source(%arg19 : memref<40x144xf32, #tpu.memory_space<vmem>>) target(%dma_start3A_161 : memref<40x144xf32, #tpu.memory_space<vmem_shared>>) target_semaphore(%run_scoped3A : memref<!tpu.dma_semaphore, #tpu.memory_space<semaphore_mem>>)
      %dma_wait3A = arith.constant 0 : i32
      %dma_wait3A_162 = tpu.memref_slice %arg9[%add3A_14, %dma_wait3A] : memref<10240x144xf32, #tpu.memory_space<vmem_shared>> -> memref<40x144xf32, #tpu.memory_space<vmem_shared>>
      %dma_wait3A_163 = arith.constant 0 : i32
      %dma_wait3A_164 = tpu.memref_slice %arg9[%add3A_14, %dma_wait3A_163] : memref<10240x144xf32, #tpu.memory_space<vmem_shared>> -> memref<40x144xf32, #tpu.memory_space<vmem_shared>>
      tpu.wait_dma2 semaphore(%run_scoped3A : memref<!tpu.dma_semaphore, #tpu.memory_space<semaphore_mem>>) src(%arg19 : memref<40x144xf32, #tpu.memory_space<vmem>>) dst(%dma_wait3A_164 : memref<40x144xf32, #tpu.memory_space<vmem_shared>>)
      tpu.yield
    }) : () -> ()
    %add3A_15 = arith.constant 120 : i32
    %add3A_16 = arith.addi %mul3A_8, %add3A_15 : i32
    "tpu.region"() ({
      %run_scoped3A = tpu.sem_alloc : memref<!tpu.dma_semaphore, #tpu.memory_space<semaphore_mem>>
      %dma_start3A = arith.constant 0 : i32
      %dma_start3A_159 = tpu.memref_slice %arg9[%add3A_16, %dma_start3A] : memref<10240x144xf32, #tpu.memory_space<vmem_shared>> -> memref<40x144xf32, #tpu.memory_space<vmem_shared>>
      %dma_start3A_160 = arith.constant 0 : i32
      %dma_start3A_161 = tpu.memref_slice %arg9[%add3A_16, %dma_start3A_160] : memref<10240x144xf32, #tpu.memory_space<vmem_shared>> -> memref<40x144xf32, #tpu.memory_space<vmem_shared>>
      tpu.enqueue_dma source(%arg19 : memref<40x144xf32, #tpu.memory_space<vmem>>) target(%dma_start3A_161 : memref<40x144xf32, #tpu.memory_space<vmem_shared>>) target_semaphore(%run_scoped3A : memref<!tpu.dma_semaphore, #tpu.memory_space<semaphore_mem>>)
      %dma_wait3A = arith.constant 0 : i32
      %dma_wait3A_162 = tpu.memref_slice %arg9[%add3A_16, %dma_wait3A] : memref<10240x144xf32, #tpu.memory_space<vmem_shared>> -> memref<40x144xf32, #tpu.memory_space<vmem_shared>>
      %dma_wait3A_163 = arith.constant 0 : i32
      %dma_wait3A_164 = tpu.memref_slice %arg9[%add3A_16, %dma_wait3A_163] : memref<10240x144xf32, #tpu.memory_space<vmem_shared>> -> memref<40x144xf32, #tpu.memory_space<vmem_shared>>
      tpu.wait_dma2 semaphore(%run_scoped3A : memref<!tpu.dma_semaphore, #tpu.memory_space<semaphore_mem>>) src(%arg19 : memref<40x144xf32, #tpu.memory_space<vmem>>) dst(%dma_wait3A_164 : memref<40x144xf32, #tpu.memory_space<vmem_shared>>)
      tpu.yield
    }) : () -> ()
    %add3A_17 = arith.constant 160 : i32
    %add3A_18 = arith.addi %mul3A_8, %add3A_17 : i32
    "tpu.region"() ({
      %run_scoped3A = tpu.sem_alloc : memref<!tpu.dma_semaphore, #tpu.memory_space<semaphore_mem>>
      %dma_start3A = arith.constant 0 : i32
      %dma_start3A_159 = tpu.memref_slice %arg9[%add3A_18, %dma_start3A] : memref<10240x144xf32, #tpu.memory_space<vmem_shared>> -> memref<40x144xf32, #tpu.memory_space<vmem_shared>>
      %dma_start3A_160 = arith.constant 0 : i32
      %dma_start3A_161 = tpu.memref_slice %arg9[%add3A_18, %dma_start3A_160] : memref<10240x144xf32, #tpu.memory_space<vmem_shared>> -> memref<40x144xf32, #tpu.memory_space<vmem_shared>>
      tpu.enqueue_dma source(%arg19 : memref<40x144xf32, #tpu.memory_space<vmem>>) target(%dma_start3A_161 : memref<40x144xf32, #tpu.memory_space<vmem_shared>>) target_semaphore(%run_scoped3A : memref<!tpu.dma_semaphore, #tpu.memory_space<semaphore_mem>>)
      %dma_wait3A = arith.constant 0 : i32
      %dma_wait3A_162 = tpu.memref_slice %arg9[%add3A_18, %dma_wait3A] : memref<10240x144xf32, #tpu.memory_space<vmem_shared>> -> memref<40x144xf32, #tpu.memory_space<vmem_shared>>
      %dma_wait3A_163 = arith.constant 0 : i32
      %dma_wait3A_164 = tpu.memref_slice %arg9[%add3A_18, %dma_wait3A_163] : memref<10240x144xf32, #tpu.memory_space<vmem_shared>> -> memref<40x144xf32, #tpu.memory_space<vmem_shared>>
      tpu.wait_dma2 semaphore(%run_scoped3A : memref<!tpu.dma_semaphore, #tpu.memory_space<semaphore_mem>>) src(%arg19 : memref<40x144xf32, #tpu.memory_space<vmem>>) dst(%dma_wait3A_164 : memref<40x144xf32, #tpu.memory_space<vmem_shared>>)
      tpu.yield
    }) : () -> ()
    %add3A_19 = arith.constant 200 : i32
    %add3A_20 = arith.addi %mul3A_8, %add3A_19 : i32
    "tpu.region"() ({
      %run_scoped3A = tpu.sem_alloc : memref<!tpu.dma_semaphore, #tpu.memory_space<semaphore_mem>>
      %dma_start3A = arith.constant 0 : i32
      %dma_start3A_159 = tpu.memref_slice %arg9[%add3A_20, %dma_start3A] : memref<10240x144xf32, #tpu.memory_space<vmem_shared>> -> memref<40x144xf32, #tpu.memory_space<vmem_shared>>
      %dma_start3A_160 = arith.constant 0 : i32
      %dma_start3A_161 = tpu.memref_slice %arg9[%add3A_20, %dma_start3A_160] : memref<10240x144xf32, #tpu.memory_space<vmem_shared>> -> memref<40x144xf32, #tpu.memory_space<vmem_shared>>
      tpu.enqueue_dma source(%arg19 : memref<40x144xf32, #tpu.memory_space<vmem>>) target(%dma_start3A_161 : memref<40x144xf32, #tpu.memory_space<vmem_shared>>) target_semaphore(%run_scoped3A : memref<!tpu.dma_semaphore, #tpu.memory_space<semaphore_mem>>)
      %dma_wait3A = arith.constant 0 : i32
      %dma_wait3A_162 = tpu.memref_slice %arg9[%add3A_20, %dma_wait3A] : memref<10240x144xf32, #tpu.memory_space<vmem_shared>> -> memref<40x144xf32, #tpu.memory_space<vmem_shared>>
      %dma_wait3A_163 = arith.constant 0 : i32
      %dma_wait3A_164 = tpu.memref_slice %arg9[%add3A_20, %dma_wait3A_163] : memref<10240x144xf32, #tpu.memory_space<vmem_shared>> -> memref<40x144xf32, #tpu.memory_space<vmem_shared>>
      tpu.wait_dma2 semaphore(%run_scoped3A : memref<!tpu.dma_semaphore, #tpu.memory_space<semaphore_mem>>) src(%arg19 : memref<40x144xf32, #tpu.memory_space<vmem>>) dst(%dma_wait3A_164 : memref<40x144xf32, #tpu.memory_space<vmem_shared>>)
      tpu.yield
    }) : () -> ()
    %add3A_21 = arith.constant 240 : i32
    %add3A_22 = arith.addi %mul3A_8, %add3A_21 : i32
    "tpu.region"() ({
      %run_scoped3A = tpu.sem_alloc : memref<!tpu.dma_semaphore, #tpu.memory_space<semaphore_mem>>
      %dma_start3A = arith.constant 0 : i32
      %dma_start3A_159 = tpu.memref_slice %arg9[%add3A_22, %dma_start3A] : memref<10240x144xf32, #tpu.memory_space<vmem_shared>> -> memref<40x144xf32, #tpu.memory_space<vmem_shared>>
      %dma_start3A_160 = arith.constant 0 : i32
      %dma_start3A_161 = tpu.memref_slice %arg9[%add3A_22, %dma_start3A_160] : memref<10240x144xf32, #tpu.memory_space<vmem_shared>> -> memref<40x144xf32, #tpu.memory_space<vmem_shared>>
      tpu.enqueue_dma source(%arg19 : memref<40x144xf32, #tpu.memory_space<vmem>>) target(%dma_start3A_161 : memref<40x144xf32, #tpu.memory_space<vmem_shared>>) target_semaphore(%run_scoped3A : memref<!tpu.dma_semaphore, #tpu.memory_space<semaphore_mem>>)
      %dma_wait3A = arith.constant 0 : i32
      %dma_wait3A_162 = tpu.memref_slice %arg9[%add3A_22, %dma_wait3A] : memref<10240x144xf32, #tpu.memory_space<vmem_shared>> -> memref<40x144xf32, #tpu.memory_space<vmem_shared>>
      %dma_wait3A_163 = arith.constant 0 : i32
      %dma_wait3A_164 = tpu.memref_slice %arg9[%add3A_22, %dma_wait3A_163] : memref<10240x144xf32, #tpu.memory_space<vmem_shared>> -> memref<40x144xf32, #tpu.memory_space<vmem_shared>>
      tpu.wait_dma2 semaphore(%run_scoped3A : memref<!tpu.dma_semaphore, #tpu.memory_space<semaphore_mem>>) src(%arg19 : memref<40x144xf32, #tpu.memory_space<vmem>>) dst(%dma_wait3A_164 : memref<40x144xf32, #tpu.memory_space<vmem_shared>>)
      tpu.yield
    }) : () -> ()
    %add3A_23 = arith.constant 280 : i32
    %add3A_24 = arith.addi %mul3A_8, %add3A_23 : i32
    "tpu.region"() ({
      %run_scoped3A = tpu.sem_alloc : memref<!tpu.dma_semaphore, #tpu.memory_space<semaphore_mem>>
      %dma_start3A = arith.constant 0 : i32
      %dma_start3A_159 = tpu.memref_slice %arg9[%add3A_24, %dma_start3A] : memref<10240x144xf32, #tpu.memory_space<vmem_shared>> -> memref<40x144xf32, #tpu.memory_space<vmem_shared>>
      %dma_start3A_160 = arith.constant 0 : i32
      %dma_start3A_161 = tpu.memref_slice %arg9[%add3A_24, %dma_start3A_160] : memref<10240x144xf32, #tpu.memory_space<vmem_shared>> -> memref<40x144xf32, #tpu.memory_space<vmem_shared>>
      tpu.enqueue_dma source(%arg19 : memref<40x144xf32, #tpu.memory_space<vmem>>) target(%dma_start3A_161 : memref<40x144xf32, #tpu.memory_space<vmem_shared>>) target_semaphore(%run_scoped3A : memref<!tpu.dma_semaphore, #tpu.memory_space<semaphore_mem>>)
      %dma_wait3A = arith.constant 0 : i32
      %dma_wait3A_162 = tpu.memref_slice %arg9[%add3A_24, %dma_wait3A] : memref<10240x144xf32, #tpu.memory_space<vmem_shared>> -> memref<40x144xf32, #tpu.memory_space<vmem_shared>>
      %dma_wait3A_163 = arith.constant 0 : i32
      %dma_wait3A_164 = tpu.memref_slice %arg9[%add3A_24, %dma_wait3A_163] : memref<10240x144xf32, #tpu.memory_space<vmem_shared>> -> memref<40x144xf32, #tpu.memory_space<vmem_shared>>
      tpu.wait_dma2 semaphore(%run_scoped3A : memref<!tpu.dma_semaphore, #tpu.memory_space<semaphore_mem>>) src(%arg19 : memref<40x144xf32, #tpu.memory_space<vmem>>) dst(%dma_wait3A_164 : memref<40x144xf32, #tpu.memory_space<vmem_shared>>)
      tpu.yield
    }) : () -> ()
    %add3A_25 = arith.constant 320 : i32
    %add3A_26 = arith.addi %mul3A_8, %add3A_25 : i32
    "tpu.region"() ({
      %run_scoped3A = tpu.sem_alloc : memref<!tpu.dma_semaphore, #tpu.memory_space<semaphore_mem>>
      %dma_start3A = arith.constant 0 : i32
      %dma_start3A_159 = tpu.memref_slice %arg9[%add3A_26, %dma_start3A] : memref<10240x144xf32, #tpu.memory_space<vmem_shared>> -> memref<40x144xf32, #tpu.memory_space<vmem_shared>>
      %dma_start3A_160 = arith.constant 0 : i32
      %dma_start3A_161 = tpu.memref_slice %arg9[%add3A_26, %dma_start3A_160] : memref<10240x144xf32, #tpu.memory_space<vmem_shared>> -> memref<40x144xf32, #tpu.memory_space<vmem_shared>>
      tpu.enqueue_dma source(%arg19 : memref<40x144xf32, #tpu.memory_space<vmem>>) target(%dma_start3A_161 : memref<40x144xf32, #tpu.memory_space<vmem_shared>>) target_semaphore(%run_scoped3A : memref<!tpu.dma_semaphore, #tpu.memory_space<semaphore_mem>>)
      %dma_wait3A = arith.constant 0 : i32
      %dma_wait3A_162 = tpu.memref_slice %arg9[%add3A_26, %dma_wait3A] : memref<10240x144xf32, #tpu.memory_space<vmem_shared>> -> memref<40x144xf32, #tpu.memory_space<vmem_shared>>
      %dma_wait3A_163 = arith.constant 0 : i32
      %dma_wait3A_164 = tpu.memref_slice %arg9[%add3A_26, %dma_wait3A_163] : memref<10240x144xf32, #tpu.memory_space<vmem_shared>> -> memref<40x144xf32, #tpu.memory_space<vmem_shared>>
      tpu.wait_dma2 semaphore(%run_scoped3A : memref<!tpu.dma_semaphore, #tpu.memory_space<semaphore_mem>>) src(%arg19 : memref<40x144xf32, #tpu.memory_space<vmem>>) dst(%dma_wait3A_164 : memref<40x144xf32, #tpu.memory_space<vmem_shared>>)
      tpu.yield
    }) : () -> ()
    %add3A_27 = arith.constant 360 : i32
    %add3A_28 = arith.addi %mul3A_8, %add3A_27 : i32
    "tpu.region"() ({
      %run_scoped3A = tpu.sem_alloc : memref<!tpu.dma_semaphore, #tpu.memory_space<semaphore_mem>>
      %dma_start3A = arith.constant 0 : i32
      %dma_start3A_159 = tpu.memref_slice %arg9[%add3A_28, %dma_start3A] : memref<10240x144xf32, #tpu.memory_space<vmem_shared>> -> memref<40x144xf32, #tpu.memory_space<vmem_shared>>
      %dma_start3A_160 = arith.constant 0 : i32
      %dma_start3A_161 = tpu.memref_slice %arg9[%add3A_28, %dma_start3A_160] : memref<10240x144xf32, #tpu.memory_space<vmem_shared>> -> memref<40x144xf32, #tpu.memory_space<vmem_shared>>
      tpu.enqueue_dma source(%arg19 : memref<40x144xf32, #tpu.memory_space<vmem>>) target(%dma_start3A_161 : memref<40x144xf32, #tpu.memory_space<vmem_shared>>) target_semaphore(%run_scoped3A : memref<!tpu.dma_semaphore, #tpu.memory_space<semaphore_mem>>)
      %dma_wait3A = arith.constant 0 : i32
      %dma_wait3A_162 = tpu.memref_slice %arg9[%add3A_28, %dma_wait3A] : memref<10240x144xf32, #tpu.memory_space<vmem_shared>> -> memref<40x144xf32, #tpu.memory_space<vmem_shared>>
      %dma_wait3A_163 = arith.constant 0 : i32
      %dma_wait3A_164 = tpu.memref_slice %arg9[%add3A_28, %dma_wait3A_163] : memref<10240x144xf32, #tpu.memory_space<vmem_shared>> -> memref<40x144xf32, #tpu.memory_space<vmem_shared>>
      tpu.wait_dma2 semaphore(%run_scoped3A : memref<!tpu.dma_semaphore, #tpu.memory_space<semaphore_mem>>) src(%arg19 : memref<40x144xf32, #tpu.memory_space<vmem>>) dst(%dma_wait3A_164 : memref<40x144xf32, #tpu.memory_space<vmem_shared>>)
      tpu.yield
    }) : () -> ()
    %add3A_29 = arith.constant 400 : i32
    %add3A_30 = arith.addi %mul3A_8, %add3A_29 : i32
    "tpu.region"() ({
      %run_scoped3A = tpu.sem_alloc : memref<!tpu.dma_semaphore, #tpu.memory_space<semaphore_mem>>
      %dma_start3A = arith.constant 0 : i32
      %dma_start3A_159 = tpu.memref_slice %arg9[%add3A_30, %dma_start3A] : memref<10240x144xf32, #tpu.memory_space<vmem_shared>> -> memref<40x144xf32, #tpu.memory_space<vmem_shared>>
      %dma_start3A_160 = arith.constant 0 : i32
      %dma_start3A_161 = tpu.memref_slice %arg9[%add3A_30, %dma_start3A_160] : memref<10240x144xf32, #tpu.memory_space<vmem_shared>> -> memref<40x144xf32, #tpu.memory_space<vmem_shared>>
      tpu.enqueue_dma source(%arg19 : memref<40x144xf32, #tpu.memory_space<vmem>>) target(%dma_start3A_161 : memref<40x144xf32, #tpu.memory_space<vmem_shared>>) target_semaphore(%run_scoped3A : memref<!tpu.dma_semaphore, #tpu.memory_space<semaphore_mem>>)
      %dma_wait3A = arith.constant 0 : i32
      %dma_wait3A_162 = tpu.memref_slice %arg9[%add3A_30, %dma_wait3A] : memref<10240x144xf32, #tpu.memory_space<vmem_shared>> -> memref<40x144xf32, #tpu.memory_space<vmem_shared>>
      %dma_wait3A_163 = arith.constant 0 : i32
      %dma_wait3A_164 = tpu.memref_slice %arg9[%add3A_30, %dma_wait3A_163] : memref<10240x144xf32, #tpu.memory_space<vmem_shared>> -> memref<40x144xf32, #tpu.memory_space<vmem_shared>>
      tpu.wait_dma2 semaphore(%run_scoped3A : memref<!tpu.dma_semaphore, #tpu.memory_space<semaphore_mem>>) src(%arg19 : memref<40x144xf32, #tpu.memory_space<vmem>>) dst(%dma_wait3A_164 : memref<40x144xf32, #tpu.memory_space<vmem_shared>>)
      tpu.yield
    }) : () -> ()
    %add3A_31 = arith.constant 440 : i32
    %add3A_32 = arith.addi %mul3A_8, %add3A_31 : i32
    "tpu.region"() ({
      %run_scoped3A = tpu.sem_alloc : memref<!tpu.dma_semaphore, #tpu.memory_space<semaphore_mem>>
      %dma_start3A = arith.constant 0 : i32
      %dma_start3A_159 = tpu.memref_slice %arg9[%add3A_32, %dma_start3A] : memref<10240x144xf32, #tpu.memory_space<vmem_shared>> -> memref<40x144xf32, #tpu.memory_space<vmem_shared>>
      %dma_start3A_160 = arith.constant 0 : i32
      %dma_start3A_161 = tpu.memref_slice %arg9[%add3A_32, %dma_start3A_160] : memref<10240x144xf32, #tpu.memory_space<vmem_shared>> -> memref<40x144xf32, #tpu.memory_space<vmem_shared>>
      tpu.enqueue_dma source(%arg19 : memref<40x144xf32, #tpu.memory_space<vmem>>) target(%dma_start3A_161 : memref<40x144xf32, #tpu.memory_space<vmem_shared>>) target_semaphore(%run_scoped3A : memref<!tpu.dma_semaphore, #tpu.memory_space<semaphore_mem>>)
      %dma_wait3A = arith.constant 0 : i32
      %dma_wait3A_162 = tpu.memref_slice %arg9[%add3A_32, %dma_wait3A] : memref<10240x144xf32, #tpu.memory_space<vmem_shared>> -> memref<40x144xf32, #tpu.memory_space<vmem_shared>>
      %dma_wait3A_163 = arith.constant 0 : i32
      %dma_wait3A_164 = tpu.memref_slice %arg9[%add3A_32, %dma_wait3A_163] : memref<10240x144xf32, #tpu.memory_space<vmem_shared>> -> memref<40x144xf32, #tpu.memory_space<vmem_shared>>
      tpu.wait_dma2 semaphore(%run_scoped3A : memref<!tpu.dma_semaphore, #tpu.memory_space<semaphore_mem>>) src(%arg19 : memref<40x144xf32, #tpu.memory_space<vmem>>) dst(%dma_wait3A_164 : memref<40x144xf32, #tpu.memory_space<vmem_shared>>)
      tpu.yield
    }) : () -> ()
    %add3A_33 = arith.constant 480 : i32
    %add3A_34 = arith.addi %mul3A_8, %add3A_33 : i32
    "tpu.region"() ({
      %run_scoped3A = tpu.sem_alloc : memref<!tpu.dma_semaphore, #tpu.memory_space<semaphore_mem>>
      %dma_start3A = arith.constant 0 : i32
      %dma_start3A_159 = tpu.memref_slice %arg9[%add3A_34, %dma_start3A] : memref<10240x144xf32, #tpu.memory_space<vmem_shared>> -> memref<40x144xf32, #tpu.memory_space<vmem_shared>>
      %dma_start3A_160 = arith.constant 0 : i32
      %dma_start3A_161 = tpu.memref_slice %arg9[%add3A_34, %dma_start3A_160] : memref<10240x144xf32, #tpu.memory_space<vmem_shared>> -> memref<40x144xf32, #tpu.memory_space<vmem_shared>>
      tpu.enqueue_dma source(%arg19 : memref<40x144xf32, #tpu.memory_space<vmem>>) target(%dma_start3A_161 : memref<40x144xf32, #tpu.memory_space<vmem_shared>>) target_semaphore(%run_scoped3A : memref<!tpu.dma_semaphore, #tpu.memory_space<semaphore_mem>>)
      %dma_wait3A = arith.constant 0 : i32
      %dma_wait3A_162 = tpu.memref_slice %arg9[%add3A_34, %dma_wait3A] : memref<10240x144xf32, #tpu.memory_space<vmem_shared>> -> memref<40x144xf32, #tpu.memory_space<vmem_shared>>
      %dma_wait3A_163 = arith.constant 0 : i32
      %dma_wait3A_164 = tpu.memref_slice %arg9[%add3A_34, %dma_wait3A_163] : memref<10240x144xf32, #tpu.memory_space<vmem_shared>> -> memref<40x144xf32, #tpu.memory_space<vmem_shared>>
      tpu.wait_dma2 semaphore(%run_scoped3A : memref<!tpu.dma_semaphore, #tpu.memory_space<semaphore_mem>>) src(%arg19 : memref<40x144xf32, #tpu.memory_space<vmem>>) dst(%dma_wait3A_164 : memref<40x144xf32, #tpu.memory_space<vmem_shared>>)
      tpu.yield
    }) : () -> ()
    %add3A_35 = arith.constant 520 : i32
    %add3A_36 = arith.addi %mul3A_8, %add3A_35 : i32
    "tpu.region"() ({
      %run_scoped3A = tpu.sem_alloc : memref<!tpu.dma_semaphore, #tpu.memory_space<semaphore_mem>>
      %dma_start3A = arith.constant 0 : i32
      %dma_start3A_159 = tpu.memref_slice %arg9[%add3A_36, %dma_start3A] : memref<10240x144xf32, #tpu.memory_space<vmem_shared>> -> memref<40x144xf32, #tpu.memory_space<vmem_shared>>
      %dma_start3A_160 = arith.constant 0 : i32
      %dma_start3A_161 = tpu.memref_slice %arg9[%add3A_36, %dma_start3A_160] : memref<10240x144xf32, #tpu.memory_space<vmem_shared>> -> memref<40x144xf32, #tpu.memory_space<vmem_shared>>
      tpu.enqueue_dma source(%arg19 : memref<40x144xf32, #tpu.memory_space<vmem>>) target(%dma_start3A_161 : memref<40x144xf32, #tpu.memory_space<vmem_shared>>) target_semaphore(%run_scoped3A : memref<!tpu.dma_semaphore, #tpu.memory_space<semaphore_mem>>)
      %dma_wait3A = arith.constant 0 : i32
      %dma_wait3A_162 = tpu.memref_slice %arg9[%add3A_36, %dma_wait3A] : memref<10240x144xf32, #tpu.memory_space<vmem_shared>> -> memref<40x144xf32, #tpu.memory_space<vmem_shared>>
      %dma_wait3A_163 = arith.constant 0 : i32
      %dma_wait3A_164 = tpu.memref_slice %arg9[%add3A_36, %dma_wait3A_163] : memref<10240x144xf32, #tpu.memory_space<vmem_shared>> -> memref<40x144xf32, #tpu.memory_space<vmem_shared>>
      tpu.wait_dma2 semaphore(%run_scoped3A : memref<!tpu.dma_semaphore, #tpu.memory_space<semaphore_mem>>) src(%arg19 : memref<40x144xf32, #tpu.memory_space<vmem>>) dst(%dma_wait3A_164 : memref<40x144xf32, #tpu.memory_space<vmem_shared>>)
      tpu.yield
    }) : () -> ()
    %add3A_37 = arith.constant 560 : i32
    %add3A_38 = arith.addi %mul3A_8, %add3A_37 : i32
    "tpu.region"() ({
      %run_scoped3A = tpu.sem_alloc : memref<!tpu.dma_semaphore, #tpu.memory_space<semaphore_mem>>
      %dma_start3A = arith.constant 0 : i32
      %dma_start3A_159 = tpu.memref_slice %arg9[%add3A_38, %dma_start3A] : memref<10240x144xf32, #tpu.memory_space<vmem_shared>> -> memref<40x144xf32, #tpu.memory_space<vmem_shared>>
      %dma_start3A_160 = arith.constant 0 : i32
      %dma_start3A_161 = tpu.memref_slice %arg9[%add3A_38, %dma_start3A_160] : memref<10240x144xf32, #tpu.memory_space<vmem_shared>> -> memref<40x144xf32, #tpu.memory_space<vmem_shared>>
      tpu.enqueue_dma source(%arg19 : memref<40x144xf32, #tpu.memory_space<vmem>>) target(%dma_start3A_161 : memref<40x144xf32, #tpu.memory_space<vmem_shared>>) target_semaphore(%run_scoped3A : memref<!tpu.dma_semaphore, #tpu.memory_space<semaphore_mem>>)
      %dma_wait3A = arith.constant 0 : i32
      %dma_wait3A_162 = tpu.memref_slice %arg9[%add3A_38, %dma_wait3A] : memref<10240x144xf32, #tpu.memory_space<vmem_shared>> -> memref<40x144xf32, #tpu.memory_space<vmem_shared>>
      %dma_wait3A_163 = arith.constant 0 : i32
      %dma_wait3A_164 = tpu.memref_slice %arg9[%add3A_38, %dma_wait3A_163] : memref<10240x144xf32, #tpu.memory_space<vmem_shared>> -> memref<40x144xf32, #tpu.memory_space<vmem_shared>>
      tpu.wait_dma2 semaphore(%run_scoped3A : memref<!tpu.dma_semaphore, #tpu.memory_space<semaphore_mem>>) src(%arg19 : memref<40x144xf32, #tpu.memory_space<vmem>>) dst(%dma_wait3A_164 : memref<40x144xf32, #tpu.memory_space<vmem_shared>>)
      tpu.yield
    }) : () -> ()
    %add3A_39 = arith.constant 600 : i32
    %add3A_40 = arith.addi %mul3A_8, %add3A_39 : i32
    "tpu.region"() ({
      %run_scoped3A = tpu.sem_alloc : memref<!tpu.dma_semaphore, #tpu.memory_space<semaphore_mem>>
      %dma_start3A = arith.constant 0 : i32
      %dma_start3A_159 = tpu.memref_slice %arg9[%add3A_40, %dma_start3A] : memref<10240x144xf32, #tpu.memory_space<vmem_shared>> -> memref<40x144xf32, #tpu.memory_space<vmem_shared>>
      %dma_start3A_160 = arith.constant 0 : i32
      %dma_start3A_161 = tpu.memref_slice %arg9[%add3A_40, %dma_start3A_160] : memref<10240x144xf32, #tpu.memory_space<vmem_shared>> -> memref<40x144xf32, #tpu.memory_space<vmem_shared>>
      tpu.enqueue_dma source(%arg19 : memref<40x144xf32, #tpu.memory_space<vmem>>) target(%dma_start3A_161 : memref<40x144xf32, #tpu.memory_space<vmem_shared>>) target_semaphore(%run_scoped3A : memref<!tpu.dma_semaphore, #tpu.memory_space<semaphore_mem>>)
      %dma_wait3A = arith.constant 0 : i32
      %dma_wait3A_162 = tpu.memref_slice %arg9[%add3A_40, %dma_wait3A] : memref<10240x144xf32, #tpu.memory_space<vmem_shared>> -> memref<40x144xf32, #tpu.memory_space<vmem_shared>>
      %dma_wait3A_163 = arith.constant 0 : i32
      %dma_wait3A_164 = tpu.memref_slice %arg9[%add3A_40, %dma_wait3A_163] : memref<10240x144xf32, #tpu.memory_space<vmem_shared>> -> memref<40x144xf32, #tpu.memory_space<vmem_shared>>
      tpu.wait_dma2 semaphore(%run_scoped3A : memref<!tpu.dma_semaphore, #tpu.memory_space<semaphore_mem>>) src(%arg19 : memref<40x144xf32, #tpu.memory_space<vmem>>) dst(%dma_wait3A_164 : memref<40x144xf32, #tpu.memory_space<vmem_shared>>)
      tpu.yield
    }) : () -> ()
    "tpu.region"() ({
      %run_scoped3A = tpu.sem_alloc : memref<!tpu.dma_semaphore, #tpu.memory_space<semaphore_mem>>
      tpu.enqueue_dma source(%arg7 : memref<8x16xf32, #tpu.memory_space<hbm>>) target(%arg20 : memref<8x16xf32, #tpu.memory_space<vmem>>) target_semaphore(%run_scoped3A : memref<!tpu.dma_semaphore, #tpu.memory_space<semaphore_mem>>)
      tpu.wait_dma2 semaphore(%run_scoped3A : memref<!tpu.dma_semaphore, #tpu.memory_space<semaphore_mem>>) src(%arg7 : memref<8x16xf32, #tpu.memory_space<hbm>>) dst(%arg20 : memref<8x16xf32, #tpu.memory_space<vmem>>)
      tpu.yield
    }) : () -> ()
    %barrier3A = arith.constant 0 : index
    tpu.barrier barrier_id(%barrier3A)
    %get3A = arith.constant 0 : i32
    %get3A_41 = arith.index_cast %get3A : i32 to index
    %get3A_42 = arith.constant 0 : index
    %get3A_43 = tpu.vector_load %arg20[%get3A_41, %get3A_42] {strides = array<i32>} : memref<8x16xf32, #tpu.memory_space<vmem>>, vector<16xf32>,
    %get3A_44 = arith.constant 1 : i32
    %get3A_45 = arith.index_cast %get3A_44 : i32 to index
    %get3A_46 = arith.constant 0 : index
    %get3A_47 = tpu.vector_load %arg20[%get3A_45, %get3A_46] {strides = array<i32>} : memref<8x16xf32, #tpu.memory_space<vmem>>, vector<16xf32>,
    %get3A_48 = arith.constant 2 : i32
    %get3A_49 = arith.index_cast %get3A_48 : i32 to index
    %get3A_50 = arith.constant 0 : index
    %get3A_51 = tpu.vector_load %arg20[%get3A_49, %get3A_50] {strides = array<i32>} : memref<8x16xf32, #tpu.memory_space<vmem>>, vector<16xf32>,
    %get3A_52 = arith.constant 3 : i32
    %get3A_53 = arith.index_cast %get3A_52 : i32 to index
    %get3A_54 = arith.constant 0 : index
    %get3A_55 = tpu.vector_load %arg20[%get3A_53, %get3A_54] {strides = array<i32>} : memref<8x16xf32, #tpu.memory_space<vmem>>, vector<16xf32>,
    %get3A_56 = arith.constant 4 : i32
    %get3A_57 = arith.index_cast %get3A_56 : i32 to index
    %get3A_58 = arith.constant 0 : index
    %get3A_59 = tpu.vector_load %arg20[%get3A_57, %get3A_58] {strides = array<i32>} : memref<8x16xf32, #tpu.memory_space<vmem>>, vector<16xf32>,
    %get3A_60 = arith.constant 5 : i32
    %get3A_61 = arith.index_cast %get3A_60 : i32 to index
    %get3A_62 = arith.constant 0 : index
    %get3A_63 = tpu.vector_load %arg20[%get3A_61, %get3A_62] {strides = array<i32>} : memref<8x16xf32, #tpu.memory_space<vmem>>, vector<16xf32>,
    %get3A_64 = arith.constant 6 : i32
    %get3A_65 = arith.index_cast %get3A_64 : i32 to index
    %get3A_66 = arith.constant 0 : index
    %get3A_67 = tpu.vector_load %arg20[%get3A_65, %get3A_66] {strides = array<i32>} : memref<8x16xf32, #tpu.memory_space<vmem>>, vector<16xf32>,
    %get3A_68 = arith.constant 7 : i32
    %get3A_69 = arith.index_cast %get3A_68 : i32 to index
    %get3A_70 = arith.constant 0 : index
    %get3A_71 = tpu.vector_load %arg20[%get3A_69, %get3A_70] {strides = array<i32>} : memref<8x16xf32, #tpu.memory_space<vmem>>, vector<16xf32>,
    %iota3A = tpu.iota {dimensions = array<i32: 0>} : vector<16xi32>
    %eq3A = arith.constant 0 : i32
    %eq3A_72 = vector.broadcast %eq3A : i32 to vector<16xi32>
    %eq3A_73 = arith.cmpi eq, %iota3A, %eq3A_72 : vector<16xi32>
    %jit3A = arith.constant 1.000000e+00 : f32
    %jit3A_74 = arith.constant 0.000000e+00 : f32
    %broadcast_in_dim3A_75 = vector.broadcast %jit3A : f32 to vector<16xf32>
    %broadcast_in_dim3A_76 = vector.broadcast %jit3A_74 : f32 to vector<16xf32>
    %select_n3A = arith.select %eq3A_73, %broadcast_in_dim3A_75, %broadcast_in_dim3A_76 : vector<16xi1>, vector<16xf32>
    %iota3A_77 = tpu.iota {dimensions = array<i32: 0>} : vector<16xi32>
    %eq3A_78 = arith.constant 1 : i32
    %eq3A_79 = vector.broadcast %eq3A_78 : i32 to vector<16xi32>
    %eq3A_80 = arith.cmpi eq, %iota3A_77, %eq3A_79 : vector<16xi32>
    %jit3A_81 = arith.constant 1.000000e+00 : f32
    %jit3A_82 = arith.constant 0.000000e+00 : f32
    %broadcast_in_dim3A_83 = vector.broadcast %jit3A_81 : f32 to vector<16xf32>
    %broadcast_in_dim3A_84 = vector.broadcast %jit3A_82 : f32 to vector<16xf32>
    %select_n3A_85 = arith.select %eq3A_80, %broadcast_in_dim3A_83, %broadcast_in_dim3A_84 : vector<16xi1>, vector<16xf32>
    %iota3A_86 = tpu.iota {dimensions = array<i32: 0>} : vector<16xi32>
    %eq3A_87 = arith.constant 2 : i32
    %eq3A_88 = vector.broadcast %eq3A_87 : i32 to vector<16xi32>
    %eq3A_89 = arith.cmpi eq, %iota3A_86, %eq3A_88 : vector<16xi32>
    %jit3A_90 = arith.constant 1.000000e+00 : f32
    %jit3A_91 = arith.constant 0.000000e+00 : f32
    %broadcast_in_dim3A_92 = vector.broadcast %jit3A_90 : f32 to vector<16xf32>
    %broadcast_in_dim3A_93 = vector.broadcast %jit3A_91 : f32 to vector<16xf32>
    %select_n3A_94 = arith.select %eq3A_89, %broadcast_in_dim3A_92, %broadcast_in_dim3A_93 : vector<16xi1>, vector<16xf32>
    %iota3A_95 = tpu.iota {dimensions = array<i32: 0>} : vector<16xi32>
    %eq3A_96 = arith.constant 3 : i32
    %eq3A_97 = vector.broadcast %eq3A_96 : i32 to vector<16xi32>
    %eq3A_98 = arith.cmpi eq, %iota3A_95, %eq3A_97 : vector<16xi32>
    %jit3A_99 = arith.constant 1.000000e+00 : f32
    %jit3A_100 = arith.constant 0.000000e+00 : f32
    %broadcast_in_dim3A_101 = vector.broadcast %jit3A_99 : f32 to vector<16xf32>
    %broadcast_in_dim3A_102 = vector.broadcast %jit3A_100 : f32 to vector<16xf32>
    %select_n3A_103 = arith.select %eq3A_98, %broadcast_in_dim3A_101, %broadcast_in_dim3A_102 : vector<16xi1>, vector<16xf32>
    %iota3A_104 = tpu.iota {dimensions = array<i32: 0>} : vector<16xi32>
    %eq3A_105 = arith.constant 4 : i32
    %eq3A_106 = vector.broadcast %eq3A_105 : i32 to vector<16xi32>
    %eq3A_107 = arith.cmpi eq, %iota3A_104, %eq3A_106 : vector<16xi32>
    %jit3A_108 = arith.constant 1.000000e+00 : f32
    %jit3A_109 = arith.constant 0.000000e+00 : f32
    %broadcast_in_dim3A_110 = vector.broadcast %jit3A_108 : f32 to vector<16xf32>
    %broadcast_in_dim3A_111 = vector.broadcast %jit3A_109 : f32 to vector<16xf32>
    %select_n3A_112 = arith.select %eq3A_107, %broadcast_in_dim3A_110, %broadcast_in_dim3A_111 : vector<16xi1>, vector<16xf32>
    %iota3A_113 = tpu.iota {dimensions = array<i32: 0>} : vector<16xi32>
    %eq3A_114 = arith.constant 5 : i32
    %eq3A_115 = vector.broadcast %eq3A_114 : i32 to vector<16xi32>
    %eq3A_116 = arith.cmpi eq, %iota3A_113, %eq3A_115 : vector<16xi32>
    %jit3A_117 = arith.constant 1.000000e+00 : f32
    %jit3A_118 = arith.constant 0.000000e+00 : f32
    %broadcast_in_dim3A_119 = vector.broadcast %jit3A_117 : f32 to vector<16xf32>
    %broadcast_in_dim3A_120 = vector.broadcast %jit3A_118 : f32 to vector<16xf32>
    %select_n3A_121 = arith.select %eq3A_116, %broadcast_in_dim3A_119, %broadcast_in_dim3A_120 : vector<16xi1>, vector<16xf32>
    %iota3A_122 = tpu.iota {dimensions = array<i32: 0>} : vector<16xi32>
    %eq3A_123 = arith.constant 6 : i32
    %eq3A_124 = vector.broadcast %eq3A_123 : i32 to vector<16xi32>
    %eq3A_125 = arith.cmpi eq, %iota3A_122, %eq3A_124 : vector<16xi32>
    %jit3A_126 = arith.constant 1.000000e+00 : f32
    %jit3A_127 = arith.constant 0.000000e+00 : f32
    %broadcast_in_dim3A_128 = vector.broadcast %jit3A_126 : f32 to vector<16xf32>
    %broadcast_in_dim3A_129 = vector.broadcast %jit3A_127 : f32 to vector<16xf32>
    %select_n3A_130 = arith.select %eq3A_125, %broadcast_in_dim3A_128, %broadcast_in_dim3A_129 : vector<16xi1>, vector<16xf32>
    %iota3A_131 = tpu.iota {dimensions = array<i32: 0>} : vector<16xi32>
    %eq3A_132 = arith.constant 7 : i32
    %eq3A_133 = vector.broadcast %eq3A_132 : i32 to vector<16xi32>
    %eq3A_134 = arith.cmpi eq, %iota3A_131, %eq3A_133 : vector<16xi32>
    %jit3A_135 = arith.constant 1.000000e+00 : f32
    %jit3A_136 = arith.constant 0.000000e+00 : f32
    %broadcast_in_dim3A_137 = vector.broadcast %jit3A_135 : f32 to vector<16xf32>
    %broadcast_in_dim3A_138 = vector.broadcast %jit3A_136 : f32 to vector<16xf32>
    %select_n3A_139 = arith.select %eq3A_134, %broadcast_in_dim3A_137, %broadcast_in_dim3A_138 : vector<16xi1>, vector<16xf32>
    %mul3A_140 = arith.constant 10000 : i32
    %mul3A_141 = arith.muli %add3A, %mul3A_140 : i32
    %scan3A_142 = arith.constant 0 : i32
    %scan3A_143 = arith.constant 0 : i32
    %scan3A_144 = arith.constant 5 : i32
    %scan3A_145 = arith.addi %scan3A_143, %scan3A_144 : i32
    %scan3A_146 = arith.constant 1 : i32
    scf.for %scan3A_159 = %scan3A_143 to %scan3A_145 step %scan3A_146  : i32 {
      %mul3A_160 = arith.constant 2000 : i32
      %mul3A_161 = arith.muli %scan3A_159, %mul3A_160 : i32
      %add3A_162 = arith.addi %mul3A_141, %mul3A_161 : i32
      "tpu.region"() ({
        %run_scoped3A = tpu.sem_alloc : memref<!tpu.dma_semaphore, #tpu.memory_space<semaphore_mem>>
        %dma_start3A_186 = tpu.memref_slice %arg5[%add3A_162] : memref<320000xi32, #tpu.memory_space<hbm>> -> memref<2000xi32, #tpu.memory_space<hbm>>
        %dma_start3A_187 = tpu.memref_slice %arg5[%add3A_162] : memref<320000xi32, #tpu.memory_space<hbm>> -> memref<2000xi32, #tpu.memory_space<hbm>>
        tpu.enqueue_dma source(%dma_start3A_187 : memref<2000xi32, #tpu.memory_space<hbm>>) target(%arg10 : memref<2000xi32, #tpu.memory_space<vmem>>) target_semaphore(%run_scoped3A : memref<!tpu.dma_semaphore, #tpu.memory_space<semaphore_mem>>)
        %dma_wait3A = tpu.memref_slice %arg5[%add3A_162] : memref<320000xi32, #tpu.memory_space<hbm>> -> memref<2000xi32, #tpu.memory_space<hbm>>
        %dma_wait3A_188 = tpu.memref_slice %arg5[%add3A_162] : memref<320000xi32, #tpu.memory_space<hbm>> -> memref<2000xi32, #tpu.memory_space<hbm>>
        tpu.wait_dma2 semaphore(%run_scoped3A : memref<!tpu.dma_semaphore, #tpu.memory_space<semaphore_mem>>) src(%dma_wait3A_188 : memref<2000xi32, #tpu.memory_space<hbm>>) dst(%arg10 : memref<2000xi32, #tpu.memory_space<vmem>>)
        tpu.yield
      }) : () -> ()
      "tpu.region"() ({
        %run_scoped3A = tpu.sem_alloc : memref<!tpu.dma_semaphore, #tpu.memory_space<semaphore_mem>>
        %dma_start3A_186 = tpu.memref_slice %arg6[%add3A_162] : memref<320000xi32, #tpu.memory_space<hbm>> -> memref<2000xi32, #tpu.memory_space<hbm>>
        %dma_start3A_187 = tpu.memref_slice %arg6[%add3A_162] : memref<320000xi32, #tpu.memory_space<hbm>> -> memref<2000xi32, #tpu.memory_space<hbm>>
        tpu.enqueue_dma source(%dma_start3A_187 : memref<2000xi32, #tpu.memory_space<hbm>>) target(%arg11 : memref<2000xi32, #tpu.memory_space<vmem>>) target_semaphore(%run_scoped3A : memref<!tpu.dma_semaphore, #tpu.memory_space<semaphore_mem>>)
        %dma_wait3A = tpu.memref_slice %arg6[%add3A_162] : memref<320000xi32, #tpu.memory_space<hbm>> -> memref<2000xi32, #tpu.memory_space<hbm>>
        %dma_wait3A_188 = tpu.memref_slice %arg6[%add3A_162] : memref<320000xi32, #tpu.memory_space<hbm>> -> memref<2000xi32, #tpu.memory_space<hbm>>
        tpu.wait_dma2 semaphore(%run_scoped3A : memref<!tpu.dma_semaphore, #tpu.memory_space<semaphore_mem>>) src(%dma_wait3A_188 : memref<2000xi32, #tpu.memory_space<hbm>>) dst(%arg11 : memref<2000xi32, #tpu.memory_space<vmem>>)
        tpu.yield
      }) : () -> ()
      %add3A_163 = arith.constant 0 : i32
      %add3A_164 = arith.addi %add3A_162, %add3A_163 : i32
      %dma_start3A = tpu.memref_slice %arg6[%add3A_164] : memref<320000xi32, #tpu.memory_space<hbm>> -> memref<40xi32, #tpu.memory_space<hbm>>
      %dma_start3A_165 = tpu.memref_slice %arg6[%add3A_164] : memref<320000xi32, #tpu.memory_space<hbm>> -> memref<40xi32, #tpu.memory_space<hbm>>
      tpu.enqueue_dma source(%dma_start3A_165 : memref<40xi32, #tpu.memory_space<hbm>>) target(%arg12 : memref<40xi32, #tpu.memory_space<vmem>>) target_semaphore(%arg23 : memref<!tpu.dma_semaphore, #tpu.memory_space<semaphore_mem>>)
      %dma_start3A_166 = arith.constant 0 : i32
      %dma_start3A_167 = tpu.memref_slice %arg10[%dma_start3A_166] : memref<2000xi32, #tpu.memory_space<vmem>> -> memref<40xi32, #tpu.memory_space<vmem>>
      %dma_start3A_168 = arith.constant 0 : i32
      %dma_start3A_169 = arith.constant 0 : i32
      %dma_start3A_170 = tpu.memref_slice %arg2[%dma_start3A_168, %dma_start3A_169] : memref<10000x128xf32, #tpu.memory_space<hbm>> -> memref<10000x128xf32, #tpu.memory_space<hbm>>
      tpu.enqueue_indirect_dma source(%dma_start3A_170 : memref<10000x128xf32, #tpu.memory_space<hbm>>) target(%arg14 : memref<40x128xf32, #tpu.memory_space<vmem>>) offsets(%dma_start3A_167 : memref<40xi32, #tpu.memory_space<vmem>>) semaphore(%arg21 : memref<!tpu.dma_semaphore, #tpu.memory_space<semaphore_mem>>)
      %dma_start3A_171 = arith.constant 0 : i32
      %dma_start3A_172 = tpu.memref_slice %arg11[%dma_start3A_171] : memref<2000xi32, #tpu.memory_space<vmem>> -> memref<40xi32, #tpu.memory_space<vmem>>
      %dma_start3A_173 = arith.constant 0 : i32
      %dma_start3A_174 = arith.constant 0 : i32
      %dma_start3A_175 = tpu.memref_slice %arg3[%dma_start3A_173, %dma_start3A_174] : memref<10000x128xf32, #tpu.memory_space<hbm>> -> memref<10000x128xf32, #tpu.memory_space<hbm>>
      tpu.enqueue_indirect_dma source(%dma_start3A_175 : memref<10000x128xf32, #tpu.memory_space<hbm>>) target(%arg16 : memref<40x128xf32, #tpu.memory_space<vmem>>) offsets(%dma_start3A_172 : memref<40xi32, #tpu.memory_space<vmem>>) semaphore(%arg21 : memref<!tpu.dma_semaphore, #tpu.memory_space<semaphore_mem>>)
      %dma_start3A_176 = arith.constant 0 : i32
      %dma_start3A_177 = tpu.memref_slice %arg4[%add3A_162, %dma_start3A_176] : memref<320000x128xf32, #tpu.memory_space<hbm>> -> memref<40x128xf32, #tpu.memory_space<hbm>>
      %dma_start3A_178 = arith.constant 0 : i32
      %dma_start3A_179 = tpu.memref_slice %arg4[%add3A_162, %dma_start3A_178] : memref<320000x128xf32, #tpu.memory_space<hbm>> -> memref<40x128xf32, #tpu.memory_space<hbm>>
      tpu.enqueue_dma source(%dma_start3A_179 : memref<40x128xf32, #tpu.memory_space<hbm>>) target(%arg18 : memref<40x128xf32, #tpu.memory_space<vmem>>) target_semaphore(%arg22 : memref<!tpu.dma_semaphore, #tpu.memory_space<semaphore_mem>>)
      %scan3A_180 = arith.constant 0 : i32
      %scan3A_181 = arith.constant 0 : i32
      %scan3A_182 = arith.constant 25 : i32
      %scan3A_183 = arith.addi %scan3A_181, %scan3A_182 : i32
      %scan3A_184 = arith.constant 1 : i32
      scf.for %scan3A_186 = %scan3A_181 to %scan3A_183 step %scan3A_184  : i32 {
        %mul3A_187 = arith.constant 2 : i32
        %mul3A_188 = arith.muli %scan3A_186, %mul3A_187 : i32
        %add3A_189 = arith.constant 0 : i32
        %add3A_190 = arith.addi %mul3A_188, %add3A_189 : i32
        %add3A_191 = arith.constant 1 : i32
        %add3A_192 = arith.addi %add3A_190, %add3A_191 : i32
        %lt3A = arith.constant 50 : i32
        %lt3A_193 = arith.cmpi slt, %add3A_192, %lt3A : i32
        %convert_element_type3A = arith.extui %lt3A_193 : i1 to i32
        %cond3A = arith.constant 0 : i32
        %cond3A_194 = arith.cmpi ne, %convert_element_type3A, %cond3A : i32
        scf.if %cond3A_194 {
          %add3A_256 = arith.constant 1 : i32
          %add3A_257 = arith.addi %add3A_190, %add3A_256 : i32
          %mul3A_258 = arith.constant 40 : i32
          %mul3A_259 = arith.muli %add3A_257, %mul3A_258 : i32
          %add3A_260 = arith.addi %add3A_162, %mul3A_259 : i32
          %dma_start3A_261 = tpu.memref_slice %arg6[%add3A_260] : memref<320000xi32, #tpu.memory_space<hbm>> -> memref<40xi32, #tpu.memory_space<hbm>>
          %dma_start3A_262 = tpu.memref_slice %arg6[%add3A_260] : memref<320000xi32, #tpu.memory_space<hbm>> -> memref<40xi32, #tpu.memory_space<hbm>>
          tpu.enqueue_dma source(%dma_start3A_262 : memref<40xi32, #tpu.memory_space<hbm>>) target(%arg13 : memref<40xi32, #tpu.memory_space<vmem>>) target_semaphore(%arg23 : memref<!tpu.dma_semaphore, #tpu.memory_space<semaphore_mem>>)
          %dma_start3A_263 = tpu.memref_slice %arg10[%mul3A_259] : memref<2000xi32, #tpu.memory_space<vmem>> -> memref<40xi32, #tpu.memory_space<vmem>>
          %dma_start3A_264 = arith.constant 0 : i32
          %dma_start3A_265 = arith.constant 0 : i32
          %dma_start3A_266 = tpu.memref_slice %arg2[%dma_start3A_264, %dma_start3A_265] : memref<10000x128xf32, #tpu.memory_space<hbm>> -> memref<10000x128xf32, #tpu.memory_space<hbm>>
          tpu.enqueue_indirect_dma source(%dma_start3A_266 : memref<10000x128xf32, #tpu.memory_space<hbm>>) target(%arg15 : memref<40x128xf32, #tpu.memory_space<vmem>>) offsets(%dma_start3A_263 : memref<40xi32, #tpu.memory_space<vmem>>) semaphore(%arg21 : memref<!tpu.dma_semaphore, #tpu.memory_space<semaphore_mem>>)
          %dma_start3A_267 = tpu.memref_slice %arg11[%mul3A_259] : memref<2000xi32, #tpu.memory_space<vmem>> -> memref<40xi32, #tpu.memory_space<vmem>>
          %dma_start3A_268 = arith.constant 0 : i32
          %dma_start3A_269 = arith.constant 0 : i32
          %dma_start3A_270 = tpu.memref_slice %arg3[%dma_start3A_268, %dma_start3A_269] : memref<10000x128xf32, #tpu.memory_space<hbm>> -> memref<10000x128xf32, #tpu.memory_space<hbm>>
          tpu.enqueue_indirect_dma source(%dma_start3A_270 : memref<10000x128xf32, #tpu.memory_space<hbm>>) target(%arg17 : memref<40x128xf32, #tpu.memory_space<vmem>>) offsets(%dma_start3A_267 : memref<40xi32, #tpu.memory_space<vmem>>) semaphore(%arg21 : memref<!tpu.dma_semaphore, #tpu.memory_space<semaphore_mem>>)
        } else {
        }
        %dma_wait3A = arith.constant 0 : i32
        %dma_wait3A_195 = arith.constant 0 : i32
        %dma_wait3A_196 = tpu.memref_slice %arg2[%dma_wait3A, %dma_wait3A_195] : memref<10000x128xf32, #tpu.memory_space<hbm>> -> memref<10000x128xf32, #tpu.memory_space<hbm>>
        tpu.wait_indirect_dma semaphore(%arg21 : memref<!tpu.dma_semaphore, #tpu.memory_space<semaphore_mem>>) src(%dma_wait3A_196 : memref<10000x128xf32, #tpu.memory_space<hbm>>) dst(%arg14 : memref<40x128xf32, #tpu.memory_space<vmem>>)
        %dma_wait3A_197 = arith.constant 0 : i32
        %dma_wait3A_198 = arith.constant 0 : i32
        %dma_wait3A_199 = tpu.memref_slice %arg2[%dma_wait3A_197, %dma_wait3A_198] : memref<10000x128xf32, #tpu.memory_space<hbm>> -> memref<10000x128xf32, #tpu.memory_space<hbm>>
        tpu.wait_indirect_dma semaphore(%arg21 : memref<!tpu.dma_semaphore, #tpu.memory_space<semaphore_mem>>) src(%dma_wait3A_199 : memref<10000x128xf32, #tpu.memory_space<hbm>>) dst(%arg16 : memref<40x128xf32, #tpu.memory_space<vmem>>)
        %dma_wait3A_200 = arith.constant 0 : i32
        %dma_wait3A_201 = tpu.memref_slice %arg6[%dma_wait3A_200] : memref<320000xi32, #tpu.memory_space<hbm>> -> memref<40xi32, #tpu.memory_space<hbm>>
        %dma_wait3A_202 = arith.constant 0 : i32
        %dma_wait3A_203 = tpu.memref_slice %arg6[%dma_wait3A_202] : memref<320000xi32, #tpu.memory_space<hbm>> -> memref<40xi32, #tpu.memory_space<hbm>>
        tpu.wait_dma2 semaphore(%arg23 : memref<!tpu.dma_semaphore, #tpu.memory_space<semaphore_mem>>) src(%dma_wait3A_203 : memref<40xi32, #tpu.memory_space<hbm>>) dst(%arg12 : memref<40xi32, #tpu.memory_space<vmem>>)
        %dma_wait3A_204 = arith.constant 0 : i32
        %dma_wait3A_205 = arith.constant 0 : i32
        %dma_wait3A_206 = tpu.memref_slice %arg4[%dma_wait3A_204, %dma_wait3A_205] : memref<320000x128xf32, #tpu.memory_space<hbm>> -> memref<40x128xf32, #tpu.memory_space<hbm>>
        %dma_wait3A_207 = arith.constant 0 : i32
        %dma_wait3A_208 = arith.constant 0 : i32
        %dma_wait3A_209 = tpu.memref_slice %arg4[%dma_wait3A_207, %dma_wait3A_208] : memref<320000x128xf32, #tpu.memory_space<hbm>> -> memref<40x128xf32, #tpu.memory_space<hbm>>
        tpu.wait_dma2 semaphore(%arg22 : memref<!tpu.dma_semaphore, #tpu.memory_space<semaphore_mem>>) src(%dma_wait3A_209 : memref<40x128xf32, #tpu.memory_space<hbm>>) dst(%arg18 : memref<40x128xf32, #tpu.memory_space<vmem>>)
        %parallel_loop3A = arith.constant 0 : i32
        %parallel_loop3A_210 = arith.constant 40 : i32
        %parallel_loop3A_211 = arith.constant 1 : i32
        scf.for %parallel_loop3A_256 = %parallel_loop3A to %parallel_loop3A_210 step %parallel_loop3A_211  : i32 {
          %parallel_loop3A_257 = arith.index_cast %parallel_loop3A_256 : i32 to index
          %parallel_loop3A_258 = arith.constant 0 : index
          %parallel_loop3A_259 = tpu.vector_load %arg14[%parallel_loop3A_257, %parallel_loop3A_258] {strides = array<i32>} : memref<40x128xf32, #tpu.memory_space<vmem>>, vector<16xf32>,
          %parallel_loop3A_260 = arith.index_cast %parallel_loop3A_256 : i32 to index
          %parallel_loop3A_261 = arith.constant 0 : index
          %parallel_loop3A_262 = tpu.vector_load %arg16[%parallel_loop3A_260, %parallel_loop3A_261] {strides = array<i32>} : memref<40x128xf32, #tpu.memory_space<vmem>>, vector<16xf32>,
          %parallel_loop3A_263 = arith.addf %parallel_loop3A_259, %parallel_loop3A_262 : vector<16xf32>
          %parallel_loop3A_264 = arith.index_cast %parallel_loop3A_256 : i32 to index
          %parallel_loop3A_265 = arith.constant 0 : index
          %parallel_loop3A_266 = tpu.vector_load %arg18[%parallel_loop3A_264, %parallel_loop3A_265] {strides = array<i32>} : memref<40x128xf32, #tpu.memory_space<vmem>>, vector<16xf32>,
          %parallel_loop3A_267 = arith.addf %parallel_loop3A_263, %parallel_loop3A_266 : vector<16xf32>
          %parallel_loop3A_268 = arith.constant 2.000000e-01 : f32
          %parallel_loop3A_269 = vector.broadcast %parallel_loop3A_268 : f32 to vector<16xf32>
          %parallel_loop3A_270 = arith.mulf %parallel_loop3A_269, %parallel_loop3A_267 : vector<16xf32>
          %parallel_loop3A_271 = arith.maximumf %parallel_loop3A_267, %parallel_loop3A_270 : vector<16xf32>
          %parallel_loop3A_272 = arith.mulf %parallel_loop3A_271, %get3A_43 : vector<16xf32>
          %parallel_loop3A_273 = arith.constant true
          %parallel_loop3A_274 = vector.broadcast %parallel_loop3A_273 : i1 to vector<16xi1>
          %parallel_loop3A_275 = tpu.scan <sum>, %parallel_loop3A_272 masked %parallel_loop3A_274 : vector<16xf32>, vector<16xi1> -> vector<16xf32>
          %parallel_loop3A_276 = vector.extract %parallel_loop3A_275[15] : f32 from vector<16xf32>
          %parallel_loop3A_277 = vector.broadcast %parallel_loop3A_276 : f32 to vector<16xf32>
          %parallel_loop3A_278 = math.exp %parallel_loop3A_277 : vector<16xf32>
          %parallel_loop3A_279 = arith.mulf %parallel_loop3A_278, %parallel_loop3A_259 : vector<16xf32>
          %parallel_loop3A_280 = arith.index_cast %parallel_loop3A_256 : i32 to index
          %parallel_loop3A_281 = arith.constant 0 : index
          %parallel_loop3A_282 = tpu.vector_load %arg19[%parallel_loop3A_280, %parallel_loop3A_281] {strides = array<i32>} : memref<40x144xf32, #tpu.memory_space<vmem>>, vector<16xf32>,
          tpu.vector_store %arg19[%parallel_loop3A_280, %parallel_loop3A_281], %parallel_loop3A_279 {strides = array<i32>} : memref<40x144xf32, #tpu.memory_space<vmem>>, vector<16xf32>,
          %parallel_loop3A_283 = arith.mulf %parallel_loop3A_278, %select_n3A : vector<16xf32>
          %parallel_loop3A_284 = arith.addf %broadcast_in_dim3A_1, %parallel_loop3A_283 : vector<16xf32>
          %parallel_loop3A_285 = arith.index_cast %parallel_loop3A_256 : i32 to index
          %parallel_loop3A_286 = arith.constant 16 : index
          %parallel_loop3A_287 = tpu.vector_load %arg14[%parallel_loop3A_285, %parallel_loop3A_286] {strides = array<i32>} : memref<40x128xf32, #tpu.memory_space<vmem>>, vector<16xf32>,
          %parallel_loop3A_288 = arith.index_cast %parallel_loop3A_256 : i32 to index
          %parallel_loop3A_289 = arith.constant 16 : index
          %parallel_loop3A_290 = tpu.vector_load %arg16[%parallel_loop3A_288, %parallel_loop3A_289] {strides = array<i32>} : memref<40x128xf32, #tpu.memory_space<vmem>>, vector<16xf32>,
          %parallel_loop3A_291 = arith.addf %parallel_loop3A_287, %parallel_loop3A_290 : vector<16xf32>
          %parallel_loop3A_292 = arith.index_cast %parallel_loop3A_256 : i32 to index
          %parallel_loop3A_293 = arith.constant 16 : index
          %parallel_loop3A_294 = tpu.vector_load %arg18[%parallel_loop3A_292, %parallel_loop3A_293] {strides = array<i32>} : memref<40x128xf32, #tpu.memory_space<vmem>>, vector<16xf32>,
          %parallel_loop3A_295 = arith.addf %parallel_loop3A_291, %parallel_loop3A_294 : vector<16xf32>
          %parallel_loop3A_296 = arith.constant 2.000000e-01 : f32
          %parallel_loop3A_297 = vector.broadcast %parallel_loop3A_296 : f32 to vector<16xf32>
          %parallel_loop3A_298 = arith.mulf %parallel_loop3A_297, %parallel_loop3A_295 : vector<16xf32>
          %parallel_loop3A_299 = arith.maximumf %parallel_loop3A_295, %parallel_loop3A_298 : vector<16xf32>
          %parallel_loop3A_300 = arith.mulf %parallel_loop3A_299, %get3A_47 : vector<16xf32>
          %parallel_loop3A_301 = arith.constant true
          %parallel_loop3A_302 = vector.broadcast %parallel_loop3A_301 : i1 to vector<16xi1>
          %parallel_loop3A_303 = tpu.scan <sum>, %parallel_loop3A_300 masked %parallel_loop3A_302 : vector<16xf32>, vector<16xi1> -> vector<16xf32>
          %parallel_loop3A_304 = vector.extract %parallel_loop3A_303[15] : f32 from vector<16xf32>
          %parallel_loop3A_305 = vector.broadcast %parallel_loop3A_304 : f32 to vector<16xf32>
          %parallel_loop3A_306 = math.exp %parallel_loop3A_305 : vector<16xf32>
          %parallel_loop3A_307 = arith.mulf %parallel_loop3A_306, %parallel_loop3A_287 : vector<16xf32>
          %parallel_loop3A_308 = arith.index_cast %parallel_loop3A_256 : i32 to index
          %parallel_loop3A_309 = arith.constant 16 : index
          %parallel_loop3A_310 = tpu.vector_load %arg19[%parallel_loop3A_308, %parallel_loop3A_309] {strides = array<i32>} : memref<40x144xf32, #tpu.memory_space<vmem>>, vector<16xf32>,
          tpu.vector_store %arg19[%parallel_loop3A_308, %parallel_loop3A_309], %parallel_loop3A_307 {strides = array<i32>} : memref<40x144xf32, #tpu.memory_space<vmem>>, vector<16xf32>,
          %parallel_loop3A_311 = arith.mulf %parallel_loop3A_306, %select_n3A_85 : vector<16xf32>
          %parallel_loop3A_312 = arith.addf %parallel_loop3A_284, %parallel_loop3A_311 : vector<16xf32>
          %parallel_loop3A_313 = arith.index_cast %parallel_loop3A_256 : i32 to index
          %parallel_loop3A_314 = arith.constant 32 : index
          %parallel_loop3A_315 = tpu.vector_load %arg14[%parallel_loop3A_313, %parallel_loop3A_314] {strides = array<i32>} : memref<40x128xf32, #tpu.memory_space<vmem>>, vector<16xf32>,
          %parallel_loop3A_316 = arith.index_cast %parallel_loop3A_256 : i32 to index
          %parallel_loop3A_317 = arith.constant 32 : index
          %parallel_loop3A_318 = tpu.vector_load %arg16[%parallel_loop3A_316, %parallel_loop3A_317] {strides = array<i32>} : memref<40x128xf32, #tpu.memory_space<vmem>>, vector<16xf32>,
          %parallel_loop3A_319 = arith.addf %parallel_loop3A_315, %parallel_loop3A_318 : vector<16xf32>
          %parallel_loop3A_320 = arith.index_cast %parallel_loop3A_256 : i32 to index
          %parallel_loop3A_321 = arith.constant 32 : index
          %parallel_loop3A_322 = tpu.vector_load %arg18[%parallel_loop3A_320, %parallel_loop3A_321] {strides = array<i32>} : memref<40x128xf32, #tpu.memory_space<vmem>>, vector<16xf32>,
          %parallel_loop3A_323 = arith.addf %parallel_loop3A_319, %parallel_loop3A_322 : vector<16xf32>
          %parallel_loop3A_324 = arith.constant 2.000000e-01 : f32
          %parallel_loop3A_325 = vector.broadcast %parallel_loop3A_324 : f32 to vector<16xf32>
          %parallel_loop3A_326 = arith.mulf %parallel_loop3A_325, %parallel_loop3A_323 : vector<16xf32>
          %parallel_loop3A_327 = arith.maximumf %parallel_loop3A_323, %parallel_loop3A_326 : vector<16xf32>
          %parallel_loop3A_328 = arith.mulf %parallel_loop3A_327, %get3A_51 : vector<16xf32>
          %parallel_loop3A_329 = arith.constant true
          %parallel_loop3A_330 = vector.broadcast %parallel_loop3A_329 : i1 to vector<16xi1>
          %parallel_loop3A_331 = tpu.scan <sum>, %parallel_loop3A_328 masked %parallel_loop3A_330 : vector<16xf32>, vector<16xi1> -> vector<16xf32>
          %parallel_loop3A_332 = vector.extract %parallel_loop3A_331[15] : f32 from vector<16xf32>
          %parallel_loop3A_333 = vector.broadcast %parallel_loop3A_332 : f32 to vector<16xf32>
          %parallel_loop3A_334 = math.exp %parallel_loop3A_333 : vector<16xf32>
          %parallel_loop3A_335 = arith.mulf %parallel_loop3A_334, %parallel_loop3A_315 : vector<16xf32>
          %parallel_loop3A_336 = arith.index_cast %parallel_loop3A_256 : i32 to index
          %parallel_loop3A_337 = arith.constant 32 : index
          %parallel_loop3A_338 = tpu.vector_load %arg19[%parallel_loop3A_336, %parallel_loop3A_337] {strides = array<i32>} : memref<40x144xf32, #tpu.memory_space<vmem>>, vector<16xf32>,
          tpu.vector_store %arg19[%parallel_loop3A_336, %parallel_loop3A_337], %parallel_loop3A_335 {strides = array<i32>} : memref<40x144xf32, #tpu.memory_space<vmem>>, vector<16xf32>,
          %parallel_loop3A_339 = arith.mulf %parallel_loop3A_334, %select_n3A_94 : vector<16xf32>
          %parallel_loop3A_340 = arith.addf %parallel_loop3A_312, %parallel_loop3A_339 : vector<16xf32>
          %parallel_loop3A_341 = arith.index_cast %parallel_loop3A_256 : i32 to index
          %parallel_loop3A_342 = arith.constant 48 : index
          %parallel_loop3A_343 = tpu.vector_load %arg14[%parallel_loop3A_341, %parallel_loop3A_342] {strides = array<i32>} : memref<40x128xf32, #tpu.memory_space<vmem>>, vector<16xf32>,
          %parallel_loop3A_344 = arith.index_cast %parallel_loop3A_256 : i32 to index
          %parallel_loop3A_345 = arith.constant 48 : index
          %parallel_loop3A_346 = tpu.vector_load %arg16[%parallel_loop3A_344, %parallel_loop3A_345] {strides = array<i32>} : memref<40x128xf32, #tpu.memory_space<vmem>>, vector<16xf32>,
          %parallel_loop3A_347 = arith.addf %parallel_loop3A_343, %parallel_loop3A_346 : vector<16xf32>
          %parallel_loop3A_348 = arith.index_cast %parallel_loop3A_256 : i32 to index
          %parallel_loop3A_349 = arith.constant 48 : index
          %parallel_loop3A_350 = tpu.vector_load %arg18[%parallel_loop3A_348, %parallel_loop3A_349] {strides = array<i32>} : memref<40x128xf32, #tpu.memory_space<vmem>>, vector<16xf32>,
          %parallel_loop3A_351 = arith.addf %parallel_loop3A_347, %parallel_loop3A_350 : vector<16xf32>
          %parallel_loop3A_352 = arith.constant 2.000000e-01 : f32
          %parallel_loop3A_353 = vector.broadcast %parallel_loop3A_352 : f32 to vector<16xf32>
          %parallel_loop3A_354 = arith.mulf %parallel_loop3A_353, %parallel_loop3A_351 : vector<16xf32>
          %parallel_loop3A_355 = arith.maximumf %parallel_loop3A_351, %parallel_loop3A_354 : vector<16xf32>
          %parallel_loop3A_356 = arith.mulf %parallel_loop3A_355, %get3A_55 : vector<16xf32>
          %parallel_loop3A_357 = arith.constant true
          %parallel_loop3A_358 = vector.broadcast %parallel_loop3A_357 : i1 to vector<16xi1>
          %parallel_loop3A_359 = tpu.scan <sum>, %parallel_loop3A_356 masked %parallel_loop3A_358 : vector<16xf32>, vector<16xi1> -> vector<16xf32>
          %parallel_loop3A_360 = vector.extract %parallel_loop3A_359[15] : f32 from vector<16xf32>
          %parallel_loop3A_361 = vector.broadcast %parallel_loop3A_360 : f32 to vector<16xf32>
          %parallel_loop3A_362 = math.exp %parallel_loop3A_361 : vector<16xf32>
          %parallel_loop3A_363 = arith.mulf %parallel_loop3A_362, %parallel_loop3A_343 : vector<16xf32>
          %parallel_loop3A_364 = arith.index_cast %parallel_loop3A_256 : i32 to index
          %parallel_loop3A_365 = arith.constant 48 : index
          %parallel_loop3A_366 = tpu.vector_load %arg19[%parallel_loop3A_364, %parallel_loop3A_365] {strides = array<i32>} : memref<40x144xf32, #tpu.memory_space<vmem>>, vector<16xf32>,
          tpu.vector_store %arg19[%parallel_loop3A_364, %parallel_loop3A_365], %parallel_loop3A_363 {strides = array<i32>} : memref<40x144xf32, #tpu.memory_space<vmem>>, vector<16xf32>,
          %parallel_loop3A_367 = arith.mulf %parallel_loop3A_362, %select_n3A_103 : vector<16xf32>
          %parallel_loop3A_368 = arith.addf %parallel_loop3A_340, %parallel_loop3A_367 : vector<16xf32>
          %parallel_loop3A_369 = arith.index_cast %parallel_loop3A_256 : i32 to index
          %parallel_loop3A_370 = arith.constant 64 : index
          %parallel_loop3A_371 = tpu.vector_load %arg14[%parallel_loop3A_369, %parallel_loop3A_370] {strides = array<i32>} : memref<40x128xf32, #tpu.memory_space<vmem>>, vector<16xf32>,
          %parallel_loop3A_372 = arith.index_cast %parallel_loop3A_256 : i32 to index
          %parallel_loop3A_373 = arith.constant 64 : index
          %parallel_loop3A_374 = tpu.vector_load %arg16[%parallel_loop3A_372, %parallel_loop3A_373] {strides = array<i32>} : memref<40x128xf32, #tpu.memory_space<vmem>>, vector<16xf32>,
          %parallel_loop3A_375 = arith.addf %parallel_loop3A_371, %parallel_loop3A_374 : vector<16xf32>
          %parallel_loop3A_376 = arith.index_cast %parallel_loop3A_256 : i32 to index
          %parallel_loop3A_377 = arith.constant 64 : index
          %parallel_loop3A_378 = tpu.vector_load %arg18[%parallel_loop3A_376, %parallel_loop3A_377] {strides = array<i32>} : memref<40x128xf32, #tpu.memory_space<vmem>>, vector<16xf32>,
          %parallel_loop3A_379 = arith.addf %parallel_loop3A_375, %parallel_loop3A_378 : vector<16xf32>
          %parallel_loop3A_380 = arith.constant 2.000000e-01 : f32
          %parallel_loop3A_381 = vector.broadcast %parallel_loop3A_380 : f32 to vector<16xf32>
          %parallel_loop3A_382 = arith.mulf %parallel_loop3A_381, %parallel_loop3A_379 : vector<16xf32>
          %parallel_loop3A_383 = arith.maximumf %parallel_loop3A_379, %parallel_loop3A_382 : vector<16xf32>
          %parallel_loop3A_384 = arith.mulf %parallel_loop3A_383, %get3A_59 : vector<16xf32>
          %parallel_loop3A_385 = arith.constant true
          %parallel_loop3A_386 = vector.broadcast %parallel_loop3A_385 : i1 to vector<16xi1>
          %parallel_loop3A_387 = tpu.scan <sum>, %parallel_loop3A_384 masked %parallel_loop3A_386 : vector<16xf32>, vector<16xi1> -> vector<16xf32>
          %parallel_loop3A_388 = vector.extract %parallel_loop3A_387[15] : f32 from vector<16xf32>
          %parallel_loop3A_389 = vector.broadcast %parallel_loop3A_388 : f32 to vector<16xf32>
          %parallel_loop3A_390 = math.exp %parallel_loop3A_389 : vector<16xf32>
          %parallel_loop3A_391 = arith.mulf %parallel_loop3A_390, %parallel_loop3A_371 : vector<16xf32>
          %parallel_loop3A_392 = arith.index_cast %parallel_loop3A_256 : i32 to index
          %parallel_loop3A_393 = arith.constant 64 : index
          %parallel_loop3A_394 = tpu.vector_load %arg19[%parallel_loop3A_392, %parallel_loop3A_393] {strides = array<i32>} : memref<40x144xf32, #tpu.memory_space<vmem>>, vector<16xf32>,
          tpu.vector_store %arg19[%parallel_loop3A_392, %parallel_loop3A_393], %parallel_loop3A_391 {strides = array<i32>} : memref<40x144xf32, #tpu.memory_space<vmem>>, vector<16xf32>,
          %parallel_loop3A_395 = arith.mulf %parallel_loop3A_390, %select_n3A_112 : vector<16xf32>
          %parallel_loop3A_396 = arith.addf %parallel_loop3A_368, %parallel_loop3A_395 : vector<16xf32>
          %parallel_loop3A_397 = arith.index_cast %parallel_loop3A_256 : i32 to index
          %parallel_loop3A_398 = arith.constant 80 : index
          %parallel_loop3A_399 = tpu.vector_load %arg14[%parallel_loop3A_397, %parallel_loop3A_398] {strides = array<i32>} : memref<40x128xf32, #tpu.memory_space<vmem>>, vector<16xf32>,
          %parallel_loop3A_400 = arith.index_cast %parallel_loop3A_256 : i32 to index
          %parallel_loop3A_401 = arith.constant 80 : index
          %parallel_loop3A_402 = tpu.vector_load %arg16[%parallel_loop3A_400, %parallel_loop3A_401] {strides = array<i32>} : memref<40x128xf32, #tpu.memory_space<vmem>>, vector<16xf32>,
          %parallel_loop3A_403 = arith.addf %parallel_loop3A_399, %parallel_loop3A_402 : vector<16xf32>
          %parallel_loop3A_404 = arith.index_cast %parallel_loop3A_256 : i32 to index
          %parallel_loop3A_405 = arith.constant 80 : index
          %parallel_loop3A_406 = tpu.vector_load %arg18[%parallel_loop3A_404, %parallel_loop3A_405] {strides = array<i32>} : memref<40x128xf32, #tpu.memory_space<vmem>>, vector<16xf32>,
          %parallel_loop3A_407 = arith.addf %parallel_loop3A_403, %parallel_loop3A_406 : vector<16xf32>
          %parallel_loop3A_408 = arith.constant 2.000000e-01 : f32
          %parallel_loop3A_409 = vector.broadcast %parallel_loop3A_408 : f32 to vector<16xf32>
          %parallel_loop3A_410 = arith.mulf %parallel_loop3A_409, %parallel_loop3A_407 : vector<16xf32>
          %parallel_loop3A_411 = arith.maximumf %parallel_loop3A_407, %parallel_loop3A_410 : vector<16xf32>
          %parallel_loop3A_412 = arith.mulf %parallel_loop3A_411, %get3A_63 : vector<16xf32>
          %parallel_loop3A_413 = arith.constant true
          %parallel_loop3A_414 = vector.broadcast %parallel_loop3A_413 : i1 to vector<16xi1>
          %parallel_loop3A_415 = tpu.scan <sum>, %parallel_loop3A_412 masked %parallel_loop3A_414 : vector<16xf32>, vector<16xi1> -> vector<16xf32>
          %parallel_loop3A_416 = vector.extract %parallel_loop3A_415[15] : f32 from vector<16xf32>
          %parallel_loop3A_417 = vector.broadcast %parallel_loop3A_416 : f32 to vector<16xf32>
          %parallel_loop3A_418 = math.exp %parallel_loop3A_417 : vector<16xf32>
          %parallel_loop3A_419 = arith.mulf %parallel_loop3A_418, %parallel_loop3A_399 : vector<16xf32>
          %parallel_loop3A_420 = arith.index_cast %parallel_loop3A_256 : i32 to index
          %parallel_loop3A_421 = arith.constant 80 : index
          %parallel_loop3A_422 = tpu.vector_load %arg19[%parallel_loop3A_420, %parallel_loop3A_421] {strides = array<i32>} : memref<40x144xf32, #tpu.memory_space<vmem>>, vector<16xf32>,
          tpu.vector_store %arg19[%parallel_loop3A_420, %parallel_loop3A_421], %parallel_loop3A_419 {strides = array<i32>} : memref<40x144xf32, #tpu.memory_space<vmem>>, vector<16xf32>,
          %parallel_loop3A_423 = arith.mulf %parallel_loop3A_418, %select_n3A_121 : vector<16xf32>
          %parallel_loop3A_424 = arith.addf %parallel_loop3A_396, %parallel_loop3A_423 : vector<16xf32>
          %parallel_loop3A_425 = arith.index_cast %parallel_loop3A_256 : i32 to index
          %parallel_loop3A_426 = arith.constant 96 : index
          %parallel_loop3A_427 = tpu.vector_load %arg14[%parallel_loop3A_425, %parallel_loop3A_426] {strides = array<i32>} : memref<40x128xf32, #tpu.memory_space<vmem>>, vector<16xf32>,
          %parallel_loop3A_428 = arith.index_cast %parallel_loop3A_256 : i32 to index
          %parallel_loop3A_429 = arith.constant 96 : index
          %parallel_loop3A_430 = tpu.vector_load %arg16[%parallel_loop3A_428, %parallel_loop3A_429] {strides = array<i32>} : memref<40x128xf32, #tpu.memory_space<vmem>>, vector<16xf32>,
          %parallel_loop3A_431 = arith.addf %parallel_loop3A_427, %parallel_loop3A_430 : vector<16xf32>
          %parallel_loop3A_432 = arith.index_cast %parallel_loop3A_256 : i32 to index
          %parallel_loop3A_433 = arith.constant 96 : index
          %parallel_loop3A_434 = tpu.vector_load %arg18[%parallel_loop3A_432, %parallel_loop3A_433] {strides = array<i32>} : memref<40x128xf32, #tpu.memory_space<vmem>>, vector<16xf32>,
          %parallel_loop3A_435 = arith.addf %parallel_loop3A_431, %parallel_loop3A_434 : vector<16xf32>
          %parallel_loop3A_436 = arith.constant 2.000000e-01 : f32
          %parallel_loop3A_437 = vector.broadcast %parallel_loop3A_436 : f32 to vector<16xf32>
          %parallel_loop3A_438 = arith.mulf %parallel_loop3A_437, %parallel_loop3A_435 : vector<16xf32>
          %parallel_loop3A_439 = arith.maximumf %parallel_loop3A_435, %parallel_loop3A_438 : vector<16xf32>
          %parallel_loop3A_440 = arith.mulf %parallel_loop3A_439, %get3A_67 : vector<16xf32>
          %parallel_loop3A_441 = arith.constant true
          %parallel_loop3A_442 = vector.broadcast %parallel_loop3A_441 : i1 to vector<16xi1>
          %parallel_loop3A_443 = tpu.scan <sum>, %parallel_loop3A_440 masked %parallel_loop3A_442 : vector<16xf32>, vector<16xi1> -> vector<16xf32>
          %parallel_loop3A_444 = vector.extract %parallel_loop3A_443[15] : f32 from vector<16xf32>
          %parallel_loop3A_445 = vector.broadcast %parallel_loop3A_444 : f32 to vector<16xf32>
          %parallel_loop3A_446 = math.exp %parallel_loop3A_445 : vector<16xf32>
          %parallel_loop3A_447 = arith.mulf %parallel_loop3A_446, %parallel_loop3A_427 : vector<16xf32>
          %parallel_loop3A_448 = arith.index_cast %parallel_loop3A_256 : i32 to index
          %parallel_loop3A_449 = arith.constant 96 : index
          %parallel_loop3A_450 = tpu.vector_load %arg19[%parallel_loop3A_448, %parallel_loop3A_449] {strides = array<i32>} : memref<40x144xf32, #tpu.memory_space<vmem>>, vector<16xf32>,
          tpu.vector_store %arg19[%parallel_loop3A_448, %parallel_loop3A_449], %parallel_loop3A_447 {strides = array<i32>} : memref<40x144xf32, #tpu.memory_space<vmem>>, vector<16xf32>,
          %parallel_loop3A_451 = arith.mulf %parallel_loop3A_446, %select_n3A_130 : vector<16xf32>
          %parallel_loop3A_452 = arith.addf %parallel_loop3A_424, %parallel_loop3A_451 : vector<16xf32>
          %parallel_loop3A_453 = arith.index_cast %parallel_loop3A_256 : i32 to index
          %parallel_loop3A_454 = arith.constant 112 : index
          %parallel_loop3A_455 = tpu.vector_load %arg14[%parallel_loop3A_453, %parallel_loop3A_454] {strides = array<i32>} : memref<40x128xf32, #tpu.memory_space<vmem>>, vector<16xf32>,
          %parallel_loop3A_456 = arith.index_cast %parallel_loop3A_256 : i32 to index
          %parallel_loop3A_457 = arith.constant 112 : index
          %parallel_loop3A_458 = tpu.vector_load %arg16[%parallel_loop3A_456, %parallel_loop3A_457] {strides = array<i32>} : memref<40x128xf32, #tpu.memory_space<vmem>>, vector<16xf32>,
          %parallel_loop3A_459 = arith.addf %parallel_loop3A_455, %parallel_loop3A_458 : vector<16xf32>
          %parallel_loop3A_460 = arith.index_cast %parallel_loop3A_256 : i32 to index
          %parallel_loop3A_461 = arith.constant 112 : index
          %parallel_loop3A_462 = tpu.vector_load %arg18[%parallel_loop3A_460, %parallel_loop3A_461] {strides = array<i32>} : memref<40x128xf32, #tpu.memory_space<vmem>>, vector<16xf32>,
          %parallel_loop3A_463 = arith.addf %parallel_loop3A_459, %parallel_loop3A_462 : vector<16xf32>
          %parallel_loop3A_464 = arith.constant 2.000000e-01 : f32
          %parallel_loop3A_465 = vector.broadcast %parallel_loop3A_464 : f32 to vector<16xf32>
          %parallel_loop3A_466 = arith.mulf %parallel_loop3A_465, %parallel_loop3A_463 : vector<16xf32>
          %parallel_loop3A_467 = arith.maximumf %parallel_loop3A_463, %parallel_loop3A_466 : vector<16xf32>
          %parallel_loop3A_468 = arith.mulf %parallel_loop3A_467, %get3A_71 : vector<16xf32>
          %parallel_loop3A_469 = arith.constant true
          %parallel_loop3A_470 = vector.broadcast %parallel_loop3A_469 : i1 to vector<16xi1>
          %parallel_loop3A_471 = tpu.scan <sum>, %parallel_loop3A_468 masked %parallel_loop3A_470 : vector<16xf32>, vector<16xi1> -> vector<16xf32>
          %parallel_loop3A_472 = vector.extract %parallel_loop3A_471[15] : f32 from vector<16xf32>
          %parallel_loop3A_473 = vector.broadcast %parallel_loop3A_472 : f32 to vector<16xf32>
          %parallel_loop3A_474 = math.exp %parallel_loop3A_473 : vector<16xf32>
          %parallel_loop3A_475 = arith.mulf %parallel_loop3A_474, %parallel_loop3A_455 : vector<16xf32>
          %parallel_loop3A_476 = arith.index_cast %parallel_loop3A_256 : i32 to index
          %parallel_loop3A_477 = arith.constant 112 : index
          %parallel_loop3A_478 = tpu.vector_load %arg19[%parallel_loop3A_476, %parallel_loop3A_477] {strides = array<i32>} : memref<40x144xf32, #tpu.memory_space<vmem>>, vector<16xf32>,
          tpu.vector_store %arg19[%parallel_loop3A_476, %parallel_loop3A_477], %parallel_loop3A_475 {strides = array<i32>} : memref<40x144xf32, #tpu.memory_space<vmem>>, vector<16xf32>,
          %parallel_loop3A_479 = arith.mulf %parallel_loop3A_474, %select_n3A_139 : vector<16xf32>
          %parallel_loop3A_480 = arith.addf %parallel_loop3A_452, %parallel_loop3A_479 : vector<16xf32>
          %parallel_loop3A_481 = arith.index_cast %parallel_loop3A_256 : i32 to index
          %parallel_loop3A_482 = arith.constant 128 : index
          %parallel_loop3A_483 = tpu.vector_load %arg19[%parallel_loop3A_481, %parallel_loop3A_482] {strides = array<i32>} : memref<40x144xf32, #tpu.memory_space<vmem>>, vector<16xf32>,
          tpu.vector_store %arg19[%parallel_loop3A_481, %parallel_loop3A_482], %parallel_loop3A_480 {strides = array<i32>} : memref<40x144xf32, #tpu.memory_space<vmem>>, vector<16xf32>,
        } {sc.loop_unroll_factor = 5 : i64, sc.parallel_access}
        %add3A_212 = arith.constant 1 : i32
        %add3A_213 = arith.addi %add3A_190, %add3A_212 : i32
        %lt3A_214 = arith.constant 50 : i32
        %lt3A_215 = arith.cmpi slt, %add3A_213, %lt3A_214 : i32
        %convert_element_type3A_216 = arith.extui %lt3A_215 : i1 to i32
        %cond3A_217 = arith.constant 0 : i32
        %cond3A_218 = arith.cmpi ne, %convert_element_type3A_216, %cond3A_217 : i32
        scf.if %cond3A_218 {
          %add3A_256 = arith.constant 1 : i32
          %add3A_257 = arith.addi %add3A_190, %add3A_256 : i32
          %mul3A_258 = arith.constant 40 : i32
          %mul3A_259 = arith.muli %add3A_257, %mul3A_258 : i32
          %add3A_260 = arith.addi %add3A_162, %mul3A_259 : i32
          %dma_start3A_261 = arith.constant 0 : i32
          %dma_start3A_262 = tpu.memref_slice %arg4[%add3A_260, %dma_start3A_261] : memref<320000x128xf32, #tpu.memory_space<hbm>> -> memref<40x128xf32, #tpu.memory_space<hbm>>
          %dma_start3A_263 = arith.constant 0 : i32
          %dma_start3A_264 = tpu.memref_slice %arg4[%add3A_260, %dma_start3A_263] : memref<320000x128xf32, #tpu.memory_space<hbm>> -> memref<40x128xf32, #tpu.memory_space<hbm>>
          tpu.enqueue_dma source(%dma_start3A_264 : memref<40x128xf32, #tpu.memory_space<hbm>>) target(%arg18 : memref<40x128xf32, #tpu.memory_space<vmem>>) target_semaphore(%arg22 : memref<!tpu.dma_semaphore, #tpu.memory_space<semaphore_mem>>)
        } else {
        }
        "tpu.region"() ({
          %run_scoped3A = tpu.sem_alloc : memref<!tpu.dma_semaphore, #tpu.memory_space<semaphore_mem>>
          %dma_start3A_256 = arith.constant 0 : i32
          %dma_start3A_257 = arith.constant 0 : i32
          %dma_start3A_258 = tpu.memref_slice %arg9[%dma_start3A_256, %dma_start3A_257] : memref<10240x144xf32, #tpu.memory_space<vmem_shared>> -> memref<10240x144xf32, #tpu.memory_space<vmem_shared>>
          tpu.enqueue_indirect_dma source(%arg19 : memref<40x144xf32, #tpu.memory_space<vmem>>) target(%dma_start3A_258 : memref<10240x144xf32, #tpu.memory_space<vmem_shared>>) offsets(%arg12 : memref<40xi32, #tpu.memory_space<vmem>>) semaphore(%run_scoped3A : memref<!tpu.dma_semaphore, #tpu.memory_space<semaphore_mem>>) {add = true}
          %dma_wait3A_259 = arith.constant 0 : i32
          %dma_wait3A_260 = arith.constant 0 : i32
          %dma_wait3A_261 = tpu.memref_slice %arg9[%dma_wait3A_259, %dma_wait3A_260] : memref<10240x144xf32, #tpu.memory_space<vmem_shared>> -> memref<10240x144xf32, #tpu.memory_space<vmem_shared>>
          tpu.wait_indirect_dma semaphore(%run_scoped3A : memref<!tpu.dma_semaphore, #tpu.memory_space<semaphore_mem>>) src(%arg19 : memref<40x144xf32, #tpu.memory_space<vmem>>) dst(%dma_wait3A_261 : memref<10240x144xf32, #tpu.memory_space<vmem_shared>>)
          tpu.yield
        }) : () -> ()
        %mul3A_219 = arith.constant 2 : i32
        %mul3A_220 = arith.muli %scan3A_186, %mul3A_219 : i32
        %add3A_221 = arith.constant 1 : i32
        %add3A_222 = arith.addi %mul3A_220, %add3A_221 : i32
        %add3A_223 = arith.constant 1 : i32
        %add3A_224 = arith.addi %add3A_222, %add3A_223 : i32
        %lt3A_225 = arith.constant 50 : i32
        %lt3A_226 = arith.cmpi slt, %add3A_224, %lt3A_225 : i32
        %convert_element_type3A_227 = arith.extui %lt3A_226 : i1 to i32
        %cond3A_228 = arith.constant 0 : i32
        %cond3A_229 = arith.cmpi ne, %convert_element_type3A_227, %cond3A_228 : i32
        scf.if %cond3A_229 {
          %add3A_256 = arith.constant 1 : i32
          %add3A_257 = arith.addi %add3A_222, %add3A_256 : i32
          %mul3A_258 = arith.constant 40 : i32
          %mul3A_259 = arith.muli %add3A_257, %mul3A_258 : i32
          %add3A_260 = arith.addi %add3A_162, %mul3A_259 : i32
          %dma_start3A_261 = tpu.memref_slice %arg6[%add3A_260] : memref<320000xi32, #tpu.memory_space<hbm>> -> memref<40xi32, #tpu.memory_space<hbm>>
          %dma_start3A_262 = tpu.memref_slice %arg6[%add3A_260] : memref<320000xi32, #tpu.memory_space<hbm>> -> memref<40xi32, #tpu.memory_space<hbm>>
          tpu.enqueue_dma source(%dma_start3A_262 : memref<40xi32, #tpu.memory_space<hbm>>) target(%arg12 : memref<40xi32, #tpu.memory_space<vmem>>) target_semaphore(%arg23 : memref<!tpu.dma_semaphore, #tpu.memory_space<semaphore_mem>>)
          %dma_start3A_263 = tpu.memref_slice %arg10[%mul3A_259] : memref<2000xi32, #tpu.memory_space<vmem>> -> memref<40xi32, #tpu.memory_space<vmem>>
          %dma_start3A_264 = arith.constant 0 : i32
          %dma_start3A_265 = arith.constant 0 : i32
          %dma_start3A_266 = tpu.memref_slice %arg2[%dma_start3A_264, %dma_start3A_265] : memref<10000x128xf32, #tpu.memory_space<hbm>> -> memref<10000x128xf32, #tpu.memory_space<hbm>>
          tpu.enqueue_indirect_dma source(%dma_start3A_266 : memref<10000x128xf32, #tpu.memory_space<hbm>>) target(%arg14 : memref<40x128xf32, #tpu.memory_space<vmem>>) offsets(%dma_start3A_263 : memref<40xi32, #tpu.memory_space<vmem>>) semaphore(%arg21 : memref<!tpu.dma_semaphore, #tpu.memory_space<semaphore_mem>>)
          %dma_start3A_267 = tpu.memref_slice %arg11[%mul3A_259] : memref<2000xi32, #tpu.memory_space<vmem>> -> memref<40xi32, #tpu.memory_space<vmem>>
          %dma_start3A_268 = arith.constant 0 : i32
          %dma_start3A_269 = arith.constant 0 : i32
          %dma_start3A_270 = tpu.memref_slice %arg3[%dma_start3A_268, %dma_start3A_269] : memref<10000x128xf32, #tpu.memory_space<hbm>> -> memref<10000x128xf32, #tpu.memory_space<hbm>>
          tpu.enqueue_indirect_dma source(%dma_start3A_270 : memref<10000x128xf32, #tpu.memory_space<hbm>>) target(%arg16 : memref<40x128xf32, #tpu.memory_space<vmem>>) offsets(%dma_start3A_267 : memref<40xi32, #tpu.memory_space<vmem>>) semaphore(%arg21 : memref<!tpu.dma_semaphore, #tpu.memory_space<semaphore_mem>>)
        } else {
        }
        %dma_wait3A_230 = arith.constant 0 : i32
        %dma_wait3A_231 = arith.constant 0 : i32
        %dma_wait3A_232 = tpu.memref_slice %arg2[%dma_wait3A_230, %dma_wait3A_231] : memref<10000x128xf32, #tpu.memory_space<hbm>> -> memref<10000x128xf32, #tpu.memory_space<hbm>>
        tpu.wait_indirect_dma semaphore(%arg21 : memref<!tpu.dma_semaphore, #tpu.memory_space<semaphore_mem>>) src(%dma_wait3A_232 : memref<10000x128xf32, #tpu.memory_space<hbm>>) dst(%arg15 : memref<40x128xf32, #tpu.memory_space<vmem>>)
        %dma_wait3A_233 = arith.constant 0 : i32
        %dma_wait3A_234 = arith.constant 0 : i32
        %dma_wait3A_235 = tpu.memref_slice %arg2[%dma_wait3A_233, %dma_wait3A_234] : memref<10000x128xf32, #tpu.memory_space<hbm>> -> memref<10000x128xf32, #tpu.memory_space<hbm>>
        tpu.wait_indirect_dma semaphore(%arg21 : memref<!tpu.dma_semaphore, #tpu.memory_space<semaphore_mem>>) src(%dma_wait3A_235 : memref<10000x128xf32, #tpu.memory_space<hbm>>) dst(%arg17 : memref<40x128xf32, #tpu.memory_space<vmem>>)
        %dma_wait3A_236 = arith.constant 0 : i32
        %dma_wait3A_237 = tpu.memref_slice %arg6[%dma_wait3A_236] : memref<320000xi32, #tpu.memory_space<hbm>> -> memref<40xi32, #tpu.memory_space<hbm>>
        %dma_wait3A_238 = arith.constant 0 : i32
        %dma_wait3A_239 = tpu.memref_slice %arg6[%dma_wait3A_238] : memref<320000xi32, #tpu.memory_space<hbm>> -> memref<40xi32, #tpu.memory_space<hbm>>
        tpu.wait_dma2 semaphore(%arg23 : memref<!tpu.dma_semaphore, #tpu.memory_space<semaphore_mem>>) src(%dma_wait3A_239 : memref<40xi32, #tpu.memory_space<hbm>>) dst(%arg13 : memref<40xi32, #tpu.memory_space<vmem>>)
        %dma_wait3A_240 = arith.constant 0 : i32
        %dma_wait3A_241 = arith.constant 0 : i32
        %dma_wait3A_242 = tpu.memref_slice %arg4[%dma_wait3A_240, %dma_wait3A_241] : memref<320000x128xf32, #tpu.memory_space<hbm>> -> memref<40x128xf32, #tpu.memory_space<hbm>>
        %dma_wait3A_243 = arith.constant 0 : i32
        %dma_wait3A_244 = arith.constant 0 : i32
        %dma_wait3A_245 = tpu.memref_slice %arg4[%dma_wait3A_243, %dma_wait3A_244] : memref<320000x128xf32, #tpu.memory_space<hbm>> -> memref<40x128xf32, #tpu.memory_space<hbm>>
        tpu.wait_dma2 semaphore(%arg22 : memref<!tpu.dma_semaphore, #tpu.memory_space<semaphore_mem>>) src(%dma_wait3A_245 : memref<40x128xf32, #tpu.memory_space<hbm>>) dst(%arg18 : memref<40x128xf32, #tpu.memory_space<vmem>>)
        %parallel_loop3A_246 = arith.constant 0 : i32
        %parallel_loop3A_247 = arith.constant 40 : i32
        %parallel_loop3A_248 = arith.constant 1 : i32
        scf.for %parallel_loop3A_256 = %parallel_loop3A_246 to %parallel_loop3A_247 step %parallel_loop3A_248  : i32 {
          %parallel_loop3A_257 = arith.index_cast %parallel_loop3A_256 : i32 to index
          %parallel_loop3A_258 = arith.constant 0 : index
          %parallel_loop3A_259 = tpu.vector_load %arg15[%parallel_loop3A_257, %parallel_loop3A_258] {strides = array<i32>} : memref<40x128xf32, #tpu.memory_space<vmem>>, vector<16xf32>,
          %parallel_loop3A_260 = arith.index_cast %parallel_loop3A_256 : i32 to index
          %parallel_loop3A_261 = arith.constant 0 : index
          %parallel_loop3A_262 = tpu.vector_load %arg17[%parallel_loop3A_260, %parallel_loop3A_261] {strides = array<i32>} : memref<40x128xf32, #tpu.memory_space<vmem>>, vector<16xf32>,
          %parallel_loop3A_263 = arith.addf %parallel_loop3A_259, %parallel_loop3A_262 : vector<16xf32>
          %parallel_loop3A_264 = arith.index_cast %parallel_loop3A_256 : i32 to index
          %parallel_loop3A_265 = arith.constant 0 : index
          %parallel_loop3A_266 = tpu.vector_load %arg18[%parallel_loop3A_264, %parallel_loop3A_265] {strides = array<i32>} : memref<40x128xf32, #tpu.memory_space<vmem>>, vector<16xf32>,
          %parallel_loop3A_267 = arith.addf %parallel_loop3A_263, %parallel_loop3A_266 : vector<16xf32>
          %parallel_loop3A_268 = arith.constant 2.000000e-01 : f32
          %parallel_loop3A_269 = vector.broadcast %parallel_loop3A_268 : f32 to vector<16xf32>
          %parallel_loop3A_270 = arith.mulf %parallel_loop3A_269, %parallel_loop3A_267 : vector<16xf32>
          %parallel_loop3A_271 = arith.maximumf %parallel_loop3A_267, %parallel_loop3A_270 : vector<16xf32>
          %parallel_loop3A_272 = arith.mulf %parallel_loop3A_271, %get3A_43 : vector<16xf32>
          %parallel_loop3A_273 = arith.constant true
          %parallel_loop3A_274 = vector.broadcast %parallel_loop3A_273 : i1 to vector<16xi1>
          %parallel_loop3A_275 = tpu.scan <sum>, %parallel_loop3A_272 masked %parallel_loop3A_274 : vector<16xf32>, vector<16xi1> -> vector<16xf32>
          %parallel_loop3A_276 = vector.extract %parallel_loop3A_275[15] : f32 from vector<16xf32>
          %parallel_loop3A_277 = vector.broadcast %parallel_loop3A_276 : f32 to vector<16xf32>
          %parallel_loop3A_278 = math.exp %parallel_loop3A_277 : vector<16xf32>
          %parallel_loop3A_279 = arith.mulf %parallel_loop3A_278, %parallel_loop3A_259 : vector<16xf32>
          %parallel_loop3A_280 = arith.index_cast %parallel_loop3A_256 : i32 to index
          %parallel_loop3A_281 = arith.constant 0 : index
          %parallel_loop3A_282 = tpu.vector_load %arg19[%parallel_loop3A_280, %parallel_loop3A_281] {strides = array<i32>} : memref<40x144xf32, #tpu.memory_space<vmem>>, vector<16xf32>,
          tpu.vector_store %arg19[%parallel_loop3A_280, %parallel_loop3A_281], %parallel_loop3A_279 {strides = array<i32>} : memref<40x144xf32, #tpu.memory_space<vmem>>, vector<16xf32>,
          %parallel_loop3A_283 = arith.mulf %parallel_loop3A_278, %select_n3A : vector<16xf32>
          %parallel_loop3A_284 = arith.addf %broadcast_in_dim3A_1, %parallel_loop3A_283 : vector<16xf32>
          %parallel_loop3A_285 = arith.index_cast %parallel_loop3A_256 : i32 to index
          %parallel_loop3A_286 = arith.constant 16 : index
          %parallel_loop3A_287 = tpu.vector_load %arg15[%parallel_loop3A_285, %parallel_loop3A_286] {strides = array<i32>} : memref<40x128xf32, #tpu.memory_space<vmem>>, vector<16xf32>,
          %parallel_loop3A_288 = arith.index_cast %parallel_loop3A_256 : i32 to index
          %parallel_loop3A_289 = arith.constant 16 : index
          %parallel_loop3A_290 = tpu.vector_load %arg17[%parallel_loop3A_288, %parallel_loop3A_289] {strides = array<i32>} : memref<40x128xf32, #tpu.memory_space<vmem>>, vector<16xf32>,
          %parallel_loop3A_291 = arith.addf %parallel_loop3A_287, %parallel_loop3A_290 : vector<16xf32>
          %parallel_loop3A_292 = arith.index_cast %parallel_loop3A_256 : i32 to index
          %parallel_loop3A_293 = arith.constant 16 : index
          %parallel_loop3A_294 = tpu.vector_load %arg18[%parallel_loop3A_292, %parallel_loop3A_293] {strides = array<i32>} : memref<40x128xf32, #tpu.memory_space<vmem>>, vector<16xf32>,
          %parallel_loop3A_295 = arith.addf %parallel_loop3A_291, %parallel_loop3A_294 : vector<16xf32>
          %parallel_loop3A_296 = arith.constant 2.000000e-01 : f32
          %parallel_loop3A_297 = vector.broadcast %parallel_loop3A_296 : f32 to vector<16xf32>
          %parallel_loop3A_298 = arith.mulf %parallel_loop3A_297, %parallel_loop3A_295 : vector<16xf32>
          %parallel_loop3A_299 = arith.maximumf %parallel_loop3A_295, %parallel_loop3A_298 : vector<16xf32>
          %parallel_loop3A_300 = arith.mulf %parallel_loop3A_299, %get3A_47 : vector<16xf32>
          %parallel_loop3A_301 = arith.constant true
          %parallel_loop3A_302 = vector.broadcast %parallel_loop3A_301 : i1 to vector<16xi1>
          %parallel_loop3A_303 = tpu.scan <sum>, %parallel_loop3A_300 masked %parallel_loop3A_302 : vector<16xf32>, vector<16xi1> -> vector<16xf32>
          %parallel_loop3A_304 = vector.extract %parallel_loop3A_303[15] : f32 from vector<16xf32>
          %parallel_loop3A_305 = vector.broadcast %parallel_loop3A_304 : f32 to vector<16xf32>
          %parallel_loop3A_306 = math.exp %parallel_loop3A_305 : vector<16xf32>
          %parallel_loop3A_307 = arith.mulf %parallel_loop3A_306, %parallel_loop3A_287 : vector<16xf32>
          %parallel_loop3A_308 = arith.index_cast %parallel_loop3A_256 : i32 to index
          %parallel_loop3A_309 = arith.constant 16 : index
          %parallel_loop3A_310 = tpu.vector_load %arg19[%parallel_loop3A_308, %parallel_loop3A_309] {strides = array<i32>} : memref<40x144xf32, #tpu.memory_space<vmem>>, vector<16xf32>,
          tpu.vector_store %arg19[%parallel_loop3A_308, %parallel_loop3A_309], %parallel_loop3A_307 {strides = array<i32>} : memref<40x144xf32, #tpu.memory_space<vmem>>, vector<16xf32>,
          %parallel_loop3A_311 = arith.mulf %parallel_loop3A_306, %select_n3A_85 : vector<16xf32>
          %parallel_loop3A_312 = arith.addf %parallel_loop3A_284, %parallel_loop3A_311 : vector<16xf32>
          %parallel_loop3A_313 = arith.index_cast %parallel_loop3A_256 : i32 to index
          %parallel_loop3A_314 = arith.constant 32 : index
          %parallel_loop3A_315 = tpu.vector_load %arg15[%parallel_loop3A_313, %parallel_loop3A_314] {strides = array<i32>} : memref<40x128xf32, #tpu.memory_space<vmem>>, vector<16xf32>,
          %parallel_loop3A_316 = arith.index_cast %parallel_loop3A_256 : i32 to index
          %parallel_loop3A_317 = arith.constant 32 : index
          %parallel_loop3A_318 = tpu.vector_load %arg17[%parallel_loop3A_316, %parallel_loop3A_317] {strides = array<i32>} : memref<40x128xf32, #tpu.memory_space<vmem>>, vector<16xf32>,
          %parallel_loop3A_319 = arith.addf %parallel_loop3A_315, %parallel_loop3A_318 : vector<16xf32>
          %parallel_loop3A_320 = arith.index_cast %parallel_loop3A_256 : i32 to index
          %parallel_loop3A_321 = arith.constant 32 : index
          %parallel_loop3A_322 = tpu.vector_load %arg18[%parallel_loop3A_320, %parallel_loop3A_321] {strides = array<i32>} : memref<40x128xf32, #tpu.memory_space<vmem>>, vector<16xf32>,
          %parallel_loop3A_323 = arith.addf %parallel_loop3A_319, %parallel_loop3A_322 : vector<16xf32>
          %parallel_loop3A_324 = arith.constant 2.000000e-01 : f32
          %parallel_loop3A_325 = vector.broadcast %parallel_loop3A_324 : f32 to vector<16xf32>
          %parallel_loop3A_326 = arith.mulf %parallel_loop3A_325, %parallel_loop3A_323 : vector<16xf32>
          %parallel_loop3A_327 = arith.maximumf %parallel_loop3A_323, %parallel_loop3A_326 : vector<16xf32>
          %parallel_loop3A_328 = arith.mulf %parallel_loop3A_327, %get3A_51 : vector<16xf32>
          %parallel_loop3A_329 = arith.constant true
          %parallel_loop3A_330 = vector.broadcast %parallel_loop3A_329 : i1 to vector<16xi1>
          %parallel_loop3A_331 = tpu.scan <sum>, %parallel_loop3A_328 masked %parallel_loop3A_330 : vector<16xf32>, vector<16xi1> -> vector<16xf32>
          %parallel_loop3A_332 = vector.extract %parallel_loop3A_331[15] : f32 from vector<16xf32>
          %parallel_loop3A_333 = vector.broadcast %parallel_loop3A_332 : f32 to vector<16xf32>
          %parallel_loop3A_334 = math.exp %parallel_loop3A_333 : vector<16xf32>
          %parallel_loop3A_335 = arith.mulf %parallel_loop3A_334, %parallel_loop3A_315 : vector<16xf32>
          %parallel_loop3A_336 = arith.index_cast %parallel_loop3A_256 : i32 to index
          %parallel_loop3A_337 = arith.constant 32 : index
          %parallel_loop3A_338 = tpu.vector_load %arg19[%parallel_loop3A_336, %parallel_loop3A_337] {strides = array<i32>} : memref<40x144xf32, #tpu.memory_space<vmem>>, vector<16xf32>,
          tpu.vector_store %arg19[%parallel_loop3A_336, %parallel_loop3A_337], %parallel_loop3A_335 {strides = array<i32>} : memref<40x144xf32, #tpu.memory_space<vmem>>, vector<16xf32>,
          %parallel_loop3A_339 = arith.mulf %parallel_loop3A_334, %select_n3A_94 : vector<16xf32>
          %parallel_loop3A_340 = arith.addf %parallel_loop3A_312, %parallel_loop3A_339 : vector<16xf32>
          %parallel_loop3A_341 = arith.index_cast %parallel_loop3A_256 : i32 to index
          %parallel_loop3A_342 = arith.constant 48 : index
          %parallel_loop3A_343 = tpu.vector_load %arg15[%parallel_loop3A_341, %parallel_loop3A_342] {strides = array<i32>} : memref<40x128xf32, #tpu.memory_space<vmem>>, vector<16xf32>,
          %parallel_loop3A_344 = arith.index_cast %parallel_loop3A_256 : i32 to index
          %parallel_loop3A_345 = arith.constant 48 : index
          %parallel_loop3A_346 = tpu.vector_load %arg17[%parallel_loop3A_344, %parallel_loop3A_345] {strides = array<i32>} : memref<40x128xf32, #tpu.memory_space<vmem>>, vector<16xf32>,
          %parallel_loop3A_347 = arith.addf %parallel_loop3A_343, %parallel_loop3A_346 : vector<16xf32>
          %parallel_loop3A_348 = arith.index_cast %parallel_loop3A_256 : i32 to index
          %parallel_loop3A_349 = arith.constant 48 : index
          %parallel_loop3A_350 = tpu.vector_load %arg18[%parallel_loop3A_348, %parallel_loop3A_349] {strides = array<i32>} : memref<40x128xf32, #tpu.memory_space<vmem>>, vector<16xf32>,
          %parallel_loop3A_351 = arith.addf %parallel_loop3A_347, %parallel_loop3A_350 : vector<16xf32>
          %parallel_loop3A_352 = arith.constant 2.000000e-01 : f32
          %parallel_loop3A_353 = vector.broadcast %parallel_loop3A_352 : f32 to vector<16xf32>
          %parallel_loop3A_354 = arith.mulf %parallel_loop3A_353, %parallel_loop3A_351 : vector<16xf32>
          %parallel_loop3A_355 = arith.maximumf %parallel_loop3A_351, %parallel_loop3A_354 : vector<16xf32>
          %parallel_loop3A_356 = arith.mulf %parallel_loop3A_355, %get3A_55 : vector<16xf32>
          %parallel_loop3A_357 = arith.constant true
          %parallel_loop3A_358 = vector.broadcast %parallel_loop3A_357 : i1 to vector<16xi1>
          %parallel_loop3A_359 = tpu.scan <sum>, %parallel_loop3A_356 masked %parallel_loop3A_358 : vector<16xf32>, vector<16xi1> -> vector<16xf32>
          %parallel_loop3A_360 = vector.extract %parallel_loop3A_359[15] : f32 from vector<16xf32>
          %parallel_loop3A_361 = vector.broadcast %parallel_loop3A_360 : f32 to vector<16xf32>
          %parallel_loop3A_362 = math.exp %parallel_loop3A_361 : vector<16xf32>
          %parallel_loop3A_363 = arith.mulf %parallel_loop3A_362, %parallel_loop3A_343 : vector<16xf32>
          %parallel_loop3A_364 = arith.index_cast %parallel_loop3A_256 : i32 to index
          %parallel_loop3A_365 = arith.constant 48 : index
          %parallel_loop3A_366 = tpu.vector_load %arg19[%parallel_loop3A_364, %parallel_loop3A_365] {strides = array<i32>} : memref<40x144xf32, #tpu.memory_space<vmem>>, vector<16xf32>,
          tpu.vector_store %arg19[%parallel_loop3A_364, %parallel_loop3A_365], %parallel_loop3A_363 {strides = array<i32>} : memref<40x144xf32, #tpu.memory_space<vmem>>, vector<16xf32>,
          %parallel_loop3A_367 = arith.mulf %parallel_loop3A_362, %select_n3A_103 : vector<16xf32>
          %parallel_loop3A_368 = arith.addf %parallel_loop3A_340, %parallel_loop3A_367 : vector<16xf32>
          %parallel_loop3A_369 = arith.index_cast %parallel_loop3A_256 : i32 to index
          %parallel_loop3A_370 = arith.constant 64 : index
          %parallel_loop3A_371 = tpu.vector_load %arg15[%parallel_loop3A_369, %parallel_loop3A_370] {strides = array<i32>} : memref<40x128xf32, #tpu.memory_space<vmem>>, vector<16xf32>,
          %parallel_loop3A_372 = arith.index_cast %parallel_loop3A_256 : i32 to index
          %parallel_loop3A_373 = arith.constant 64 : index
          %parallel_loop3A_374 = tpu.vector_load %arg17[%parallel_loop3A_372, %parallel_loop3A_373] {strides = array<i32>} : memref<40x128xf32, #tpu.memory_space<vmem>>, vector<16xf32>,
          %parallel_loop3A_375 = arith.addf %parallel_loop3A_371, %parallel_loop3A_374 : vector<16xf32>
          %parallel_loop3A_376 = arith.index_cast %parallel_loop3A_256 : i32 to index
          %parallel_loop3A_377 = arith.constant 64 : index
          %parallel_loop3A_378 = tpu.vector_load %arg18[%parallel_loop3A_376, %parallel_loop3A_377] {strides = array<i32>} : memref<40x128xf32, #tpu.memory_space<vmem>>, vector<16xf32>,
          %parallel_loop3A_379 = arith.addf %parallel_loop3A_375, %parallel_loop3A_378 : vector<16xf32>
          %parallel_loop3A_380 = arith.constant 2.000000e-01 : f32
          %parallel_loop3A_381 = vector.broadcast %parallel_loop3A_380 : f32 to vector<16xf32>
          %parallel_loop3A_382 = arith.mulf %parallel_loop3A_381, %parallel_loop3A_379 : vector<16xf32>
          %parallel_loop3A_383 = arith.maximumf %parallel_loop3A_379, %parallel_loop3A_382 : vector<16xf32>
          %parallel_loop3A_384 = arith.mulf %parallel_loop3A_383, %get3A_59 : vector<16xf32>
          %parallel_loop3A_385 = arith.constant true
          %parallel_loop3A_386 = vector.broadcast %parallel_loop3A_385 : i1 to vector<16xi1>
          %parallel_loop3A_387 = tpu.scan <sum>, %parallel_loop3A_384 masked %parallel_loop3A_386 : vector<16xf32>, vector<16xi1> -> vector<16xf32>
          %parallel_loop3A_388 = vector.extract %parallel_loop3A_387[15] : f32 from vector<16xf32>
          %parallel_loop3A_389 = vector.broadcast %parallel_loop3A_388 : f32 to vector<16xf32>
          %parallel_loop3A_390 = math.exp %parallel_loop3A_389 : vector<16xf32>
          %parallel_loop3A_391 = arith.mulf %parallel_loop3A_390, %parallel_loop3A_371 : vector<16xf32>
          %parallel_loop3A_392 = arith.index_cast %parallel_loop3A_256 : i32 to index
          %parallel_loop3A_393 = arith.constant 64 : index
          %parallel_loop3A_394 = tpu.vector_load %arg19[%parallel_loop3A_392, %parallel_loop3A_393] {strides = array<i32>} : memref<40x144xf32, #tpu.memory_space<vmem>>, vector<16xf32>,
          tpu.vector_store %arg19[%parallel_loop3A_392, %parallel_loop3A_393], %parallel_loop3A_391 {strides = array<i32>} : memref<40x144xf32, #tpu.memory_space<vmem>>, vector<16xf32>,
          %parallel_loop3A_395 = arith.mulf %parallel_loop3A_390, %select_n3A_112 : vector<16xf32>
          %parallel_loop3A_396 = arith.addf %parallel_loop3A_368, %parallel_loop3A_395 : vector<16xf32>
          %parallel_loop3A_397 = arith.index_cast %parallel_loop3A_256 : i32 to index
          %parallel_loop3A_398 = arith.constant 80 : index
          %parallel_loop3A_399 = tpu.vector_load %arg15[%parallel_loop3A_397, %parallel_loop3A_398] {strides = array<i32>} : memref<40x128xf32, #tpu.memory_space<vmem>>, vector<16xf32>,
          %parallel_loop3A_400 = arith.index_cast %parallel_loop3A_256 : i32 to index
          %parallel_loop3A_401 = arith.constant 80 : index
          %parallel_loop3A_402 = tpu.vector_load %arg17[%parallel_loop3A_400, %parallel_loop3A_401] {strides = array<i32>} : memref<40x128xf32, #tpu.memory_space<vmem>>, vector<16xf32>,
          %parallel_loop3A_403 = arith.addf %parallel_loop3A_399, %parallel_loop3A_402 : vector<16xf32>
          %parallel_loop3A_404 = arith.index_cast %parallel_loop3A_256 : i32 to index
          %parallel_loop3A_405 = arith.constant 80 : index
          %parallel_loop3A_406 = tpu.vector_load %arg18[%parallel_loop3A_404, %parallel_loop3A_405] {strides = array<i32>} : memref<40x128xf32, #tpu.memory_space<vmem>>, vector<16xf32>,
          %parallel_loop3A_407 = arith.addf %parallel_loop3A_403, %parallel_loop3A_406 : vector<16xf32>
          %parallel_loop3A_408 = arith.constant 2.000000e-01 : f32
          %parallel_loop3A_409 = vector.broadcast %parallel_loop3A_408 : f32 to vector<16xf32>
          %parallel_loop3A_410 = arith.mulf %parallel_loop3A_409, %parallel_loop3A_407 : vector<16xf32>
          %parallel_loop3A_411 = arith.maximumf %parallel_loop3A_407, %parallel_loop3A_410 : vector<16xf32>
          %parallel_loop3A_412 = arith.mulf %parallel_loop3A_411, %get3A_63 : vector<16xf32>
          %parallel_loop3A_413 = arith.constant true
          %parallel_loop3A_414 = vector.broadcast %parallel_loop3A_413 : i1 to vector<16xi1>
          %parallel_loop3A_415 = tpu.scan <sum>, %parallel_loop3A_412 masked %parallel_loop3A_414 : vector<16xf32>, vector<16xi1> -> vector<16xf32>
          %parallel_loop3A_416 = vector.extract %parallel_loop3A_415[15] : f32 from vector<16xf32>
          %parallel_loop3A_417 = vector.broadcast %parallel_loop3A_416 : f32 to vector<16xf32>
          %parallel_loop3A_418 = math.exp %parallel_loop3A_417 : vector<16xf32>
          %parallel_loop3A_419 = arith.mulf %parallel_loop3A_418, %parallel_loop3A_399 : vector<16xf32>
          %parallel_loop3A_420 = arith.index_cast %parallel_loop3A_256 : i32 to index
          %parallel_loop3A_421 = arith.constant 80 : index
          %parallel_loop3A_422 = tpu.vector_load %arg19[%parallel_loop3A_420, %parallel_loop3A_421] {strides = array<i32>} : memref<40x144xf32, #tpu.memory_space<vmem>>, vector<16xf32>,
          tpu.vector_store %arg19[%parallel_loop3A_420, %parallel_loop3A_421], %parallel_loop3A_419 {strides = array<i32>} : memref<40x144xf32, #tpu.memory_space<vmem>>, vector<16xf32>,
          %parallel_loop3A_423 = arith.mulf %parallel_loop3A_418, %select_n3A_121 : vector<16xf32>
          %parallel_loop3A_424 = arith.addf %parallel_loop3A_396, %parallel_loop3A_423 : vector<16xf32>
          %parallel_loop3A_425 = arith.index_cast %parallel_loop3A_256 : i32 to index
          %parallel_loop3A_426 = arith.constant 96 : index
          %parallel_loop3A_427 = tpu.vector_load %arg15[%parallel_loop3A_425, %parallel_loop3A_426] {strides = array<i32>} : memref<40x128xf32, #tpu.memory_space<vmem>>, vector<16xf32>,
          %parallel_loop3A_428 = arith.index_cast %parallel_loop3A_256 : i32 to index
          %parallel_loop3A_429 = arith.constant 96 : index
          %parallel_loop3A_430 = tpu.vector_load %arg17[%parallel_loop3A_428, %parallel_loop3A_429] {strides = array<i32>} : memref<40x128xf32, #tpu.memory_space<vmem>>, vector<16xf32>,
          %parallel_loop3A_431 = arith.addf %parallel_loop3A_427, %parallel_loop3A_430 : vector<16xf32>
          %parallel_loop3A_432 = arith.index_cast %parallel_loop3A_256 : i32 to index
          %parallel_loop3A_433 = arith.constant 96 : index
          %parallel_loop3A_434 = tpu.vector_load %arg18[%parallel_loop3A_432, %parallel_loop3A_433] {strides = array<i32>} : memref<40x128xf32, #tpu.memory_space<vmem>>, vector<16xf32>,
          %parallel_loop3A_435 = arith.addf %parallel_loop3A_431, %parallel_loop3A_434 : vector<16xf32>
          %parallel_loop3A_436 = arith.constant 2.000000e-01 : f32
          %parallel_loop3A_437 = vector.broadcast %parallel_loop3A_436 : f32 to vector<16xf32>
          %parallel_loop3A_438 = arith.mulf %parallel_loop3A_437, %parallel_loop3A_435 : vector<16xf32>
          %parallel_loop3A_439 = arith.maximumf %parallel_loop3A_435, %parallel_loop3A_438 : vector<16xf32>
          %parallel_loop3A_440 = arith.mulf %parallel_loop3A_439, %get3A_67 : vector<16xf32>
          %parallel_loop3A_441 = arith.constant true
          %parallel_loop3A_442 = vector.broadcast %parallel_loop3A_441 : i1 to vector<16xi1>
          %parallel_loop3A_443 = tpu.scan <sum>, %parallel_loop3A_440 masked %parallel_loop3A_442 : vector<16xf32>, vector<16xi1> -> vector<16xf32>
          %parallel_loop3A_444 = vector.extract %parallel_loop3A_443[15] : f32 from vector<16xf32>
          %parallel_loop3A_445 = vector.broadcast %parallel_loop3A_444 : f32 to vector<16xf32>
          %parallel_loop3A_446 = math.exp %parallel_loop3A_445 : vector<16xf32>
          %parallel_loop3A_447 = arith.mulf %parallel_loop3A_446, %parallel_loop3A_427 : vector<16xf32>
          %parallel_loop3A_448 = arith.index_cast %parallel_loop3A_256 : i32 to index
          %parallel_loop3A_449 = arith.constant 96 : index
          %parallel_loop3A_450 = tpu.vector_load %arg19[%parallel_loop3A_448, %parallel_loop3A_449] {strides = array<i32>} : memref<40x144xf32, #tpu.memory_space<vmem>>, vector<16xf32>,
          tpu.vector_store %arg19[%parallel_loop3A_448, %parallel_loop3A_449], %parallel_loop3A_447 {strides = array<i32>} : memref<40x144xf32, #tpu.memory_space<vmem>>, vector<16xf32>,
          %parallel_loop3A_451 = arith.mulf %parallel_loop3A_446, %select_n3A_130 : vector<16xf32>
          %parallel_loop3A_452 = arith.addf %parallel_loop3A_424, %parallel_loop3A_451 : vector<16xf32>
          %parallel_loop3A_453 = arith.index_cast %parallel_loop3A_256 : i32 to index
          %parallel_loop3A_454 = arith.constant 112 : index
          %parallel_loop3A_455 = tpu.vector_load %arg15[%parallel_loop3A_453, %parallel_loop3A_454] {strides = array<i32>} : memref<40x128xf32, #tpu.memory_space<vmem>>, vector<16xf32>,
          %parallel_loop3A_456 = arith.index_cast %parallel_loop3A_256 : i32 to index
          %parallel_loop3A_457 = arith.constant 112 : index
          %parallel_loop3A_458 = tpu.vector_load %arg17[%parallel_loop3A_456, %parallel_loop3A_457] {strides = array<i32>} : memref<40x128xf32, #tpu.memory_space<vmem>>, vector<16xf32>,
          %parallel_loop3A_459 = arith.addf %parallel_loop3A_455, %parallel_loop3A_458 : vector<16xf32>
          %parallel_loop3A_460 = arith.index_cast %parallel_loop3A_256 : i32 to index
          %parallel_loop3A_461 = arith.constant 112 : index
          %parallel_loop3A_462 = tpu.vector_load %arg18[%parallel_loop3A_460, %parallel_loop3A_461] {strides = array<i32>} : memref<40x128xf32, #tpu.memory_space<vmem>>, vector<16xf32>,
          %parallel_loop3A_463 = arith.addf %parallel_loop3A_459, %parallel_loop3A_462 : vector<16xf32>
          %parallel_loop3A_464 = arith.constant 2.000000e-01 : f32
          %parallel_loop3A_465 = vector.broadcast %parallel_loop3A_464 : f32 to vector<16xf32>
          %parallel_loop3A_466 = arith.mulf %parallel_loop3A_465, %parallel_loop3A_463 : vector<16xf32>
          %parallel_loop3A_467 = arith.maximumf %parallel_loop3A_463, %parallel_loop3A_466 : vector<16xf32>
          %parallel_loop3A_468 = arith.mulf %parallel_loop3A_467, %get3A_71 : vector<16xf32>
          %parallel_loop3A_469 = arith.constant true
          %parallel_loop3A_470 = vector.broadcast %parallel_loop3A_469 : i1 to vector<16xi1>
          %parallel_loop3A_471 = tpu.scan <sum>, %parallel_loop3A_468 masked %parallel_loop3A_470 : vector<16xf32>, vector<16xi1> -> vector<16xf32>
          %parallel_loop3A_472 = vector.extract %parallel_loop3A_471[15] : f32 from vector<16xf32>
          %parallel_loop3A_473 = vector.broadcast %parallel_loop3A_472 : f32 to vector<16xf32>
          %parallel_loop3A_474 = math.exp %parallel_loop3A_473 : vector<16xf32>
          %parallel_loop3A_475 = arith.mulf %parallel_loop3A_474, %parallel_loop3A_455 : vector<16xf32>
          %parallel_loop3A_476 = arith.index_cast %parallel_loop3A_256 : i32 to index
          %parallel_loop3A_477 = arith.constant 112 : index
          %parallel_loop3A_478 = tpu.vector_load %arg19[%parallel_loop3A_476, %parallel_loop3A_477] {strides = array<i32>} : memref<40x144xf32, #tpu.memory_space<vmem>>, vector<16xf32>,
          tpu.vector_store %arg19[%parallel_loop3A_476, %parallel_loop3A_477], %parallel_loop3A_475 {strides = array<i32>} : memref<40x144xf32, #tpu.memory_space<vmem>>, vector<16xf32>,
          %parallel_loop3A_479 = arith.mulf %parallel_loop3A_474, %select_n3A_139 : vector<16xf32>
          %parallel_loop3A_480 = arith.addf %parallel_loop3A_452, %parallel_loop3A_479 : vector<16xf32>
          %parallel_loop3A_481 = arith.index_cast %parallel_loop3A_256 : i32 to index
          %parallel_loop3A_482 = arith.constant 128 : index
          %parallel_loop3A_483 = tpu.vector_load %arg19[%parallel_loop3A_481, %parallel_loop3A_482] {strides = array<i32>} : memref<40x144xf32, #tpu.memory_space<vmem>>, vector<16xf32>,
          tpu.vector_store %arg19[%parallel_loop3A_481, %parallel_loop3A_482], %parallel_loop3A_480 {strides = array<i32>} : memref<40x144xf32, #tpu.memory_space<vmem>>, vector<16xf32>,
        } {sc.loop_unroll_factor = 5 : i64, sc.parallel_access}
        %add3A_249 = arith.constant 1 : i32
        %add3A_250 = arith.addi %add3A_222, %add3A_249 : i32
        %lt3A_251 = arith.constant 50 : i32
        %lt3A_252 = arith.cmpi slt, %add3A_250, %lt3A_251 : i32
        %convert_element_type3A_253 = arith.extui %lt3A_252 : i1 to i32
        %cond3A_254 = arith.constant 0 : i32
        %cond3A_255 = arith.cmpi ne, %convert_element_type3A_253, %cond3A_254 : i32
        scf.if %cond3A_255 {
          %add3A_256 = arith.constant 1 : i32
          %add3A_257 = arith.addi %add3A_222, %add3A_256 : i32
          %mul3A_258 = arith.constant 40 : i32
          %mul3A_259 = arith.muli %add3A_257, %mul3A_258 : i32
          %add3A_260 = arith.addi %add3A_162, %mul3A_259 : i32
          %dma_start3A_261 = arith.constant 0 : i32
          %dma_start3A_262 = tpu.memref_slice %arg4[%add3A_260, %dma_start3A_261] : memref<320000x128xf32, #tpu.memory_space<hbm>> -> memref<40x128xf32, #tpu.memory_space<hbm>>
          %dma_start3A_263 = arith.constant 0 : i32
          %dma_start3A_264 = tpu.memref_slice %arg4[%add3A_260, %dma_start3A_263] : memref<320000x128xf32, #tpu.memory_space<hbm>> -> memref<40x128xf32, #tpu.memory_space<hbm>>
          tpu.enqueue_dma source(%dma_start3A_264 : memref<40x128xf32, #tpu.memory_space<hbm>>) target(%arg18 : memref<40x128xf32, #tpu.memory_space<vmem>>) target_semaphore(%arg22 : memref<!tpu.dma_semaphore, #tpu.memory_space<semaphore_mem>>)
        } else {
        }
        "tpu.region"() ({
          %run_scoped3A = tpu.sem_alloc : memref<!tpu.dma_semaphore, #tpu.memory_space<semaphore_mem>>
          %dma_start3A_256 = arith.constant 0 : i32
          %dma_start3A_257 = arith.constant 0 : i32
          %dma_start3A_258 = tpu.memref_slice %arg9[%dma_start3A_256, %dma_start3A_257] : memref<10240x144xf32, #tpu.memory_space<vmem_shared>> -> memref<10240x144xf32, #tpu.memory_space<vmem_shared>>
          tpu.enqueue_indirect_dma source(%arg19 : memref<40x144xf32, #tpu.memory_space<vmem>>) target(%dma_start3A_258 : memref<10240x144xf32, #tpu.memory_space<vmem_shared>>) offsets(%arg13 : memref<40xi32, #tpu.memory_space<vmem>>) semaphore(%run_scoped3A : memref<!tpu.dma_semaphore, #tpu.memory_space<semaphore_mem>>) {add = true}
          %dma_wait3A_259 = arith.constant 0 : i32
          %dma_wait3A_260 = arith.constant 0 : i32
          %dma_wait3A_261 = tpu.memref_slice %arg9[%dma_wait3A_259, %dma_wait3A_260] : memref<10240x144xf32, #tpu.memory_space<vmem_shared>> -> memref<10240x144xf32, #tpu.memory_space<vmem_shared>>
          tpu.wait_indirect_dma semaphore(%run_scoped3A : memref<!tpu.dma_semaphore, #tpu.memory_space<semaphore_mem>>) src(%arg19 : memref<40x144xf32, #tpu.memory_space<vmem>>) dst(%dma_wait3A_261 : memref<10240x144xf32, #tpu.memory_space<vmem_shared>>)
          tpu.yield
        }) : () -> ()
      }
      %scan3A_185 = arith.constant 25 : i32
    }
    %scan3A_147 = arith.constant 5 : i32
    %barrier3A_148 = arith.constant 0 : index
    tpu.barrier barrier_id(%barrier3A_148)
    %add3A_149 = arith.constant 0 : i32
    %add3A_150 = arith.addi %mul3A_8, %add3A_149 : i32
    "tpu.region"() ({
      %run_scoped3A = tpu.sem_alloc : memref<!tpu.dma_semaphore, #tpu.memory_space<semaphore_mem>>
      %dma_start3A = arith.constant 0 : i32
      %dma_start3A_159 = tpu.memref_slice %arg8[%arg0, %add3A_150, %dma_start3A] : memref<2x10240x144xf32, #tpu.memory_space<hbm>> -> memref<1x128x144xf32, #tpu.memory_space<hbm>>
      %dma_start3A_160 = tpu.memref_squeeze %dma_start3A_159 : memref<1x128x144xf32, #tpu.memory_space<hbm>> -> memref<128x144xf32, #tpu.memory_space<hbm>>
      %dma_start3A_161 = arith.constant 0 : i32
      %dma_start3A_162 = tpu.memref_slice %arg9[%add3A_150, %dma_start3A_161] : memref<10240x144xf32, #tpu.memory_space<vmem_shared>> -> memref<128x144xf32, #tpu.memory_space<vmem_shared>>
      tpu.enqueue_dma source(%dma_start3A_162 : memref<128x144xf32, #tpu.memory_space<vmem_shared>>) target(%dma_start3A_160 : memref<128x144xf32, #tpu.memory_space<hbm>>) target_semaphore(%run_scoped3A : memref<!tpu.dma_semaphore, #tpu.memory_space<semaphore_mem>>)
      %dma_wait3A = arith.constant 0 : i32
      %dma_wait3A_163 = tpu.memref_slice %arg8[%arg0, %add3A_150, %dma_wait3A] : memref<2x10240x144xf32, #tpu.memory_space<hbm>> -> memref<1x128x144xf32, #tpu.memory_space<hbm>>
      %dma_wait3A_164 = tpu.memref_squeeze %dma_wait3A_163 : memref<1x128x144xf32, #tpu.memory_space<hbm>> -> memref<128x144xf32, #tpu.memory_space<hbm>>
      %dma_wait3A_165 = arith.constant 0 : i32
      %dma_wait3A_166 = tpu.memref_slice %arg9[%add3A_150, %dma_wait3A_165] : memref<10240x144xf32, #tpu.memory_space<vmem_shared>> -> memref<128x144xf32, #tpu.memory_space<vmem_shared>>
      tpu.wait_dma2 semaphore(%run_scoped3A : memref<!tpu.dma_semaphore, #tpu.memory_space<semaphore_mem>>) src(%dma_wait3A_166 : memref<128x144xf32, #tpu.memory_space<vmem_shared>>) dst(%dma_wait3A_164 : memref<128x144xf32, #tpu.memory_space<hbm>>)
      tpu.yield
    }) : () -> ()
    %add3A_151 = arith.constant 128 : i32
    %add3A_152 = arith.addi %mul3A_8, %add3A_151 : i32
    "tpu.region"() ({
      %run_scoped3A = tpu.sem_alloc : memref<!tpu.dma_semaphore, #tpu.memory_space<semaphore_mem>>
      %dma_start3A = arith.constant 0 : i32
      %dma_start3A_159 = tpu.memref_slice %arg8[%arg0, %add3A_152, %dma_start3A] : memref<2x10240x144xf32, #tpu.memory_space<hbm>> -> memref<1x128x144xf32, #tpu.memory_space<hbm>>
      %dma_start3A_160 = tpu.memref_squeeze %dma_start3A_159 : memref<1x128x144xf32, #tpu.memory_space<hbm>> -> memref<128x144xf32, #tpu.memory_space<hbm>>
      %dma_start3A_161 = arith.constant 0 : i32
      %dma_start3A_162 = tpu.memref_slice %arg9[%add3A_152, %dma_start3A_161] : memref<10240x144xf32, #tpu.memory_space<vmem_shared>> -> memref<128x144xf32, #tpu.memory_space<vmem_shared>>
      tpu.enqueue_dma source(%dma_start3A_162 : memref<128x144xf32, #tpu.memory_space<vmem_shared>>) target(%dma_start3A_160 : memref<128x144xf32, #tpu.memory_space<hbm>>) target_semaphore(%run_scoped3A : memref<!tpu.dma_semaphore, #tpu.memory_space<semaphore_mem>>)
      %dma_wait3A = arith.constant 0 : i32
      %dma_wait3A_163 = tpu.memref_slice %arg8[%arg0, %add3A_152, %dma_wait3A] : memref<2x10240x144xf32, #tpu.memory_space<hbm>> -> memref<1x128x144xf32, #tpu.memory_space<hbm>>
      %dma_wait3A_164 = tpu.memref_squeeze %dma_wait3A_163 : memref<1x128x144xf32, #tpu.memory_space<hbm>> -> memref<128x144xf32, #tpu.memory_space<hbm>>
      %dma_wait3A_165 = arith.constant 0 : i32
      %dma_wait3A_166 = tpu.memref_slice %arg9[%add3A_152, %dma_wait3A_165] : memref<10240x144xf32, #tpu.memory_space<vmem_shared>> -> memref<128x144xf32, #tpu.memory_space<vmem_shared>>
      tpu.wait_dma2 semaphore(%run_scoped3A : memref<!tpu.dma_semaphore, #tpu.memory_space<semaphore_mem>>) src(%dma_wait3A_166 : memref<128x144xf32, #tpu.memory_space<vmem_shared>>) dst(%dma_wait3A_164 : memref<128x144xf32, #tpu.memory_space<hbm>>)
      tpu.yield
    }) : () -> ()
    %add3A_153 = arith.constant 256 : i32
    %add3A_154 = arith.addi %mul3A_8, %add3A_153 : i32
    "tpu.region"() ({
      %run_scoped3A = tpu.sem_alloc : memref<!tpu.dma_semaphore, #tpu.memory_space<semaphore_mem>>
      %dma_start3A = arith.constant 0 : i32
      %dma_start3A_159 = tpu.memref_slice %arg8[%arg0, %add3A_154, %dma_start3A] : memref<2x10240x144xf32, #tpu.memory_space<hbm>> -> memref<1x128x144xf32, #tpu.memory_space<hbm>>
      %dma_start3A_160 = tpu.memref_squeeze %dma_start3A_159 : memref<1x128x144xf32, #tpu.memory_space<hbm>> -> memref<128x144xf32, #tpu.memory_space<hbm>>
      %dma_start3A_161 = arith.constant 0 : i32
      %dma_start3A_162 = tpu.memref_slice %arg9[%add3A_154, %dma_start3A_161] : memref<10240x144xf32, #tpu.memory_space<vmem_shared>> -> memref<128x144xf32, #tpu.memory_space<vmem_shared>>
      tpu.enqueue_dma source(%dma_start3A_162 : memref<128x144xf32, #tpu.memory_space<vmem_shared>>) target(%dma_start3A_160 : memref<128x144xf32, #tpu.memory_space<hbm>>) target_semaphore(%run_scoped3A : memref<!tpu.dma_semaphore, #tpu.memory_space<semaphore_mem>>)
      %dma_wait3A = arith.constant 0 : i32
      %dma_wait3A_163 = tpu.memref_slice %arg8[%arg0, %add3A_154, %dma_wait3A] : memref<2x10240x144xf32, #tpu.memory_space<hbm>> -> memref<1x128x144xf32, #tpu.memory_space<hbm>>
      %dma_wait3A_164 = tpu.memref_squeeze %dma_wait3A_163 : memref<1x128x144xf32, #tpu.memory_space<hbm>> -> memref<128x144xf32, #tpu.memory_space<hbm>>
      %dma_wait3A_165 = arith.constant 0 : i32
      %dma_wait3A_166 = tpu.memref_slice %arg9[%add3A_154, %dma_wait3A_165] : memref<10240x144xf32, #tpu.memory_space<vmem_shared>> -> memref<128x144xf32, #tpu.memory_space<vmem_shared>>
      tpu.wait_dma2 semaphore(%run_scoped3A : memref<!tpu.dma_semaphore, #tpu.memory_space<semaphore_mem>>) src(%dma_wait3A_166 : memref<128x144xf32, #tpu.memory_space<vmem_shared>>) dst(%dma_wait3A_164 : memref<128x144xf32, #tpu.memory_space<hbm>>)
      tpu.yield
    }) : () -> ()
    %add3A_155 = arith.constant 384 : i32
    %add3A_156 = arith.addi %mul3A_8, %add3A_155 : i32
    "tpu.region"() ({
      %run_scoped3A = tpu.sem_alloc : memref<!tpu.dma_semaphore, #tpu.memory_space<semaphore_mem>>
      %dma_start3A = arith.constant 0 : i32
      %dma_start3A_159 = tpu.memref_slice %arg8[%arg0, %add3A_156, %dma_start3A] : memref<2x10240x144xf32, #tpu.memory_space<hbm>> -> memref<1x128x144xf32, #tpu.memory_space<hbm>>
      %dma_start3A_160 = tpu.memref_squeeze %dma_start3A_159 : memref<1x128x144xf32, #tpu.memory_space<hbm>> -> memref<128x144xf32, #tpu.memory_space<hbm>>
      %dma_start3A_161 = arith.constant 0 : i32
      %dma_start3A_162 = tpu.memref_slice %arg9[%add3A_156, %dma_start3A_161] : memref<10240x144xf32, #tpu.memory_space<vmem_shared>> -> memref<128x144xf32, #tpu.memory_space<vmem_shared>>
      tpu.enqueue_dma source(%dma_start3A_162 : memref<128x144xf32, #tpu.memory_space<vmem_shared>>) target(%dma_start3A_160 : memref<128x144xf32, #tpu.memory_space<hbm>>) target_semaphore(%run_scoped3A : memref<!tpu.dma_semaphore, #tpu.memory_space<semaphore_mem>>)
      %dma_wait3A = arith.constant 0 : i32
      %dma_wait3A_163 = tpu.memref_slice %arg8[%arg0, %add3A_156, %dma_wait3A] : memref<2x10240x144xf32, #tpu.memory_space<hbm>> -> memref<1x128x144xf32, #tpu.memory_space<hbm>>
      %dma_wait3A_164 = tpu.memref_squeeze %dma_wait3A_163 : memref<1x128x144xf32, #tpu.memory_space<hbm>> -> memref<128x144xf32, #tpu.memory_space<hbm>>
      %dma_wait3A_165 = arith.constant 0 : i32
      %dma_wait3A_166 = tpu.memref_slice %arg9[%add3A_156, %dma_wait3A_165] : memref<10240x144xf32, #tpu.memory_space<vmem_shared>> -> memref<128x144xf32, #tpu.memory_space<vmem_shared>>
      tpu.wait_dma2 semaphore(%run_scoped3A : memref<!tpu.dma_semaphore, #tpu.memory_space<semaphore_mem>>) src(%dma_wait3A_166 : memref<128x144xf32, #tpu.memory_space<vmem_shared>>) dst(%dma_wait3A_164 : memref<128x144xf32, #tpu.memory_space<hbm>>)
      tpu.yield
    }) : () -> ()
    %add3A_157 = arith.constant 512 : i32
    %add3A_158 = arith.addi %mul3A_8, %add3A_157 : i32
    "tpu.region"() ({
      %run_scoped3A = tpu.sem_alloc : memref<!tpu.dma_semaphore, #tpu.memory_space<semaphore_mem>>
      %dma_start3A = arith.constant 0 : i32
      %dma_start3A_159 = tpu.memref_slice %arg8[%arg0, %add3A_158, %dma_start3A] : memref<2x10240x144xf32, #tpu.memory_space<hbm>> -> memref<1x128x144xf32, #tpu.memory_space<hbm>>
      %dma_start3A_160 = tpu.memref_squeeze %dma_start3A_159 : memref<1x128x144xf32, #tpu.memory_space<hbm>> -> memref<128x144xf32, #tpu.memory_space<hbm>>
      %dma_start3A_161 = arith.constant 0 : i32
      %dma_start3A_162 = tpu.memref_slice %arg9[%add3A_158, %dma_start3A_161] : memref<10240x144xf32, #tpu.memory_space<vmem_shared>> -> memref<128x144xf32, #tpu.memory_space<vmem_shared>>
      tpu.enqueue_dma source(%dma_start3A_162 : memref<128x144xf32, #tpu.memory_space<vmem_shared>>) target(%dma_start3A_160 : memref<128x144xf32, #tpu.memory_space<hbm>>) target_semaphore(%run_scoped3A : memref<!tpu.dma_semaphore, #tpu.memory_space<semaphore_mem>>)
      %dma_wait3A = arith.constant 0 : i32
      %dma_wait3A_163 = tpu.memref_slice %arg8[%arg0, %add3A_158, %dma_wait3A] : memref<2x10240x144xf32, #tpu.memory_space<hbm>> -> memref<1x128x144xf32, #tpu.memory_space<hbm>>
      %dma_wait3A_164 = tpu.memref_squeeze %dma_wait3A_163 : memref<1x128x144xf32, #tpu.memory_space<hbm>> -> memref<128x144xf32, #tpu.memory_space<hbm>>
      %dma_wait3A_165 = arith.constant 0 : i32
      %dma_wait3A_166 = tpu.memref_slice %arg9[%add3A_158, %dma_wait3A_165] : memref<10240x144xf32, #tpu.memory_space<vmem_shared>> -> memref<128x144xf32, #tpu.memory_space<vmem_shared>>
      tpu.wait_dma2 semaphore(%run_scoped3A : memref<!tpu.dma_semaphore, #tpu.memory_space<semaphore_mem>>) src(%dma_wait3A_166 : memref<128x144xf32, #tpu.memory_space<vmem_shared>>) dst(%dma_wait3A_164 : memref<128x144xf32, #tpu.memory_space<hbm>>)
      tpu.yield
    }) : () -> ()
    return
  }
}

module attributes {stable_mosaic.version = 14 : i64} {
  func.func @_lambda_(%arg0: i32, %arg1: memref<4000x16xf32, #tpu.memory_space<vmem>>, %arg2: memref<16x128xf32, #tpu.memory_space<vmem>>, %arg3: memref<4000x128xf32, #tpu.memory_space<vmem>>) attributes {dimension_semantics = [#tpu.dimension_semantics<arbitrary>], iteration_bounds = array<i64: 80>, scalar_prefetch = 0 : i64, scratch_operands = 0 : i64, tpu.core_type = #tpu.core_type<tc>, window_params = [{transform_indices = @transform_0, window_bounds = array<i64: 4000, 16>}, {pipeline_mode = #tpu.pipeline_mode<synchronous>, transform_indices = @transform_1, window_bounds = array<i64: 16, 128>}, {transform_indices = @transform_2, window_bounds = array<i64: 4000, 128>}]} {
    %get3A = arith.constant 0 : index
    %get3A_0 = arith.constant 0 : index
    %get3A_1 = vector.load %arg1[%get3A, %get3A_0] : memref<4000x16xf32, #tpu.memory_space<vmem>>, vector<4000x16xf32>
    %get3A_2 = arith.constant 0 : index
    %get3A_3 = arith.constant 0 : index
    %get3A_4 = vector.load %arg2[%get3A_2, %get3A_3] : memref<16x128xf32, #tpu.memory_space<vmem>>, vector<16x128xf32>
    %dot_general3A = arith.constant dense<0.000000e+00> : vector<4000x128xf32>
    %dot_general3A_5 = tpu.matmul %get3A_1, %get3A_4, %dot_general3A {dimension_numbers = #tpu.dot_dimension_numbers<[1], [0], [0], [1], [0, 0, 1, 1], [], []>, transpose_lhs_hint = false} : vector<4000x16xf32>, vector<16x128xf32>, vector<4000x128xf32> -> vector<4000x128xf32>
    %swap3A = arith.constant 0 : index
    %swap3A_6 = arith.constant 0 : index
    %swap3A_7 = vector.load %arg3[%swap3A, %swap3A_6] : memref<4000x128xf32, #tpu.memory_space<vmem>>, vector<4000x128xf32>
    tpu.vector_store %arg3[%swap3A, %swap3A_6], %dot_general3A_5 {strides = array<i32>} : memref<4000x128xf32, #tpu.memory_space<vmem>>, vector<4000x128xf32>,
    return
  }
  func.func @transform_0(%arg0: i32) -> (i32, i32) {
    %c0_i32 = arith.constant 0 : i32
    %c0_i32_0 = arith.constant 0 : i32
    return %arg0, %c0_i32 : i32, i32
  }
  func.func @transform_1(%arg0: i32) -> (i32, i32) {
    %c0_i32 = arith.constant 0 : i32
    %c0_i32_0 = arith.constant 0 : i32
    %c0_i32_1 = arith.constant 0 : i32
    return %c0_i32, %c0_i32_0 : i32, i32
  }
  func.func @transform_2(%arg0: i32) -> (i32, i32) {
    %c0_i32 = arith.constant 0 : i32
    %c0_i32_0 = arith.constant 0 : i32
    return %arg0, %c0_i32 : i32, i32
  }
}

module attributes {stable_mosaic.version = 14 : i64} {
  func.func @_lambda_(%arg0: i32, %arg1: memref<1000x128xf32, #tpu.memory_space<vmem>>, %arg2: memref<128x128xf32, #tpu.memory_space<vmem>>, %arg3: memref<1x128xf32, #tpu.memory_space<vmem>>, %arg4: memref<128x128xf32, #tpu.memory_space<vmem>>, %arg5: memref<1x128xf32, #tpu.memory_space<vmem>>, %arg6: memref<1000x128xf32, #tpu.memory_space<vmem>>, %arg7: memref<1000x128xf32, #tpu.memory_space<vmem>>) attributes {dimension_semantics = [#tpu.dimension_semantics<arbitrary>], iteration_bounds = array<i64: 10>, scalar_prefetch = 0 : i64, scratch_operands = 0 : i64, tpu.core_type = #tpu.core_type<tc>, window_params = [{transform_indices = @transform_0, window_bounds = array<i64: 1000, 128>}, {pipeline_mode = #tpu.pipeline_mode<synchronous>, transform_indices = @transform_1, window_bounds = array<i64: 128, 128>}, {pipeline_mode = #tpu.pipeline_mode<synchronous>, transform_indices = @transform_2, window_bounds = array<i64: 1, 128>}, {pipeline_mode = #tpu.pipeline_mode<synchronous>, transform_indices = @transform_3, window_bounds = array<i64: 128, 128>}, {pipeline_mode = #tpu.pipeline_mode<synchronous>, transform_indices = @transform_4, window_bounds = array<i64: 1, 128>}, {transform_indices = @transform_5, window_bounds = array<i64: 1000, 128>}, {transform_indices = @transform_6, window_bounds = array<i64: 1000, 128>}]} {
    %get3A = arith.constant 0 : index
    %get3A_0 = arith.constant 0 : index
    %get3A_1 = vector.load %arg1[%get3A, %get3A_0] : memref<1000x128xf32, #tpu.memory_space<vmem>>, vector<1000x128xf32>
    %get3A_2 = arith.constant 0 : index
    %get3A_3 = arith.constant 0 : index
    %get3A_4 = vector.load %arg2[%get3A_2, %get3A_3] : memref<128x128xf32, #tpu.memory_space<vmem>>, vector<128x128xf32>
    %dot_general3A = arith.constant dense<0.000000e+00> : vector<1000x128xf32>
    %dot_general3A_5 = tpu.matmul %get3A_1, %get3A_4, %dot_general3A {dimension_numbers = #tpu.dot_dimension_numbers<[1], [0], [0], [1], [0, 0, 1, 1], [], []>, transpose_lhs_hint = false} : vector<1000x128xf32>, vector<128x128xf32>, vector<1000x128xf32> -> vector<1000x128xf32>
    %get3A_6 = arith.constant 0 : index
    %get3A_7 = arith.constant 0 : index
    %get3A_8 = vector.load %arg3[%get3A_6, %get3A_7] : memref<1x128xf32, #tpu.memory_space<vmem>>, vector<1x128xf32>
    %add3A = vector.broadcast %get3A_8 : vector<1x128xf32> to vector<1000x128xf32>
    %add3A_9 = arith.addf %dot_general3A_5, %add3A : vector<1000x128xf32>
    %swap3A = arith.constant 0 : index
    %swap3A_10 = arith.constant 0 : index
    %swap3A_11 = vector.load %arg6[%swap3A, %swap3A_10] : memref<1000x128xf32, #tpu.memory_space<vmem>>, vector<1000x128xf32>
    tpu.vector_store %arg6[%swap3A, %swap3A_10], %add3A_9 {strides = array<i32>} : memref<1000x128xf32, #tpu.memory_space<vmem>>, vector<1000x128xf32>,
    %get3A_12 = arith.constant 0 : index
    %get3A_13 = arith.constant 0 : index
    %get3A_14 = vector.load %arg1[%get3A_12, %get3A_13] : memref<1000x128xf32, #tpu.memory_space<vmem>>, vector<1000x128xf32>
    %get3A_15 = arith.constant 0 : index
    %get3A_16 = arith.constant 0 : index
    %get3A_17 = vector.load %arg4[%get3A_15, %get3A_16] : memref<128x128xf32, #tpu.memory_space<vmem>>, vector<128x128xf32>
    %dot_general3A_18 = arith.constant dense<0.000000e+00> : vector<1000x128xf32>
    %dot_general3A_19 = tpu.matmul %get3A_14, %get3A_17, %dot_general3A_18 {dimension_numbers = #tpu.dot_dimension_numbers<[1], [0], [0], [1], [0, 0, 1, 1], [], []>, transpose_lhs_hint = false} : vector<1000x128xf32>, vector<128x128xf32>, vector<1000x128xf32> -> vector<1000x128xf32>
    %get3A_20 = arith.constant 0 : index
    %get3A_21 = arith.constant 0 : index
    %get3A_22 = vector.load %arg5[%get3A_20, %get3A_21] : memref<1x128xf32, #tpu.memory_space<vmem>>, vector<1x128xf32>
    %add3A_23 = vector.broadcast %get3A_22 : vector<1x128xf32> to vector<1000x128xf32>
    %add3A_24 = arith.addf %dot_general3A_19, %add3A_23 : vector<1000x128xf32>
    %swap3A_25 = arith.constant 0 : index
    %swap3A_26 = arith.constant 0 : index
    %swap3A_27 = vector.load %arg7[%swap3A_25, %swap3A_26] : memref<1000x128xf32, #tpu.memory_space<vmem>>, vector<1000x128xf32>
    tpu.vector_store %arg7[%swap3A_25, %swap3A_26], %add3A_24 {strides = array<i32>} : memref<1000x128xf32, #tpu.memory_space<vmem>>, vector<1000x128xf32>,
    return
  }
  func.func @transform_0(%arg0: i32) -> (i32, i32) {
    %c0_i32 = arith.constant 0 : i32
    %c0_i32_0 = arith.constant 0 : i32
    return %arg0, %c0_i32 : i32, i32
  }
  func.func @transform_1(%arg0: i32) -> (i32, i32) {
    %c0_i32 = arith.constant 0 : i32
    %c0_i32_0 = arith.constant 0 : i32
    %c0_i32_1 = arith.constant 0 : i32
    return %c0_i32, %c0_i32_0 : i32, i32
  }
  func.func @transform_2(%arg0: i32) -> (i32, i32) {
    %c0_i32 = arith.constant 0 : i32
    %c0_i32_0 = arith.constant 0 : i32
    %c0_i32_1 = arith.constant 0 : i32
    return %c0_i32, %c0_i32_0 : i32, i32
  }
  func.func @transform_3(%arg0: i32) -> (i32, i32) {
    %c0_i32 = arith.constant 0 : i32
    %c0_i32_0 = arith.constant 0 : i32
    %c0_i32_1 = arith.constant 0 : i32
    return %c0_i32, %c0_i32_0 : i32, i32
  }
  func.func @transform_4(%arg0: i32) -> (i32, i32) {
    %c0_i32 = arith.constant 0 : i32
    %c0_i32_0 = arith.constant 0 : i32
    %c0_i32_1 = arith.constant 0 : i32
    return %c0_i32, %c0_i32_0 : i32, i32
  }
  func.func @transform_5(%arg0: i32) -> (i32, i32) {
    %c0_i32 = arith.constant 0 : i32
    %c0_i32_0 = arith.constant 0 : i32
    return %arg0, %c0_i32 : i32, i32
  }
  func.func @transform_6(%arg0: i32) -> (i32, i32) {
    %c0_i32 = arith.constant 0 : i32
    %c0_i32_0 = arith.constant 0 : i32
    return %arg0, %c0_i32 : i32, i32
  }
}

module attributes {stable_mosaic.version = 14 : i64} {
  func.func @body(%arg0: i32, %arg1: memref<1x1000x144xf32, #tpu.memory_space<vmem>>, %arg2: memref<1x1000x144xf32, #tpu.memory_space<vmem>>, %arg3: memref<1000x128xf32, #tpu.memory_space<vmem>>, %arg4: memref<128x128xf32, #tpu.memory_space<vmem>>, %arg5: memref<1x128xf32, #tpu.memory_space<vmem>>, %arg6: memref<1x128xf32, #tpu.memory_space<vmem>>, %arg7: memref<1x128xf32, #tpu.memory_space<vmem>>, %arg8: memref<1x128xf32, #tpu.memory_space<vmem>>, %arg9: memref<1000x128xf32, #tpu.memory_space<vmem>>) attributes {dimension_semantics = [#tpu.dimension_semantics<arbitrary>], iteration_bounds = array<i64: 10>, scalar_prefetch = 0 : i64, scratch_operands = 0 : i64, tpu.core_type = #tpu.core_type<tc>, window_params = [{transform_indices = @transform_0, window_bounds = array<i64: 1, 1000, 144>}, {transform_indices = @transform_1, window_bounds = array<i64: 1, 1000, 144>}, {transform_indices = @transform_2, window_bounds = array<i64: 1000, 128>}, {pipeline_mode = #tpu.pipeline_mode<synchronous>, transform_indices = @transform_3, window_bounds = array<i64: 128, 128>}, {pipeline_mode = #tpu.pipeline_mode<synchronous>, transform_indices = @transform_4, window_bounds = array<i64: 1, 128>}, {pipeline_mode = #tpu.pipeline_mode<synchronous>, transform_indices = @transform_5, window_bounds = array<i64: 1, 128>}, {pipeline_mode = #tpu.pipeline_mode<synchronous>, transform_indices = @transform_6, window_bounds = array<i64: 1, 128>}, {pipeline_mode = #tpu.pipeline_mode<synchronous>, transform_indices = @transform_7, window_bounds = array<i64: 1, 128>}, {transform_indices = @transform_8, window_bounds = array<i64: 1000, 128>}]} {
    %get3A = arith.constant 0 : index
    %get3A_0 = arith.constant 0 : index
    %get3A_1 = arith.constant 0 : index
    %get3A_2 = vector.load %arg1[%get3A, %get3A_0, %get3A_1] : memref<1x1000x144xf32, #tpu.memory_space<vmem>>, vector<1x1000x144xf32>
    %get3A_3 = vector.shape_cast %get3A_2 : vector<1x1000x144xf32> to vector<1000x144xf32>
    %get3A_4 = arith.constant 0 : index
    %get3A_5 = arith.constant 0 : index
    %get3A_6 = arith.constant 0 : index
    %get3A_7 = vector.load %arg2[%get3A_4, %get3A_5, %get3A_6] : memref<1x1000x144xf32, #tpu.memory_space<vmem>>, vector<1x1000x144xf32>
    %get3A_8 = vector.shape_cast %get3A_7 : vector<1x1000x144xf32> to vector<1000x144xf32>
    %add3A = arith.addf %get3A_3, %get3A_8 : vector<1000x144xf32>
    %slice3A = vector.extract_strided_slice %add3A {offsets = [0, 0], sizes = [1000, 128], strides = [1, 1]} : vector<1000x144xf32> to vector<1000x128xf32>
    %slice3A_9 = vector.extract_strided_slice %add3A {offsets = [0, 128], sizes = [1000, 16], strides = [1, 1]} : vector<1000x144xf32> to vector<1000x16xf32>
    %iota3A = tpu.iota {dimensions = array<i32: 0>} : vector<16x128xi32>
    %iota3A_10 = tpu.iota {dimensions = array<i32: 1>} : vector<16x128xi32>
    %jit3A = arith.constant 16 : i32
    %div3A = vector.broadcast %jit3A : i32 to vector<16x128xi32>
    %div3A_11 = arith.divsi %iota3A_10, %div3A : vector<16x128xi32>
    %sign3A = arith.constant 0 : i32
    %sign3A_12 = vector.broadcast %sign3A : i32 to vector<16x128xi32>
    %sign3A_13 = arith.cmpi sgt, %iota3A_10, %sign3A_12 : vector<16x128xi32>
    %sign3A_14 = arith.extui %sign3A_13 : vector<16x128xi1> to vector<16x128xi32>
    %sign3A_15 = arith.constant 0 : i32
    %sign3A_16 = vector.broadcast %sign3A_15 : i32 to vector<16x128xi32>
    %sign3A_17 = arith.cmpi slt, %iota3A_10, %sign3A_16 : vector<16x128xi32>
    %sign3A_18 = arith.extui %sign3A_17 : vector<16x128xi1> to vector<16x128xi32>
    %sign3A_19 = arith.subi %sign3A_14, %sign3A_18 : vector<16x128xi32>
    %sign3A_20 = arith.constant 0 : i32
    %sign3A_21 = arith.cmpi sgt, %jit3A, %sign3A_20 : i32
    %sign3A_22 = arith.extui %sign3A_21 : i1 to i32
    %sign3A_23 = arith.constant 0 : i32
    %sign3A_24 = arith.cmpi slt, %jit3A, %sign3A_23 : i32
    %sign3A_25 = arith.extui %sign3A_24 : i1 to i32
    %sign3A_26 = arith.subi %sign3A_22, %sign3A_25 : i32
    %ne3A = vector.broadcast %sign3A_26 : i32 to vector<16x128xi32>
    %ne3A_27 = arith.cmpi ne, %sign3A_19, %ne3A : vector<16x128xi32>
    %rem3A = vector.broadcast %jit3A : i32 to vector<16x128xi32>
    %rem3A_28 = arith.remsi %iota3A_10, %rem3A : vector<16x128xi32>
    %ne3A_29 = arith.constant 0 : i32
    %ne3A_30 = vector.broadcast %ne3A_29 : i32 to vector<16x128xi32>
    %ne3A_31 = arith.cmpi ne, %rem3A_28, %ne3A_30 : vector<16x128xi32>
    %and3A = arith.andi %ne3A_27, %ne3A_31 : vector<16x128xi1>
    %sub3A = arith.constant 1 : i32
    %sub3A_32 = vector.broadcast %sub3A : i32 to vector<16x128xi32>
    %sub3A_33 = arith.subi %div3A_11, %sub3A_32 : vector<16x128xi32>
    %select_n3A = arith.select %and3A, %sub3A_33, %div3A_11 : vector<16x128xi1>, vector<16x128xi32>
    %eq3A = arith.cmpi eq, %select_n3A, %iota3A : vector<16x128xi32>
    %convert_element_type3A = arith.extui %eq3A : vector<16x128xi1> to vector<16x128xi32>
    %convert_element_type3A_34 = arith.sitofp %convert_element_type3A : vector<16x128xi32> to vector<16x128xf32>
    %dot_general3A = arith.constant dense<0.000000e+00> : vector<1000x128xf32>
    %dot_general3A_35 = tpu.matmul %slice3A_9, %convert_element_type3A_34, %dot_general3A {dimension_numbers = #tpu.dot_dimension_numbers<[1], [0], [0], [1], [0, 0, 1, 1], [], []>, transpose_lhs_hint = false} : vector<1000x16xf32>, vector<16x128xf32>, vector<1000x128xf32> -> vector<1000x128xf32>
    %add3A_36 = arith.constant 1.000000e-16 : f32
    %add3A_37 = vector.broadcast %add3A_36 : f32 to vector<1000x128xf32>
    %add3A_38 = arith.addf %dot_general3A_35, %add3A_37 : vector<1000x128xf32>
    %div3A_39 = arith.divf %slice3A, %add3A_38 : vector<1000x128xf32>
    %get3A_40 = arith.constant 0 : index
    %get3A_41 = arith.constant 0 : index
    %get3A_42 = vector.load %arg6[%get3A_40, %get3A_41] : memref<1x128xf32, #tpu.memory_space<vmem>>, vector<1x128xf32>
    %add3A_43 = vector.broadcast %get3A_42 : vector<1x128xf32> to vector<1000x128xf32>
    %add3A_44 = arith.addf %div3A_39, %add3A_43 : vector<1000x128xf32>
    %get3A_45 = arith.constant 0 : index
    %get3A_46 = arith.constant 0 : index
    %get3A_47 = vector.load %arg5[%get3A_45, %get3A_46] : memref<1x128xf32, #tpu.memory_space<vmem>>, vector<1x128xf32>
    %add3A_48 = vector.broadcast %get3A_47 : vector<1x128xf32> to vector<1000x128xf32>
    %add3A_49 = arith.addf %add3A_44, %add3A_48 : vector<1000x128xf32>
    %get3A_50 = arith.constant 0 : index
    %get3A_51 = arith.constant 0 : index
    %get3A_52 = vector.load %arg3[%get3A_50, %get3A_51] : memref<1000x128xf32, #tpu.memory_space<vmem>>, vector<1000x128xf32>
    %get3A_53 = arith.constant 0 : index
    %get3A_54 = arith.constant 0 : index
    %get3A_55 = vector.load %arg4[%get3A_53, %get3A_54] : memref<128x128xf32, #tpu.memory_space<vmem>>, vector<128x128xf32>
    %dot_general3A_56 = arith.constant dense<0.000000e+00> : vector<1000x128xf32>
    %dot_general3A_57 = tpu.matmul %get3A_52, %get3A_55, %dot_general3A_56 {dimension_numbers = #tpu.dot_dimension_numbers<[1], [0], [0], [1], [0, 0, 1, 1], [], []>, transpose_lhs_hint = false} : vector<1000x128xf32>, vector<128x128xf32>, vector<1000x128xf32> -> vector<1000x128xf32>
    %add3A_58 = arith.addf %add3A_49, %dot_general3A_57 : vector<1000x128xf32>
    %reduce_sum3A = arith.constant dense<0.000000e+00> : vector<1000xf32>
    %reduce_sum3A_59 = vector.multi_reduction <add>, %add3A_58, %reduce_sum3A [1] : vector<1000x128xf32> to vector<1000xf32>
    %broadcast_in_dim3A = vector.shape_cast %reduce_sum3A_59 : vector<1000xf32> to vector<1000x1xf32>
    %div3A_60 = arith.constant 1.280000e+02 : f32
    %div3A_61 = vector.broadcast %div3A_60 : f32 to vector<1000x1xf32>
    %div3A_62 = arith.divf %broadcast_in_dim3A, %div3A_61 : vector<1000x1xf32>
    %sub3A_63 = vector.broadcast %div3A_62 : vector<1000x1xf32> to vector<1000x128xf32>
    %sub3A_64 = arith.subf %add3A_58, %sub3A_63 : vector<1000x128xf32>
    %mul3A = arith.mulf %sub3A_64, %sub3A_64 : vector<1000x128xf32>
    %reduce_sum3A_65 = arith.constant dense<0.000000e+00> : vector<1000xf32>
    %reduce_sum3A_66 = vector.multi_reduction <add>, %mul3A, %reduce_sum3A_65 [1] : vector<1000x128xf32> to vector<1000xf32>
    %broadcast_in_dim3A_67 = vector.shape_cast %reduce_sum3A_66 : vector<1000xf32> to vector<1000x1xf32>
    %div3A_68 = arith.constant 1.280000e+02 : f32
    %div3A_69 = vector.broadcast %div3A_68 : f32 to vector<1000x1xf32>
    %div3A_70 = arith.divf %broadcast_in_dim3A_67, %div3A_69 : vector<1000x1xf32>
    %add3A_71 = arith.constant 9.99999974E-6 : f32
    %add3A_72 = vector.broadcast %add3A_71 : f32 to vector<1000x1xf32>
    %add3A_73 = arith.addf %div3A_70, %add3A_72 : vector<1000x1xf32>
    %rsqrt3A = math.rsqrt %add3A_73 : vector<1000x1xf32>
    %mul3A_74 = vector.broadcast %rsqrt3A : vector<1000x1xf32> to vector<1000x128xf32>
    %mul3A_75 = arith.mulf %sub3A_64, %mul3A_74 : vector<1000x128xf32>
    %get3A_76 = arith.constant 0 : index
    %get3A_77 = arith.constant 0 : index
    %get3A_78 = vector.load %arg7[%get3A_76, %get3A_77] : memref<1x128xf32, #tpu.memory_space<vmem>>, vector<1x128xf32>
    %mul3A_79 = vector.broadcast %get3A_78 : vector<1x128xf32> to vector<1000x128xf32>
    %mul3A_80 = arith.mulf %mul3A_75, %mul3A_79 : vector<1000x128xf32>
    %get3A_81 = arith.constant 0 : index
    %get3A_82 = arith.constant 0 : index
    %get3A_83 = vector.load %arg8[%get3A_81, %get3A_82] : memref<1x128xf32, #tpu.memory_space<vmem>>, vector<1x128xf32>
    %add3A_84 = vector.broadcast %get3A_83 : vector<1x128xf32> to vector<1000x128xf32>
    %add3A_85 = arith.addf %mul3A_80, %add3A_84 : vector<1000x128xf32>
    %swap3A = arith.constant 0 : index
    %swap3A_86 = arith.constant 0 : index
    %swap3A_87 = vector.load %arg9[%swap3A, %swap3A_86] : memref<1000x128xf32, #tpu.memory_space<vmem>>, vector<1000x128xf32>
    tpu.vector_store %arg9[%swap3A, %swap3A_86], %add3A_85 {strides = array<i32>} : memref<1000x128xf32, #tpu.memory_space<vmem>>, vector<1000x128xf32>,
    return
  }
  func.func @transform_0(%arg0: i32) -> (i32, i32, i32) {
    %c0_i32 = arith.constant 0 : i32
    %c0_i32_0 = arith.constant 0 : i32
    %c0_i32_1 = arith.constant 0 : i32
    return %c0_i32, %arg0, %c0_i32_0 : i32, i32, i32
  }
  func.func @transform_1(%arg0: i32) -> (i32, i32, i32) {
    %c1_i32 = arith.constant 1 : i32
    %c0_i32 = arith.constant 0 : i32
    %c0_i32_0 = arith.constant 0 : i32
    return %c1_i32, %arg0, %c0_i32 : i32, i32, i32
  }
  func.func @transform_2(%arg0: i32) -> (i32, i32) {
    %c0_i32 = arith.constant 0 : i32
    %c0_i32_0 = arith.constant 0 : i32
    return %arg0, %c0_i32 : i32, i32
  }
  func.func @transform_3(%arg0: i32) -> (i32, i32) {
    %c0_i32 = arith.constant 0 : i32
    %c0_i32_0 = arith.constant 0 : i32
    %c0_i32_1 = arith.constant 0 : i32
    return %c0_i32, %c0_i32_0 : i32, i32
  }
  func.func @transform_4(%arg0: i32) -> (i32, i32) {
    %c0_i32 = arith.constant 0 : i32
    %c0_i32_0 = arith.constant 0 : i32
    %c0_i32_1 = arith.constant 0 : i32
    return %c0_i32, %c0_i32_0 : i32, i32
  }
  func.func @transform_5(%arg0: i32) -> (i32, i32) {
    %c0_i32 = arith.constant 0 : i32
    %c0_i32_0 = arith.constant 0 : i32
    %c0_i32_1 = arith.constant 0 : i32
    return %c0_i32, %c0_i32_0 : i32, i32
  }
  func.func @transform_6(%arg0: i32) -> (i32, i32) {
    %c0_i32 = arith.constant 0 : i32
    %c0_i32_0 = arith.constant 0 : i32
    %c0_i32_1 = arith.constant 0 : i32
    return %c0_i32, %c0_i32_0 : i32, i32
  }
  func.func @transform_7(%arg0: i32) -> (i32, i32) {
    %c0_i32 = arith.constant 0 : i32
    %c0_i32_0 = arith.constant 0 : i32
    %c0_i32_1 = arith.constant 0 : i32
    return %c0_i32, %c0_i32_0 : i32, i32
  }
  func.func @transform_8(%arg0: i32) -> (i32, i32) {
    %c0_i32 = arith.constant 0 : i32
    %c0_i32_0 = arith.constant 0 : i32
    return %arg0, %c0_i32 : i32, i32
  }
}

</mosaic_0001>

<sc_bundles>
// kernel: kernel.6.cloned.1.call-start
scs
__scs_entry_jumppad:
0x0: {  	(pc) =	sbr.rel $0x88, $3  }
0x1: {  	(tag) =	ssettag $0x0;
	lr =	simm.s32 $0x1  }
0x2: {  	[smem:$0x3F93] =	sst lr;
	_ =	strace $0xD0000000  }
0x3: {  	_ = 	snop  }
0x4: {  	_ = 	snop  }
0x5: {  	_ = 	snop  }
0x6: {  	_ = 	snop  }
0x7: {  	_ = 	snop  }
__scs_overlays_trampoline_lowered:
0x8: {  	[smem:$0x3FA2] =	sst s0  }
0x9: {  	[smem:$0x3FA3] =	sst s1  }
0xa: {  	[smem:$0x3FA4] =	sst s2  }
0xb: {  	[smem:$0x3FA5] =	sst s3  }
0xc: {  	[smem:$0x3FA6] =	sst s4  }
0xd: {  	[smem:$0x3FA7] =	sst s5  }
0xe: {  	[smem:$0x3FA8] =	sst s6  }
0xf: {  	[smem:$0x3FA9] =	sst s7  }
0x10: {  	[smem:$0x3FAA] =	sst s8  }
0x11: {  	[smem:$0x3FAB] =	sst s9;
	s0 =	simm.s32 @!p0 $0x0  }
0x12: {  	s1 =	sld [smem:$0x3F91];
	s0 =	simm.s32 @p0 $0x1  }
0x13: {  	[smem:$0x3FAC] =	sst s0;
	s0 =	simm.s32 @!p1 $0x0  }
0x14: {  	s2 =	sld [smem:$0x3F90];
	s0 =	simm.s32 @p1 $0x1  }
0x15: {  	[smem:$0x3FAD] =	sst s0;
	s0 =	simm.s32 @!p2 $0x0  }
0x16: {  	s3 =	sld [smem:$0x3FDB];
	s0 =	simm.s32 @p2 $0x1  }
0x17: {  	s4 =	simm.s32 $0x1BF5;
	[smem:$0x3FAF] =	sst s0  }
0x18: {  	s0 =	sld [smem:$0x3F92];
	_ =	swait.ge [sflag:s4], $0x0  }
0x19: {  	s7 =	sld [smem:$0x3F93]  }
0x1a: {  	s8 =	sadd.s32 $0xFFFFE003, lr  }
0x1b: {  	s9 =	sadd.s32 $0xFFFFFEF7, lr;
	s5 =	simm.s32 $0xFFFFFFFF;
	p2 =	slt.u32 s8, $0xFFFFF086  }
0x1c: {  	p1 =	slt.u32 s9, $0xF7A;
	s5 =	simm.s32 @!p2 $0x0  }
0x1d: {  	s5 =	simm.s32 @p1 $0x1;
	p0 =	seq.s32 s7, s2  }
0x1e: {  	s7 =	smul.u32 @!p0 $0xF7A, s2;
	p2 =	seq.s32 @!p0 s5, $0x0  }
0x1f: {  	s9 =	smul.u32 $0xF7A, s1;
	s8 =	simm.s32 @!p0 $0x1BF5;
	p2 =	por !p2, p0  }
0x20: {  	[sflag:s8] =	ssyncset.s32 @!p0 $0xFFFFF086;
	s6 =	sadd.s32 @!p0 s3, s7;
	s7 =	simm.s32 @!p0 $0x108  }
0x21: {  	s3 =	sadd.s32 s3, s9;
	s6 =	sadd.s32 @!p0 $0x88, s6;
	s7 =	simm.s32 @p2 $0x1082  }
0x22: {  	[simem:s7], [sflag:s8] =	dma.local @!p0 [hbm:s6], $0xF7A  }
0x23: {  	s9 =	sor.u32 $0xD0000000, s2;
	s6 =	simm.s32 $0x108;
	_ =	swait.ge @!p0 [sflag:s8], $0x0  }
0x24: {  	s3 =	sadd.s32 $0x88, s3;
	s6 =	simm.s32 @!p1 $0x1082;
	[sflag:s4] =	ssyncset.s32 $0xFFFFF086  }
0x25: {  	[simem:s6], [sflag:s4] =	dma.local [hbm:s3], $0xF7A  }
0x26: {  	[smem:$0x3F93] =	sst s1;
	(tag) =	ssettag s2;
	_ =	strace s9  }
0x27: {  	s1 =	sld [smem:$0x3FA3]  }
0x28: {  	s2 =	sld [smem:$0x3FA4]  }
0x29: {  	s4 =	sld [smem:$0x3FA6]  }
0x2a: {  	p0 =	seq.s32 s5, $0x0;
	s5 =	sld [smem:$0x3FA7]  }
0x2b: {  	s6 =	sld [smem:$0x3FA8]  }
0x2c: {  	s7 =	sld [smem:$0x3FA9]  }
0x2d: {  	s3 =	simm.s32 $0x108;
	s8 =	sld [smem:$0x3FAA]  }
0x2e: {  	s3 =	simm.s32 @!p0 $0x1082;
	s9 =	sld [smem:$0x3FAB]  }
0x2f: {  	lr =	sadd.s32 s0, s3;
	s0 =	sld [smem:$0x3FA2]  }
0x30: {  	s3 =	sld [smem:$0x3FA5]  }
0x31: {  	[smem:$0x3FAE] =	sst s10  }
0x32: {  	s10 =	sld [smem:$0x3FAC];
	_ =	sdelay $0x3  }
0x33: {  	p0 =	seq.s32 s10, $0x1;
	s10 =	sld [smem:$0x3FAE];
	_ =	sdelay $0x3  }
0x34: {  	[smem:$0x3FAE] =	sst s10  }
0x35: {  	s10 =	sld [smem:$0x3FAD];
	_ =	sdelay $0x3  }
0x36: {  	p1 =	seq.s32 s10, $0x1;
	s10 =	sld [smem:$0x3FAE];
	_ =	sdelay $0x3  }
0x37: {  	[smem:$0x3FAE] =	sst s10  }
0x38: {  	s10 =	sld [smem:$0x3FAF]  }
0x39: {  	_ = 	snop;
	(pc) =	sbr.ind lr, $3  }
0x3a: {  	_ = 	snop  }
0x3b: {  	_ = 	snop  }
0x3c: {  	p2 =	seq.s32 s10, $0x1;
	s10 =	sld [smem:$0x3FAE]  }
0x3d: {  	_ =	shalt  }
0x3e: {  	_ =	shalt  }
0x3f: {  	_ =	shalt  }
0x40: {  	_ =	shalt  }
0x41: {  	_ =	shalt  }
0x42: {  	_ =	shalt  }
0x43: {  	_ =	shalt  }
0x44: {  	_ =	shalt  }
0x45: {  	_ =	shalt  }
0x46: {  	_ =	shalt  }
0x47: {  	_ =	shalt  }
0x48: {  	_ =	shalt  }
0x49: {  	_ =	shalt  }
0x4a: {  	_ =	shalt  }
0x4b: {  	_ =	shalt  }
0x4c: {  	_ =	shalt  }
0x4d: {  	_ =	shalt  }
0x4e: {  	_ =	shalt  }
0x4f: {  	_ =	shalt  }
0x50: {  	_ =	shalt  }
0x51: {  	_ =	shalt  }
0x52: {  	_ =	shalt  }
0x53: {  	_ =	shalt  }
0x54: {  	_ =	shalt  }
0x55: {  	_ =	shalt  }
0x56: {  	_ =	shalt  }
0x57: {  	_ =	shalt  }
0x58: {  	_ =	shalt  }
0x59: {  	_ =	shalt  }
0x5a: {  	_ =	shalt  }
0x5b: {  	_ =	shalt  }
0x5c: {  	_ =	shalt  }
0x5d: {  	_ =	shalt  }
0x5e: {  	_ =	shalt  }
0x5f: {  	_ =	shalt  }
0x60: {  	_ =	shalt  }
0x61: {  	_ =	shalt  }
0x62: {  	_ =	shalt  }
0x63: {  	_ =	shalt  }
0x64: {  	_ =	shalt  }
0x65: {  	_ =	shalt  }
0x66: {  	_ =	shalt  }
0x67: {  	_ =	shalt  }
0x68: {  	_ =	shalt  }
0x69: {  	_ =	shalt  }
0x6a: {  	_ =	shalt  }
0x6b: {  	_ =	shalt  }
0x6c: {  	_ =	shalt  }
0x6d: {  	_ =	shalt  }
0x6e: {  	_ =	shalt  }
0x6f: {  	_ =	shalt  }
0x70: {  	_ =	shalt  }
0x71: {  	_ =	shalt  }
0x72: {  	_ =	shalt  }
0x73: {  	_ =	shalt  }
0x74: {  	_ =	shalt  }
0x75: {  	_ =	shalt  }
0x76: {  	_ =	shalt  }
0x77: {  	_ =	shalt  }
0x78: {  	_ =	shalt  }
0x79: {  	_ =	shalt  }
0x7a: {  	_ =	shalt  }
0x7b: {  	_ =	shalt  }
0x7c: {  	_ =	shalt  }
0x7d: {  	_ =	shalt  }
0x7e: {  	_ =	shalt  }
0x7f: {  	_ =	shalt  }
0x80: {  	_ =	shalt  }
0x81: {  	_ =	shalt  }
0x82: {  	_ =	shalt  }
0x83: {  	_ =	shalt  }
0x84: {  	_ =	shalt  }
0x85: {  	_ =	shalt  }
0x86: {  	_ =	shalt  }
0x87: {  	_ =	shalt  }
.Lfunc_end0:
.L_simem_size_0:
called_computation_lowered:
.L_overlay_start_0:
0x88: {  	s2 =	sld [smem:$0x3FD9]  }
0x89: {  	s3 =	sld [smem:$0x3FFE];
	_ =	sdelay $0x1  }
0x8a: {  	s1 =	srdreg.scid  }
0x8b: {  	s0 =	sand.u32 $0x1, s1  }
0x8c: {  	s17 =	sshll.u32 s0, $0xA;
	s2 =	sadd.s32 s3, s2  }
0x8d: {  	s2 =	sadd.s32 s2, s17  }
0x8e: {  	[smem:$0x3FBA] =	sst s2  }
0x8f: {  	_ = 	snop  }
0x90: {  	s2 =	sld [smem:$0x3FD0];
	(tm) =	ssettm $0x1  }
0x91: {  	s18 =	sld [smem:$0x3FFB];
	_ =	sdelay $0x3  }
0x92: {  	_ =	strace s18  }
0x93: {  	s3 =	sld [smem:$0x3FFC];
	_ =	sdelay $0x3  }
0x94: {  	_ =	strace s3  }
0x95: {  	s3 =	sld [smem:$0x3FFD];
	_ =	sdelay $0x3  }
0x96: {  	_ =	strace s3  }
0x97: {  	_ =	strace $0x8FFFFFFF  }
0x98: {  	s19 =	sld [smem:$0x3FDB];
	_ =	sdelay $0x1  }
0x99: {  	s4 =	simm.s32 $_scs_section_size  }
0x9a: {  	s5 =	simm.s32 $_size__tile_overlayer_lowered;
	s6 =	simm.s32 $_tile_overlayer_lowered  }
0x9b: {  	s22 =	simm.s32 $0x1BFF;
	s21 =	sshll.u32 s6, $0x1;
	s3 =	sadd.s32 s4, s19  }
0x9c: {  	s7 =	simm.s32 $0x0;
	s20 =	sshll.u32 s5, $0x1;
	s5 =	sadd.s32 s21, s3  }
0x9d: {  	[timem:s7], [sflag:s22] =	dma.local [hbm:s5], s20  }
0x9e: {  	_ =	swait.ge [sflag:s22], s20  }
0x9f: {  	s4 =	ssub.s32 $0x0, s20;
	[sflag:s22] =	ssyncset.done $0x0  }
0xa0: {  	[sflag:s22] =	ssyncadd.s32 s4;
	_ =	sdelay $0x1  }
0xa1: {  	s23 =	simm.s32 $0x1B8B  }
0xa2: {  	_ =	swait.ge [sflag:s23], $0x1  }
0xa3: {  	[sflag:s23] =	ssyncset.done $0x0  }
0xa4: {  	s25 =	simm.s32 $0x1B8E;
	s24 =	sld [smem:$0x3FFE];
	[sflag:s23] =	ssyncadd.s32 $0xFFFFFFFF  }
0xa5: {  	s26 =	simm.s32 $execute0_lowered;
	[smem:$0x3FD2] =	sst s25  }
0xa6: {  	s5 =	sshll.u32 s26, $0x1;
	_ =	strace $0x80000046;
	[dreg:$0x1] =	wrdreg $0xFFFFFFFF  }
0xa7: {  	s28 =	simm.s32 $_size_execute0_lowered;
	s3 =	sadd.s32 s3, s5;
	[dreg:$0x0] =	wrdreg $0x0  }
0xa8: {  	s5 =	sshll.u32 s28, $0x1;
	[dreg:$0x2] =	wrdreg s3  }
0xa9: {  	[dreg:$0x3] =	wrdreg s5  }
0xaa: {  	[dreg:$0x4] =	wrdreg $0xC0  }
0xab: {  	_ =	task [dreg:s7], $0x5FFFF  }
0xac: {  	[dreg:$0x1] =	wrdreg $0xFFFFFFFF  }
0xad: {  	[dreg:$0x0] =	wrdreg $0x60  }
0xae: {  	[dreg:$0x2] =	wrdreg s2  }
0xaf: {  	[dreg:$0x3] =	wrdreg s24  }
0xb0: {  	[dreg:$0x4] =	wrdreg $0x0  }
0xb1: {  	[dreg:$0x5] =	wrdreg $0x9  }
0xb2: {  	_ =	task.clear_ibuf [dreg:s7], $0x6FFFF;
	_ =	strace $0x90000046  }
0xb3: {  	s29 =	simm.s32 $0x9;
	_ =	strace $0x80000048  }
0xb4: {  	_ =	swait.ge [sflag:s29], $0x1  }
0xb5: {  	[sflag:s29] =	ssyncadd.s32 $0xFFFFFFFF  }
0xb6: {  	_ =	strace $0x90000048  }
0xb7: {  	_ =	sfence  }
0xb8: {  	s30 =	sld [smem:$0x0];
	_ =	sdelay $0x2  }
0xb9: {  	s31 =	sshll.u32 s1, $0xD;
	s1 =	sshrl.u32 s1, $0x2  }
0xba: {  	s3 =	sand.u32 $0x4000, s31;
	s1 =	sadd.s32 s1, s30  }
0xbb: {  	s0 =	sor.u32 s3, s0;
	s1 =	sshll.u32 s1, $0x11  }
0xbc: {  	s0 =	sor.u32 s1, s0  }
0xbd: {  	s0 =	sadd.s32 $0x8F2B, s0  }
0xbe: {  	[sflag:s0] =	ssyncadd.remote.s32 $0x1  }
0xbf: {  	_ =	sfence.sel $0xFFFF  }
0xc0: {  	[dreg:$0x0] =	wrdreg $0xFFFFFFFF;
	(pc) =	sbr.abs _section_cstart, $3  }
0xc1: {  	[dreg:$0x1] =	wrdreg $0xFFFFFFFF  }
0xc2: {  	_ =	task.clear_ibuf [dreg:s7], $0x2FFFF;
	_ =	strace $0x9FFFFFFF  }
0xc3: {  	(tm) =	ssettm $0x7FFFFFFF  }
tec
execute0_lowered:
.L_overlay_start_1:
0x0: {  	(tag) =	ssettag $0x1  }
0x1: {  	s1 =	rddreg [dreg:$0x0]  }
0x2: {  	s0 =	rddreg [dreg:$0x1]  }
0x3: {  	s2 =	rddreg [dreg:$0x2];
	s3 =	simm.s32 $0x0;
	s6 =	srdreg.scid  }
0x4: {  	s11 =	stileid.u32;
	[smem:$0x7FF] =	sst s3;
	s7 =	sadd.s32 $0x4EE200, s0  }
0x5: {  	s6 =	sand.u32 $0x1, s6;
	s15 =	sadd.s32 $0x4F8000, s0;
	s10 =	smul.u32 $0x5A000, s11  }
0x6: {  	s17 =	sshll.u32 s11, $0x1;
	s11 =	smul.u32 $0x16800, s11;
	s16 =	ssub.s32 $0x2, s6  }
0x7: {  	_ =	strace $0x80000047;
	[dreg:$0x4] =	wrdreg s7;
	s9 =	sshrl.u32 s16, $0x1  }
0x8: {  	[dreg:$0x5] =	wrdreg s15;
	s10 =	sshrl.u32 s10, $0x2;
	s7 =	ssub.s32 s16, s9  }
0x9: {  	s9 =	sor.u32 s6, s17;
	s17 =	sadd.s32 s11, s2;
	s10 =	sadd.s32 s10, s2  }
0xa: {  	s13 =	sadd.s32 $0x1680, s10;
	[dreg:$0x6] =	wrdreg s17  }
0xb: {  	s15 =	sadd.s32 $0x2D00, s10;
	[dreg:$0x7] =	wrdreg s13  }
0xc: {  	s28 =	simm.s32 $0x3;
	s22 =	sadd.s32 $0x4380, s10;
	[dreg:$0x8] =	wrdreg s15  }
0xd: {  	s4 =	sadd.s32 $0x2400, s0;
	s23 =	sadd.s32 $0x5A00, s10;
	[dreg:$0xe] =	wrdreg s22  }
0xe: {  	s5 =	sadd.s32 $0x4F8200, s0;
	s24 =	sadd.s32 $0x7080, s10;
	[dreg:$0xf] =	wrdreg s23  }
0xf: {  	s8 =	sadd.s32 $0x4E4400, s0;
	s25 =	sadd.s32 $0x8700, s10;
	[dreg:$0x10] =	wrdreg s24  }
0x10: {  	s0 =	sadd.s32 $0x29600, s0;
	s26 =	sadd.s32 $0x9D80, s10;
	[dreg:$0x11] =	wrdreg s25  }
0x11: {  	s6 =	smul.u32 $0x168000, s6;
	s30 =	sadd.s32 $0xB400, s10;
	[dreg:$0x12] =	wrdreg s26  }
0x12: {  	s12 =	sadd.s32 $0x4800, s11;
	s31 =	sadd.s32 $0xCA80, s10;
	[dreg:$0x13] =	wrdreg s30  }
0x13: {  	s7 =	smax.u32 s7, $0x1;
	s18 =	sadd.s32 s11, s6;
	[dreg:$0x14] =	wrdreg s31  }
0x14: {  	s14 =	sadd.s32 s6, s12;
	s15 =	sadd.s32 $0xD800, s11;
	[dreg:$0x1c] =	wrdreg s7  }
0x15: {  	s13 =	sshrl.u32 s18, $0x3;
	s14 =	sshrl.u32 s14, $0x3;
	s18 =	sadd.s32 $0x12480, s10  }
0x16: {  	s16 =	sadd.s32 s6, s15;
	s13 =	sadd.s32 s0, s13;
	[dreg:$0x18] =	wrdreg s18  }
0x17: {  	s24 =	sadd.s32 s15, s2;
	s19 =	sadd.s32 s0, s14;
	[dreg:$0x9] =	wrdreg s13  }
0x18: {  	s21 =	sshrl.u32 s16, $0x3;
	s16 =	sadd.s32 $0x10E00, s10;
	[dreg:$0xa] =	wrdreg s19  }
0x19: {  	s29 =	simm.s32 $0x2;
	s30 =	sshrl.u32 s24, $0x3;
	[dreg:$0x17] =	wrdreg s16  }
0x1a: {  	s13 =	sadd.s32 $0x9000, s11;
	s19 =	sadd.s32 $0x13B00, s10;
	[dreg:$0x1f] =	wrdreg s30  }
0x1b: {  	s11 =	sadd.s32 $0x12000, s11;
	s20 =	sadd.s32 s6, s13;
	[dreg:$0x19] =	wrdreg s19  }
0x1c: {  	s23 =	sadd.s32 s13, s2;
	s14 =	sshrl.u32 s20, $0x3;
	s20 =	sadd.s32 $0x15180, s10  }
0x1d: {  	v0 =	vimm.f32 $0.0e+00;
	vm11 =	vcmask $0xB08;
	s25 =	sadd.s32 s11, s2;
	s26 =	sshrl.u32 s23, $0x3;
	[dreg:$0x1a] =	wrdreg s20  }
0x1e: {  	vm13 =	vcmask $0x1714;
	v8 =	vsel vm11, $0x3F800000, v0;
	s22 =	sadd.s32 s12, s2;
	s31 =	sshrl.u32 s25, $0x3;
	[dreg:$0x1e] =	wrdreg s26  }
0x1f: {  	vm0 =	vcmask $0x300;
	v49 =	vsel vm13, $0x3F800000, v0;
	[tilespmem:$0x1FF80] =	vst v8;
	s6 =	sadd.s32 s6, s11;
	s14 =	sadd.s32 s0, s14;
	[smem:$0x7FD] =	sst s31  }
0x20: {  	vm1 =	vcmask $0x704;
	v6 =	vsel vm0, $0x3F800000, v0;
	[tilespmem:$0x1FF90] =	vst v49;
	s6 =	sshrl.u32 s6, $0x3;
	[dreg:$0xb] =	wrdreg s14;
	s14 =	sadd.s32 s0, s21  }
0x21: {  	vm12 =	vcmask $0xF0C;
	v7 =	vsel vm1, $0x3F800000, v0;
	[tilespmem:$0x1FFA0] =	vst v6;
	s15 =	simm.s32 $0x4;
	s0 =	sadd.s32 s0, s6;
	[dreg:$0xc] =	wrdreg s14  }
0x22: {  	vm2 =	vcmask $0x1310;
	v12 =	vsel vm12, $0x3F800000, v0;
	[tilespmem:$0x1FFB0] =	vst v7;
	s19 =	simm.s32 $0x28;
	s6 =	sadd.s32 $0xE100, s10;
	[dreg:$0xd] =	wrdreg s0  }
0x23: {  	vm14 =	vcmask $0x1B18;
	v13 =	vsel vm2, $0x3F800000, v0;
	[tilespmem:$0x1FFC0] =	vst v12;
	s21 =	smul.u32 $0x2710, s9;
	[dreg:$0x15] =	wrdreg s6;
	s14 =	sadd.s32 $0xF780, s10  }
0x24: {  	vm15 =	vcmask $0x1F1C;
	v16 =	vsel vm14, $0x3F800000, v0;
	[tilespmem:$0x1FFD0] =	vst v13;
	s23 =	simm.s32 $0x177C8;
	s26 =	simm.s32 $0x1;
	[dreg:$0x16] =	wrdreg s14  }
0x25: {  	v48 =	vsel vm15, $0x3F800000, v0;
	[tilespmem:$0x1FFE0] =	vst v16;
	s0 =	sshrl.u32 s22, $0x3;
	s22 =	simm.s32 $0x1C7F0;
	[dreg:$0x1b] =	wrdreg s21  }
0x26: {  	[tilespmem:$0x1FFF0] =	vst v48;
	s6 =	simm.s32 $0x0;
	[dreg:$0x1d] =	wrdreg s0;
	s14 =	simm.s32 $0x1DBF0  }
.LBB2_1:
0x27: {  	[smem:$0x7FC] =	sst s6;
	s0 =	simm.s32 $0x0;
	s6 =	simm.s32 $0x240  }
.LBB2_2:
0x28: {  	p0 =	sne.s32 s6, $0x57C0;
	[tilespmem:s0+$0x1DC70] =	vst v0  }
0x29: {  	[tilespmem:s0+$0x1DBF0] =	vst v0  }
0x2a: {  	[tilespmem:s0+$0x1DC00] =	vst v0  }
0x2b: {  	[tilespmem:s0+$0x1DC10] =	vst v0  }
.Ltmp0:
0x2c: {  	[tilespmem:s0+$0x1DC20] =	vst v0;
	(pc) =	sbr.rel @p0 .LBB2_2-.Ltmp0, $4  }
0x2d: {  	[tilespmem:s0+$0x1DC30] =	vst v0  }
0x2e: {  	[tilespmem:s0+$0x1DC40] =	vst v0  }
0x2f: {  	[tilespmem:s0+$0x1DC50] =	vst v0  }
0x30: {  	[tilespmem:s0+$0x1DC60] =	vst v0;
	s0 =	sshra.s32 s6, $0x2;
	s6 =	sadd.s32 $0x240, s6  }
0x31: {  	[tilespmem:s0+$0x1DC70] =	vst v0  }
0x32: {  	[tilespmem:s0+$0x1DBF0] =	vst v0  }
0x33: {  	[tilespmem:s0+$0x1DC00] =	vst v0  }
0x34: {  	[tilespmem:s0+$0x1DC10] =	vst v0  }
0x35: {  	[tilespmem:s0+$0x1DC20] =	vst v0  }
0x36: {  	[tilespmem:s0+$0x1DC30] =	vst v0  }
0x37: {  	[tilespmem:s0+$0x1DC40] =	vst v0  }
0x38: {  	[tilespmem:s0+$0x1DC50] =	vst v0  }
0x39: {  	[tilespmem:s0+$0x1DC60] =	vst v0  }
0x3a: {  	[spmem:s17] =	stream.linear.scatter [tilespmem:s14], [sflag:$0x4], $0x1680, $0x38;
	[tilespmem:$0x1F2F0] =	vst v63  }
0x3b: {  	_ =	swait.ge [sflag:s15], $0x1680  }
0x3c: {  	[sflag:s15] =	ssyncset.done $0x0  }
0x3d: {  	s6 =	rddreg [dreg:$0x7];
	[sflag:s15] =	ssyncadd.s32 $0xFFFFE980  }
0x3e: {  	[spmem:s6] =	stream.linear.scatter [tilespmem:s14], [sflag:$0x4], $0x1680, $0x38;
	[tilespmem:$0x1F2F0] =	vst v63  }
0x3f: {  	_ =	swait.ge [sflag:s15], $0x1680  }
0x40: {  	[sflag:s15] =	ssyncset.done $0x0  }
0x41: {  	s7 =	rddreg [dreg:$0x8];
	[sflag:s15] =	ssyncadd.s32 $0xFFFFE980  }
0x42: {  	[spmem:s7] =	stream.linear.scatter [tilespmem:s14], [sflag:$0x4], $0x1680, $0x38;
	[tilespmem:$0x1F2F0] =	vst v63  }
0x43: {  	_ =	swait.ge [sflag:s15], $0x1680  }
0x44: {  	[sflag:s15] =	ssyncset.done $0x0  }
0x45: {  	s9 =	rddreg [dreg:$0xe];
	[sflag:s15] =	ssyncadd.s32 $0xFFFFE980  }
0x46: {  	[spmem:s9] =	stream.linear.scatter [tilespmem:s14], [sflag:$0x4], $0x1680, $0x38;
	[tilespmem:$0x1F2F0] =	vst v63  }
0x47: {  	_ =	swait.ge [sflag:s15], $0x1680  }
0x48: {  	[sflag:s15] =	ssyncset.done $0x0  }
0x49: {  	s10 =	rddreg [dreg:$0xf];
	[sflag:s15] =	ssyncadd.s32 $0xFFFFE980  }
0x4a: {  	[spmem:s10] =	stream.linear.scatter [tilespmem:s14], [sflag:$0x4], $0x1680, $0x38;
	[tilespmem:$0x1F2F0] =	vst v63  }
0x4b: {  	_ =	swait.ge [sflag:s15], $0x1680  }
0x4c: {  	[sflag:s15] =	ssyncset.done $0x0  }
0x4d: {  	s11 =	rddreg [dreg:$0x10];
	[sflag:s15] =	ssyncadd.s32 $0xFFFFE980  }
0x4e: {  	[spmem:s11] =	stream.linear.scatter [tilespmem:s14], [sflag:$0x4], $0x1680, $0x38;
	[tilespmem:$0x1F2F0] =	vst v63  }
0x4f: {  	_ =	swait.ge [sflag:s15], $0x1680  }
0x50: {  	[sflag:s15] =	ssyncset.done $0x0  }
0x51: {  	s12 =	rddreg [dreg:$0x11];
	[sflag:s15] =	ssyncadd.s32 $0xFFFFE980  }
0x52: {  	[spmem:s12] =	stream.linear.scatter [tilespmem:s14], [sflag:$0x4], $0x1680, $0x38;
	[tilespmem:$0x1F2F0] =	vst v63  }
0x53: {  	_ =	swait.ge [sflag:s15], $0x1680  }
0x54: {  	[sflag:s15] =	ssyncset.done $0x0  }
0x55: {  	s13 =	rddreg [dreg:$0x12];
	[sflag:s15] =	ssyncadd.s32 $0xFFFFE980  }
0x56: {  	[spmem:s13] =	stream.linear.scatter [tilespmem:s14], [sflag:$0x4], $0x1680, $0x38;
	[tilespmem:$0x1F2F0] =	vst v63  }
0x57: {  	_ =	swait.ge [sflag:s15], $0x1680  }
0x58: {  	[sflag:s15] =	ssyncset.done $0x0  }
0x59: {  	s16 =	rddreg [dreg:$0x13];
	[sflag:s15] =	ssyncadd.s32 $0xFFFFE980  }
0x5a: {  	[spmem:s16] =	stream.linear.scatter [tilespmem:s14], [sflag:$0x4], $0x1680, $0x38;
	[tilespmem:$0x1F2F0] =	vst v63  }
0x5b: {  	_ =	swait.ge [sflag:s15], $0x1680  }
0x5c: {  	[sflag:s15] =	ssyncset.done $0x0  }
0x5d: {  	s17 =	rddreg [dreg:$0x14];
	[sflag:s15] =	ssyncadd.s32 $0xFFFFE980  }
0x5e: {  	[spmem:s17] =	stream.linear.scatter [tilespmem:s14], [sflag:$0x4], $0x1680, $0x38;
	[tilespmem:$0x1F2F0] =	vst v63  }
0x5f: {  	_ =	swait.ge [sflag:s15], $0x1680  }
0x60: {  	[sflag:s15] =	ssyncset.done $0x0  }
0x61: {  	s18 =	rddreg [dreg:$0x15];
	[sflag:s15] =	ssyncadd.s32 $0xFFFFE980  }
0x62: {  	[spmem:s18] =	stream.linear.scatter [tilespmem:s14], [sflag:$0x4], $0x1680, $0x38;
	[tilespmem:$0x1F2F0] =	vst v63  }
0x63: {  	_ =	swait.ge [sflag:s15], $0x1680  }
0x64: {  	[sflag:s15] =	ssyncset.done $0x0  }
0x65: {  	s20 =	rddreg [dreg:$0x16];
	[sflag:s15] =	ssyncadd.s32 $0xFFFFE980  }
0x66: {  	[spmem:s20] =	stream.linear.scatter [tilespmem:s14], [sflag:$0x4], $0x1680, $0x38;
	[tilespmem:$0x1F2F0] =	vst v63  }
0x67: {  	_ =	swait.ge [sflag:s15], $0x1680  }
0x68: {  	[sflag:s15] =	ssyncset.done $0x0  }
0x69: {  	s21 =	rddreg [dreg:$0x17];
	[sflag:s15] =	ssyncadd.s32 $0xFFFFE980  }
0x6a: {  	[spmem:s21] =	stream.linear.scatter [tilespmem:s14], [sflag:$0x4], $0x1680, $0x38;
	[tilespmem:$0x1F2F0] =	vst v63  }
0x6b: {  	_ =	swait.ge [sflag:s15], $0x1680  }
0x6c: {  	[sflag:s15] =	ssyncset.done $0x0  }
0x6d: {  	s24 =	rddreg [dreg:$0x18];
	[sflag:s15] =	ssyncadd.s32 $0xFFFFE980  }
0x6e: {  	[spmem:s24] =	stream.linear.scatter [tilespmem:s14], [sflag:$0x4], $0x1680, $0x38;
	[tilespmem:$0x1F2F0] =	vst v63  }
0x6f: {  	_ =	swait.ge [sflag:s15], $0x1680  }
0x70: {  	[sflag:s15] =	ssyncset.done $0x0  }
0x71: {  	s25 =	rddreg [dreg:$0x19];
	[sflag:s15] =	ssyncadd.s32 $0xFFFFE980  }
0x72: {  	[spmem:s25] =	stream.linear.scatter [tilespmem:s14], [sflag:$0x4], $0x1680, $0x38;
	[tilespmem:$0x1F2F0] =	vst v63  }
0x73: {  	_ =	swait.ge [sflag:s15], $0x1680  }
0x74: {  	[sflag:s15] =	ssyncset.done $0x0  }
0x75: {  	s30 =	rddreg [dreg:$0x1a];
	[sflag:s15] =	ssyncadd.s32 $0xFFFFE980  }
0x76: {  	[spmem:s30] =	stream.linear.scatter [tilespmem:s14], [sflag:$0x4], $0x1680, $0x38;
	[tilespmem:$0x1F2F0] =	vst v63  }
0x77: {  	_ =	swait.ge [sflag:s15], $0x1680  }
0x78: {  	s6 =	simm.s32 $0x1F270;
	[sflag:s15] =	ssyncset.done $0x0  }
0x79: {  	s7 =	simm.s32 $0x0;
	s31 =	rddreg [dreg:$0x5];
	[sflag:s15] =	ssyncadd.s32 $0xFFFFE980  }
0x7a: {  	[tilespmem:s6], [sflag:$0x4] =	stream.linear.gather [hbm4b:s31+s7], $0x80, $0x38;
	[tilespmem:$0x1F2F0] =	vst v63  }
0x7b: {  	_ =	swait.ge [sflag:s15], $0x80  }
0x7c: {  	[sflag:s15] =	ssyncset.done $0x0  }
0x7d: {  	[sflag:s15] =	ssyncadd.s32 $0xFFFFFF80  }
0x7e: {  	[bflag:$0x0] =	sbarrier.arrive $0xFFFF  }
0x7f: {  	v4 =	vld [tilespmem:$0x1F2A0]  }
0x80: {  	v9 =	vld [tilespmem:$0x1F2E0]  }
0x81: {  	v1 =	vld [tilespmem:$0x1F2C0]  }
0x82: {  	v2 =	vld [tilespmem:$0x1F280]  }
0x83: {  	v5 =	vld [tilespmem:$0x1F270]  }
0x84: {  	v10 =	vld [tilespmem:$0x1F2B0];
	[tilespmem:$0x1FF00] =	vst v4  }
0x85: {  	v3 =	vld [tilespmem:$0x1F290];
	[tilespmem:$0x1FF10] =	vst v9  }
0x86: {  	v11 =	vld [tilespmem:$0x1F2D0];
	[tilespmem:$0x1FF20] =	vst v1  }
0x87: {  	[tilespmem:$0x1FF30] =	vst v2  }
0x88: {  	[tilespmem:$0x1FF40] =	vst v5  }
0x89: {  	[tilespmem:$0x1FF50] =	vst v10  }
0x8a: {  	[tilespmem:$0x1FF60] =	vst v3  }
0x8b: {  	s0 =	simm.s32 $0x0;
	[tilespmem:$0x1FF70] =	vst v11  }
.LBB2_4:
0x8c: {  	s20 =	smul.u32 $0x7D0, s0  }
0x8d: {  	s6 =	rddreg [dreg:$0x1b]  }
0x8e: {  	[smem:$0x7FB] =	sst s0;
	s9 =	sadd.s32 s6, s20  }
0x8f: {  	s21 =	rddreg [dreg:$0x4];
	s0 =	sshrl.u32 s9, $0x3  }
0x90: {  	s7 =	simm.s32 $0x16800;
	s11 =	simm.s32 $0x0;
	s6 =	sadd.s32 s21, s0  }
0x91: {  	[tilespmem:s7], [sflag:$0x4] =	stream.linear.gather [hbm4b:s6+s11], $0x7D0, $0x38;
	[tilespmem:$0x1F2F0] =	vst v63  }
0x92: {  	_ =	swait.ge [sflag:s15], $0x7D0  }
0x93: {  	[sflag:s15] =	ssyncset.done $0x0  }
0x94: {  	s24 =	simm.s32 $0x16FD0;
	s0 =	sadd.s32 s8, s0;
	[sflag:s15] =	ssyncadd.s32 $0xFFFFF830  }
0x95: {  	[tilespmem:s24], [sflag:$0x4] =	stream.linear.gather [hbm4b:s0+s11], $0x7D0, $0x38;
	[tilespmem:$0x1F2F0] =	vst v63  }
0x96: {  	_ =	swait.ge [sflag:s15], $0x7D0  }
0x97: {  	[sflag:s15] =	ssyncset.done $0x0  }
0x98: {  	s10 =	simm.s32 $0x177A0;
	[sflag:s15] =	ssyncadd.s32 $0xFFFFF830  }
0x99: {  	[tilespmem:s10], [sflag:$0x3] =	stream.linear.gather [hbm4b:s0+s11], $0x28, $0x38;
	[tilespmem:$0x1F2F0] =	vst v63  }
0x9a: {  	s25 =	simm.s32 $0x177F0  }
0x9b: {  	[tilespmem:s25], [sflag:$0x1] =	stream.indirect.gather [hbm4b:s1+s19], $0x80, s7, s19, $0xb8;
	[tilespmem:$0x1F2F0] =	vst v63  }
0x9c: {  	s30 =	simm.s32 $0x19FF0;
	s31 =	sshll.u32 s9, $0x4  }
0x9d: {  	[tilespmem:s30], [sflag:$0x1] =	stream.indirect.gather [hbm4b:s4+s19], $0x80, s24, s19, $0xb8;
	[tilespmem:$0x1F2F0] =	vst v63  }
0x9e: {  	s0 =	sadd.s32 s5, s31  }
0x9f: {  	[tilespmem:s22], [sflag:$0x2] =	stream.linear.gather [hbm4b:s0+s11], $0x1400, $0x38;
	[tilespmem:$0x1F2F0] =	vst v63  }
0xa0: {  	s11 =	simm.s32 $0x0  }
.LBB2_5:
0xa1: {  	s0 =	smul.u32 $0x50, s11;
	_ =	sdelay $0x1  }
0xa2: {  	s6 =	sadd.s32 s9, s0  }
0xa3: {  	s12 =	sadd.s32 $0x28, s6  }
0xa4: {  	s6 =	sshrl.u32 s12, $0x3  }
0xa5: {  	s6 =	sadd.s32 s8, s6  }
0xa6: {  	[tilespmem:s23], [sflag:$0x3] =	stream.linear.gather [hbm4b:s6+s3], $0x28, $0x38;
	[tilespmem:$0x1F2F0] =	vst v63  }
0xa7: {  	s7 =	simm.s32 $0x18BF0;
	s21 =	sadd.s32 $0x16828, s0  }
0xa8: {  	[tilespmem:s7], [sflag:$0x1] =	stream.indirect.gather [hbm4b:s1+s19], $0x80, s21, s19, $0xb8;
	[tilespmem:$0x1F2F0] =	vst v63  }
0xa9: {  	s24 =	simm.s32 $0x1B3F0;
	s0 =	sadd.s32 $0x16FF8, s0  }
0xaa: {  	[tilespmem:s24], [sflag:$0x1] =	stream.indirect.gather [hbm4b:s4+s19], $0x80, s0, s19, $0xb8;
	[tilespmem:$0x1F2F0] =	vst v63  }
0xab: {  	_ =	swait.ge [sflag:s26], $0x1400  }
0xac: {  	[sflag:s26] =	ssyncset.done $0x0  }
0xad: {  	[sflag:s26] =	ssyncadd.s32 $0xFFFFEC00  }
0xae: {  	_ =	swait.ge [sflag:s26], $0x1400  }
0xaf: {  	[sflag:s26] =	ssyncset.done $0x0  }
0xb0: {  	[sflag:s26] =	ssyncadd.s32 $0xFFFFEC00  }
0xb1: {  	_ =	swait.ge [sflag:s28], $0x28  }
0xb2: {  	[sflag:s28] =	ssyncset.done $0x0  }
0xb3: {  	[sflag:s28] =	ssyncadd.s32 $0xFFFFFFD8  }
0xb4: {  	_ =	swait.ge [sflag:s29], $0x1400  }
0xb5: {  	[sflag:s29] =	ssyncset.done $0x0  }
0xb6: {  	s24 =	simm.s32 $0x17930;
	[sflag:s29] =	ssyncadd.s32 $0xFFFFEC00  }
0xb7: {  	s17 =	simm.s32 $0x1A130;
	v0 =	vld [tilespmem:s24+$0xC0]  }
0xb8: {  	v17 =	vld [tilespmem:s17+$0xC0]  }
0xb9: {  	s25 =	simm.s32 $0x1C930  }
0xba: {  	v18 =	vld [tilespmem:s25+$0xC0];
	_ =	sdelay $0x2  }
0xbb: {  	v17 =	vadd.f32 v17, v0;
	_ =	sdelay $0x1  }
0xbc: {  	v17 =	vadd.f32 v18, v17;
	_ =	sdelay $0x1  }
0xbd: {  	v18 =	vmul.f32 $2.000000030e-01, v17;
	_ =	sdelay $0x1  }
0xbe: {  	v17 =	vmax.f32 v17, v18  }
0xbf: {  	v17 =	vmul.f32 v17, v5;
	_ =	sdelay $0x1  }
0xc0: {  	(xrf2) =	vadd.scan.msk.f32 $0xffff, v17;
	_ =	sdelay $0x8  }
0xc1: {  	v18 =	vld [tilespmem:s24+$0xFFFFFEC0]  }
0xc2: {  	v17 =	vld [tilespmem:s17+$0xFFFFFEC0];
	v20, _, _ =	vpop (xrf2)  }
0xc3: {  	v20 =	vmul.f32 $1.442695020e+00, v20  }
0xc4: {  	v19 =	vld [tilespmem:s25+$0xFFFFFEC0]  }
0xc5: {  	v20 =	vbroadcast v20, $0xF;
	_ =	sdelay $0x1  }
0xc6: {  	v17 =	vadd.f32 v17, v18;
	(erf) = vpow2.f32 v20;
	_ =	sdelay $0x1  }
0xc7: {  	v17 =	vadd.f32 v19, v17  }
0xc8: {  	v21 =	vld [tilespmem:s17+$0xFFFFFF40]  }
0xc9: {  	v22 =	vld [tilespmem:s24+$0xFFFFFFC0];
	v20 =	vmul.f32 $2.000000030e-01, v17  }
0xca: {  	v19 =	vld [tilespmem:s24+$0xFFFFFF40]  }
0xcb: {  	v23 =	vld [tilespmem:s25+$0xFFFFFF40];
	v17 =	vmax.f32 v17, v20  }
0xcc: {  	v20 =	vld [tilespmem:s17+$0xFFFFFFC0];
	v17 =	vmul.f32 v17, v5;
	_ =	sdelay $0x1  }
0xcd: {  	(xrf2) =	vadd.scan.msk.f32 $0xffff, v17;
	v17 =	vld [tilespmem:s25+$0xFFFFFFC0];
	v15 =	vpop (erf)  }
0xce: {  	v24 =	vld [tilespmem:s24+$0x40];
	v25 =	vadd.f32 v21, v19;
	[tilespmem:$0x1FE50] =	vst v15  }
0xcf: {  	v26 =	vld [tilespmem:s17+$0x40]  }
0xd0: {  	v23 =	vadd.f32 v23, v25;
	v20 =	vadd.f32 v20, v22;
	v0 =	vmul.f32 v15, v0  }
0xd1: {  	s13 =	simm.s32 $0x1DD50  }
0xd2: {  	v25 =	vld [tilespmem:s25+$0x40];
	[tilespmem:s13+$0xE0] =	vst v0;
	v0 =	vadd.f32 v17, v20;
	v17 =	vmul.f32 $2.000000030e-01, v23  }
0xd3: {  	v28 =	vld [tilespmem:s24+$0xD0]  }
0xd4: {  	v20 =	vld [tilespmem:s17+$0xD0];
	v27 =	vmul.f32 $2.000000030e-01, v0;
	v17 =	vmax.f32 v23, v17;
	v26 =	vadd.f32 v26, v24  }
0xd5: {  	v17 =	vmul.f32 v17, v5  }
0xd6: {  	v23 =	vld [tilespmem:s25+$0xD0];
	v0 =	vmax.f32 v0, v27  }
0xd7: {  	v0 =	vmul.f32 v0, v5;
	(xrf2) =	vadd.scan.msk.f32 $0xffff, v17;
	v25 =	vadd.f32 v25, v26  }
0xd8: {  	v26, _, _ =	vpop (xrf2)  }
0xd9: {  	v20 =	vadd.f32 v20, v28;
	(xrf2) =	vadd.scan.msk.f32 $0xffff, v0;
	v17 =	vmul.f32 $1.442695020e+00, v26;
	v26 =	vmul.f32 $2.000000030e-01, v25;
	_ =	sdelay $0x1  }
0xda: {  	v20 =	vadd.f32 v23, v20;
	v0 =	vbroadcast v17, $0xF;
	v17 =	vmax.f32 v25, v26  }
0xdb: {  	v17 =	vmul.f32 v17, v5  }
0xdc: {  	(erf) = vpow2.f32 v0;
	v0 =	vmul.f32 $2.000000030e-01, v20  }
0xdd: {  	(xrf2) =	vadd.scan.msk.f32 $0xffff, v17  }
0xde: {  	v0 =	vmax.f32 v20, v0  }
0xdf: {  	v0 =	vmul.f32 v0, v2  }
0xe0: {  	v17, _, _ =	vpop (xrf2)  }
0xe1: {  	(xrf2) =	vadd.scan.msk.f32 $0xffff, v0;
	v0 =	vmul.f32 $1.442695020e+00, v17  }
0xe2: {  	v17, _, _ =	vpop (xrf2)  }
0xe3: {  	v17 =	vmul.f32 $1.442695020e+00, v17;
	v0 =	vbroadcast v0, $0xF;
	_ =	sdelay $0x1  }
0xe4: {  	v26 =	vpop (erf);
	(erf) = vpow2.f32 v0  }
0xe5: {  	v0 =	vbroadcast v17, $0xF;
	v18 =	vmul.f32 v26, v18  }
0xe6: {  	v17, _, _ =	vpop (xrf2)  }
0xe7: {  	(erf) = vpow2.f32 v0;
	[tilespmem:s13+$0xFFFFFEA0] =	vst v18;
	v17 =	vmul.f32 $1.442695020e+00, v17  }
0xe8: {  	v18 =	vld [tilespmem:s24+$0xFFFFFED0]  }
0xe9: {  	v0 =	vld [tilespmem:s17+$0xFFFFFED0];
	v17 =	vbroadcast v17, $0xF  }
0xea: {  	v25, _, _ =	vpop (xrf2)  }
0xeb: {  	v23 =	vld [tilespmem:s25+$0xFFFFFED0];
	(erf) = vpow2.f32 v17;
	v17 =	vmul.f32 $1.442695020e+00, v25;
	_ =	sdelay $0x1  }
0xec: {  	v17 =	vbroadcast v17, $0xF  }
0xed: {  	v0 =	vadd.f32 v0, v18  }
0xee: {  	v27 =	vpop (erf);
	(erf) = vpow2.f32 v17  }
0xef: {  	v0 =	vadd.f32 v23, v0;
	v17 =	vmul.f32 v27, v19;
	v14 =	vpop (erf)  }
0xf0: {  	[tilespmem:$0x1FE10] =	vst v14  }
0xf1: {  	v19 =	vmul.f32 $2.000000030e-01, v0;
	[tilespmem:s13+$0xFFFFFF30] =	vst v17;
	v17 =	vmul.f32 v14, v22;
	_ =	sdelay $0x1  }
0xf2: {  	v23 =	vld [tilespmem:s24+$0xFFFFFF50];
	v0 =	vmax.f32 v0, v19;
	[tilespmem:s13+$0xFFFFFFC0] =	vst v17;
	v57 =	vpop (erf)  }
0xf3: {  	v19 =	vld [tilespmem:s17+$0xFFFFFF50];
	v0 =	vmul.f32 v0, v2;
	[tilespmem:$0x1FE20] =	vst v57  }
0xf4: {  	v22 =	vmul.f32 v57, v24;
	v17 =	vld [tilespmem:s24+$0xFFFFFFD0]  }
0xf5: {  	v24 =	vld [tilespmem:s17+$0xFFFFFFD0];
	(xrf2) =	vadd.scan.msk.f32 $0xffff, v0  }
0xf6: {  	v0 =	vld [tilespmem:s25+$0xFFFFFF50];
	[tilespmem:s13+$0x50] =	vst v22;
	v15 =	vpop (erf)  }
0xf7: {  	v33 =	vld [tilespmem:s24+$0x50];
	[tilespmem:$0x1FE60] =	vst v15  }
0xf8: {  	v28 =	vmul.f32 v15, v28;
	v29 =	vld [tilespmem:s25+$0xFFFFFFD0]  }
0xf9: {  	v19 =	vadd.f32 v19, v23;
	v30 =	vld [tilespmem:s17+$0x50]  }
0xfa: {  	v31 =	vld [tilespmem:s25+$0x50];
	[tilespmem:s13+$0xF0] =	vst v28  }
0xfb: {  	v24 =	vadd.f32 v24, v17;
	v0 =	vadd.f32 v0, v19;
	v19 =	vld [tilespmem:s24+$0xE0]  }
0xfc: {  	v28 =	vld [tilespmem:s17+$0xE0]  }
0xfd: {  	v32 =	vmul.f32 $2.000000030e-01, v0;
	v24 =	vadd.f32 v29, v24  }
0xfe: {  	v29 =	vld [tilespmem:s25+$0xE0]  }
0xff: {  	v30 =	vadd.f32 v30, v33;
	v0 =	vmax.f32 v0, v32;
	v34, _, _ =	vpop (xrf2);
	v58 =	vmul.f32 $2.000000030e-01, v24  }
0x100: {  	v0 =	vmul.f32 v0, v2;
	v34 =	vmul.f32 $1.442695020e+00, v34  }
0x101: {  	v30 =	vadd.f32 v31, v30;
	v28 =	vadd.f32 v28, v19;
	v24 =	vmax.f32 v24, v58  }
0x102: {  	(xrf2) =	vadd.scan.msk.f32 $0xffff, v0;
	v0 =	vbroadcast v34, $0xF;
	v24 =	vmul.f32 v24, v2  }
0x103: {  	v31 =	vmul.f32 $2.000000030e-01, v30;
	v28 =	vadd.f32 v29, v28  }
0x104: {  	(erf) = vpow2.f32 v0;
	(xrf2) =	vadd.scan.msk.f32 $0xffff, v24  }
0x105: {  	v0 =	vmax.f32 v30, v31;
	v24 =	vmul.f32 $2.000000030e-01, v28  }
0x106: {  	v0 =	vmul.f32 v0, v2  }
0x107: {  	v24 =	vmax.f32 v28, v24  }
0x108: {  	(xrf2) =	vadd.scan.msk.f32 $0xffff, v0;
	v0 =	vmul.f32 v24, v3;
	_ =	sdelay $0x2  }
0x109: {  	(xrf2) =	vadd.scan.msk.f32 $0xffff, v0  }
0x10a: {  	v0, _, _ =	vpop (xrf2)  }
0x10b: {  	v59 =	vpop (erf)  }
0x10c: {  	v0 =	vmul.f32 $1.442695020e+00, v0;
	v24, _, _ =	vpop (xrf2)  }
0x10d: {  	v18 =	vmul.f32 v59, v18;
	v24 =	vmul.f32 $1.442695020e+00, v24  }
0x10e: {  	[tilespmem:$0x1FE30] =	vst v59;
	v0 =	vbroadcast v0, $0xF  }
0x10f: {  	[tilespmem:s13+$0xFFFFFEB0] =	vst v18  }
0x110: {  	(erf) = vpow2.f32 v0;
	v18 =	vld [tilespmem:s24+$0xFFFFFEE0];
	v0 =	vbroadcast v24, $0xF  }
0x111: {  	v28 =	vld [tilespmem:s17+$0xFFFFFEE0];
	v24, _, _ =	vpop (xrf2)  }
0x112: {  	(erf) = vpow2.f32 v0;
	v24 =	vmul.f32 $1.442695020e+00, v24  }
0x113: {  	v30, _, _ =	vpop (xrf2)  }
0x114: {  	v30 =	vmul.f32 $1.442695020e+00, v30;
	v24 =	vbroadcast v24, $0xF;
	_ =	sdelay $0x1  }
0x115: {  	v0 =	vld [tilespmem:s25+$0xFFFFFEE0];
	(erf) = vpow2.f32 v24;
	v24 =	vadd.f32 v28, v18;
	v28 =	vbroadcast v30, $0xF;
	_ =	sdelay $0x1  }
0x116: {  	(erf) = vpow2.f32 v28;
	_ =	sdelay $0x1  }
0x117: {  	v31 =	vpop (erf)  }
0x118: {  	v0 =	vadd.f32 v0, v24;
	v23 =	vmul.f32 v31, v23;
	v60 =	vpop (erf)  }
0x119: {  	[tilespmem:$0x1FE40] =	vst v60  }
0x11a: {  	v24 =	vmul.f32 $2.000000030e-01, v0;
	[tilespmem:s13+$0xFFFFFF40] =	vst v23  }
0x11b: {  	v17 =	vmul.f32 v60, v17;
	v28 =	vld [tilespmem:s24+$0xFFFFFF60]  }
0x11c: {  	v0 =	vmax.f32 v0, v24;
	v24 =	vld [tilespmem:s17+$0xFFFFFF60]  }
0x11d: {  	v0 =	vmul.f32 v0, v3;
	[tilespmem:s13+$0xFFFFFFD0] =	vst v17;
	v61 =	vld [tilespmem:s25+$0xFFFFFF60];
	v32 =	vpop (erf)  }
0x11e: {  	v17 =	vld [tilespmem:s24+$0xFFFFFFE0];
	v33 =	vmul.f32 v32, v33;
	v15 =	vpop (erf)  }
0x11f: {  	(xrf2) =	vadd.scan.msk.f32 $0xffff, v0;
	v0 =	vld [tilespmem:s17+$0xFFFFFFE0];
	[tilespmem:$0x1FE70] =	vst v15  }
0x120: {  	v19 =	vmul.f32 v15, v19;
	v35 =	vld [tilespmem:s25+$0xFFFFFFE0];
	[tilespmem:s13+$0x60] =	vst v33  }
0x121: {  	v38 =	vld [tilespmem:s24+$0x60]  }
0x122: {  	v33 =	vld [tilespmem:s17+$0x60];
	[tilespmem:s13+$0x100] =	vst v19  }
0x123: {  	v19 =	vld [tilespmem:s24+$0xF0]  }
0x124: {  	v24 =	vadd.f32 v24, v28;
	v36 =	vld [tilespmem:s17+$0xF0]  }
0x125: {  	v37 =	vld [tilespmem:s25+$0x60]  }
0x126: {  	v24 =	vadd.f32 v61, v24;
	v39 =	vld [tilespmem:s25+$0xF0]  }
0x127: {  	v0 =	vadd.f32 v0, v17  }
0x128: {  	v14 =	vmul.f32 $2.000000030e-01, v24;
	v33 =	vadd.f32 v33, v38  }
0x129: {  	v0 =	vadd.f32 v35, v0;
	v63 =	vadd.f32 v36, v19  }
0x12a: {  	v24 =	vmax.f32 v24, v14;
	v40, _, _ =	vpop (xrf2);
	v33 =	vadd.f32 v37, v33  }
0x12b: {  	v62 =	vmul.f32 $1.442695020e+00, v40;
	v40 =	vmul.f32 $2.000000030e-01, v0;
	v35 =	vadd.f32 v39, v63  }
0x12c: {  	v24 =	vmul.f32 v24, v3;
	v41 =	vmul.f32 $2.000000030e-01, v33  }
0x12d: {  	v34 =	vbroadcast v62, $0xF;
	v0 =	vmax.f32 v0, v40;
	v42 =	vmul.f32 $2.000000030e-01, v35  }
0x12e: {  	v0 =	vmul.f32 v0, v3;
	v33 =	vmax.f32 v33, v41  }
0x12f: {  	(xrf2) =	vadd.scan.msk.f32 $0xffff, v24;
	(erf) = vpow2.f32 v34;
	v24 =	vmul.f32 v33, v3;
	v43 =	vmax.f32 v35, v42  }
0x130: {  	(xrf2) =	vadd.scan.msk.f32 $0xffff, v0;
	v0 =	vmul.f32 v43, v4  }
0x131: {  	(xrf2) =	vadd.scan.msk.f32 $0xffff, v24  }
0x132: {  	(xrf2) =	vadd.scan.msk.f32 $0xffff, v0;
	_ =	sdelay $0x5  }
0x133: {  	v33 =	vpop (erf)  }
0x134: {  	v0 =	vmul.f32 v33, v18;
	v18, _, _ =	vpop (xrf2)  }
0x135: {  	s20 =	simm.s32 $0x1A3B0;
	v18 =	vmul.f32 $1.442695020e+00, v18;
	v24, _, _ =	vpop (xrf2)  }
0x136: {  	v47 =	vld [tilespmem:s20+$0xC0];
	[tilespmem:s13+$0xFFFFFEC0] =	vst v0;
	v24 =	vmul.f32 $1.442695020e+00, v24;
	v45, _, _ =	vpop (xrf2)  }
0x137: {  	v0 =	vld [tilespmem:s24+$0xFFFFFEF0];
	v18 =	vbroadcast v18, $0xF;
	v35 =	vmul.f32 $1.442695020e+00, v45;
	v46, _, _ =	vpop (xrf2)  }
0x138: {  	s30 =	simm.s32 $0x17BB0;
	v44 =	vld [tilespmem:s17+$0xFFFFFEF0];
	v24 =	vbroadcast v24, $0xF;
	v36 =	vmul.f32 $1.442695020e+00, v46  }
0x139: {  	v41 =	vld [tilespmem:s30+$0xC0];
	(erf) = vpow2.f32 v18;
	v18 =	vbroadcast v35, $0xF  }
0x13a: {  	s21 =	simm.s32 $0x1CBB0;
	v48 =	vld [tilespmem:s25+$0xFFFFFEF0];
	(erf) = vpow2.f32 v24;
	v24 =	vbroadcast v36, $0xF  }
0x13b: {  	v50 =	vld [tilespmem:s21+$0xC0];
	(erf) = vpow2.f32 v18  }
0x13c: {  	(erf) = vpow2.f32 v24  }
0x13d: {  	v18 =	vadd.f32 v44, v0  }
0x13e: {  	v24 =	vadd.f32 v47, v41  }
0x13f: {  	v18 =	vadd.f32 v48, v18  }
0x140: {  	v24 =	vadd.f32 v50, v24  }
0x141: {  	v51 =	vmul.f32 $2.000000030e-01, v18  }
0x142: {  	v52 =	vmul.f32 $2.000000030e-01, v24;
	v35 =	vpop (erf)  }
0x143: {  	v18 =	vmax.f32 v18, v51;
	v36 =	vpop (erf)  }
0x144: {  	v18 =	vmul.f32 v18, v4;
	v24 =	vmax.f32 v24, v52;
	v34 =	vpop (erf)  }
0x145: {  	v53 =	vmul.f32 v24, v5;
	v54 =	vpop (erf)  }
0x146: {  	(xrf2) =	vadd.scan.msk.f32 $0xffff, v18;
	v18 =	vld [tilespmem:s20+$0xFFFFFEC0];
	[tilespmem:$0x1FE80] =	vst v54  }
0x147: {  	(xrf2) =	vadd.scan.msk.f32 $0xffff, v53;
	v19 =	vmul.f32 v54, v19;
	v42 =	vld [tilespmem:s30+$0xFFFFFEC0]  }
0x148: {  	v39 =	vld [tilespmem:s30+$0xFFFFFF40]  }
0x149: {  	v55 =	vld [tilespmem:s21+$0xFFFFFEC0];
	[tilespmem:s13+$0x110] =	vst v19  }
0x14a: {  	v44 =	vld [tilespmem:s24+$0x100]  }
0x14b: {  	v19 =	vld [tilespmem:s17+$0x100]  }
0x14c: {  	v28 =	vmul.f32 v35, v28;
	v56 =	vld [tilespmem:s20+$0xFFFFFF40]  }
0x14d: {  	v45 =	vld [tilespmem:s25+$0x100]  }
0x14e: {  	[tilespmem:s13+$0xFFFFFF50] =	vst v28;
	v28 =	vld [tilespmem:s21+$0xFFFFFF40]  }
0x14f: {  	v43 =	vld [tilespmem:s30+$0xFFFFFFC0];
	v18 =	vadd.f32 v18, v42  }
0x150: {  	v58 =	vld [tilespmem:s20+$0xFFFFFFC0];
	v47, _, _ =	vpop (xrf2);
	v19 =	vadd.f32 v19, v44  }
0x151: {  	v37 =	vld [tilespmem:s30+$0x40];
	v40 =	vadd.f32 v56, v39;
	v46 =	vadd.f32 v55, v18;
	v57, _, _ =	vpop (xrf2)  }
0x152: {  	v59 =	vld [tilespmem:s20+$0x40];
	v50 =	vmul.f32 $1.442695020e+00, v57;
	v19 =	vadd.f32 v45, v19  }
0x153: {  	v62 =	vld [tilespmem:s21+$0xFFFFFFC0];
	v28 =	vadd.f32 v28, v40;
	v48 =	vmul.f32 $2.000000030e-01, v46  }
0x154: {  	v53 =	vld [tilespmem:s21+$0x40];
	v61 =	vbroadcast v50, $0xF;
	v63 =	vmul.f32 $2.000000030e-01, v19  }
0x155: {  	v17 =	vmul.f32 v36, v17;
	v51 =	vld [tilespmem:s17+$0xFFFFFF70];
	v52 =	vmul.f32 $2.000000030e-01, v28;
	v46 =	vmax.f32 v46, v48  }
0x156: {  	v18 =	vld [tilespmem:s24+$0xFFFFFF70];
	v60 =	vmul.f32 v46, v5;
	(erf) = vpow2.f32 v61;
	v19 =	vmax.f32 v19, v63  }
0x157: {  	v19 =	vmul.f32 v19, v10  }
0x158: {  	[tilespmem:s13+$0xFFFFFFE0] =	vst v17;
	v54 =	vld [tilespmem:s25+$0xFFFFFF70];
	v55 =	vadd.f32 v58, v43;
	v28 =	vmax.f32 v28, v52;
	(xrf2) =	vadd.scan.msk.f32 $0xffff, v60  }
0x159: {  	v17 =	vadd.f32 v59, v37;
	v28 =	vmul.f32 v28, v5;
	(xrf2) =	vadd.scan.msk.f32 $0xffff, v19;
	v19 =	vmul.f32 v34, v38  }
0x15a: {  	v40 =	vld [tilespmem:s24+$0xFFFFFFF0];
	v56 =	vadd.f32 v62, v55  }
0x15b: {  	v58 =	vld [tilespmem:s17+$0xFFFFFFF0];
	v57 =	vadd.f32 v51, v18;
	(xrf2) =	vadd.scan.msk.f32 $0xffff, v28;
	v28 =	vadd.f32 v53, v17;
	[tilespmem:s13+$0x70] =	vst v19  }
0x15c: {  	v47 =	vmul.f32 $1.442695020e+00, v47;
	v17 =	vmul.f32 $2.000000030e-01, v56;
	v19 =	vld [tilespmem:s24+$0x70]  }
0x15d: {  	v45 =	vadd.f32 v54, v57;
	v59 =	vmul.f32 $2.000000030e-01, v28;
	v60 =	vld [tilespmem:s17+$0x70]  }
0x15e: {  	v47 =	vbroadcast v47, $0xF;
	v61 =	vld [tilespmem:s25+$0xFFFFFFF0];
	v38 =	vmax.f32 v56, v17  }
0x15f: {  	v50 =	vmul.f32 $2.000000030e-01, v45;
	v63 =	vld [tilespmem:s25+$0x70];
	v38 =	vmul.f32 v38, v5;
	v28 =	vmax.f32 v28, v59;
	v16 =	vpop (erf)  }
0x160: {  	v28 =	vmul.f32 v28, v5;
	v41 =	vmul.f32 v16, v41  }
0x161: {  	s10 =	simm.s32 $0x1E020;
	(erf) = vpow2.f32 v47;
	v56 =	vadd.f32 v58, v40  }
0x162: {  	v45 =	vmax.f32 v45, v50;
	(xrf2) =	vadd.scan.msk.f32 $0xffff, v38;
	v58 =	vadd.f32 v60, v19;
	[tilespmem:s10+$0xE0] =	vst v41  }
0x163: {  	v55 =	vmul.f32 v45, v4;
	v62, _, _ =	vpop (xrf2);
	v41 =	vadd.f32 v61, v56;
	v45 =	vld [tilespmem:s30+$0xD0]  }
0x164: {  	(xrf2) =	vadd.scan.msk.f32 $0xffff, v28;
	v54 =	vmul.f32 $1.442695020e+00, v62;
	v28, _, _ =	vpop (xrf2);
	v59 =	vld [tilespmem:s20+$0xD0];
	v46 =	vadd.f32 v63, v58  }
0x165: {  	v62 =	vmul.f32 $2.000000030e-01, v41;
	v28 =	vmul.f32 $1.442695020e+00, v28  }
0x166: {  	v61 =	vld [tilespmem:s21+$0xD0];
	v57 =	vbroadcast v54, $0xF;
	v60, _, _ =	vpop (xrf2);
	v63 =	vmul.f32 $2.000000030e-01, v46  }
0x167: {  	v52 =	vmul.f32 $1.442695020e+00, v60;
	v41 =	vmax.f32 v41, v62;
	v28 =	vbroadcast v28, $0xF  }
0x168: {  	(erf) = vpow2.f32 v57;
	v41 =	vmul.f32 v41, v4;
	v53 =	vmax.f32 v46, v63  }
0x169: {  	(xrf2) =	vadd.scan.msk.f32 $0xffff, v55;
	v54 =	vbroadcast v52, $0xF;
	v47 =	vadd.f32 v59, v45;
	(erf) = vpow2.f32 v28  }
0x16a: {  	v46 =	vmul.f32 v53, v4  }
0x16b: {  	v38 =	vpop (erf);
	(xrf2) =	vadd.scan.msk.f32 $0xffff, v41;
	(erf) = vpow2.f32 v54;
	v28 =	vadd.f32 v61, v47  }
0x16c: {  	v55, _, _ =	vpop (xrf2);
	(xrf2) =	vadd.scan.msk.f32 $0xffff, v46  }
0x16d: {  	v0 =	vmul.f32 v38, v0;
	v48 =	vmul.f32 $2.000000030e-01, v28  }
0x16e: {  	v47 =	vmul.f32 $1.442695020e+00, v55  }
0x16f: {  	[tilespmem:s13+$0xFFFFFED0] =	vst v0;
	v0 =	vmax.f32 v28, v48  }
0x170: {  	v56 =	vld [tilespmem:s17+$0xFFFFFF00];
	v57, _, _ =	vpop (xrf2);
	v28 =	vbroadcast v47, $0xF;
	v0 =	vmul.f32 v0, v2  }
0x171: {  	v46 =	vmul.f32 $1.442695020e+00, v57;
	v48 =	vld [tilespmem:s24+$0xFFFFFF00];
	v30 =	vpop (erf)  }
0x172: {  	(erf) = vpow2.f32 v28;
	v42 =	vmul.f32 v30, v42;
	(xrf2) =	vadd.scan.msk.f32 $0xffff, v0;
	v17 =	vpop (erf)  }
0x173: {  	v58 =	vld [tilespmem:s25+$0xFFFFFF00];
	v59, _, _ =	vpop (xrf2);
	v46 =	vbroadcast v46, $0xF;
	v44 =	vmul.f32 v17, v44  }
0x174: {  	[tilespmem:s10+$0xFFFFFEA0] =	vst v42;
	v41 =	vpop (erf)  }
0x175: {  	v14 =	vmov v49;
	v49 =	vmul.f32 $1.442695020e+00, v59;
	(erf) = vpow2.f32 v46;
	v61, _, _ =	vpop (xrf2);
	v46 =	vld [tilespmem:s30+$0xFFFFFED0];
	[tilespmem:s13+$0x120] =	vst v44  }
0x176: {  	v60 =	vadd.f32 v56, v48;
	v56, _, _ =	vpop (xrf2);
	v51 =	vld [tilespmem:s24+$0x110]  }
0x177: {  	v63 =	vbroadcast v49, $0xF;
	v62 =	vmul.f32 $1.442695020e+00, v61;
	v52 =	vld [tilespmem:s17+$0x110]  }
0x178: {  	v39 =	vmul.f32 v41, v39;
	v47 =	vadd.f32 v58, v60;
	v58 =	vmul.f32 $1.442695020e+00, v56  }
0x179: {  	(erf) = vpow2.f32 v63;
	v49 =	vld [tilespmem:s25+$0x110];
	v57 =	vbroadcast v62, $0xF  }
0x17a: {  	v53 =	vld [tilespmem:s20+$0xFFFFFED0];
	v59 =	vmul.f32 $2.000000030e-01, v47  }
0x17b: {  	v55 =	vld [tilespmem:s21+$0xFFFFFED0];
	[tilespmem:s10+$0xFFFFFF30] =	vst v39;
	v61 =	vbroadcast v58, $0xF;
	(erf) = vpow2.f32 v57;
	v42 =	vpop (erf)  }
0x17c: {  	v54 =	vld [tilespmem:s30+$0xFFFFFF50];
	v44 =	vmax.f32 v47, v59;
	v60 =	vmul.f32 v42, v43;
	v59 =	vadd.f32 v52, v51;
	v62, _, _ =	vpop (xrf2)  }
0x17d: {  	v56 =	vld [tilespmem:s20+$0xFFFFFF50];
	v44 =	vmul.f32 v44, v10;
	v63 =	vmul.f32 $1.442695020e+00, v62  }
0x17e: {  	(erf) = vpow2.f32 v61;
	v39 =	vadd.f32 v49, v59  }
0x17f: {  	v61 =	vadd.f32 v53, v46;
	v52 =	vld [tilespmem:s21+$0xFFFFFF50];
	[tilespmem:s10+$0xFFFFFFC0] =	vst v60;
	(xrf2) =	vadd.scan.msk.f32 $0xffff, v44;
	v60 =	vbroadcast v63, $0xF  }
0x180: {  	v43 =	vpop (erf);
	v47 =	vld [tilespmem:s30+$0xFFFFFFD0];
	v62 =	vmul.f32 $2.000000030e-01, v39  }
0x181: {  	v37 =	vmul.f32 v43, v37;
	v53 =	vadd.f32 v55, v61;
	v49 =	vld [tilespmem:s20+$0xFFFFFFD0];
	(erf) = vpow2.f32 v60  }
0x182: {  	v63 =	vadd.f32 v56, v54;
	v44 =	vpop (erf);
	v39 =	vmax.f32 v39, v62  }
0x183: {  	[tilespmem:s10+$0x50] =	vst v37;
	v57 =	vmul.f32 $2.000000030e-01, v53;
	v18 =	vmul.f32 v44, v18;
	v60 =	vld [tilespmem:s21+$0xFFFFFFD0]  }
0x184: {  	v50 =	vld [tilespmem:s30+$0x50];
	v37 =	vadd.f32 v52, v63;
	v62 =	vmul.f32 v39, v1  }
0x185: {  	v61 =	vld [tilespmem:s20+$0x50];
	v53 =	vmax.f32 v53, v57;
	[tilespmem:s13+$0xFFFFFF60] =	vst v18;
	v39 =	vpop (erf)  }
0x186: {  	v57 =	vld [tilespmem:s21+$0x50];
	v49 =	vadd.f32 v49, v47;
	v18 =	vmul.f32 $2.000000030e-01, v37;
	(xrf2) =	vadd.scan.msk.f32 $0xffff, v62;
	v59 =	vmul.f32 v39, v40  }
0x187: {  	v52 =	vmul.f32 v53, v2;
	v58 =	vld [tilespmem:s24+$0xFFFFFF80]  }
0x188: {  	v56 =	vld [tilespmem:s17+$0xFFFFFF80];
	v40 =	vpop (erf);
	v18 =	vmax.f32 v37, v18;
	v49 =	vadd.f32 v60, v49;
	[tilespmem:s13+$0xFFFFFFF0] =	vst v59  }
0x189: {  	(xrf2) =	vadd.scan.msk.f32 $0xffff, v52;
	v37, _, _ =	vpop (xrf2);
	v59 =	vmul.f32 v18, v2;
	v53 =	vld [tilespmem:s24+$0x0]  }
0x18a: {  	v55 =	vadd.f32 v61, v50;
	v60 =	vmul.f32 $2.000000030e-01, v49;
	v52 =	vld [tilespmem:s17+$0x0];
	v0 =	vpop (erf)  }
0x18b: {  	v37 =	vmul.f32 $1.442695020e+00, v37;
	(xrf2) =	vadd.scan.msk.f32 $0xffff, v59;
	[tilespmem:$0x1FDF0] =	vst v0;
	v45 =	vmul.f32 v0, v45  }
0x18c: {  	v55 =	vadd.f32 v57, v55;
	v57 =	vld [tilespmem:s25+$0xFFFFFF80]  }
0x18d: {  	v49 =	vmax.f32 v49, v60;
	v37 =	vbroadcast v37, $0xF;
	v59 =	vld [tilespmem:s25+$0x0];
	[tilespmem:s10+$0xF0] =	vst v45  }
0x18e: {  	v56 =	vadd.f32 v56, v58;
	v49 =	vmul.f32 v49, v2;
	v60 =	vld [tilespmem:s30+$0xE0]  }
0x18f: {  	(erf) = vpow2.f32 v37;
	v45 =	vmul.f32 $2.000000030e-01, v55;
	v63 =	vadd.f32 v52, v53;
	v37 =	vld [tilespmem:s20+$0xE0]  }
0x190: {  	v61, _, _ =	vpop (xrf2)  }
0x191: {  	(xrf2) =	vadd.scan.msk.f32 $0xffff, v49;
	v45 =	vmax.f32 v55, v45;
	v55 =	vmul.f32 $1.442695020e+00, v61;
	v52 =	vadd.f32 v57, v56  }
0x192: {  	v45 =	vmul.f32 v45, v2;
	v56 =	vld [tilespmem:s21+$0xE0]  }
0x193: {  	v49 =	vadd.f32 v59, v63;
	v63, _, _ =	vpop (xrf2);
	v55 =	vbroadcast v55, $0xF;
	v62 =	vmul.f32 $2.000000030e-01, v52  }
0x194: {  	v19 =	vmul.f32 v40, v19;
	(xrf2) =	vadd.scan.msk.f32 $0xffff, v45;
	v57 =	vmul.f32 $1.442695020e+00, v63;
	v37 =	vadd.f32 v37, v60  }
0x195: {  	v59 =	vmul.f32 $2.000000030e-01, v49;
	(erf) = vpow2.f32 v55;
	v61, _, _ =	vpop (xrf2);
	v45 =	vmax.f32 v52, v62  }
0x196: {  	v63 =	vmul.f32 $1.442695020e+00, v61;
	v52 =	vmul.f32 v45, v10  }
0x197: {  	[tilespmem:s13+$0x80] =	vst v19;
	v19 =	vmax.f32 v49, v59;
	v62 =	vbroadcast v57, $0xF;
	v37 =	vadd.f32 v56, v37  }
0x198: {  	v57 =	vld [tilespmem:s17+$0x80];
	v19 =	vmul.f32 v19, v10;
	(xrf2) =	vadd.scan.msk.f32 $0xffff, v52  }
0x199: {  	v56 =	vld [tilespmem:s24+$0x80];
	(erf) = vpow2.f32 v62;
	v45 =	vpop (erf);
	v61 =	vmul.f32 $2.000000030e-01, v37  }
0x19a: {  	v62 =	vbroadcast v63, $0xF;
	v48 =	vmul.f32 v45, v48  }
0x19b: {  	v59 =	vld [tilespmem:s25+$0x80];
	v63, _, _ =	vpop (xrf2);
	(xrf2) =	vadd.scan.msk.f32 $0xffff, v19;
	v37 =	vmax.f32 v37, v61  }
0x19c: {  	v19 =	vmul.f32 v37, v3;
	[tilespmem:s13+$0xFFFFFEE0] =	vst v48  }
0x19d: {  	(erf) = vpow2.f32 v62;
	v49 =	vld [tilespmem:s24+$0xFFFFFF10]  }
0x19e: {  	v55 =	vmul.f32 $1.442695020e+00, v63;
	v62, _, _ =	vpop (xrf2);
	v63 =	vld [tilespmem:s17+$0xFFFFFF10];
	(xrf2) =	vadd.scan.msk.f32 $0xffff, v19;
	v19 =	vadd.f32 v57, v56  }
0x19f: {  	v48 =	vmul.f32 $1.442695020e+00, v62;
	v37 =	vpop (erf)  }
0x1a0: {  	v61 =	vbroadcast v55, $0xF;
	v57 =	vld [tilespmem:s25+$0xFFFFFF10];
	v51 =	vmul.f32 v37, v51;
	v19 =	vadd.f32 v59, v19  }
0x1a1: {  	v48 =	vbroadcast v48, $0xF  }
0x1a2: {  	(erf) = vpow2.f32 v61;
	v52 =	vmul.f32 $2.000000030e-01, v19;
	v59, _, _ =	vpop (xrf2)  }
0x1a3: {  	(erf) = vpow2.f32 v48;
	v55 =	vadd.f32 v63, v49;
	v48 =	vmul.f32 $1.442695020e+00, v59  }
0x1a4: {  	[tilespmem:s13+$0x130] =	vst v51;
	v51 =	vpop (erf);
	v19 =	vmax.f32 v19, v52  }
0x1a5: {  	v46 =	vmul.f32 v51, v46;
	v55 =	vadd.f32 v57, v55;
	v57, _, _ =	vpop (xrf2);
	v48 =	vbroadcast v48, $0xF  }
0x1a6: {  	v61 =	vld [tilespmem:s24+$0x120];
	v19 =	vmul.f32 v19, v10;
	v57 =	vmul.f32 $1.442695020e+00, v57;
	v52 =	vpop (erf)  }
0x1a7: {  	v62 =	vld [tilespmem:s17+$0x120];
	[tilespmem:s10+$0xFFFFFEB0] =	vst v46;
	v54 =	vmul.f32 v52, v54;
	(erf) = vpow2.f32 v48  }
0x1a8: {  	v59 =	vld [tilespmem:s30+$0xFFFFFEE0]  }
0x1a9: {  	v0 =	vmul.f32 $2.000000030e-01, v55;
	(xrf2) =	vadd.scan.msk.f32 $0xffff, v19;
	v19 =	vld [tilespmem:s20+$0xFFFFFEE0];
	v57 =	vbroadcast v57, $0xF  }
0x1aa: {  	v63 =	vld [tilespmem:s25+$0x120];
	v48, _, _ =	vpop (xrf2)  }
0x1ab: {  	v0 =	vmax.f32 v55, v0;
	v55 =	vld [tilespmem:s21+$0xFFFFFEE0];
	[tilespmem:s10+$0xFFFFFF40] =	vst v54;
	v54 =	vpop (erf);
	v48 =	vmul.f32 $1.442695020e+00, v48;
	(erf) = vpow2.f32 v57  }
0x1ac: {  	v57 =	vmul.f32 v0, v1;
	v47 =	vmul.f32 v54, v47  }
0x1ad: {  	v62 =	vadd.f32 v62, v61;
	v46 =	vld [tilespmem:s30+$0xFFFFFF60];
	v48 =	vbroadcast v48, $0xF  }
0x1ae: {  	v22 =	vld [tilespmem:s20+$0xFFFFFF60];
	v29 =	vpop (erf);
	v19 =	vadd.f32 v19, v59;
	[tilespmem:s10+$0xFFFFFFD0] =	vst v47  }
0x1af: {  	v62 =	vadd.f32 v63, v62;
	v50 =	vmul.f32 v29, v50;
	(xrf2) =	vadd.scan.msk.f32 $0xffff, v57;
	v47 =	vld [tilespmem:s30+$0xFFFFFFE0];
	(erf) = vpow2.f32 v48  }
0x1b0: {  	v19 =	vadd.f32 v55, v19;
	v63 =	vld [tilespmem:s20+$0xFFFFFFE0];
	v57 =	vpop (erf)  }
0x1b1: {  	v23 =	vld [tilespmem:s21+$0xFFFFFF60];
	v48 =	vmul.f32 $2.000000030e-01, v62;
	[tilespmem:s10+$0x60] =	vst v50;
	v58 =	vmul.f32 v57, v58  }
0x1b2: {  	v55 =	vld [tilespmem:s20+$0x60];
	v20 =	vmul.f32 $2.000000030e-01, v19  }
0x1b3: {  	v62 =	vmax.f32 v62, v48;
	v48 =	vld [tilespmem:s30+$0x60]  }
0x1b4: {  	v0, _, _ =	vpop (xrf2);
	v50 =	vmul.f32 v62, v11;
	v62 =	vld [tilespmem:s21+$0xFFFFFFE0];
	v19 =	vmax.f32 v19, v20  }
0x1b5: {  	[tilespmem:s13+$0xFFFFFF70] =	vst v58;
	v20 =	vadd.f32 v63, v47;
	v63 =	vmul.f32 v19, v3;
	v58 =	vpop (erf)  }
0x1b6: {  	v22 =	vadd.f32 v22, v46;
	v21 =	vld [tilespmem:s21+$0x60];
	v0 =	vmul.f32 $1.442695020e+00, v0;
	(xrf2) =	vadd.scan.msk.f32 $0xffff, v50;
	v53 =	vmul.f32 v58, v53  }
0x1b7: {  	v50 =	vld [tilespmem:s24+$0xFFFFFF90]  }
0x1b8: {  	v22 =	vadd.f32 v23, v22;
	v0 =	vbroadcast v0, $0xF;
	v23 =	vadd.f32 v55, v48;
	v55 =	vld [tilespmem:s17+$0xFFFFFF90];
	v15 =	vpop (erf);
	[tilespmem:s13+$0x0] =	vst v53  }
0x1b9: {  	(xrf2) =	vadd.scan.msk.f32 $0xffff, v63;
	v20 =	vadd.f32 v62, v20;
	v62 =	vld [tilespmem:s25+$0xFFFFFF90];
	v63, _, _ =	vpop (xrf2);
	v60 =	vmul.f32 v15, v60;
	[tilespmem:$0x1FE00] =	vst v15  }
0x1ba: {  	v63 =	vmul.f32 $1.442695020e+00, v63;
	v53 =	vld [tilespmem:s24+$0x10]  }
0x1bb: {  	(erf) = vpow2.f32 v0;
	v0 =	vadd.f32 v21, v23;
	v21 =	vmul.f32 $2.000000030e-01, v22;
	v25 =	vld [tilespmem:s17+$0x10];
	[tilespmem:s10+$0x100] =	vst v60  }
0x1bc: {  	v23 =	vmul.f32 $2.000000030e-01, v20;
	v63 =	vbroadcast v63, $0xF;
	v15 =	vld [tilespmem:$0x1FE10]  }
0x1bd: {  	v24 =	vmul.f32 $2.000000030e-01, v0;
	v60 =	vld [tilespmem:s30+$0xF0]  }
0x1be: {  	v21 =	vmax.f32 v22, v21;
	v20 =	vmax.f32 v20, v23;
	v22 =	vadd.f32 v55, v50;
	v23 =	vld [tilespmem:s20+$0xF0]  }
0x1bf: {  	v31 =	vmul.f32 v7, v31;
	v0 =	vmax.f32 v0, v24;
	v24 =	vld [tilespmem:s25+$0x10]  }
0x1c0: {  	v30 =	vmul.f32 v6, v30;
	v22 =	vadd.f32 v62, v22;
	v62 =	vld [tilespmem:s21+$0xF0];
	(erf) = vpow2.f32 v63;
	v63, _, _ =	vpop (xrf2)  }
0x1c1: {  	v63 =	vmul.f32 $1.442695020e+00, v63;
	v25 =	vadd.f32 v25, v53;
	v28 =	vmul.f32 v6, v15;
	v15 =	vld [tilespmem:$0x1FE20]  }
0x1c2: {  	v39 =	vmul.f32 v12, v39;
	v55 =	vmul.f32 v6, v26  }
0x1c3: {  	v21 =	vmul.f32 v21, v3;
	v23 =	vadd.f32 v23, v60;
	v63 =	vbroadcast v63, $0xF  }
0x1c4: {  	v26 =	vmul.f32 v6, v27;
	v20 =	vmul.f32 v20, v3;
	v24 =	vadd.f32 v24, v25  }
0x1c5: {  	(xrf2) =	vadd.scan.msk.f32 $0xffff, v21;
	v23 =	vadd.f32 v62, v23;
	v62 =	vmul.f32 $2.000000030e-01, v22;
	v25, _, _ =	vpop (xrf2);
	(erf) = vpow2.f32 v63  }
0x1c6: {  	(xrf2) =	vadd.scan.msk.f32 $0xffff, v20;
	v25 =	vmul.f32 $1.442695020e+00, v25;
	v27 =	vmul.f32 v6, v15;
	v15 =	vld [tilespmem:$0x1FE30]  }
0x1c7: {  	v0 =	vmul.f32 v0, v3;
	v20 =	vadd.f32 $0.0e+00, v26;
	v26 =	vmul.f32 $2.000000030e-01, v24  }
0x1c8: {  	v22 =	vmax.f32 v22, v62;
	v62 =	vmul.f32 $2.000000030e-01, v23;
	v25 =	vbroadcast v25, $0xF  }
0x1c9: {  	v29 =	vmul.f32 v7, v29;
	v22 =	vmul.f32 v22, v1;
	v24 =	vmax.f32 v24, v26  }
0x1ca: {  	(xrf2) =	vadd.scan.msk.f32 $0xffff, v0;
	v0 =	vmul.f32 v24, v1;
	v23 =	vmax.f32 v23, v62;
	(erf) = vpow2.f32 v25  }
0x1cb: {  	v55 =	vadd.f32 $0.0e+00, v55;
	(xrf2) =	vadd.scan.msk.f32 $0xffff, v22;
	v22 =	vmul.f32 v23, v4;
	v21 =	vmul.f32 v7, v15;
	v15 =	vld [tilespmem:$0x1FE40]  }
0x1cc: {  	v20 =	vadd.f32 v31, v20;
	v31 =	vmul.f32 v8, v34;
	v26 =	vmul.f32 v7, v32;
	v32 =	vpop (erf)  }
0x1cd: {  	v34 =	vpop (erf);
	v23 =	vadd.f32 $0.0e+00, v27;
	v27 =	vmul.f32 v8, v33;
	(xrf2) =	vadd.scan.msk.f32 $0xffff, v0;
	v0 =	vadd.f32 v21, v55  }
0x1ce: {  	v24 =	vadd.f32 $0.0e+00, v28;
	v28 =	vmul.f32 v8, v36;
	v63 =	vmul.f32 v32, v56;
	(xrf2) =	vadd.scan.msk.f32 $0xffff, v22;
	v56 =	vpop (erf)  }
0x1cf: {  	v36 =	vmul.f32 v6, v42;
	v22, _, _ =	vpop (xrf2);
	v0 =	vadd.f32 v27, v0;
	v27 =	vmul.f32 v56, v61  }
0x1d0: {  	[tilespmem:s13+$0x90] =	vst v63;
	v55, _, _ =	vpop (xrf2);
	v22 =	vmul.f32 $1.442695020e+00, v22;
	v25 =	vmul.f32 v7, v15  }
0x1d1: {  	v23 =	vadd.f32 v26, v23;
	v33 =	vld [tilespmem:s24+$0x90];
	v21 =	vmul.f32 v8, v35;
	v35 =	vmul.f32 $1.442695020e+00, v55  }
0x1d2: {  	v61 =	vld [tilespmem:s17+$0x90];
	v22 =	vbroadcast v22, $0xF;
	v24 =	vadd.f32 v25, v24;
	v25 =	vmul.f32 v12, v38  }
0x1d3: {  	v26 =	vmul.f32 v6, v41;
	v41 =	vld [tilespmem:s25+$0x90];
	v23 =	vadd.f32 v31, v23;
	v31 =	vbroadcast v35, $0xF;
	[tilespmem:s13+$0x140] =	vst v27;
	v27 =	vpop (erf)  }
0x1d4: {  	v62, _, _ =	vpop (xrf2);
	(erf) = vpow2.f32 v22;
	v18 =	vld [tilespmem:s24+$0x130];
	v63 =	vmul.f32 v27, v59  }
0x1d5: {  	v20 =	vadd.f32 v21, v20;
	v22 =	vmul.f32 $1.442695020e+00, v62;
	(erf) = vpow2.f32 v31;
	v31 =	vld [tilespmem:s25+$0x130]  }
0x1d6: {  	v24 =	vadd.f32 v28, v24;
	v28 =	vmul.f32 v12, v44;
	v0 =	vadd.f32 v25, v0;
	v44 =	vld [tilespmem:s17+$0x130];
	v25, _, _ =	vpop (xrf2);
	[tilespmem:s10+$0xFFFFFEC0] =	vst v63  }
0x1d7: {  	v21 =	vmul.f32 v6, v43;
	v38 =	vadd.f32 v61, v33;
	v25 =	vmul.f32 $1.442695020e+00, v25;
	v55, _, _ =	vpop (xrf2);
	v35 =	vld [tilespmem:s30+$0xFFFFFEF0]  }
0x1d8: {  	v62 =	vadd.f32 $0.0e+00, v36;
	v22 =	vbroadcast v22, $0xF;
	v61 =	vld [tilespmem:s20+$0xFFFFFEF0];
	v42 =	vmul.f32 $1.442695020e+00, v55;
	v59, _, _ =	vpop (xrf2)  }
0x1d9: {  	s7 =	simm.s32 $0x17E30;
	v36 =	vadd.f32 v41, v38;
	v41 =	vld [tilespmem:s21+$0xFFFFFEF0];
	v25 =	vbroadcast v25, $0xF;
	v55 =	vmul.f32 $1.442695020e+00, v59  }
0x1da: {  	s0 =	simm.s32 $0x1A630;
	v30 =	vadd.f32 $0.0e+00, v30;
	(erf) = vpow2.f32 v22;
	v59 =	vld [tilespmem:s7+$0xC0];
	v22 =	vbroadcast v42, $0xF  }
0x1db: {  	v26 =	vadd.f32 $0.0e+00, v26;
	(erf) = vpow2.f32 v25;
	v25 =	vld [tilespmem:s0+$0xC0];
	v63 =	vbroadcast v55, $0xF  }
0x1dc: {  	s16 =	simm.s32 $0x1CE30;
	(erf) = vpow2.f32 v22;
	v22 =	vadd.f32 v28, v20;
	v20 =	vmul.f32 $2.000000030e-01, v36  }
0x1dd: {  	v38 =	vmul.f32 v12, v40;
	v24 =	vadd.f32 v39, v24;
	v55 =	vadd.f32 v44, v18;
	v28 =	vld [tilespmem:s16+$0xC0]  }
0x1de: {  	v44 =	vadd.f32 v61, v35;
	(erf) = vpow2.f32 v63;
	v20 =	vmax.f32 v36, v20  }
0x1df: {  	v61 =	vmul.f32 v7, v51;
	v31 =	vadd.f32 v31, v55;
	v20 =	vmul.f32 v20, v1  }
0x1e0: {  	v63 =	vmul.f32 v34, v49;
	v36 =	vadd.f32 v41, v44;
	v25 =	vadd.f32 v25, v59  }
0x1e1: {  	v23 =	vadd.f32 v38, v23;
	v49 =	vmul.f32 v13, v45;
	(xrf2) =	vadd.scan.msk.f32 $0xffff, v20;
	v20 =	vmul.f32 $2.000000030e-01, v31  }
0x1e2: {  	v39 =	vpop (erf);
	v40 =	vadd.f32 v61, v30;
	v42 =	vmul.f32 $2.000000030e-01, v36;
	v25 =	vadd.f32 v28, v25  }
0x1e3: {  	v38 =	vld [tilespmem:s7+$0xFFFFFF40];
	v41 =	vpop (erf);
	v28 =	vadd.f32 v49, v0;
	v0 =	vmul.f32 v7, v52;
	v20 =	vmax.f32 v31, v20  }
0x1e4: {  	[tilespmem:s13+$0xFFFFFEF0] =	vst v63;
	v45 =	vpop (erf);
	v63 =	vld [tilespmem:s0+$0xFFFFFF40];
	v30 =	vmul.f32 $2.000000030e-01, v25;
	v51 =	vmul.f32 v20, v9;
	v20 =	vmax.f32 v36, v42  }
0x1e5: {  	v21 =	vadd.f32 $0.0e+00, v21;
	v55 =	vld [tilespmem:s24+$0xFFFFFF20];
	v31 =	vmul.f32 v7, v54;
	v61 =	vpop (erf);
	v42 =	vmul.f32 v20, v4  }
0x1e6: {  	v44 =	vld [tilespmem:s17+$0xFFFFFF20];
	v26 =	vadd.f32 v0, v26;
	v54 =	vpop (erf);
	v25 =	vmax.f32 v25, v30;
	(xrf2) =	vadd.scan.msk.f32 $0xffff, v51;
	v30 =	vmul.f32 v13, v57  }
0x1e7: {  	v49 =	vld [tilespmem:s0+$0xFFFFFEC0];
	v20 =	vpop (erf);
	v0 =	vmul.f32 v25, v5;
	(xrf2) =	vadd.scan.msk.f32 $0xffff, v42;
	v42 =	vadd.f32 v29, v21;
	v21 =	vmul.f32 v13, v32  }
0x1e8: {  	v52 =	vld [tilespmem:s7+$0xFFFFFEC0];
	v25 =	vmul.f32 v20, v60  }
0x1e9: {  	v36 =	vld [tilespmem:s7+$0xFFFFFFC0];
	v32 =	vadd.f32 v30, v22;
	v22 =	vmul.f32 v14, v34;
	(xrf2) =	vadd.scan.msk.f32 $0xffff, v0;
	v0 =	vadd.f32 v21, v23  }
0x1ea: {  	v60 =	vadd.f32 v31, v62;
	v31 =	vmul.f32 v13, v58;
	v58 =	vld [tilespmem:s0+$0xFFFFFFC0];
	[tilespmem:s10+$0x110] =	vst v25  }
0x1eb: {  	v25 =	vmul.f32 v8, v41;
	v51 =	vld [tilespmem:s30+$0x100];
	[tilespmem:$0x1FE90] =	vst v0;
	v0 =	vadd.f32 v22, v28;
	_ =	sdelay $0x1  }
0x1ec: {  	v21 =	vmul.f32 v8, v27;
	v31 =	vadd.f32 v31, v24;
	v24 =	vld [tilespmem:s20+$0x100];
	[tilespmem:$0x1FEB0] =	vst v0;
	v0 =	vadd.f32 v25, v60  }
0x1ed: {  	v23 =	vmul.f32 v39, v46;
	v22 =	vmul.f32 v8, v39;
	v28 =	vld [tilespmem:s16+$0xFFFFFEC0]  }
0x1ee: {  	v27, _, _ =	vpop (xrf2);
	v57 =	vadd.f32 v21, v40;
	v39 =	vmul.f32 v41, v47;
	v34 =	vld [tilespmem:s21+$0x100];
	[tilespmem:$0x1FEA0] =	vst v0  }
0x1ef: {  	v21 =	vmul.f32 $1.442695020e+00, v27;
	v30 =	vadd.f32 v22, v26;
	v22 =	vmul.f32 v45, v48;
	v41 =	vld [tilespmem:s7+$0x40];
	[tilespmem:s10+$0xFFFFFF50] =	vst v23  }
0x1f0: {  	v0 =	vld [tilespmem:$0x1FE50];
	[tilespmem:s10+$0xFFFFFFE0] =	vst v39  }
0x1f1: {  	v21 =	vbroadcast v21, $0xF;
	v25 =	vld [tilespmem:s0+$0x40];
	v24 =	vadd.f32 v24, v51;
	[tilespmem:s10+$0x70] =	vst v22  }
0x1f2: {  	v62 =	vadd.f32 v44, v55;
	v15 =	vld [tilespmem:$0x1FE60]  }
0x1f3: {  	v44 =	vmul.f32 v61, v50;
	v26 =	vadd.f32 v49, v52;
	v24 =	vadd.f32 v34, v24  }
0x1f4: {  	v46 =	vmul.f32 v14, v61;
	v48 =	vmul.f32 v54, v53;
	v40 =	vld [tilespmem:s16+$0xFFFFFF40]  }
0x1f5: {  	(erf) = vpow2.f32 v21;
	v53 =	vld [tilespmem:s16+$0xFFFFFFC0];
	v21, _, _ =	vpop (xrf2);
	v26 =	vadd.f32 v28, v26;
	v60 =	vmul.f32 $2.000000030e-01, v24  }
0x1f6: {  	v28 =	vadd.f32 v63, v38;
	v50, _, _ =	vpop (xrf2);
	v21 =	vmul.f32 $1.442695020e+00, v21;
	v23 =	vadd.f32 v25, v41;
	v25 =	vld [tilespmem:s16+$0x40]  }
0x1f7: {  	v63, _, _ =	vpop (xrf2);
	v47 =	vmul.f32 $2.000000030e-01, v26;
	v24 =	vmax.f32 v24, v60;
	v60 =	vmul.f32 v7, v15;
	v15 =	vld [tilespmem:$0x1FE70]  }
0x1f8: {  	v49 =	vmul.f32 v8, v45;
	v45 =	vld [tilespmem:s30+$0xFFFFFF70];
	v34 =	vadd.f32 v58, v36;
	v43 =	vmul.f32 $1.442695020e+00, v63  }
0x1f9: {  	v39 =	vld [tilespmem:s30+$0x70];
	v21 =	vbroadcast v21, $0xF;
	v61 =	vmul.f32 v6, v0;
	v26 =	vmax.f32 v26, v47  }
0x1fa: {  	v58 =	vld [tilespmem:s21+$0xFFFFFF70];
	v22 =	vadd.f32 v40, v28;
	v43 =	vbroadcast v43, $0xF;
	v26 =	vmul.f32 v26, v5  }
0x1fb: {  	v0 =	vld [tilespmem:s20+$0xFFFFFFF0];
	(erf) = vpow2.f32 v21;
	v21 =	vmul.f32 v24, v10;
	v28 =	vadd.f32 $0.0e+00, v61  }
0x1fc: {  	v61 =	vmul.f32 $2.000000030e-01, v22;
	(xrf2) =	vadd.scan.msk.f32 $0xffff, v26;
	v23 =	vadd.f32 v25, v23;
	v25 =	vmul.f32 v8, v15;
	v15 =	vld [tilespmem:$0x1FE80]  }
0x1fd: {  	v47 =	vld [tilespmem:s30+$0xFFFFFFF0]  }
0x1fe: {  	v63 =	vld [tilespmem:s20+$0xFFFFFF70];
	(erf) = vpow2.f32 v43;
	v26 =	vadd.f32 v53, v34;
	v22 =	vmax.f32 v22, v61;
	(xrf2) =	vadd.scan.msk.f32 $0xffff, v21  }
0x1ff: {  	v40 =	vmul.f32 v14, v54;
	v54 =	vld [tilespmem:s21+$0x70];
	v21 =	vadd.f32 v60, v28;
	v22 =	vmul.f32 v22, v5;
	[tilespmem:s13+$0xFFFFFF80] =	vst v44  }
0x200: {  	v61 =	vmul.f32 v13, v17;
	v60 =	vld [tilespmem:s21+$0xFFFFFFF0];
	v28 =	vmul.f32 $2.000000030e-01, v26;
	[tilespmem:s13+$0x10] =	vst v48  }
0x201: {  	v43 =	vmul.f32 $2.000000030e-01, v23;
	(xrf2) =	vadd.scan.msk.f32 $0xffff, v22;
	v17 =	vld [tilespmem:$0x1FFE0];
	v21 =	vadd.f32 v25, v21;
	v25 =	vmul.f32 v12, v15  }
0x202: {  	v53 =	vld [tilespmem:s20+$0x70];
	v44 =	vpop (erf);
	v0 =	vadd.f32 v0, v47;
	v26 =	vmax.f32 v26, v28;
	v28 =	vmul.f32 $1.442695020e+00, v50  }
0x203: {  	v34 =	vld [tilespmem:s24+$0xFFFFFFA0];
	v33 =	vmul.f32 v44, v33;
	v29 =	vadd.f32 v25, v21;
	v21 =	vadd.f32 v63, v45  }
0x204: {  	v27 =	vld [tilespmem:s25+$0x20];
	v23 =	vmax.f32 v23, v43;
	v26 =	vmul.f32 v26, v5;
	v63 =	vbroadcast v28, $0xF  }
0x205: {  	v50 =	vmul.f32 v14, v37;
	v43 =	vld [tilespmem:s24+$0x20];
	v23 =	vmul.f32 v23, v5;
	v19 =	vpop (erf);
	v22 =	vadd.f32 v60, v0  }
0x206: {  	v60 =	vld [tilespmem:s25+$0xFFFFFFA0];
	(xrf2) =	vadd.scan.msk.f32 $0xffff, v26;
	v37 =	vmul.f32 v17, v56;
	v5, _, _ =	vpop (xrf2);
	v58 =	vadd.f32 v58, v21;
	(erf) = vpow2.f32 v63  }
0x207: {  	v53 =	vadd.f32 v53, v39;
	v26 =	vld [tilespmem:s25+$0xFFFFFF20];
	v24 =	vmul.f32 $2.000000030e-01, v22;
	v48 =	vmul.f32 $1.442695020e+00, v5;
	v21 =	vpop (erf)  }
0x208: {  	v56 =	vld [tilespmem:s17+$0x20];
	v0, _, _ =	vpop (xrf2);
	(xrf2) =	vadd.scan.msk.f32 $0xffff, v23;
	v63 =	vmul.f32 $2.000000030e-01, v58;
	v59 =	vmul.f32 v21, v59  }
0x209: {  	s31 =	simm.s32 $0x1E2F0;
	v53 =	vadd.f32 v54, v53;
	v25 =	vld [tilespmem:s17+$0xFFFFFFA0];
	v22 =	vmax.f32 v22, v24;
	v0 =	vmul.f32 $1.442695020e+00, v0  }
0x20a: {  	v15 =	vld [tilespmem:$0x1FFF0];
	v22 =	vmul.f32 v22, v4;
	v48 =	vbroadcast v48, $0xF;
	v54 =	vmax.f32 v58, v63;
	[tilespmem:s31+$0xE0] =	vst v59  }
0x20b: {  	v5, _, _ =	vpop (xrf2);
	v0 =	vbroadcast v0, $0xF;
	v24 =	vmul.f32 v54, v4;
	v59 =	vld [tilespmem:s7+$0xD0]  }
0x20c: {  	[tilespmem:s13+$0xA0] =	vst v33;
	(erf) = vpow2.f32 v48;
	v48 =	vmul.f32 $1.442695020e+00, v5;
	v58 =	vld [tilespmem:s0+$0xD0]  }
0x20d: {  	v23 =	vmul.f32 $2.000000030e-01, v53;
	v26 =	vadd.f32 v26, v62;
	v62 =	vadd.f32 v56, v43;
	v56 =	vld [tilespmem:s17+$0xA0];
	(xrf2) =	vadd.scan.msk.f32 $0xffff, v24  }
0x20e: {  	v25 =	vadd.f32 v25, v34;
	(erf) = vpow2.f32 v0;
	v54 =	vld [tilespmem:s16+$0xD0];
	(xrf2) =	vadd.scan.msk.f32 $0xffff, v22;
	v22 =	vbroadcast v48, $0xF  }
0x20f: {  	v5 =	vld [tilespmem:s24+$0xA0];
	v63 =	vmul.f32 $2.000000030e-01, v26;
	v27 =	vadd.f32 v27, v62;
	v24 =	vpop (erf)  }
0x210: {  	v0 =	vmax.f32 v53, v23;
	v25 =	vadd.f32 v60, v25;
	v60, _, _ =	vpop (xrf2);
	v35 =	vmul.f32 v24, v35  }
0x211: {  	v53 =	vld [tilespmem:s25+$0xA0];
	v0 =	vmul.f32 v0, v4;
	v33 =	vmul.f32 $1.442695020e+00, v60;
	v62 =	vadd.f32 v58, v59  }
0x212: {  	v26 =	vmax.f32 v26, v63;
	v63 =	vmul.f32 $2.000000030e-01, v25;
	(erf) = vpow2.f32 v22;
	[tilespmem:s10+$0xFFFFFED0] =	vst v35;
	v22, _, _ =	vpop (xrf2)  }
0x213: {  	v26 =	vmul.f32 v26, v11;
	v54 =	vadd.f32 v54, v62;
	v48 =	vld [tilespmem:s30+$0xFFFFFF00];
	v22 =	vmul.f32 $1.442695020e+00, v22  }
0x214: {  	(xrf2) =	vadd.scan.msk.f32 $0xffff, v0;
	v0 =	vbroadcast v33, $0xF;
	v25 =	vmax.f32 v25, v63;
	v56 =	vadd.f32 v56, v5;
	v60 =	vld [tilespmem:s20+$0xFFFFFF00]  }
0x215: {  	v29 =	vadd.f32 v61, v29;
	v25 =	vmul.f32 v25, v11;
	v33 =	vmul.f32 $2.000000030e-01, v54  }
0x216: {  	(erf) = vpow2.f32 v0;
	v53 =	vadd.f32 v53, v56;
	v35 =	vmul.f32 $2.000000030e-01, v27;
	v58 =	vpop (erf)  }
0x217: {  	v0 =	vmul.f32 v58, v52;
	v52 =	vbroadcast v22, $0xF;
	v33 =	vmax.f32 v54, v33;
	v22 =	vpop (erf);
	v54 =	vld [tilespmem:s21+$0xFFFFFF00]  }
0x218: {  	(xrf2) =	vadd.scan.msk.f32 $0xffff, v26;
	v27 =	vmax.f32 v27, v35;
	v26 =	vmul.f32 v33, v2;
	v51 =	vmul.f32 v22, v51  }
0x219: {  	[tilespmem:s31+$0xFFFFFEA0] =	vst v0;
	v0 =	vmul.f32 $2.000000030e-01, v53;
	v56, _, _ =	vpop (xrf2);
	(erf) = vpow2.f32 v52;
	v33 =	vadd.f32 v60, v48  }
0x21a: {  	v60, _, _ =	vpop (xrf2);
	(xrf2) =	vadd.scan.msk.f32 $0xffff, v26;
	[tilespmem:s10+$0x120] =	vst v51;
	v26 =	vmul.f32 v27, v11;
	v27 =	vmul.f32 $1.442695020e+00, v56  }
0x21b: {  	v62 =	vmul.f32 v14, v44;
	v0 =	vmax.f32 v53, v0;
	v44 =	vmul.f32 $1.442695020e+00, v60;
	v52 =	vld [tilespmem:s30+$0x110]  }
0x21c: {  	v23 =	vpop (erf);
	v56 =	vmul.f32 v0, v11;
	v60 =	vld [tilespmem:s20+$0x110];
	v0 =	vbroadcast v27, $0xF;
	v33 =	vadd.f32 v54, v33  }
0x21d: {  	v29 =	vadd.f32 v50, v29;
	v35 =	vld [tilespmem:s7+$0xFFFFFED0];
	v38 =	vmul.f32 v23, v38;
	v44 =	vbroadcast v44, $0xF  }
0x21e: {  	v53 =	vadd.f32 v49, v42;
	v42 =	vld [tilespmem:s16+$0xFFFFFED0];
	(erf) = vpow2.f32 v0;
	v61 =	vmul.f32 $2.000000030e-01, v33  }
0x21f: {  	v28 =	vmul.f32 v15, v19;
	v29 =	vadd.f32 v37, v29;
	v63, _, _ =	vpop (xrf2);
	v54 =	vld [tilespmem:s21+$0x110];
	[tilespmem:s31+$0xFFFFFF30] =	vst v38  }
0x220: {  	v63 =	vmul.f32 $1.442695020e+00, v63;
	(xrf2) =	vadd.scan.msk.f32 $0xffff, v25;
	v51 =	vld [tilespmem:s7+$0xFFFFFF50];
	v0 =	vpop (erf);
	(erf) = vpow2.f32 v44;
	v25 =	vmax.f32 v33, v61  }
0x221: {  	v33 =	vadd.f32 v60, v52;
	v60 =	vld [tilespmem:s0+$0xFFFFFF50];
	v36 =	vmul.f32 v0, v36;
	v25 =	vmul.f32 v25, v10  }
0x222: {  	v27 =	vld [tilespmem:s0+$0xFFFFFED0];
	v50, _, _ =	vpop (xrf2)  }
0x223: {  	v28 =	vadd.f32 v28, v29;
	v38 =	vbroadcast v63, $0xF;
	v61 =	vpop (erf);
	[tilespmem:s31+$0xFFFFFFC0] =	vst v36;
	(xrf2) =	vadd.scan.msk.f32 $0xffff, v25;
	v25 =	vld [tilespmem:s16+$0xFFFFFF50]  }
0x224: {  	v33 =	vadd.f32 v54, v33;
	v36 =	vmul.f32 $1.442695020e+00, v50;
	v54 =	vmul.f32 v61, v41;
	v50 =	vld [tilespmem:s7+$0xFFFFFFD0]  }
0x225: {  	v49 =	vadd.f32 v46, v32;
	v32 =	vld [tilespmem:s0+$0xFFFFFFD0]  }
0x226: {  	(erf) = vpow2.f32 v38;
	v44, _, _ =	vpop (xrf2);
	v46 =	vmul.f32 $2.000000030e-01, v33;
	[tilespmem:s31+$0x50] =	vst v54;
	v60 =	vadd.f32 v60, v51  }
0x227: {  	v27 =	vadd.f32 v27, v35;
	v38 =	vmul.f32 v6, v0;
	v41 =	vmul.f32 $1.442695020e+00, v44;
	v54 =	vld [tilespmem:s16+$0xFFFFFFD0];
	[tilespmem:$0x1FED0] =	vst v28;
	v28 =	vpop (erf)  }
0x228: {  	(xrf2) =	vadd.scan.msk.f32 $0xffff, v26;
	v33 =	vmax.f32 v33, v46;
	v26 =	vmul.f32 v28, v45;
	v25 =	vadd.f32 v25, v60  }
0x229: {  	v27 =	vadd.f32 v42, v27;
	v36 =	vbroadcast v36, $0xF;
	v46 =	vld [tilespmem:s7+$0x50];
	v29 =	vmul.f32 v33, v1  }
0x22a: {  	v41 =	vbroadcast v41, $0xF;
	v33 =	vld [tilespmem:s0+$0x50];
	v42 =	vpop (erf);
	v0 =	vadd.f32 v32, v50;
	[tilespmem:s10+$0xFFFFFF60] =	vst v26;
	v26 =	vmul.f32 $2.000000030e-01, v25  }
0x22b: {  	(erf) = vpow2.f32 v36;
	(xrf2) =	vadd.scan.msk.f32 $0xffff, v29;
	v29 =	vld [tilespmem:s16+$0x50];
	v32 =	vmul.f32 v42, v47  }
0x22c: {  	(erf) = vpow2.f32 v41;
	v41 =	vld [tilespmem:s30+$0xFFFFFF80];
	v45 =	vadd.f32 v54, v0;
	v0 =	vmax.f32 v25, v26  }
0x22d: {  	v54 =	vld [tilespmem:s20+$0xFFFFFF80];
	[tilespmem:s10+$0xFFFFFFF0] =	vst v32;
	v44 =	vmul.f32 v0, v2;
	v0 =	vadd.f32 v40, v31  }
0x22e: {  	v36 =	vld [tilespmem:s30+$0x0]  }
0x22f: {  	v63 =	vmul.f32 $2.000000030e-01, v27;
	[tilespmem:$0x1FEC0] =	vst v0;
	v0 =	vld [tilespmem:$0x1FE90]  }
0x230: {  	v25 =	vadd.f32 v33, v46;
	v37 =	vmul.f32 $2.000000030e-01, v45  }
0x231: {  	v24 =	vmul.f32 v12, v24;
	v27 =	vmax.f32 v27, v63;
	v63 =	vmul.f32 v6, v61;
	v61, _, _ =	vpop (xrf2)  }
0x232: {  	v47 =	vpop (erf);
	v32 =	vmul.f32 $1.442695020e+00, v61;
	v25 =	vadd.f32 v29, v25;
	v29 =	vmax.f32 v45, v37  }
0x233: {  	v27 =	vmul.f32 v27, v2;
	v26, _, _ =	vpop (xrf2);
	v29 =	vmul.f32 v29, v2  }
0x234: {  	v32 =	vbroadcast v32, $0xF;
	v40 =	vpop (erf);
	v0 =	vadd.f32 v62, v0  }
0x235: {  	v57 =	vadd.f32 v24, v57;
	(xrf2) =	vadd.scan.msk.f32 $0xffff, v27;
	v27 =	vmul.f32 v47, v39;
	v26 =	vmul.f32 $1.442695020e+00, v26;
	v39 =	vld [tilespmem:s21+$0xFFFFFF80];
	v24 =	vpop (erf)  }
0x236: {  	(xrf2) =	vadd.scan.msk.f32 $0xffff, v44;
	v31 =	vld [tilespmem:s20+$0x0];
	(erf) = vpow2.f32 v32;
	v62, _, _ =	vpop (xrf2);
	[tilespmem:$0x1FEE0] =	vst v0  }
0x237: {  	v26 =	vbroadcast v26, $0xF;
	(xrf2) =	vadd.scan.msk.f32 $0xffff, v29;
	v29, _, _ =	vpop (xrf2);
	[tilespmem:s10+$0x80] =	vst v27;
	v27 =	vmul.f32 $1.442695020e+00, v62  }
0x238: {  	v54 =	vadd.f32 v54, v41;
	v59 =	vmul.f32 v24, v59;
	v29 =	vmul.f32 $1.442695020e+00, v29  }
0x239: {  	(erf) = vpow2.f32 v26;
	v27 =	vbroadcast v27, $0xF  }
0x23a: {  	v44 =	vmul.f32 $2.000000030e-01, v25;
	v45 =	vld [tilespmem:s21+$0x0];
	[tilespmem:s31+$0xF0] =	vst v59;
	v59 =	vadd.f32 v39, v54;
	v29 =	vbroadcast v29, $0xF  }
0x23b: {  	v23 =	vmul.f32 v6, v23;
	(erf) = vpow2.f32 v27  }
0x23c: {  	v25 =	vmax.f32 v25, v44;
	v44 =	vld [tilespmem:s30+$0x80];
	v62 =	vmul.f32 $2.000000030e-01, v59;
	(erf) = vpow2.f32 v29  }
0x23d: {  	v37 =	vadd.f32 $0.0e+00, v23;
	v33 =	vmul.f32 v40, v55;
	v26 =	vadd.f32 v31, v36;
	v23 =	vld [tilespmem:s20+$0x80]  }
0x23e: {  	v58 =	vmul.f32 v6, v58;
	v59 =	vmax.f32 v59, v62  }
0x23f: {  	v25 =	vmul.f32 v25, v2;
	[tilespmem:s13+$0xFFFFFF00] =	vst v33;
	v39 =	vld [tilespmem:s7+$0xE0];
	v26 =	vadd.f32 v45, v26;
	v33 =	vmul.f32 v59, v10;
	v27, _, _ =	vpop (xrf2)  }
0x240: {  	v28 =	vmul.f32 v12, v28;
	v61 =	vmul.f32 v12, v42;
	v29 =	vld [tilespmem:s21+$0x80];
	v62, _, _ =	vpop (xrf2)  }
0x241: {  	v45 =	vld [tilespmem:s0+$0xE0];
	(xrf2) =	vadd.scan.msk.f32 $0xffff, v25;
	v32 =	vmul.f32 $2.000000030e-01, v26;
	v25 =	vmul.f32 $1.442695020e+00, v27;
	v59 =	vpop (erf)  }
0x242: {  	v54 =	vadd.f32 $0.0e+00, v58;
	v23 =	vadd.f32 v23, v44;
	(xrf2) =	vadd.scan.msk.f32 $0xffff, v56;
	v58 =	vpop (erf);
	v34 =	vmul.f32 v59, v34  }
0x243: {  	v27 =	vld [tilespmem:s16+$0xE0];
	(xrf2) =	vadd.scan.msk.f32 $0xffff, v33;
	v26 =	vmax.f32 v26, v32;
	v25 =	vbroadcast v25, $0xF;
	v32 =	vmul.f32 $1.442695020e+00, v62;
	v33, _, _ =	vpop (xrf2)  }
0x244: {  	v55 =	vadd.f32 $0.0e+00, v38;
	v38 =	vld [tilespmem:s24+$0xFFFFFF30];
	v48 =	vmul.f32 v58, v48;
	v26 =	vmul.f32 v26, v10;
	v62 =	vpop (erf)  }
0x245: {  	v60 =	vld [tilespmem:s17+$0xFFFFFF30];
	v23 =	vadd.f32 v29, v23;
	(erf) = vpow2.f32 v25;
	v25 =	vbroadcast v32, $0xF;
	v29 =	vpop (erf)  }
0x246: {  	v45 =	vadd.f32 v45, v39;
	v42 =	vmul.f32 $1.442695020e+00, v33;
	[tilespmem:s13+$0xFFFFFF90] =	vst v34;
	v52 =	vmul.f32 v29, v52  }
0x247: {  	v47 =	vmul.f32 v12, v47;
	v56 =	vld [tilespmem:s25+$0xFFFFFF30];
	[tilespmem:s10+$0xFFFFFEE0] =	vst v48;
	(erf) = vpow2.f32 v25  }
0x248: {  	v27 =	vadd.f32 v27, v45;
	(xrf2) =	vadd.scan.msk.f32 $0xffff, v26;
	v26 =	vbroadcast v42, $0xF;
	v42 =	vld [tilespmem:s30+$0xFFFFFF10];
	[tilespmem:s10+$0x130] =	vst v52  }
0x249: {  	v12 =	vadd.f32 v28, v30;
	v59 =	vmul.f32 v17, v59;
	v28 =	vmul.f32 $2.000000030e-01, v23;
	v6 =	vld [tilespmem:$0x1FEA0]  }
0x24a: {  	v45 =	vmul.f32 v17, v40;
	v40 =	vadd.f32 v60, v38;
	v60 =	vld [tilespmem:s20+$0xFFFFFF10];
	v25 =	vmul.f32 $2.000000030e-01, v27  }
0x24b: {  	v58 =	vmul.f32 v13, v58;
	v48 =	vld [tilespmem:s17+$0xFFFFFFB0];
	(erf) = vpow2.f32 v26;
	v23 =	vmax.f32 v23, v28  }
0x24c: {  	v31 =	vld [tilespmem:s21+$0xFFFFFF10];
	v43 =	vmul.f32 v62, v43;
	v30 =	vmul.f32 v23, v10;
	v25 =	vmax.f32 v27, v25;
	v26, _, _ =	vpop (xrf2)  }
0x24d: {  	v23 =	vadd.f32 v56, v40;
	v28 =	vmul.f32 v25, v3;
	v26 =	vmul.f32 $1.442695020e+00, v26;
	v25 =	vld [tilespmem:s24+$0xFFFFFFB0];
	v0, _, _ =	vpop (xrf2)  }
0x24e: {  	v56 =	vadd.f32 v47, v53;
	v52 =	vld [tilespmem:s30+$0x120];
	v47 =	vmul.f32 $1.442695020e+00, v0;
	v40 =	vadd.f32 v61, v6;
	v61 =	vpop (erf)  }
0x24f: {  	v60 =	vadd.f32 v60, v42;
	v53, _, _ =	vpop (xrf2);
	v0 =	vld [tilespmem:$0x1FEB0];
	(xrf2) =	vadd.scan.msk.f32 $0xffff, v28;
	v26 =	vbroadcast v26, $0xF;
	v35 =	vmul.f32 v61, v35  }
0x250: {  	v27 =	vld [tilespmem:s20+$0x120];
	v28 =	vmul.f32 $2.000000030e-01, v23;
	v53 =	vmul.f32 $1.442695020e+00, v53;
	v32 =	vpop (erf)  }
0x251: {  	v31 =	vadd.f32 v31, v60;
	(erf) = vpow2.f32 v26;
	v26 =	vld [tilespmem:s25+$0xFFFFFFB0];
	[tilespmem:s31+$0xFFFFFEB0] =	vst v35;
	v35 =	vmul.f32 v32, v51  }
0x252: {  	(xrf2) =	vadd.scan.msk.f32 $0xffff, v30;
	v30 =	vbroadcast v47, $0xF;
	v23 =	vmax.f32 v23, v28;
	v6 =	vadd.f32 v58, v57;
	v58 =	vld [tilespmem:s21+$0x120]  }
0x253: {  	v28 =	vbroadcast v53, $0xF;
	v47, _, _ =	vpop (xrf2);
	v23 =	vmul.f32 v23, v9;
	v48 =	vadd.f32 v48, v25;
	v51 =	vld [tilespmem:s7+$0xFFFFFEE0]  }
0x254: {  	v45 =	vadd.f32 v45, v0;
	v57 =	vmul.f32 v17, v62;
	v33 =	vmul.f32 $1.442695020e+00, v47;
	v53 =	vld [tilespmem:s0+$0xFFFFFEE0];
	[tilespmem:s31+$0xFFFFFF40] =	vst v35  }
0x255: {  	v27 =	vadd.f32 v27, v52;
	v0 =	vmul.f32 $2.000000030e-01, v31;
	v61 =	vmul.f32 v7, v61;
	v47 =	vld [tilespmem:s7+$0xFFFFFF60];
	v35 =	vpop (erf)  }
0x256: {  	(erf) = vpow2.f32 v28;
	v28 =	vadd.f32 v59, v49;
	v62 =	vld [tilespmem:s0+$0xFFFFFF60];
	v50 =	vmul.f32 v35, v50  }
0x257: {  	v60 =	vbroadcast v33, $0xF;
	v0 =	vmax.f32 v31, v0;
	v27 =	vadd.f32 v58, v27;
	v59 =	vld [tilespmem:s16+$0xFFFFFF60]  }
0x258: {  	v33 =	vmul.f32 v7, v32;
	v0 =	vmul.f32 v0, v1;
	[tilespmem:s31+$0xFFFFFFD0] =	vst v50;
	v50 =	vld [tilespmem:s16+$0xFFFFFEE0]  }
0x259: {  	(erf) = vpow2.f32 v30;
	v30, _, _ =	vpop (xrf2);
	v58 =	vmul.f32 $2.000000030e-01, v27;
	v49 =	vld [tilespmem:s7+$0xFFFFFFE0]  }
0x25a: {  	[tilespmem:s13+$0x20] =	vst v43;
	v43 =	vadd.f32 v26, v48;
	(erf) = vpow2.f32 v60;
	v30 =	vmul.f32 $1.442695020e+00, v30;
	v48 =	vpop (erf);
	v31 =	vld [tilespmem:s0+$0xFFFFFFE0]  }
0x25b: {  	(xrf2) =	vadd.scan.msk.f32 $0xffff, v23;
	v35 =	vmul.f32 v7, v35;
	v46 =	vmul.f32 v48, v46  }
0x25c: {  	(xrf2) =	vadd.scan.msk.f32 $0xffff, v0;
	v23 =	vadd.f32 v53, v51;
	v53 =	vmul.f32 $2.000000030e-01, v43;
	v30 =	vbroadcast v30, $0xF;
	v0 =	vld [tilespmem:s16+$0xFFFFFFE0]  }
0x25d: {  	v26 =	vld [tilespmem:s24+$0x30];
	v27 =	vmax.f32 v27, v58;
	v58 =	vadd.f32 v61, v54;
	v62 =	vadd.f32 v62, v47;
	[tilespmem:s31+$0x60] =	vst v46  }
0x25e: {  	v34, _, _ =	vpop (xrf2);
	v27 =	vmul.f32 v27, v11;
	(erf) = vpow2.f32 v30;
	v54 =	vld [tilespmem:s7+$0x60];
	v23 =	vadd.f32 v50, v23  }
0x25f: {  	v61 =	vpop (erf);
	v30 =	vmul.f32 $1.442695020e+00, v34;
	v46 =	vld [tilespmem:s0+$0x60];
	v59 =	vadd.f32 v59, v62;
	v31 =	vadd.f32 v31, v49  }
0x260: {  	v60 =	vld [tilespmem:s17+$0x30];
	v41 =	vmul.f32 v61, v41;
	v50 =	vmul.f32 $2.000000030e-01, v23  }
0x261: {  	(xrf2) =	vadd.scan.msk.f32 $0xffff, v27;
	v32 =	vld [tilespmem:s16+$0x60];
	v30 =	vbroadcast v30, $0xF;
	v0 =	vadd.f32 v0, v31;
	v31 =	vmul.f32 $2.000000030e-01, v59  }
0x262: {  	v48 =	vmul.f32 v7, v48;
	v62 =	vadd.f32 $0.0e+00, v63;
	[tilespmem:s10+$0xFFFFFF70] =	vst v41;
	v41 =	vld [tilespmem:s25+$0x30];
	v63 =	vpop (erf);
	v23 =	vmax.f32 v23, v50  }
0x263: {  	(erf) = vpow2.f32 v30;
	v30 =	vld [tilespmem:s20+$0xFFFFFF90];
	v34 =	vpop (erf);
	v23 =	vmul.f32 v23, v3;
	v31 =	vmax.f32 v59, v31  }
0x264: {  	v43 =	vmax.f32 v43, v53;
	v53 =	vmul.f32 v34, v36;
	v46 =	vadd.f32 v46, v54;
	v50 =	vld [tilespmem:s30+$0xFFFFFF90]  }
0x265: {  	v60 =	vadd.f32 v60, v26;
	v5 =	vmul.f32 v63, v5;
	(xrf2) =	vadd.scan.msk.f32 $0xffff, v23;
	v23 =	vmul.f32 v31, v3  }
0x266: {  	v36 =	vadd.f32 v33, v37;
	v33 =	vld [tilespmem:s21+$0xFFFFFF90];
	v59 =	vmul.f32 $2.000000030e-01, v0;
	[tilespmem:s10+$0x0] =	vst v53;
	v32 =	vadd.f32 v32, v46;
	v31, _, _ =	vpop (xrf2)  }
0x267: {  	v37 =	vadd.f32 v35, v55;
	v41 =	vadd.f32 v41, v60;
	v53 =	vld [tilespmem:s30+$0x10];
	v27 =	vmul.f32 $1.442695020e+00, v31;
	v31 =	vpop (erf)  }
0x268: {  	v0 =	vmax.f32 v0, v59;
	v46 =	vmul.f32 $2.000000030e-01, v32;
	(xrf2) =	vadd.scan.msk.f32 $0xffff, v23;
	v59 =	vmul.f32 v31, v39;
	v39 =	vld [tilespmem:s20+$0x10]  }
0x269: {  	[tilespmem:s13+$0xB0] =	vst v5;
	v0 =	vmul.f32 v0, v3;
	v30 =	vadd.f32 v30, v50;
	v23, _, _ =	vpop (xrf2);
	v27 =	vbroadcast v27, $0xF  }
0x26a: {  	v5 =	vmul.f32 $2.000000030e-01, v41;
	v35 =	vld [tilespmem:s21+$0x10];
	v32 =	vmax.f32 v32, v46;
	v23 =	vmul.f32 $1.442695020e+00, v23;
	[tilespmem:s31+$0x100] =	vst v59  }
0x26b: {  	v32 =	vmul.f32 v32, v3;
	v60, _, _ =	vpop (xrf2);
	(xrf2) =	vadd.scan.msk.f32 $0xffff, v0;
	v0 =	vadd.f32 v33, v30;
	v55 =	vld [tilespmem:s7+$0xF0];
	(erf) = vpow2.f32 v27  }
0x26c: {  	v27 =	vmul.f32 $1.442695020e+00, v60;
	v33 =	vld [tilespmem:s0+$0xF0];
	v23 =	vbroadcast v23, $0xF  }
0x26d: {  	v30 =	vpop (erf);
	v46 =	vadd.f32 v39, v53;
	v39 =	vadd.f32 v48, v62;
	v48 =	vmul.f32 $2.000000030e-01, v0  }
0x26e: {  	v44 =	vmul.f32 v30, v44;
	v59 =	vbroadcast v27, $0xF  }
0x26f: {  	(erf) = vpow2.f32 v23;
	v35 =	vadd.f32 v35, v46;
	v0 =	vmax.f32 v0, v48  }
0x270: {  	v60 =	vld [tilespmem:s16+$0xF0];
	[tilespmem:s10+$0x90] =	vst v44;
	(erf) = vpow2.f32 v59;
	v23, _, _ =	vpop (xrf2);
	v0 =	vmul.f32 v0, v1  }
0x271: {  	v46 =	vld [tilespmem:s30+$0x90];
	(xrf2) =	vadd.scan.msk.f32 $0xffff, v32;
	v32 =	vadd.f32 v33, v55;
	v23 =	vmul.f32 $1.442695020e+00, v23;
	v33 =	vmul.f32 $2.000000030e-01, v35  }
0x272: {  	v44 =	vmax.f32 v41, v5;
	v59 =	vld [tilespmem:s20+$0x90];
	v62, _, _ =	vpop (xrf2);
	(xrf2) =	vadd.scan.msk.f32 $0xffff, v0;
	v0 =	vmul.f32 v13, v61  }
0x273: {  	v5 =	vmul.f32 $1.442695020e+00, v62;
	v23 =	vbroadcast v23, $0xF;
	v33 =	vmax.f32 v35, v33  }
0x274: {  	v35 =	vld [tilespmem:s21+$0x90];
	v41 =	vadd.f32 v0, v12;
	v0 =	vmul.f32 v33, v1  }
0x275: {  	(erf) = vpow2.f32 v23;
	v23 =	vbroadcast v5, $0xF  }
0x276: {  	v32 =	vadd.f32 v60, v32  }
0x277: {  	v12, _, _ =	vpop (xrf2);
	(erf) = vpow2.f32 v23;
	v23 =	vmul.f32 v13, v30;
	v30 =	vadd.f32 v59, v46  }
0x278: {  	v34 =	vmul.f32 v13, v34;
	v60 =	vpop (erf)  }
0x279: {  	v27 =	vld [tilespmem:s24+$0xB0];
	v33 =	vmul.f32 $2.000000030e-01, v32;
	(xrf2) =	vadd.scan.msk.f32 $0xffff, v0;
	v0 =	vpop (erf);
	v30 =	vadd.f32 v35, v30  }
0x27a: {  	v34 =	vadd.f32 v34, v40;
	v48 =	vld [tilespmem:s17+$0xB0];
	v12 =	vmul.f32 $1.442695020e+00, v12;
	v40 =	vpop (erf);
	v42 =	vmul.f32 v0, v42  }
0x27b: {  	v2 =	vld [tilespmem:$0x1FEC0];
	v52 =	vmul.f32 v40, v52;
	v62 =	vmul.f32 $2.000000030e-01, v30  }
0x27c: {  	v43 =	vmul.f32 v43, v9;
	v5 =	vld [tilespmem:s25+$0xB0];
	[tilespmem:s10+$0xFFFFFEF0] =	vst v42  }
0x27d: {  	v32 =	vmax.f32 v32, v33;
	v13 =	vbroadcast v12, $0xF;
	[tilespmem:s10+$0x140] =	vst v52;
	v30 =	vmax.f32 v30, v62  }
0x27e: {  	v32 =	vmul.f32 v32, v4;
	v30 =	vmul.f32 v30, v1;
	v1 =	vld [tilespmem:$0x1FED0]  }
0x27f: {  	v44 =	vmul.f32 v44, v9;
	v48 =	vadd.f32 v48, v27;
	v38 =	vmul.f32 v60, v38  }
0x280: {  	v33 =	vmul.f32 v17, v63;
	v35 =	vadd.f32 v23, v56;
	(erf) = vpow2.f32 v13;
	v23, _, _ =	vpop (xrf2);
	(xrf2) =	vadd.scan.msk.f32 $0xffff, v32  }
0x281: {  	v63 =	vmul.f32 v15, v60;
	v48 =	vadd.f32 v5, v48;
	v23 =	vmul.f32 $1.442695020e+00, v23;
	v12, _, _ =	vpop (xrf2);
	v42 =	vld [tilespmem:s30+$0xFFFFFF20]  }
0x282: {  	v0 =	vmul.f32 v14, v0;
	v32 =	vadd.f32 v57, v2;
	v2 =	vld [tilespmem:s30+$0x130];
	v57 =	vmul.f32 $1.442695020e+00, v12  }
0x283: {  	v45 =	vadd.f32 v63, v45;
	v4 =	vmul.f32 $2.000000030e-01, v48;
	v61 =	vld [tilespmem:s20+$0x130];
	v5 =	vbroadcast v23, $0xF;
	v13 =	vpop (erf);
	[tilespmem:s13+$0x160] =	vst v1  }
0x284: {  	v51 =	vmul.f32 v13, v51;
	v14 =	vbroadcast v57, $0xF;
	v1 =	vld [tilespmem:$0x1FEE0]  }
0x285: {  	(erf) = vpow2.f32 v5;
	(xrf2) =	vadd.scan.msk.f32 $0xffff, v30;
	v12 =	vpop (erf);
	[tilespmem:s13+$0xFFFFFF20] =	vst v45;
	v45 =	vmax.f32 v48, v4;
	v4 =	vld [tilespmem:s21+$0x130]  }
0x286: {  	v5 =	vmul.f32 v8, v13;
	v30 =	vadd.f32 v0, v6;
	v13, _, _ =	vpop (xrf2);
	(erf) = vpow2.f32 v14;
	[tilespmem:s31+$0xFFFFFEC0] =	vst v51;
	v51 =	vld [tilespmem:s20+$0xFFFFFF20]  }
0x287: {  	v0 =	vmul.f32 v12, v47;
	(xrf2) =	vadd.scan.msk.f32 $0xffff, v43;
	v14 =	vmul.f32 $1.442695020e+00, v13;
	[tilespmem:s13+$0xFFFFFF10] =	vst v38;
	v56 =	vld [tilespmem:s7+$0xFFFFFEF0]  }
0x288: {  	v47 =	vmul.f32 v8, v12;
	v43 =	vmul.f32 v19, v18;
	v61 =	vadd.f32 v61, v2;
	v59 =	vld [tilespmem:s0+$0xFFFFFEF0];
	[tilespmem:$0x1FEF0] =	vst v2  }
0x289: {  	s18 =	simm.s32 $0x180B0;
	s6 =	simm.s32 $0x1CE30;
	v60 =	vbroadcast v14, $0xF;
	v38 =	vadd.f32 v5, v58;
	v48 =	vpop (erf);
	v52 =	vmul.f32 v45, v9;
	[tilespmem:s31+$0xFFFFFF50] =	vst v0;
	v57 =	vld [tilespmem:s16+$0xFFFFFEF0]  }
0x28a: {  	s24 =	simm.s32 $0x1A630;
	s17 =	simm.s32 $0x1E2F0;
	s25 =	simm.s32 $0xA;
	(xrf2) =	vadd.scan.msk.f32 $0xffff, v44;
	v49 =	vmul.f32 v48, v49;
	v58, _, _ =	vpop (xrf2);
	v45 =	vld [tilespmem:s7+$0xFFFFFF70];
	v33 =	vadd.f32 v33, v1;
	v0 =	vadd.f32 v4, v61  }
.LBB2_6:
0x28b: {  	v19 =	vld [tilespmem:$0x1FF10]  }
0x28c: {  	v44 =	vld [tilespmem:s18+$0xC0];
	s0 =	sadd.s32 $0x280, s0;
	[tilespmem:s13+$0x150] =	vst v43  }
0x28d: {  	v61 =	vmul.f32 $1.442695020e+00, v58;
	v43 =	vld [tilespmem:s0+$0xC0];
	v1 =	vmul.f32 $2.000000030e-01, v0  }
0x28e: {  	s16 =	sadd.s32 $0x280, s16;
	(xrf2) =	vadd.scan.msk.f32 $0xffff, v52;
	(erf) = vpow2.f32 v60  }
0x28f: {  	v12 =	vld [tilespmem:s16+$0xC0];
	v4 =	vbroadcast v61, $0xF;
	v0 =	vmax.f32 v0, v1;
	v13, _, _ =	vpop (xrf2)  }
0x290: {  	v23 =	vld [tilespmem:$0x1FF90];
	v47 =	vadd.f32 v47, v36;
	v1 =	vmul.f32 v0, v19;
	v36 =	vmul.f32 $1.442695020e+00, v13  }
0x291: {  	v48 =	vmul.f32 v8, v48;
	v52 =	vld [tilespmem:s18+$0xFFFFFF40];
	v5 =	vpop (erf);
	(erf) = vpow2.f32 v4  }
0x292: {  	v18 =	vld [tilespmem:$0x1FF00];
	v63 =	vadd.f32 v59, v56;
	v43 =	vadd.f32 v43, v44;
	(xrf2) =	vadd.scan.msk.f32 $0xffff, v1;
	v1 =	vbroadcast v36, $0xF  }
0x293: {  	v15 =	vld [tilespmem:$0x1FFA0];
	v48 =	vadd.f32 v48, v37;
	v58 =	vadd.f32 v51, v42;
	v51 =	vmul.f32 v8, v5  }
0x294: {  	[tilespmem:s31+$0xFFFFFFE0] =	vst v49;
	v60 =	vld [tilespmem:s0+$0xFFFFFEC0];
	v57 =	vadd.f32 v57, v63;
	v4 =	vpop (erf);
	v43 =	vadd.f32 v12, v43;
	(erf) = vpow2.f32 v1  }
0x295: {  	v62 =	vld [tilespmem:s0+$0xFFFFFFC0];
	v54 =	vmul.f32 v5, v54;
	v37 =	vadd.f32 v51, v39;
	v0, _, _ =	vpop (xrf2);
	v39 =	vmul.f32 v23, v4  }
0x296: {  	v6 =	vmov v21;
	v51 =	vld [tilespmem:s18+$0xFFFFFFC0];
	v63 =	vmul.f32 $1.442695020e+00, v0;
	v12, _, _ =	vpop (xrf2);
	v59 =	vmul.f32 $2.000000030e-01, v43  }
0x297: {  	v14 =	vld [tilespmem:s0+$0xFFFFFF40];
	v5 =	vmul.f32 $2.000000030e-01, v57;
	v61 =	vpop (erf);
	v1 =	vmul.f32 $1.442695020e+00, v12;
	v36 =	vadd.f32 v39, v41  }
0x298: {  	v39 =	vmul.f32 v61, v53;
	v41 =	vbroadcast v63, $0xF;
	v53, _, _ =	vpop (xrf2);
	v43 =	vmax.f32 v43, v59;
	v59 =	vld [tilespmem:s16+$0xFFFFFFC0]  }
0x299: {  	v2 =	vld [tilespmem:s16+$0xFFFFFEC0];
	[tilespmem:$0x1FDE0] =	vst v6;
	v50 =	vmul.f32 v4, v50;
	v13 =	vmul.f32 $1.442695020e+00, v53  }
0x29a: {  	v6 =	vld [tilespmem:$0x1FDF0];
	[tilespmem:s31+$0x70] =	vst v54;
	v0 =	vmax.f32 v57, v5;
	v1 =	vbroadcast v1, $0xF;
	v3 =	vpop (erf);
	(erf) = vpow2.f32 v41  }
0x29b: {  	v12 =	vld [tilespmem:$0x1FF40];
	v62 =	vadd.f32 v62, v51;
	[tilespmem:s10+$0x10] =	vst v39;
	v39 =	vbroadcast v13, $0xF;
	v13 =	vmul.f32 v15, v16  }
0x29c: {  	v49 =	vld [tilespmem:s18+$0x40];
	v57 =	vadd.f32 v14, v52;
	v14 =	vmul.f32 v3, v55;
	(erf) = vpow2.f32 v1  }
0x29d: {  	v55 =	vadd.f32 v59, v62;
	v59 =	vpop (erf);
	(erf) = vpow2.f32 v39;
	v39 =	vadd.f32 $0.0e+00, v13;
	v13 =	vld [tilespmem:$0x1FFB0]  }
0x29e: {  	v5 =	vld [tilespmem:s16+$0x40];
	[tilespmem:s10+$0xFFFFFF80] =	vst v50  }
0x29f: {  	v54 =	vmul.f32 v0, v18;
	v63 =	vld [tilespmem:s16+$0xFFFFFF40]  }
0x2a0: {  	v50 =	vld [tilespmem:s0+$0x40];
	v43 =	vmul.f32 v43, v12  }
0x2a1: {  	v0 =	vld [tilespmem:s18+$0xFFFFFEC0];
	(xrf2) =	vadd.scan.msk.f32 $0xffff, v54;
	[tilespmem:s31+$0x110] =	vst v14  }
0x2a2: {  	(xrf2) =	vadd.scan.msk.f32 $0xffff, v43;
	v54 =	vld [tilespmem:s7+$0x100];
	v14 =	vmul.f32 v13, v6;
	v6 =	vmov v24  }
0x2a3: {  	[tilespmem:$0x1FDF0] =	vst v6;
	v6 =	vld [tilespmem:$0x1FE00]  }
0x2a4: {  	v21 =	vadd.f32 v63, v57;
	v57 =	vld [tilespmem:s24+$0x100]  }
0x2a5: {  	v4 =	vadd.f32 v50, v49;
	v39 =	vadd.f32 v14, v39;
	v14 =	vld [tilespmem:$0x1FFC0]  }
0x2a6: {  	v11 =	vld [tilespmem:$0x1FFE0];
	v53 =	vmul.f32 v23, v61;
	v1, _, _ =	vpop (xrf2)  }
0x2a7: {  	v60 =	vadd.f32 v60, v0;
	v1 =	vmul.f32 $1.442695020e+00, v1;
	v4 =	vadd.f32 v5, v4;
	v5 =	vld [tilespmem:s6+$0x100]  }
0x2a8: {  	v7 =	vld [tilespmem:s24+$0x70];
	v62 =	vmul.f32 $2.000000030e-01, v21;
	v61 =	vmul.f32 v8, v6  }
0x2a9: {  	v50 =	vld [tilespmem:s7+$0xFFFFFFF0];
	v2 =	vadd.f32 v2, v60;
	v1 =	vbroadcast v1, $0xF;
	v8 =	vmov v31  }
0x2aa: {  	v43 =	vld [tilespmem:s24+$0xFFFFFF70];
	[tilespmem:$0x1FE00] =	vst v8;
	v8 =	vadd.f32 v57, v54;
	v20 =	vmul.f32 v14, v20;
	v39 =	vadd.f32 v61, v39  }
0x2ab: {  	v60 =	vld [tilespmem:s24+$0xFFFFFFF0];
	v9 =	vmul.f32 $2.000000030e-01, v2;
	v21 =	vmax.f32 v21, v62;
	v63, _, _ =	vpop (xrf2);
	v6 =	vmul.f32 $2.000000030e-01, v4  }
0x2ac: {  	(erf) = vpow2.f32 v1;
	v62, _, _ =	vpop (xrf2);
	v5 =	vadd.f32 v5, v8;
	v8 =	vadd.f32 v20, v39;
	v20 =	vld [tilespmem:$0x1FFD0]  }
0x2ad: {  	v1 =	vmax.f32 v2, v9;
	v62 =	vmul.f32 $1.442695020e+00, v62;
	v4 =	vmax.f32 v4, v6;
	v6 =	vld [tilespmem:s6+$0xFFFFFFF0]  }
0x2ae: {  	v2 =	vmul.f32 $2.000000030e-01, v55;
	v24 =	vld [tilespmem:s7+$0x70];
	v1 =	vmul.f32 v1, v12  }
0x2af: {  	v10 =	vmov v3;
	v16 =	vbroadcast v62, $0xF;
	v62 =	vld [tilespmem:$0x1FF50]  }
0x2b0: {  	v2 =	vmax.f32 v55, v2;
	v55 =	vld [tilespmem:s6+$0x70];
	(xrf2) =	vadd.scan.msk.f32 $0xffff, v1;
	v1 =	vadd.f32 v60, v50;
	v61 =	vpop (erf);
	v3 =	vmul.f32 $2.000000030e-01, v5  }
0x2b1: {  	v31 =	vld [tilespmem:s6+$0xFFFFFF70];
	v57 =	vpop (erf);
	v22 =	vmul.f32 v20, v22  }
0x2b2: {  	v41 =	vpop (erf);
	(erf) = vpow2.f32 v16;
	v16 =	vld [tilespmem:$0x1FFF0];
	v3 =	vmax.f32 v5, v3;
	v1 =	vadd.f32 v6, v1  }
0x2b3: {  	v9 =	vld [tilespmem:s20+$0xFFFFFFA0];
	v6 =	vmul.f32 $1.442695020e+00, v63;
	v8 =	vadd.f32 v22, v8;
	v22 =	vmul.f32 v23, v29  }
0x2b4: {  	v17 =	vadd.f32 v43, v45;
	v60 =	vld [tilespmem:s21+$0xFFFFFFA0];
	v7 =	vadd.f32 v7, v24;
	v3 =	vmul.f32 v3, v62  }
0x2b5: {  	v39 =	vld [tilespmem:s30+$0xFFFFFFA0];
	v6 =	vbroadcast v6, $0xF;
	v8 =	vadd.f32 v22, v8;
	v22 =	vmul.f32 v11, v40  }
0x2b6: {  	v21 =	vmul.f32 v21, v12;
	v7 =	vadd.f32 v55, v7;
	v17 =	vadd.f32 v31, v17;
	v5 =	vld [tilespmem:s20+$0x20];
	v43 =	vpop (erf)  }
0x2b7: {  	(xrf2) =	vadd.scan.msk.f32 $0xffff, v3;
	(erf) = vpow2.f32 v6;
	v40 =	vld [tilespmem:s21+$0xFFFFFF20];
	v8 =	vadd.f32 v22, v8;
	v22 =	vmul.f32 v16, v43  }
0x2b8: {  	v2 =	vmul.f32 v2, v12;
	v55 =	vmul.f32 $2.000000030e-01, v7;
	v29 =	vld [tilespmem:s30+$0x20];
	(xrf2) =	vadd.scan.msk.f32 $0xffff, v21  }
0x2b9: {  	v31 =	vmul.f32 $2.000000030e-01, v1;
	v8 =	vadd.f32 v22, v8;
	v22 =	vmul.f32 $2.000000030e-01, v17  }
0x2ba: {  	v4 =	vmul.f32 v4, v12;
	v7 =	vmax.f32 v7, v55;
	v9 =	vadd.f32 v9, v39;
	v3 =	vld [tilespmem:s21+$0x20];
	v21, _, _ =	vpop (xrf2);
	(xrf2) =	vadd.scan.msk.f32 $0xffff, v2  }
0x2bb: {  	v1 =	vmax.f32 v1, v31;
	[tilespmem:s10+$0x160] =	vst v8;
	v8 =	vmax.f32 v17, v22;
	v17 =	vmul.f32 v59, v46  }
0x2bc: {  	v9 =	vadd.f32 v60, v9;
	v2 =	vmul.f32 v7, v18;
	v7 =	vadd.f32 v40, v58  }
0x2bd: {  	v1 =	vmul.f32 v1, v18;
	v6 =	vmul.f32 $1.442695020e+00, v21;
	v5 =	vadd.f32 v5, v29;
	[tilespmem:s10+$0xA0] =	vst v17  }
0x2be: {  	(xrf2) =	vadd.scan.msk.f32 $0xffff, v4;
	v12 =	vmul.f32 $2.000000030e-01, v9;
	v21 =	vpop (erf);
	v63 =	vmul.f32 $2.000000030e-01, v7;
	v31 =	vld [tilespmem:s30+$0xA0]  }
0x2bf: {  	v58 =	vmul.f32 v21, v44;
	v3 =	vadd.f32 v3, v5;
	v8 =	vmul.f32 v8, v18;
	v46 =	vld [tilespmem:s20+$0xA0]  }
0x2c0: {  	s31 =	sadd.s32 $0x2D0, s31;
	v6 =	vbroadcast v6, $0xF;
	v22 =	vmul.f32 v23, v59;
	v55 =	vpop (erf);
	v4 =	vmax.f32 v7, v63;
	v63 =	vld [tilespmem:$0x1FF70]  }
0x2c1: {  	[tilespmem:s31+$0xE0] =	vst v58;
	v5 =	vld [tilespmem:s21+$0xA0];
	v17, _, _ =	vpop (xrf2);
	(xrf2) =	vadd.scan.msk.f32 $0xffff, v8;
	v8 =	vmax.f32 v9, v12;
	v9 =	vmul.f32 $2.000000030e-01, v3  }
0x2c2: {  	(erf) = vpow2.f32 v6;
	v44 =	vadd.f32 v22, v35;
	v59 =	vld [tilespmem:s18+$0xD0];
	v6 =	vmul.f32 $1.442695020e+00, v17;
	v17, _, _ =	vpop (xrf2)  }
0x2c3: {  	v60 =	vmul.f32 v55, v56;
	v7 =	vld [tilespmem:s0+$0xD0];
	(xrf2) =	vadd.scan.msk.f32 $0xffff, v1;
	v17 =	vmul.f32 $1.442695020e+00, v17;
	v3 =	vmax.f32 v3, v9  }
0x2c4: {  	v9 =	vmul.f32 v16, v61;
	v58, _, _ =	vpop (xrf2);
	(xrf2) =	vadd.scan.msk.f32 $0xffff, v2;
	v6 =	vbroadcast v6, $0xF;
	v22 =	vadd.f32 v46, v31  }
0x2c5: {  	v40 =	vadd.f32 v53, v34;
	v53 =	vld [tilespmem:s16+$0xD0];
	v34 =	vmul.f32 v3, v63;
	v3 =	vbroadcast v17, $0xF  }
0x2c6: {  	v4 =	vmul.f32 v4, v63;
	(erf) = vpow2.f32 v6;
	v1 =	vadd.f32 v5, v22  }
0x2c7: {  	v9 =	vadd.f32 v9, v28;
	v5 =	vmul.f32 $1.442695020e+00, v58;
	(erf) = vpow2.f32 v3  }
0x2c8: {  	[tilespmem:s17+$0xFFFFFED0] =	vst v60;
	v22 =	vadd.f32 v7, v59;
	v3 =	vmul.f32 v14, v55;
	v6, _, _ =	vpop (xrf2);
	v17 =	vmul.f32 $2.000000030e-01, v1  }
0x2c9: {  	v55 =	vld [tilespmem:s7+$0xFFFFFF00];
	[tilespmem:s13+$0xFFFFFFB0] =	vst v9;
	v2 =	vbroadcast v5, $0xF;
	v9 =	vmul.f32 $1.442695020e+00, v6  }
0x2ca: {  	v8 =	vmul.f32 v8, v63;
	v35 =	vadd.f32 v53, v22;
	v53 =	vadd.f32 v3, v38;
	v3 =	vld [tilespmem:s24+$0xFFFFFF00]  }
0x2cb: {  	v7 =	vpop (erf);
	v38 =	vld [tilespmem:$0x1FF30];
	v1 =	vmax.f32 v1, v17;
	(erf) = vpow2.f32 v2;
	v46 =	vbroadcast v9, $0xF  }
0x2cc: {  	v2 =	vld [tilespmem:s6+$0xFFFFFF00];
	v6, _, _ =	vpop (xrf2);
	v60 =	vmul.f32 v1, v63;
	v1 =	vmul.f32 $2.000000030e-01, v35  }
0x2cd: {  	(xrf2) =	vadd.scan.msk.f32 $0xffff, v4;
	v0 =	vmul.f32 v7, v0;
	v56 =	vmul.f32 $1.442695020e+00, v6;
	v6, _, _ =	vpop (xrf2)  }
0x2ce: {  	v7 =	vmul.f32 v15, v7;
	(erf) = vpow2.f32 v46;
	v12, _, _ =	vpop (xrf2);
	v1 =	vmax.f32 v35, v1  }
0x2cf: {  	[tilespmem:s31+$0xFFFFFEA0] =	vst v0;
	v3 =	vadd.f32 v3, v55;
	v4 =	vbroadcast v56, $0xF;
	v46 =	vmul.f32 $1.442695020e+00, v12;
	v22 =	vpop (erf)  }
0x2d0: {  	v0 =	vadd.f32 $0.0e+00, v7;
	v28 =	vld [tilespmem:s18+$0xFFFFFED0];
	v1 =	vmul.f32 v1, v38;
	v58 =	vmul.f32 v22, v54  }
0x2d1: {  	v7 =	vld [tilespmem:s0+$0xFFFFFED0];
	v2 =	vadd.f32 v2, v3;
	v3 =	vmul.f32 v61, v25;
	v61 =	vmul.f32 v16, v41  }
0x2d2: {  	v9 =	vld [tilespmem:s16+$0xFFFFFED0];
	v17 =	vpop (erf);
	(erf) = vpow2.f32 v4;
	(xrf2) =	vadd.scan.msk.f32 $0xffff, v1;
	v1 =	vmul.f32 $1.442695020e+00, v6;
	[tilespmem:s17+$0x120] =	vst v58  }
0x2d3: {  	v6 =	vmul.f32 v16, v57;
	v25 =	vmul.f32 v17, v52;
	v58 =	vld [tilespmem:s7+$0x110]  }
0x2d4: {  	[tilespmem:s13+$0xFFFFFFA0] =	vst v3;
	v52 =	vmul.f32 $2.000000030e-01, v2;
	v1 =	vbroadcast v1, $0xF;
	v35 =	vld [tilespmem:s24+$0x110]  }
0x2d5: {  	v3 =	vadd.f32 v61, v33;
	(xrf2) =	vadd.scan.msk.f32 $0xffff, v8;
	v8 =	vbroadcast v46, $0xF;
	v6 =	vadd.f32 v6, v32;
	v4 =	vpop (erf)  }
0x2d6: {  	[tilespmem:s31+$0xFFFFFF30] =	vst v25;
	v25 =	vld [tilespmem:s6+$0x110];
	v2 =	vmax.f32 v2, v52;
	(erf) = vpow2.f32 v1;
	v61 =	vmul.f32 v4, v51  }
0x2d7: {  	v46, _, _ =	vpop (xrf2);
	v56 =	vld [tilespmem:s18+$0xFFFFFF50];
	v1 =	vadd.f32 v7, v28;
	[tilespmem:s13+$0x40] =	vst v6;
	v6 =	vmul.f32 v15, v17;
	v2 =	vmul.f32 v2, v62  }
0x2d8: {  	[tilespmem:s13+$0xD0] =	vst v3;
	v3 =	vld [tilespmem:s0+$0xFFFFFF50];
	v51 =	vmul.f32 $1.442695020e+00, v46;
	v7 =	vpop (erf);
	(erf) = vpow2.f32 v8  }
0x2d9: {  	v1 =	vadd.f32 v9, v1;
	[tilespmem:s31+$0xFFFFFFC0] =	vst v61;
	(xrf2) =	vadd.scan.msk.f32 $0xffff, v2;
	v2 =	vld [tilespmem:s16+$0xFFFFFF50];
	v9 =	vadd.f32 v35, v58  }
0x2da: {  	v4 =	vmul.f32 v15, v4;
	v52 =	vmul.f32 v7, v49;
	v54 =	vld [tilespmem:s18+$0xFFFFFFD0]  }
0x2db: {  	v5 =	vbroadcast v51, $0xF;
	v49 =	vadd.f32 $0.0e+00, v6;
	v6 =	vld [tilespmem:s0+$0xFFFFFFD0];
	v9 =	vadd.f32 v25, v9  }
0x2dc: {  	v46 =	vadd.f32 $0.0e+00, v4;
	v4 =	vld [tilespmem:s16+$0xFFFFFFD0];
	[tilespmem:s31+$0x50] =	vst v52  }
0x2dd: {  	(erf) = vpow2.f32 v5;
	v52 =	vld [tilespmem:s18+$0x50];
	v8, _, _ =	vpop (xrf2);
	v61 =	vmul.f32 $2.000000030e-01, v9  }
0x2de: {  	v3 =	vadd.f32 v3, v56;
	v25 =	vmul.f32 v57, v26;
	v5 =	vld [tilespmem:s0+$0x50];
	v8 =	vmul.f32 $1.442695020e+00, v8  }
0x2df: {  	v7 =	vmul.f32 v15, v7;
	v26 =	vpop (erf);
	v9 =	vmax.f32 v9, v61;
	v61 =	vld [tilespmem:$0x1FF20]  }
0x2e0: {  	v17 =	vmul.f32 $2.000000030e-01, v1;
	v51 =	vmul.f32 v26, v45;
	[tilespmem:s13+$0x30] =	vst v25;
	v25 =	vld [tilespmem:s16+$0x50];
	v2 =	vadd.f32 v2, v3  }
0x2e1: {  	v35 =	vadd.f32 $0.0e+00, v7;
	(xrf2) =	vadd.scan.msk.f32 $0xffff, v34;
	v7 =	vmul.f32 v14, v26;
	v15 =	vbroadcast v8, $0xF;
	v33 =	vpop (erf)  }
0x2e2: {  	v1 =	vmax.f32 v1, v17;
	[tilespmem:s17+$0xFFFFFF60] =	vst v51;
	v45 =	vmul.f32 $2.000000030e-01, v2;
	v57 =	vmul.f32 v33, v50;
	v8 =	vpop (erf)  }
0x2e3: {  	v26 =	vld [tilespmem:s24+$0xFFFFFF80];
	v5 =	vadd.f32 v5, v52;
	(erf) = vpow2.f32 v15;
	v24 =	vmul.f32 v8, v24  }
0x2e4: {  	v1 =	vmul.f32 v1, v38;
	v6 =	vadd.f32 v6, v54;
	v17, _, _ =	vpop (xrf2);
	v50 =	vld [tilespmem:s7+$0xFFFFFF80];
	[tilespmem:s17+$0xFFFFFFF0] =	vst v57;
	v3 =	vmul.f32 v9, v61  }
0x2e5: {  	v2 =	vmax.f32 v2, v45;
	v5 =	vadd.f32 v25, v5;
	v51 =	vld [tilespmem:s7+$0x0];
	v9 =	vmul.f32 $1.442695020e+00, v17;
	[tilespmem:s17+$0x80] =	vst v24  }
0x2e6: {  	v57 =	vmul.f32 v14, v33;
	v8 =	vmul.f32 v14, v8;
	v45 =	vld [tilespmem:s7+$0x80];
	(xrf2) =	vadd.scan.msk.f32 $0xffff, v3;
	v3 =	vadd.f32 v4, v6  }
0x2e7: {  	v34 =	vadd.f32 v7, v47;
	v7 =	vmul.f32 $2.000000030e-01, v5;
	v12 =	vld [tilespmem:s24+$0x80];
	v6 =	vbroadcast v9, $0xF  }
0x2e8: {  	v2 =	vmul.f32 v2, v38;
	v17, _, _ =	vpop (xrf2);
	v9 =	vld [tilespmem:s24+$0x0];
	(xrf2) =	vadd.scan.msk.f32 $0xffff, v1;
	v24 =	vmul.f32 $2.000000030e-01, v3  }
0x2e9: {  	v17 =	vmul.f32 $1.442695020e+00, v17;
	v25 =	vadd.f32 v26, v50;
	v26 =	vld [tilespmem:s6+$0xFFFFFF80];
	v5 =	vmax.f32 v5, v7  }
0x2ea: {  	v7 =	vld [tilespmem:s6+$0x0];
	v1 =	vpop (erf);
	v5 =	vmul.f32 v5, v38;
	(erf) = vpow2.f32 v6;
	v3 =	vmax.f32 v3, v24  }
0x2eb: {  	v6, _, _ =	vpop (xrf2);
	(xrf2) =	vadd.scan.msk.f32 $0xffff, v2;
	v2 =	vbroadcast v17, $0xF;
	v3 =	vmul.f32 v3, v38  }
0x2ec: {  	v32 =	vadd.f32 v8, v37;
	v17 =	vld [tilespmem:s6+$0x80];
	v6 =	vmul.f32 $1.442695020e+00, v6;
	v38 =	vmul.f32 v11, v1;
	v24 =	vpop (erf)  }
0x2ed: {  	v9 =	vadd.f32 v9, v51;
	(erf) = vpow2.f32 v2;
	v14 =	vmul.f32 v24, v59  }
0x2ee: {  	v2 =	vadd.f32 v12, v45;
	v37 =	vbroadcast v6, $0xF;
	v6 =	vadd.f32 v26, v25  }
0x2ef: {  	(xrf2) =	vadd.scan.msk.f32 $0xffff, v3;
	v3 =	vmul.f32 v1, v42;
	v7 =	vadd.f32 v7, v9;
	[tilespmem:s31+$0xF0] =	vst v14  }
0x2f0: {  	v25 =	vmul.f32 v41, v27;
	v41 =	vmul.f32 $2.000000030e-01, v6;
	v27 =	vld [tilespmem:s18+$0xE0]  }
0x2f1: {  	[tilespmem:s10+$0xFFFFFF00] =	vst v3;
	(erf) = vpow2.f32 v37;
	v2 =	vadd.f32 v17, v2;
	v42 =	vmul.f32 $2.000000030e-01, v7;
	v8, _, _ =	vpop (xrf2);
	v3 =	vld [tilespmem:s0+$0xE0]  }
0x2f2: {  	v30 =	vadd.f32 v38, v30;
	(xrf2) =	vadd.scan.msk.f32 $0xffff, v5;
	v38 =	vld [tilespmem:s30+$0xFFFFFF30];
	v8 =	vmul.f32 $1.442695020e+00, v8;
	v1, _, _ =	vpop (xrf2);
	v4 =	vmax.f32 v6, v41  }
0x2f3: {  	v6 =	vmul.f32 $2.000000030e-01, v2;
	v5 =	vmax.f32 v7, v42;
	v7 =	vld [tilespmem:s20+$0xFFFFFF30];
	v1 =	vmul.f32 $1.442695020e+00, v1  }
0x2f4: {  	v9 =	vld [tilespmem:s16+$0xE0];
	(xrf2) =	vadd.scan.msk.f32 $0xffff, v60;
	v4 =	vmul.f32 v4, v62;
	v47 =	vbroadcast v8, $0xF  }
0x2f5: {  	v17 =	vpop (erf);
	v5 =	vmul.f32 v5, v62;
	v2 =	vmax.f32 v2, v6;
	v1 =	vbroadcast v1, $0xF  }
0x2f6: {  	v33 =	vadd.f32 v57, v48;
	[tilespmem:s13+$0xC0] =	vst v25;
	v6 =	vld [tilespmem:s21+$0xFFFFFF30];
	v2 =	vmul.f32 v2, v62;
	(erf) = vpow2.f32 v47;
	v8, _, _ =	vpop (xrf2)  }
0x2f7: {  	v3 =	vadd.f32 v3, v27;
	v25 =	vpop (erf);
	(xrf2) =	vadd.scan.msk.f32 $0xffff, v4;
	v48 =	vmul.f32 $1.442695020e+00, v8;
	(erf) = vpow2.f32 v1  }
0x2f8: {  	v62 =	vmul.f32 v11, v17;
	v1 =	vmul.f32 v25, v55;
	v7 =	vadd.f32 v7, v38  }
0x2f9: {  	v12 =	vld [tilespmem:$0x1FF60];
	s13 =	smov.u32 s10;
	s10 =	smov.u32 s17;
	v3 =	vadd.f32 v9, v3;
	v8, _, _ =	vpop (xrf2);
	v9 =	vmul.f32 v17, v39;
	v55 =	vbroadcast v48, $0xF  }
0x2fa: {  	(xrf2) =	vadd.scan.msk.f32 $0xffff, v5;
	v8 =	vmul.f32 $1.442695020e+00, v8;
	[tilespmem:s10+$0xFFFFFEE0] =	vst v1;
	v1 =	vmul.f32 v20, v25;
	v57 =	vpop (erf)  }
0x2fb: {  	v6 =	vadd.f32 v6, v7;
	v25 =	vmul.f32 $2.000000030e-01, v3;
	v42 =	vld [tilespmem:s7+$0xFFFFFF10];
	v7 =	vmul.f32 v57, v29  }
0x2fc: {  	(erf) = vpow2.f32 v55;
	v41 =	vbroadcast v8, $0xF;
	v48, _, _ =	vpop (xrf2);
	v8 =	vld [tilespmem:s24+$0xFFFFFF10]  }
0x2fd: {  	[tilespmem:s13+$0xFFFFFF90] =	vst v9;
	v47 =	vadd.f32 v1, v53;
	v1 =	vld [tilespmem:s6+$0xFFFFFF10];
	v5 =	vmul.f32 $1.442695020e+00, v48;
	v3 =	vmax.f32 v3, v25  }
0x2fe: {  	v37 =	vld [tilespmem:s21+$0xFFFFFFB0];
	v9, _, _ =	vpop (xrf2);
	v3 =	vmul.f32 v3, v12;
	(erf) = vpow2.f32 v41  }
0x2ff: {  	v25 =	vld [tilespmem:s30+$0xFFFFFFB0];
	v9 =	vmul.f32 $1.442695020e+00, v9;
	v55 =	vbroadcast v5, $0xF;
	v29 =	vpop (erf)  }
0x300: {  	[tilespmem:s13+$0x20] =	vst v7;
	v7 =	vld [tilespmem:s20+$0xFFFFFFB0];
	(xrf2) =	vadd.scan.msk.f32 $0xffff, v3;
	v3 =	vmul.f32 $2.000000030e-01, v6;
	v59 =	vmul.f32 v29, v58;
	v60 =	vpop (erf)  }
0x301: {  	v26 =	vld [tilespmem:s30+$0x30];
	v8 =	vadd.f32 v8, v42;
	(erf) = vpow2.f32 v55;
	v48, _, _ =	vpop (xrf2);
	(xrf2) =	vadd.scan.msk.f32 $0xffff, v2;
	v2 =	vbroadcast v9, $0xF  }
0x302: {  	v17 =	vld [tilespmem:s20+$0x30];
	v28 =	vmul.f32 v60, v28;
	v3 =	vmax.f32 v6, v3;
	v4 =	vmul.f32 $1.442695020e+00, v48;
	[tilespmem:s10+$0x130] =	vst v59  }
0x303: {  	v59 =	vmul.f32 v11, v57;
	v1 =	vadd.f32 v1, v8;
	v8 =	vmul.f32 v13, v60;
	v58 =	vld [tilespmem:s7+$0x120]  }
0x304: {  	v3 =	vmul.f32 v3, v19;
	v53, _, _ =	vpop (xrf2);
	v6 =	vld [tilespmem:s24+$0x120];
	v4 =	vbroadcast v4, $0xF  }
0x305: {  	v7 =	vadd.f32 v7, v25;
	[tilespmem:s31+$0xFFFFFEB0] =	vst v28;
	v41 =	vld [tilespmem:s6+$0x120];
	v60 =	vmul.f32 $1.442695020e+00, v53;
	v9 =	vpop (erf);
	v5 =	vmul.f32 $2.000000030e-01, v1  }
0x306: {  	v28 =	vadd.f32 v62, v36;
	v62 =	vld [tilespmem:s0+$0xFFFFFEE0];
	v14 =	vmul.f32 v9, v56;
	v9 =	vmul.f32 v13, v9  }
0x307: {  	(xrf2) =	vadd.scan.msk.f32 $0xffff, v3;
	v56 =	vld [tilespmem:s18+$0xFFFFFEE0];
	v15 =	vbroadcast v60, $0xF;
	v39 =	vpop (erf);
	(erf) = vpow2.f32 v4;
	v1 =	vmax.f32 v1, v5  }
0x308: {  	v5 =	vadd.f32 v37, v7;
	[tilespmem:s31+$0xFFFFFF40] =	vst v14;
	v57 =	vmul.f32 v39, v54;
	(erf) = vpow2.f32 v2;
	v2 =	vld [tilespmem:s16+$0xFFFFFEE0]  }
0x309: {  	v1 =	vmul.f32 v1, v61;
	v39 =	vmul.f32 v13, v39;
	v48 =	vld [tilespmem:s18+$0xFFFFFF60];
	v6 =	vadd.f32 v6, v58  }
0x30a: {  	v36 =	vld [tilespmem:s0+$0xFFFFFF60];
	(erf) = vpow2.f32 v15;
	v7 =	vmul.f32 $2.000000030e-01, v5;
	v3, _, _ =	vpop (xrf2)  }
0x30b: {  	[tilespmem:s31+$0xFFFFFFD0] =	vst v57;
	v4 =	vpop (erf);
	(xrf2) =	vadd.scan.msk.f32 $0xffff, v1;
	v1 =	vld [tilespmem:s16+$0xFFFFFF60];
	v6 =	vadd.f32 v41, v6;
	v3 =	vmul.f32 $1.442695020e+00, v3  }
0x30c: {  	v57 =	vadd.f32 v8, v0;
	v0 =	vld [tilespmem:s18+$0xFFFFFFE0];
	v8 =	vadd.f32 v62, v56;
	v60 =	vmul.f32 v4, v52  }
0x30d: {  	v37 =	vld [tilespmem:s0+$0xFFFFFFE0];
	v14, _, _ =	vpop (xrf2);
	v5 =	vmax.f32 v5, v7;
	v62 =	vmul.f32 $2.000000030e-01, v6;
	v3 =	vbroadcast v3, $0xF  }
0x30e: {  	v4 =	vmul.f32 v13, v4;
	[tilespmem:s31+$0x60] =	vst v60;
	v60 =	vmul.f32 $1.442695020e+00, v14;
	v2 =	vadd.f32 v2, v8  }
0x30f: {  	v55 =	vld [tilespmem:s16+$0xFFFFFFE0];
	v7 =	vadd.f32 v36, v48;
	v6 =	vmax.f32 v6, v62;
	(erf) = vpow2.f32 v3  }
0x310: {  	v54 =	vld [tilespmem:s18+$0x60];
	v36 =	vadd.f32 v9, v49;
	v8 =	vbroadcast v60, $0xF;
	v62 =	vmul.f32 v6, v63;
	v9 =	vpop (erf)  }
0x311: {  	v17 =	vadd.f32 v17, v26;
	v6 =	vld [tilespmem:s0+$0x60];
	v63 =	vmul.f32 $2.000000030e-01, v2;
	v50 =	vmul.f32 v9, v50;
	v3, _, _ =	vpop (xrf2)  }
0x312: {  	v49 =	vmul.f32 v5, v19;
	v41 =	vld [tilespmem:s16+$0x60];
	v37 =	vadd.f32 v37, v0;
	v1 =	vadd.f32 v1, v7;
	v52 =	vpop (erf);
	(xrf2) =	vadd.scan.msk.f32 $0xffff, v62  }
0x313: {  	v7 =	vld [tilespmem:s21+$0x30];
	v3 =	vmul.f32 $1.442695020e+00, v3;
	v2 =	vmax.f32 v2, v63;
	v60 =	vpop (erf);
	(erf) = vpow2.f32 v8;
	[tilespmem:s10+$0xFFFFFF70] =	vst v50  }
0x314: {  	v5 =	vadd.f32 v55, v37;
	v55 =	vmul.f32 $2.000000030e-01, v1;
	v14 =	vmul.f32 v52, v31;
	v50 =	vld [tilespmem:s7+$0xFFFFFF90]  }
0x315: {  	v37 =	vadd.f32 v39, v46;
	v2 =	vmul.f32 v2, v12;
	v51 =	vmul.f32 v60, v51;
	v63 =	vld [tilespmem:s24+$0xFFFFFF90]  }
0x316: {  	v62 =	vmul.f32 $2.000000030e-01, v5;
	v1 =	vmax.f32 v1, v55;
	v8, _, _ =	vpop (xrf2);
	v6 =	vadd.f32 v6, v54  }
0x317: {  	(xrf2) =	vadd.scan.msk.f32 $0xffff, v2;
	v2 =	vld [tilespmem:s6+$0xFFFFFF90];
	v1 =	vmul.f32 v1, v12;
	[tilespmem:s10+$0x0] =	vst v51;
	v8 =	vmul.f32 $1.442695020e+00, v8  }
0x318: {  	v3 =	vbroadcast v3, $0xF;
	v5 =	vmax.f32 v5, v62;
	v53 =	vld [tilespmem:s7+$0x10];
	v6 =	vadd.f32 v41, v6  }
0x319: {  	v7 =	vadd.f32 v7, v17;
	v5 =	vmul.f32 v5, v12;
	(xrf2) =	vadd.scan.msk.f32 $0xffff, v1;
	v1 =	vld [tilespmem:s24+$0x10];
	v8 =	vbroadcast v8, $0xF  }
0x31a: {  	v31 =	vpop (erf);
	(erf) = vpow2.f32 v3;
	v55 =	vmul.f32 $2.000000030e-01, v6;
	v62 =	vadd.f32 v63, v50  }
0x31b: {  	v39 =	vadd.f32 v4, v35;
	v46 =	vld [tilespmem:s6+$0x10];
	v17 =	vmul.f32 v31, v27;
	v63 =	vmul.f32 $2.000000030e-01, v7  }
0x31c: {  	[tilespmem:s13+$0xB0] =	vst v14;
	v4 =	vmax.f32 v6, v55;
	v6 =	vmul.f32 v20, v9;
	v2 =	vadd.f32 v2, v62  }
0x31d: {  	v51 =	vld [tilespmem:s20+$0xB0];
	[tilespmem:s31+$0x100] =	vst v17;
	v17 =	vmul.f32 v20, v60;
	v7 =	vmax.f32 v7, v63;
	v9, _, _ =	vpop (xrf2);
	v3 =	vmul.f32 v4, v12  }
0x31e: {  	v55 =	vld [tilespmem:s18+$0xF0];
	(xrf2) =	vadd.scan.msk.f32 $0xffff, v5;
	v5 =	vpop (erf);
	v1 =	vadd.f32 v1, v53;
	(erf) = vpow2.f32 v8;
	v12 =	vmul.f32 $1.442695020e+00, v9  }
0x31f: {  	v9 =	vld [tilespmem:s0+$0xF0];
	v13 =	vmul.f32 v5, v45;
	v14 =	vmul.f32 $2.000000030e-01, v2;
	v41 =	vadd.f32 v6, v34  }
0x320: {  	v27 =	vld [tilespmem:s30+$0xB0];
	v6 =	vmul.f32 v7, v19;
	v5 =	vmul.f32 v20, v5;
	v1 =	vadd.f32 v46, v1  }
0x321: {  	s30 =	smov.u32 s7;
	v60 =	vld [tilespmem:s16+$0xF0];
	v4 =	vbroadcast v12, $0xF;
	[tilespmem:s10+$0x90] =	vst v13;
	v7, _, _ =	vpop (xrf2);
	(xrf2) =	vadd.scan.msk.f32 $0xffff, v3;
	v2 =	vmax.f32 v2, v14  }
0x322: {  	s20 =	smov.u32 s24;
	v46 =	vld [tilespmem:s30+$0x90];
	v3 =	vmul.f32 $1.442695020e+00, v7;
	v2 =	vmul.f32 v2, v61  }
0x323: {  	v34 =	vadd.f32 v17, v33;
	v12 =	vmul.f32 $2.000000030e-01, v1;
	(erf) = vpow2.f32 v4;
	v4 =	vld [tilespmem:s20+$0x90];
	v17, _, _ =	vpop (xrf2)  }
0x324: {  	v20 =	vmovc v10;
	v63 =	vld [tilespmem:s21+$0xB0];
	v7 =	vadd.f32 v9, v55;
	v3 =	vbroadcast v3, $0xF;
	v10 =	vmul.f32 $1.442695020e+00, v17  }
0x325: {  	v9 =	vld [tilespmem:s6+$0x90];
	(xrf2) =	vadd.scan.msk.f32 $0xffff, v2;
	v2 =	vmul.f32 v11, v52;
	v1 =	vmax.f32 v1, v12  }
0x326: {  	v8 =	vpop (erf);
	v7 =	vadd.f32 v60, v7;
	(erf) = vpow2.f32 v3;
	v3 =	vbroadcast v10, $0xF  }
0x327: {  	v62 =	vadd.f32 v51, v27;
	v14 =	vmul.f32 v16, v8;
	v1 =	vmul.f32 v1, v61;
	v52 =	vpop (erf)  }
0x328: {  	v13 =	vmul.f32 $2.000000030e-01, v7;
	v17, _, _ =	vpop (xrf2);
	v10 =	vadd.f32 v4, v46;
	(erf) = vpow2.f32 v3  }
0x329: {  	v35 =	vadd.f32 v5, v32;
	v60 =	vmul.f32 v52, v42;
	v17 =	vmul.f32 $1.442695020e+00, v17  }
0x32a: {  	(xrf2) =	vadd.scan.msk.f32 $0xffff, v1;
	v5 =	vmax.f32 v7, v13;
	v3 =	vadd.f32 v9, v10;
	v7 =	vadd.f32 v63, v62  }
0x32b: {  	v10 =	vadd.f32 v14, v30;
	v63 =	vld [tilespmem:$0x1FF80];
	v13 =	vmul.f32 v8, v38;
	v1 =	vbroadcast v17, $0xF;
	v9, _, _ =	vpop (xrf2)  }
0x32c: {  	v32 =	vadd.f32 v59, v40;
	v5 =	vmul.f32 v5, v18;
	v40 =	vpop (erf);
	v17 =	vmul.f32 $2.000000030e-01, v3  }
0x32d: {  	v16 =	vld [tilespmem:$0x1FDE0];
	v33 =	vadd.f32 v2, v44;
	v2 =	vmul.f32 $1.442695020e+00, v9;
	[tilespmem:s13+$0xFFFFFF20] =	vst v10;
	v59 =	vmul.f32 v40, v58  }
0x32e: {  	v8 =	vld [tilespmem:$0x1FF80];
	v9 =	vmul.f32 $2.000000030e-01, v7;
	(erf) = vpow2.f32 v1;
	(xrf2) =	vadd.scan.msk.f32 $0xffff, v5;
	[tilespmem:s10+$0xFFFFFEF0] =	vst v60  }
0x32f: {  	v3 =	vmax.f32 v3, v17;
	v2 =	vbroadcast v2, $0xF;
	v42 =	vld [tilespmem:s30+$0xFFFFFF20];
	[tilespmem:s10+$0x140] =	vst v59;
	v1 =	vpop (erf)  }
0x330: {  	v7 =	vmax.f32 v7, v9;
	v17 =	vld [tilespmem:s30+$0x130];
	v9 =	vmul.f32 v1, v56;
	v1 =	vmul.f32 v63, v1  }
0x331: {  	v30, _, _ =	vpop (xrf2);
	v3 =	vmul.f32 v3, v61;
	v62 =	vld [tilespmem:s20+$0x130]  }
0x332: {  	s25 =	sadd.s32 $0x5, s25;
	s21 =	smov.u32 s6;
	v61 =	vmul.f32 $1.442695020e+00, v30;
	v38 =	vadd.f32 v1, v57;
	v1 =	vld [tilespmem:$0x1FEF0]  }
0x333: {  	p0 =	slt.u32 s25, $0x23;
	v4 =	vmul.f32 v23, v52;
	v52 =	vmul.f32 v7, v19;
	(xrf2) =	vadd.scan.msk.f32 $0xffff, v3;
	v3 =	vld [tilespmem:s21+$0x130];
	v12 =	vpop (erf);
	[tilespmem:s31+$0xFFFFFEC0] =	vst v9  }
.Ltmp1:
0x334: {  	(erf) = vpow2.f32 v2;
	v10 =	vbroadcast v61, $0xF;
	v2, _, _ =	vpop (xrf2);
	v51 =	vld [tilespmem:s20+$0xFFFFFF20];
	(pc) =	sbr.rel @p0 .LBB2_6-.Ltmp1, $4  }
0x335: {  	v30 =	vadd.f32 v4, v47;
	v7 =	vmul.f32 v12, v48;
	(xrf2) =	vadd.scan.msk.f32 $0xffff, v49;
	v56 =	vld [tilespmem:s18+$0xFFFFFEF0];
	v2 =	vmul.f32 $1.442695020e+00, v2  }
0x336: {  	v47 =	vmul.f32 v8, v12;
	(erf) = vpow2.f32 v10;
	v59 =	vld [tilespmem:s0+$0xFFFFFEF0];
	[tilespmem:s13+$0xFFFFFF10] =	vst v13;
	v14 =	vadd.f32 v62, v17  }
0x337: {  	s17 =	smov.u32 s31;
	s7 =	smov.u32 s18;
	v57 =	vld [tilespmem:s16+$0xFFFFFEF0];
	[tilespmem:s31+$0xFFFFFF50] =	vst v7;
	v60 =	vbroadcast v2, $0xF;
	v48 =	vpop (erf);
	v43 =	vmul.f32 v43, v1;
	v1 =	vmov v17  }
0x338: {  	s24 =	smov.u32 s0;
	s6 =	smov.u32 s16;
	s18 =	sadd.s32 $0x280, s18;
	v45 =	vld [tilespmem:s7+$0xFFFFFF70];
	v49 =	vmul.f32 v48, v0;
	v58, _, _ =	vpop (xrf2);
	v0 =	vadd.f32 v3, v14;
	(xrf2) =	vadd.scan.msk.f32 $0xffff, v6;
	[tilespmem:$0x1FEF0] =	vst v1  }
0x339: {  	v1 =	vmul.f32 $1.442695020e+00, v58;
	_ =	sdelay $0x1  }
0x33a: {  	v1 =	vbroadcast v1, $0xF  }
0x33b: {  	(erf) = vpow2.f32 v60  }
0x33c: {  	(erf) = vpow2.f32 v1;
	_ =	sdelay $0x5  }
0x33d: {  	v9 =	vpop (erf)  }
0x33e: {  	v15 =	vpop (erf)  }
0x33f: {  	[tilespmem:$0x1FC20] =	vst v9;
	v14 =	vpop (erf)  }
0x340: {  	[tilespmem:$0x1FC30] =	vst v15;
	v1 =	vpop (erf)  }
0x341: {  	[tilespmem:$0x1FD40] =	vst v1;
	v1 =	vmul.f32 v1, v55  }
0x342: {  	[tilespmem:$0x1FC50] =	vst v14  }
0x343: {  	[tilespmem:s31+$0x110] =	vst v1  }
0x344: {  	v1 =	vld [tilespmem:s7+$0x100]  }
0x345: {  	v3 =	vadd.f32 v59, v56;
	[tilespmem:s31+$0xFFFFFFE0] =	vst v49;
	v2 =	vld [tilespmem:s24+$0x100]  }
0x346: {  	v10 =	vld [tilespmem:$0x1FF10]  }
0x347: {  	v3 =	vadd.f32 v57, v3;
	v13 =	vld [tilespmem:$0x1FF00]  }
0x348: {  	v5 =	vmul.f32 $2.000000030e-01, v0;
	v4 =	vld [tilespmem:s6+$0x100]  }
0x349: {  	v7 =	vmul.f32 $2.000000030e-01, v3;
	v6 =	vld [tilespmem:s24+$0xFFFFFF70]  }
0x34a: {  	v0 =	vmax.f32 v0, v5;
	v49 =	vmul.f32 v9, v54  }
0x34b: {  	(xrf2) =	vadd.scan.msk.f32 $0xffff, v52;
	v3 =	vmax.f32 v3, v7;
	v7 =	vld [tilespmem:s6+$0xFFFFFF70];
	v2 =	vadd.f32 v2, v1;
	v0 =	vmul.f32 v0, v10  }
0x34c: {  	v8 =	vld [tilespmem:s7+$0xFFFFFFF0];
	[tilespmem:s31+$0x70] =	vst v49;
	v3 =	vmul.f32 v3, v13  }
0x34d: {  	v12 =	vld [tilespmem:$0x1FF50];
	v2 =	vadd.f32 v4, v2;
	(xrf2) =	vadd.scan.msk.f32 $0xffff, v0  }
0x34e: {  	v44 =	vld [tilespmem:s24+$0xFFFFFFF0];
	(xrf2) =	vadd.scan.msk.f32 $0xffff, v3;
	v3 =	vadd.f32 v6, v45  }
0x34f: {  	v17, _, _ =	vpop (xrf2);
	v0 =	vld [tilespmem:s6+$0xFFFFFFF0];
	v9 =	vmul.f32 $2.000000030e-01, v2  }
0x350: {  	v6 =	vld [tilespmem:s7+$0x70];
	v3 =	vadd.f32 v7, v3;
	v7, _, _ =	vpop (xrf2)  }
0x351: {  	v2 =	vmax.f32 v2, v9;
	v9 =	vld [tilespmem:s24+$0x70];
	v7 =	vmul.f32 $1.442695020e+00, v7  }
0x352: {  	v52 =	vmul.f32 $1.442695020e+00, v17;
	v2 =	vmul.f32 v2, v12  }
0x353: {  	v5 =	vadd.f32 v44, v8;
	v44 =	vld [tilespmem:s6+$0x70]  }
0x354: {  	v4 =	vbroadcast v52, $0xF;
	v17, _, _ =	vpop (xrf2);
	(xrf2) =	vadd.scan.msk.f32 $0xffff, v2;
	v2 =	vmul.f32 $2.000000030e-01, v3  }
0x355: {  	v0 =	vadd.f32 v0, v5;
	v54 =	vmul.f32 $1.442695020e+00, v17;
	v55 =	vbroadcast v7, $0xF;
	v7, _, _ =	vpop (xrf2)  }
0x356: {  	v2 =	vmax.f32 v3, v2;
	v3 =	vmul.f32 $1.442695020e+00, v7;
	v7 =	vadd.f32 v9, v6  }
0x357: {  	(erf) = vpow2.f32 v4;
	v4 =	vbroadcast v54, $0xF  }
0x358: {  	v17 =	vmul.f32 $2.000000030e-01, v0;
	(erf) = vpow2.f32 v55;
	v7 =	vadd.f32 v44, v7  }
0x359: {  	(erf) = vpow2.f32 v4;
	v2 =	vmul.f32 v2, v13  }
0x35a: {  	v0 =	vmax.f32 v0, v17;
	v57, _, _ =	vpop (xrf2);
	v3 =	vbroadcast v3, $0xF;
	v59 =	vmul.f32 $2.000000030e-01, v7  }
0x35b: {  	v0 =	vmul.f32 v0, v13;
	v58, _, _ =	vpop (xrf2);
	(xrf2) =	vadd.scan.msk.f32 $0xffff, v2;
	v2 =	vmul.f32 $1.442695020e+00, v57  }
0x35c: {  	v4 =	vmul.f32 $1.442695020e+00, v58;
	(erf) = vpow2.f32 v3;
	v3 =	vmax.f32 v7, v59  }
0x35d: {  	(xrf2) =	vadd.scan.msk.f32 $0xffff, v0;
	v0 =	vbroadcast v2, $0xF  }
0x35e: {  	v2 =	vbroadcast v4, $0xF  }
0x35f: {  	(erf) = vpow2.f32 v0;
	v0 =	vmul.f32 v3, v13;
	v3, _, _ =	vpop (xrf2)  }
0x360: {  	(erf) = vpow2.f32 v2;
	v2 =	vmul.f32 $1.442695020e+00, v3;
	_ =	sdelay $0x1  }
0x361: {  	(xrf2) =	vadd.scan.msk.f32 $0xffff, v0;
	v0 =	vbroadcast v2, $0xF  }
0x362: {  	v11 =	vpop (erf)  }
0x363: {  	[tilespmem:$0x1FC60] =	vst v11;
	v3 =	vpop (erf);
	v2 =	vmul.f32 v15, v50  }
0x364: {  	[tilespmem:$0x1FC70] =	vst v3;
	v3 =	vpop (erf)  }
0x365: {  	(erf) = vpow2.f32 v0;
	[tilespmem:s10+$0xFFFFFF80] =	vst v2;
	v0, _, _ =	vpop (xrf2)  }
0x366: {  	v2 =	vmul.f32 v14, v53;
	[tilespmem:$0x1FC90] =	vst v3;
	v3 =	vmul.f32 $1.442695020e+00, v0;
	_ =	sdelay $0x1  }
0x367: {  	v61 =	vpop (erf);
	[tilespmem:s10+$0x10] =	vst v2;
	v2 =	vld [tilespmem:s20+$0xFFFFFFA0];
	v3 =	vbroadcast v3, $0xF  }
0x368: {  	v62 =	vpop (erf);
	v0 =	vld [tilespmem:s30+$0xFFFFFFA0];
	[tilespmem:$0x1FCA0] =	vst v61  }
0x369: {  	v7 =	vpop (erf);
	v44 =	vld [tilespmem:s30+$0x20];
	[tilespmem:$0x1FC40] =	vst v62;
	(erf) = vpow2.f32 v3  }
0x36a: {  	v60, _, _ =	vpop (xrf2);
	v5 =	vld [tilespmem:s20+$0x20];
	[tilespmem:$0x1FC80] =	vst v7  }
0x36b: {  	v4 =	vmul.f32 $1.442695020e+00, v60;
	v7 =	vmul.f32 v7, v56;
	v9 =	vld [tilespmem:s21+$0xFFFFFFA0]  }
0x36c: {  	v17, _, _ =	vpop (xrf2);
	v63 =	vld [tilespmem:s21+$0x20]  }
0x36d: {  	v46 =	vmul.f32 v11, v46;
	v4 =	vbroadcast v4, $0xF;
	v3 =	vld [tilespmem:s21+$0xFFFFFF20];
	[tilespmem:s17+$0xFFFFFED0] =	vst v7;
	v11 =	vpop (erf)  }
0x36e: {  	v7 =	vmul.f32 $1.442695020e+00, v17;
	v17 =	vld [tilespmem:s7+$0xFFFFFF00];
	[tilespmem:$0x1FD60] =	vst v11  }
0x36f: {  	(erf) = vpow2.f32 v4;
	v1 =	vmul.f32 v11, v1;
	v56 =	vld [tilespmem:s24+$0xFFFFFF00]  }
0x370: {  	v7 =	vbroadcast v7, $0xF;
	[tilespmem:s10+$0xA0] =	vst v46;
	v57 =	vld [tilespmem:s6+$0xFFFFFF00]  }
0x371: {  	v46 =	vld [tilespmem:s30+$0xA0];
	[tilespmem:s17+$0x120] =	vst v1  }
0x372: {  	v55 =	vadd.f32 v51, v42;
	(erf) = vpow2.f32 v7;
	v1 =	vld [tilespmem:s7+$0x110];
	v11 =	vpop (erf)  }
0x373: {  	v58 =	vld [tilespmem:s24+$0x110];
	[tilespmem:$0x1FCB0] =	vst v11  }
0x374: {  	v3 =	vadd.f32 v3, v55;
	v59 =	vmul.f32 v11, v45;
	v11 =	vld [tilespmem:$0x1FF70];
	_ =	sdelay $0x1  }
0x375: {  	v7 =	vmul.f32 $2.000000030e-01, v3  }
0x376: {  	v2 =	vadd.f32 v2, v0  }
0x377: {  	v50 =	vadd.f32 v56, v17;
	v3 =	vmax.f32 v3, v7;
	v52 =	vld [tilespmem:s20+$0xA0];
	v60 =	vpop (erf)  }
0x378: {  	v2 =	vadd.f32 v9, v2;
	v7 =	vld [tilespmem:s6+$0x110];
	[tilespmem:$0x1FCC0] =	vst v60;
	v3 =	vmul.f32 v3, v11  }
0x379: {  	v49 =	vadd.f32 v57, v50;
	v8 =	vmul.f32 v60, v8;
	v9 =	vld [tilespmem:s21+$0xA0];
	[tilespmem:s17+$0xFFFFFF60] =	vst v59  }
0x37a: {  	v61 =	vmul.f32 $2.000000030e-01, v2;
	v57 =	vpop (erf);
	v45 =	vld [tilespmem:s7+$0xFFFFFF80];
	(xrf2) =	vadd.scan.msk.f32 $0xffff, v3  }
0x37b: {  	v5 =	vadd.f32 v5, v44;
	[tilespmem:s17+$0xFFFFFFF0] =	vst v8;
	v8 =	vld [tilespmem:s24+$0xFFFFFF80];
	v6 =	vmul.f32 v57, v6;
	v3 =	vmul.f32 $2.000000030e-01, v49  }
0x37c: {  	v2 =	vmax.f32 v2, v61;
	v62 =	vadd.f32 v58, v1;
	v56 =	vld [tilespmem:s7+$0x0];
	[tilespmem:$0x1FCD0] =	vst v57;
	v52 =	vadd.f32 v52, v46  }
0x37d: {  	v4 =	vadd.f32 v63, v5;
	v2 =	vmul.f32 v2, v11;
	v58 =	vld [tilespmem:s6+$0xFFFFFF80];
	[tilespmem:s17+$0x80] =	vst v6;
	v3 =	vmax.f32 v49, v3  }
0x37e: {  	v7 =	vadd.f32 v7, v62;
	v13 =	vld [tilespmem:$0x1FF20];
	v6 =	vadd.f32 v9, v52;
	v3 =	vmul.f32 v3, v12  }
0x37f: {  	v63 =	vmul.f32 $2.000000030e-01, v4;
	(xrf2) =	vadd.scan.msk.f32 $0xffff, v2  }
0x380: {  	v59 =	vld [tilespmem:s24+$0x0];
	v2 =	vmul.f32 $2.000000030e-01, v7;
	v9 =	vmul.f32 $2.000000030e-01, v6;
	(xrf2) =	vadd.scan.msk.f32 $0xffff, v3  }
0x381: {  	v4 =	vmax.f32 v4, v63;
	v60 =	vld [tilespmem:s6+$0x0];
	v3 =	vadd.f32 v8, v45  }
0x382: {  	v4 =	vmul.f32 v4, v11;
	v2 =	vmax.f32 v7, v2;
	v7 =	vld [tilespmem:s7+$0x80]  }
0x383: {  	v2 =	vmul.f32 v2, v13;
	v6 =	vmax.f32 v6, v9;
	v8 =	vld [tilespmem:s24+$0x80];
	v3 =	vadd.f32 v58, v3  }
0x384: {  	v62 =	vmul.f32 v6, v11;
	(xrf2) =	vadd.scan.msk.f32 $0xffff, v4;
	v9, _, _ =	vpop (xrf2)  }
0x385: {  	(xrf2) =	vadd.scan.msk.f32 $0xffff, v2;
	v2 =	vld [tilespmem:s6+$0x80];
	v49 =	vmul.f32 $2.000000030e-01, v3;
	v6 =	vmul.f32 $1.442695020e+00, v9  }
0x386: {  	v61 =	vadd.f32 v59, v56  }
0x387: {  	v3 =	vmax.f32 v3, v49  }
0x388: {  	v4 =	vadd.f32 v60, v61;
	v8 =	vadd.f32 v8, v7;
	v3 =	vmul.f32 v3, v12  }
0x389: {  	(xrf2) =	vadd.scan.msk.f32 $0xffff, v62;
	v63 =	vbroadcast v6, $0xF;
	v6, _, _ =	vpop (xrf2)  }
0x38a: {  	v9 =	vmul.f32 $2.000000030e-01, v4;
	v2 =	vadd.f32 v2, v8;
	(xrf2) =	vadd.scan.msk.f32 $0xffff, v3;
	v3 =	vmul.f32 $1.442695020e+00, v6;
	v6, _, _ =	vpop (xrf2)  }
0x38b: {  	(erf) = vpow2.f32 v63;
	v6 =	vmul.f32 $1.442695020e+00, v6  }
0x38c: {  	v8 =	vmul.f32 $2.000000030e-01, v2;
	v3 =	vbroadcast v3, $0xF  }
0x38d: {  	v4 =	vmax.f32 v4, v9;
	v15 =	vbroadcast v6, $0xF  }
0x38e: {  	v4 =	vmul.f32 v4, v12;
	v2 =	vmax.f32 v2, v8;
	v14, _, _ =	vpop (xrf2);
	(erf) = vpow2.f32 v3  }
0x38f: {  	v2 =	vmul.f32 v2, v12;
	v6, _, _ =	vpop (xrf2);
	(erf) = vpow2.f32 v15  }
0x390: {  	(xrf2) =	vadd.scan.msk.f32 $0xffff, v4;
	v4 =	vmul.f32 $1.442695020e+00, v14;
	v3 =	vmul.f32 $1.442695020e+00, v6;
	_ =	sdelay $0x1  }
0x391: {  	v4 =	vbroadcast v4, $0xF;
	(xrf2) =	vadd.scan.msk.f32 $0xffff, v2;
	v2 =	vbroadcast v3, $0xF;
	_ =	sdelay $0x1  }
0x392: {  	(erf) = vpow2.f32 v4;
	v49 =	vpop (erf)  }
0x393: {  	v3, _, _ =	vpop (xrf2)  }
0x394: {  	(erf) = vpow2.f32 v2;
	v2, _, _ =	vpop (xrf2)  }
0x395: {  	[tilespmem:$0x1FCE0] =	vst v49;
	v5 =	vmul.f32 v49, v42;
	v12 =	vpop (erf)  }
0x396: {  	v3 =	vmul.f32 $1.442695020e+00, v3;
	v2 =	vmul.f32 $1.442695020e+00, v2;
	[tilespmem:$0x1FD00] =	vst v12;
	v6 =	vpop (erf)  }
0x397: {  	[tilespmem:$0x1FCF0] =	vst v6  }
0x398: {  	v50, _, _ =	vpop (xrf2);
	v3 =	vbroadcast v3, $0xF;
	v2 =	vbroadcast v2, $0xF;
	[tilespmem:s10+$0xFFFFFF00] =	vst v5  }
0x399: {  	v4 =	vmul.f32 $1.442695020e+00, v50;
	v8 =	vld [tilespmem:s30+$0xFFFFFF30]  }
0x39a: {  	(erf) = vpow2.f32 v2  }
0x39b: {  	v53 =	vpop (erf);
	v2 =	vbroadcast v4, $0xF  }
0x39c: {  	(erf) = vpow2.f32 v3;
	v3, _, _ =	vpop (xrf2)  }
0x39d: {  	[tilespmem:$0x1FD10] =	vst v53;
	(erf) = vpow2.f32 v2;
	v2 =	vmul.f32 $1.442695020e+00, v3  }
0x39e: {  	v52 =	vmul.f32 v6, v17;
	v6 =	vpop (erf);
	[tilespmem:$0x1FD50] =	vst v8  }
0x39f: {  	v2 =	vbroadcast v2, $0xF;
	v3 =	vld [tilespmem:s20+$0xFFFFFF30];
	[tilespmem:$0x1FD70] =	vst v6  }
0x3a0: {  	v1 =	vmul.f32 v6, v1;
	v5 =	vld [tilespmem:s21+$0xFFFFFF30];
	[tilespmem:s17+$0xFFFFFEE0] =	vst v52  }
0x3a1: {  	(erf) = vpow2.f32 v2;
	v4 =	vld [tilespmem:s7+$0xFFFFFF10]  }
0x3a2: {  	[tilespmem:s17+$0x130] =	vst v1;
	v6 =	vld [tilespmem:s24+$0xFFFFFF10]  }
0x3a3: {  	v1 =	vld [tilespmem:s7+$0x120];
	v9 =	vpop (erf)  }
0x3a4: {  	v2 =	vadd.f32 v3, v8;
	v3 =	vld [tilespmem:s24+$0x120];
	[tilespmem:$0x1FD20] =	vst v9  }
0x3a5: {  	v55 =	vpop (erf);
	v9 =	vmul.f32 v9, v45;
	v8 =	vld [tilespmem:s6+$0xFFFFFF10]  }
0x3a6: {  	v62 =	vpop (erf);
	v54 =	vld [tilespmem:s6+$0x120];
	[tilespmem:$0x1FD30] =	vst v55  }
0x3a7: {  	v17 =	vmul.f32 v62, v56;
	v2 =	vadd.f32 v5, v2;
	[tilespmem:s17+$0xFFFFFF70] =	vst v9  }
0x3a8: {  	v6 =	vadd.f32 v6, v4;
	v42 =	vld [tilespmem:s7+$0xFFFFFF90]  }
0x3a9: {  	v61 =	vld [tilespmem:s24+$0xFFFFFF90];
	[tilespmem:s17+$0x0] =	vst v17;
	v9 =	vmul.f32 $2.000000030e-01, v2;
	v3 =	vadd.f32 v3, v1  }
0x3aa: {  	v5 =	vld [tilespmem:s7+$0x10];
	v59 =	vpop (erf);
	v6 =	vadd.f32 v8, v6  }
0x3ab: {  	v7 =	vmul.f32 v59, v7;
	v2 =	vmax.f32 v2, v9;
	v8 =	vld [tilespmem:s6+$0xFFFFFF90];
	v3 =	vadd.f32 v54, v3  }
0x3ac: {  	v17 =	vld [tilespmem:s24+$0x10];
	v2 =	vmul.f32 v2, v10;
	v9 =	vmul.f32 $2.000000030e-01, v6  }
0x3ad: {  	v63 =	vmul.f32 $2.000000030e-01, v3  }
0x3ae: {  	[tilespmem:s17+$0x90] =	vst v7;
	v7 =	vld [tilespmem:s6+$0x10];
	(xrf2) =	vadd.scan.msk.f32 $0xffff, v2;
	v2 =	vmax.f32 v6, v9;
	v6 =	vadd.f32 v61, v42  }
0x3af: {  	v9 =	vld [tilespmem:s7+$0x90];
	v3 =	vmax.f32 v3, v63;
	v2 =	vmul.f32 v2, v13  }
0x3b0: {  	v6 =	vadd.f32 v8, v6;
	v3 =	vmul.f32 v3, v11;
	v8 =	vld [tilespmem:s24+$0x90]  }
0x3b1: {  	(xrf2) =	vadd.scan.msk.f32 $0xffff, v2;
	v2 =	vadd.f32 v17, v5  }
0x3b2: {  	v17 =	vld [tilespmem:s6+$0x90];
	(xrf2) =	vadd.scan.msk.f32 $0xffff, v3;
	v3 =	vmul.f32 $2.000000030e-01, v6  }
0x3b3: {  	v2 =	vadd.f32 v7, v2  }
0x3b4: {  	v3 =	vmax.f32 v6, v3  }
0x3b5: {  	v3 =	vmul.f32 v3, v13;
	v6 =	vadd.f32 v8, v9;
	v7 =	vmul.f32 $2.000000030e-01, v2;
	_ =	sdelay $0x1  }
0x3b6: {  	(xrf2) =	vadd.scan.msk.f32 $0xffff, v3;
	v2 =	vmax.f32 v2, v7;
	v3 =	vadd.f32 v17, v6  }
0x3b7: {  	v2 =	vmul.f32 v2, v13  }
0x3b8: {  	v6, _, _ =	vpop (xrf2);
	v7 =	vmul.f32 $2.000000030e-01, v3  }
0x3b9: {  	v6 =	vmul.f32 $1.442695020e+00, v6  }
0x3ba: {  	(xrf2) =	vadd.scan.msk.f32 $0xffff, v2  }
0x3bb: {  	v3 =	vmax.f32 v3, v7;
	v2, _, _ =	vpop (xrf2);
	v6 =	vbroadcast v6, $0xF  }
0x3bc: {  	v3 =	vmul.f32 v3, v13;
	v2 =	vmul.f32 $1.442695020e+00, v2;
	v7, _, _ =	vpop (xrf2)  }
0x3bd: {  	v7 =	vmul.f32 $1.442695020e+00, v7  }
0x3be: {  	(erf) = vpow2.f32 v6;
	(xrf2) =	vadd.scan.msk.f32 $0xffff, v3;
	v2 =	vbroadcast v2, $0xF  }
0x3bf: {  	v3 =	vbroadcast v7, $0xF  }
0x3c0: {  	(erf) = vpow2.f32 v2  }
0x3c1: {  	(erf) = vpow2.f32 v3  }
0x3c2: {  	v0 =	vmul.f32 v12, v0;
	v2, _, _ =	vpop (xrf2)  }
0x3c3: {  	v2 =	vmul.f32 $1.442695020e+00, v2  }
0x3c4: {  	[tilespmem:s10+$0xFFFFFF90] =	vst v0;
	v0 =	vmul.f32 v53, v44;
	v3, _, _ =	vpop (xrf2)  }
0x3c5: {  	v58 =	vld [tilespmem:s30+$0xFFFFFFB0];
	v3 =	vmul.f32 $1.442695020e+00, v3;
	v2 =	vbroadcast v2, $0xF  }
0x3c6: {  	[tilespmem:s10+$0x20] =	vst v0;
	v0 =	vld [tilespmem:s20+$0xFFFFFFB0];
	v6 =	vmul.f32 v55, v46  }
0x3c7: {  	v61 =	vld [tilespmem:s30+$0x30];
	v23 =	vpop (erf);
	(erf) = vpow2.f32 v2;
	v2 =	vbroadcast v3, $0xF  }
0x3c8: {  	[tilespmem:s10+$0xB0] =	vst v6;
	v6 =	vld [tilespmem:s21+$0x30];
	v7, _, _ =	vpop (xrf2)  }
0x3c9: {  	v57 =	vld [tilespmem:s30+$0xB0];
	(erf) = vpow2.f32 v2;
	v2 =	vmul.f32 $1.442695020e+00, v7;
	v56 =	vpop (erf)  }
0x3ca: {  	v8 =	vld [tilespmem:s20+$0xB0];
	v52 =	vpop (erf)  }
0x3cb: {  	v3 =	vld [tilespmem:s20+$0x30];
	v1 =	vmul.f32 v52, v1;
	v2 =	vbroadcast v2, $0xF  }
0x3cc: {  	v7 =	vld [tilespmem:s21+$0xFFFFFFB0]  }
0x3cd: {  	[tilespmem:s17+$0x140] =	vst v1;
	(erf) = vpow2.f32 v2;
	v2 =	vld [tilespmem:s21+$0xB0]  }
0x3ce: {  	v1 =	vmul.f32 v56, v4;
	v60 =	vld [tilespmem:s7+$0x130]  }
0x3cf: {  	v50 =	vld [tilespmem:s6+$0x130]  }
0x3d0: {  	[tilespmem:s17+$0xFFFFFEF0] =	vst v1;
	v1 =	vld [tilespmem:s24+$0x130];
	v55 =	vpop (erf)  }
0x3d1: {  	v0 =	vadd.f32 v0, v58;
	v49 =	vld [tilespmem:s7+$0xFFFFFF20];
	v46 =	vmul.f32 v55, v42  }
0x3d2: {  	v63 =	vld [tilespmem:s24+$0xFFFFFF20];
	v54 =	vpop (erf)  }
0x3d3: {  	v14 =	vadd.f32 v8, v57;
	v0 =	vadd.f32 v7, v0;
	v8 =	vld [tilespmem:s6+$0xFFFFFF20];
	[tilespmem:s17+$0xFFFFFF80] =	vst v46;
	v5 =	vmul.f32 v54, v5  }
0x3d4: {  	v3 =	vadd.f32 v3, v61;
	v46 =	vld [tilespmem:s7+$0xFFFFFFA0]  }
0x3d5: {  	v12 =	vmul.f32 $2.000000030e-01, v0;
	v13 =	vld [tilespmem:s24+$0xFFFFFFA0];
	[tilespmem:s17+$0x10] =	vst v5  }
0x3d6: {  	v3 =	vadd.f32 v6, v3;
	v1 =	vadd.f32 v1, v60;
	v53 =	vpop (erf);
	v44 =	vld [tilespmem:s7+$0x20]  }
0x3d7: {  	v0 =	vmax.f32 v0, v12;
	v2 =	vadd.f32 v2, v14;
	v7 =	vld [tilespmem:s24+$0x20];
	v15 =	vmul.f32 v53, v9  }
0x3d8: {  	v0 =	vmul.f32 v0, v10;
	v4 =	vadd.f32 v63, v49;
	v1 =	vadd.f32 v50, v1;
	v9 =	vld [tilespmem:s6+$0xFFFFFFA0]  }
0x3d9: {  	v51 =	vmul.f32 $2.000000030e-01, v2;
	v50 =	vmul.f32 $2.000000030e-01, v3;
	v6 =	vld [tilespmem:s6+$0x20];
	[tilespmem:s17+$0xA0] =	vst v15  }
0x3da: {  	v4 =	vadd.f32 v8, v4;
	v8 =	vmul.f32 $2.000000030e-01, v1;
	v17 =	vld [tilespmem:s7+$0xA0]  }
0x3db: {  	(xrf2) =	vadd.scan.msk.f32 $0xffff, v0;
	v2 =	vmax.f32 v2, v51;
	v3 =	vmax.f32 v3, v50;
	v0 =	vadd.f32 v13, v46;
	v63 =	vld [tilespmem:s24+$0xA0]  }
0x3dc: {  	v3 =	vmul.f32 v3, v10;
	v1 =	vmax.f32 v1, v8;
	v8 =	vmul.f32 $2.000000030e-01, v4  }
0x3dd: {  	v2 =	vmul.f32 v2, v10;
	v7 =	vadd.f32 v7, v44;
	v0 =	vadd.f32 v9, v0;
	v9 =	vld [tilespmem:s6+$0xA0]  }
0x3de: {  	(xrf2) =	vadd.scan.msk.f32 $0xffff, v3;
	v1 =	vmul.f32 v1, v10;
	v3 =	vmax.f32 v4, v8  }
0x3df: {  	(xrf2) =	vadd.scan.msk.f32 $0xffff, v2;
	v2 =	vadd.f32 v6, v7;
	v3 =	vmul.f32 v3, v11;
	v12 =	vmul.f32 $2.000000030e-01, v0  }
0x3e0: {  	(xrf2) =	vadd.scan.msk.f32 $0xffff, v1;
	v1 =	vadd.f32 v63, v17  }
0x3e1: {  	(xrf2) =	vadd.scan.msk.f32 $0xffff, v3;
	v3 =	vmul.f32 $2.000000030e-01, v2;
	v0 =	vmax.f32 v0, v12  }
0x3e2: {  	v1 =	vadd.f32 v9, v1;
	v0 =	vmul.f32 v0, v11  }
0x3e3: {  	v2 =	vmax.f32 v2, v3  }
0x3e4: {  	(xrf2) =	vadd.scan.msk.f32 $0xffff, v0;
	v0 =	vmul.f32 v2, v11;
	v2 =	vmul.f32 $2.000000030e-01, v1  }
0x3e5: {  	v3, _, _ =	vpop (xrf2)  }
0x3e6: {  	v1 =	vmax.f32 v1, v2;
	(xrf2) =	vadd.scan.msk.f32 $0xffff, v0;
	v0 =	vmul.f32 $1.442695020e+00, v3  }
0x3e7: {  	v1 =	vmul.f32 v1, v11  }
0x3e8: {  	v0 =	vbroadcast v0, $0xF;
	v2, _, _ =	vpop (xrf2)  }
0x3e9: {  	(xrf2) =	vadd.scan.msk.f32 $0xffff, v1;
	v1 =	vmul.f32 $1.442695020e+00, v2;
	v2, _, _ =	vpop (xrf2)  }
0x3ea: {  	(erf) = vpow2.f32 v0;
	v0 =	vmul.f32 $1.442695020e+00, v2;
	v2, _, _ =	vpop (xrf2)  }
0x3eb: {  	v2 =	vmul.f32 $1.442695020e+00, v2  }
0x3ec: {  	v1 =	vbroadcast v1, $0xF;
	v3, _, _ =	vpop (xrf2)  }
0x3ed: {  	v0 =	vbroadcast v0, $0xF;
	v3 =	vmul.f32 $1.442695020e+00, v3  }
0x3ee: {  	(erf) = vpow2.f32 v1;
	v1 =	vbroadcast v2, $0xF  }
0x3ef: {  	(erf) = vpow2.f32 v0;
	v0 =	vbroadcast v3, $0xF;
	v2, _, _ =	vpop (xrf2)  }
0x3f0: {  	(erf) = vpow2.f32 v1;
	v1 =	vmul.f32 $1.442695020e+00, v2;
	_ =	sdelay $0x1  }
0x3f1: {  	v1 =	vbroadcast v1, $0xF  }
0x3f2: {  	v63 =	vld [tilespmem:$0x1FFA0];
	(erf) = vpow2.f32 v0;
	v0, _, _ =	vpop (xrf2)  }
0x3f3: {  	v15 =	vld [tilespmem:$0x1FFB0];
	v0 =	vmul.f32 $1.442695020e+00, v0  }
0x3f4: {  	v3 =	vld [tilespmem:$0x1FDF0]  }
0x3f5: {  	(erf) = vpow2.f32 v1;
	v0 =	vbroadcast v0, $0xF;
	v1, _, _ =	vpop (xrf2)  }
0x3f6: {  	v1 =	vmul.f32 $1.442695020e+00, v1  }
0x3f7: {  	(erf) = vpow2.f32 v0;
	v0 =	vmul.f32 v63, v16;
	_ =	sdelay $0x1  }
0x3f8: {  	v3 =	vmul.f32 v15, v3;
	v2 =	vbroadcast v1, $0xF;
	v0 =	vadd.f32 $0.0e+00, v0  }
0x3f9: {  	v42 =	vpop (erf)  }
0x3fa: {  	v45 =	vpop (erf);
	(erf) = vpow2.f32 v2;
	v2 =	vadd.f32 v3, v0;
	v0 =	vld [tilespmem:$0x1FF80]  }
0x3fb: {  	v50 =	vpop (erf);
	v3 =	vld [tilespmem:$0x1FE00]  }
0x3fc: {  	v51 =	vpop (erf)  }
0x3fd: {  	v8 =	vld [tilespmem:$0x1FFC0];
	v16 =	vpop (erf)  }
0x3fe: {  	v13 =	vmul.f32 v16, v49;
	v19 =	vpop (erf)  }
0x3ff: {  	v46 =	vmul.f32 v19, v46  }
0x400: {  	[tilespmem:s17+$0xFFFFFF00] =	vst v13;
	v3 =	vmul.f32 v0, v3;
	v18 =	vpop (erf)  }
0x401: {  	v11 =	vld [tilespmem:$0x1FFD0];
	[tilespmem:s17+$0xFFFFFF90] =	vst v46;
	v46 =	vmul.f32 v18, v44  }
0x402: {  	v12 =	vld [tilespmem:$0x1FF90];
	v2 =	vadd.f32 v3, v2;
	v3 =	vmul.f32 v8, v20  }
0x403: {  	v9 =	vld [tilespmem:$0x1FF80];
	[tilespmem:s17+$0x20] =	vst v46  }
0x404: {  	v3 =	vadd.f32 v3, v2;
	v2 =	vld [tilespmem:$0x1FFE0];
	_ =	sdelay $0x1  }
0x405: {  	v14 =	vmul.f32 v11, v22;
	_ =	sdelay $0x1  }
0x406: {  	v0 =	vld [tilespmem:$0x1FC30];
	v3 =	vadd.f32 v14, v3;
	v49 =	vmul.f32 v12, v29  }
0x407: {  	v5 =	vld [tilespmem:$0x1FC20];
	v13 =	vmul.f32 v2, v40;
	v40 =	vpop (erf)  }
0x408: {  	v9 =	vmul.f32 v9, v48;
	v48 =	vld [tilespmem:$0x1FC40];
	v3 =	vadd.f32 v49, v3;
	v17 =	vmul.f32 v40, v17  }
0x409: {  	v49 =	vld [tilespmem:$0x1FF80]  }
0x40a: {  	v3 =	vadd.f32 v13, v3;
	v13 =	vld [tilespmem:$0x1FFF0];
	[tilespmem:s17+$0xB0] =	vst v17  }
0x40b: {  	v14 =	vadd.f32 v47, v36;
	v47 =	vmul.f32 v12, v0;
	v0 =	vld [tilespmem:$0x1FC50];
	_ =	sdelay $0x1  }
0x40c: {  	v6 =	vld [tilespmem:s24+$0xFFFFFF30]  }
0x40d: {  	v7 =	vld [tilespmem:s6+$0xFFFFFF30]  }
0x40e: {  	v44 =	vld [tilespmem:s24+$0xFFFFFFB0]  }
0x40f: {  	v17 =	vmul.f32 v12, v0;
	v0 =	vld [tilespmem:$0x1FC60]  }
0x410: {  	v22 =	vld [tilespmem:s7+$0xFFFFFF30]  }
0x411: {  	v1 =	vld [tilespmem:$0x1FC80]  }
0x412: {  	v46 =	vld [tilespmem:s6+$0xFFFFFFB0]  }
0x413: {  	v29 =	vld [tilespmem:s7+$0xFFFFFFB0]  }
0x414: {  	v4 =	vmul.f32 v49, v5;
	v36 =	vld [tilespmem:s7+$0xB0];
	v49 =	vmul.f32 v12, v0  }
0x415: {  	v0 =	vld [tilespmem:$0x1FC70]  }
0x416: {  	v17 =	vadd.f32 v17, v34;
	v34 =	vadd.f32 v49, v35;
	v49 =	vmul.f32 v8, v1;
	v1 =	vld [tilespmem:$0x1FC90]  }
0x417: {  	v4 =	vadd.f32 v4, v39;
	v39 =	vadd.f32 v47, v41;
	v41 =	vld [tilespmem:s24+$0xB0]  }
0x418: {  	v35 =	vadd.f32 v49, v38;
	v49 =	vld [tilespmem:$0x1FCA0]  }
0x419: {  	v47 =	vadd.f32 v6, v22;
	v5 =	vmul.f32 v13, v48;
	v38 =	vadd.f32 v44, v29;
	v44 =	vld [tilespmem:s6+$0xB0]  }
0x41a: {  	v6 =	vmul.f32 v13, v0;
	v25 =	vmul.f32 v0, v25;
	v0 =	vld [tilespmem:$0x1FCB0]  }
0x41b: {  	v3 =	vadd.f32 v5, v3;
	v5 =	vadd.f32 v7, v47;
	v7 =	vmul.f32 v13, v1  }
0x41c: {  	v38 =	vadd.f32 v46, v38  }
0x41d: {  	v20 =	vld [tilespmem:s7+$0x30];
	v46 =	vadd.f32 v41, v36;
	v7 =	vadd.f32 v7, v32;
	v32 =	vmul.f32 v13, v49  }
0x41e: {  	v9 =	vadd.f32 v9, v37;
	v37 =	vld [tilespmem:s24+$0x30]  }
0x41f: {  	v32 =	vadd.f32 v32, v33;
	v33 =	vadd.f32 v44, v46;
	v44 =	vmul.f32 v8, v0;
	v0 =	vld [tilespmem:$0x1FCC0]  }
0x420: {  	v6 =	vadd.f32 v6, v28;
	v28 =	vld [tilespmem:s6+$0x30];
	_ =	sdelay $0x2  }
0x421: {  	v37 =	vadd.f32 v37, v20;
	v47 =	vmul.f32 $2.000000030e-01, v5  }
0x422: {  	v46 =	vmul.f32 v8, v0;
	v0 =	vld [tilespmem:$0x1FCD0]  }
0x423: {  	v5 =	vmax.f32 v5, v47;
	v47 =	vmul.f32 $2.000000030e-01, v38;
	v28 =	vadd.f32 v28, v37;
	_ =	sdelay $0x1  }
0x424: {  	v5 =	vmul.f32 v5, v10;
	v37 =	vmax.f32 v38, v47;
	v47 =	vmul.f32 $2.000000030e-01, v28  }
0x425: {  	v26 =	vmul.f32 v1, v26;
	v1 =	vmov v8  }
0x426: {  	(xrf2) =	vadd.scan.msk.f32 $0xffff, v5;
	v5 =	vadd.f32 v46, v9;
	v9 =	vmax.f32 v28, v47;
	v28 =	vmul.f32 v1, v0;
	v0 =	vld [tilespmem:$0x1FCE0];
	_ =	sdelay $0x4  }
0x427: {  	v8 =	vadd.f32 v44, v14;
	v44 =	vmul.f32 v2, v0;
	v0 =	vld [tilespmem:$0x1FCF0];
	_ =	sdelay $0x4  }
0x428: {  	v46 =	vmul.f32 v11, v0;
	v0 =	vld [tilespmem:$0x1FD00];
	_ =	sdelay $0x1  }
0x429: {  	v37 =	vmul.f32 v37, v10  }
0x42a: {  	v9 =	vmul.f32 v9, v10  }
0x42b: {  	(xrf2) =	vadd.scan.msk.f32 $0xffff, v37  }
0x42c: {  	(xrf2) =	vadd.scan.msk.f32 $0xffff, v9;
	v9 =	vmul.f32 v2, v0;
	v0 =	vld [tilespmem:$0x1FD10];
	_ =	sdelay $0x4  }
0x42d: {  	v21 =	vmul.f32 v63, v21;
	v47 =	vmul.f32 v2, v0;
	v0 =	vld [tilespmem:$0x1FD20];
	_ =	sdelay $0x1  }
0x42e: {  	v24 =	vmul.f32 v15, v24;
	v21 =	vadd.f32 $0.0e+00, v21;
	_ =	sdelay $0x1  }
0x42f: {  	v21 =	vadd.f32 v24, v21;
	v24 =	vld [tilespmem:$0x1FF80];
	v14 =	vmul.f32 $2.000000030e-01, v33  }
0x430: {  	v27 =	vmul.f32 v49, v27;
	v49 =	vmul.f32 v11, v0;
	v0 =	vld [tilespmem:$0x1FD30]  }
0x431: {  	v33 =	vmax.f32 v33, v14  }
0x432: {  	v4 =	vadd.f32 v28, v4;
	v28 =	vmul.f32 v33, v10;
	v10 =	vld [tilespmem:$0x1FD40]  }
0x433: {  	[tilespmem:s13+$0x150] =	vst v43  }
0x434: {  	v24 =	vmul.f32 v24, v31;
	[tilespmem:s10+$0x160] =	vst v3  }
0x435: {  	v31 =	vmul.f32 v11, v62;
	v62 =	vmul.f32 v2, v0;
	v0 =	vld [tilespmem:$0x1FD50];
	_ =	sdelay $0x1  }
0x436: {  	v21 =	vadd.f32 v24, v21;
	(xrf2) =	vadd.scan.msk.f32 $0xffff, v28;
	v24 =	vmul.f32 v1, v10;
	v10 =	vld [tilespmem:$0x1FD60]  }
0x437: {  	[tilespmem:s13+$0xFFFFFFB0] =	vst v6  }
0x438: {  	v59 =	vmul.f32 v11, v59;
	v14, _, _ =	vpop (xrf2);
	v6 =	vld [tilespmem:$0x1FEF0];
	[tilespmem:s13+$0xFFFFFFA0] =	vst v25  }
0x439: {  	v38 =	vmul.f32 $1.442695020e+00, v14;
	v3 =	vmul.f32 v23, v0;
	v0 =	vld [tilespmem:$0x1FD70]  }
0x43a: {  	v5 =	vadd.f32 v31, v5;
	v31 =	vmul.f32 v13, v23;
	v4 =	vadd.f32 v59, v4  }
0x43b: {  	v15, _, _ =	vpop (xrf2);
	v21 =	vadd.f32 v24, v21;
	v24 =	vmul.f32 v11, v10;
	v23 =	vbroadcast v38, $0xF  }
0x43c: {  	v30 =	vadd.f32 v44, v30;
	v1 =	vmul.f32 v45, v61;
	v25 =	vmul.f32 $1.442695020e+00, v15  }
0x43d: {  	v21 =	vadd.f32 v24, v21;
	[tilespmem:s13+$0x40] =	vst v7;
	v7 =	vadd.f32 v47, v17;
	v17 =	vmul.f32 v2, v52  }
0x43e: {  	[tilespmem:s13+$0x30] =	vst v26;
	v26 =	vadd.f32 v31, v30;
	v30 =	vmul.f32 v13, v51;
	v24 =	vmul.f32 v12, v0  }
0x43f: {  	v28 =	vadd.f32 v46, v35;
	v6 =	vmul.f32 v48, v6;
	(erf) = vpow2.f32 v23;
	v23, _, _ =	vpop (xrf2)  }
0x440: {  	v23 =	vmul.f32 $1.442695020e+00, v23;
	v21 =	vadd.f32 v24, v21;
	v24 =	vbroadcast v25, $0xF;
	v25, _, _ =	vpop (xrf2)  }
0x441: {  	v9 =	vadd.f32 v9, v39;
	[tilespmem:s10+$0xFFFFFF20] =	vst v26;
	v26 =	vmul.f32 v12, v56;
	v25 =	vmul.f32 $1.442695020e+00, v25  }
0x442: {  	[tilespmem:s13+$0xD0] =	vst v32;
	v17 =	vadd.f32 v17, v21;
	v21 =	vbroadcast v23, $0xF;
	(erf) = vpow2.f32 v24  }
0x443: {  	v8 =	vadd.f32 v49, v8;
	[tilespmem:s13+$0xC0] =	vst v27;
	v24 =	vmul.f32 v13, v42;
	v25 =	vbroadcast v25, $0xF  }
0x444: {  	[tilespmem:s10+$0xFFFFFF10] =	vst v3;
	v3 =	vadd.f32 v30, v17;
	(erf) = vpow2.f32 v21;
	v21 =	vmul.f32 v13, v50  }
0x445: {  	[tilespmem:s10+$0x150] =	vst v6;
	v6 =	vadd.f32 v24, v9;
	v9 =	vmul.f32 v13, v45;
	(erf) = vpow2.f32 v25  }
0x446: {  	v10 =	vmov v2;
	v23 =	vadd.f32 v62, v34;
	[tilespmem:s17+$0x160] =	vst v3;
	v3 =	vmul.f32 v42, v58  }
0x447: {  	v0 =	vmul.f32 v2, v16;
	v17 =	vadd.f32 v26, v28;
	[tilespmem:s10+$0xFFFFFFB0] =	vst v6;
	v6 =	vadd.f32 v9, v7  }
0x448: {  	v24 =	vmul.f32 v12, v55;
	v7 =	vmul.f32 v12, v54;
	[tilespmem:s10+$0xFFFFFFA0] =	vst v3;
	v3 =	vadd.f32 v21, v23;
	v21 =	vpop (erf)  }
0x449: {  	v9 =	vmul.f32 v12, v53;
	v0 =	vadd.f32 v0, v17;
	[tilespmem:s10+$0x40] =	vst v6;
	v6 =	vmul.f32 v13, v21  }
0x44a: {  	v8 =	vadd.f32 v24, v8;
	v17 =	vmul.f32 v2, v19;
	[tilespmem:s10+$0xD0] =	vst v3;
	v3 =	vmul.f32 v50, v57  }
0x44b: {  	[tilespmem:s10+$0x30] =	vst v1;
	v1 =	vmul.f32 v2, v18;
	v5 =	vadd.f32 v7, v5;
	v0 =	vadd.f32 v6, v0;
	v2 =	vpop (erf)  }
0x44c: {  	v6 =	vmul.f32 v21, v22;
	[tilespmem:s10+$0xC0] =	vst v3;
	v3 =	vadd.f32 v17, v8;
	v7 =	vmul.f32 v13, v2  }
0x44d: {  	v4 =	vadd.f32 v9, v4;
	v8 =	vmul.f32 v10, v40;
	[tilespmem:s17+$0xFFFFFF20] =	vst v0;
	v0 =	vmul.f32 v51, v60;
	v9 =	vpop (erf)  }
0x44e: {  	v1 =	vadd.f32 v1, v5;
	[tilespmem:s17+$0xFFFFFF10] =	vst v6;
	v37 =	vpop (erf);
	v3 =	vadd.f32 v7, v3;
	v6 =	vmul.f32 v13, v9  }
0x44f: {  	v4 =	vadd.f32 v8, v4;
	[tilespmem:s17+$0x150] =	vst v0;
	v0 =	vmul.f32 v2, v29;
	v2 =	vmul.f32 v13, v37  }
0x450: {  	[tilespmem:s17+$0xFFFFFFB0] =	vst v3;
	v1 =	vadd.f32 v6, v1  }
0x451: {  	[tilespmem:s17+$0xFFFFFFA0] =	vst v0;
	v0 =	vadd.f32 v2, v4  }
0x452: {  	[tilespmem:s17+$0x40] =	vst v1;
	v1 =	vmul.f32 v9, v20  }
0x453: {  	s0 =	sshll.u32 s12, $0x4;
	[tilespmem:s17+$0xD0] =	vst v0;
	v0 =	vmul.f32 v37, v36  }
0x454: {  	s0 =	sand.u32 $0x1FFFFF80, s0;
	[tilespmem:s17+$0x30] =	vst v1  }
0x455: {  	s0 =	sadd.s32 s5, s0;
	s13 =	sshll.u32 s11, $0x1;
	[tilespmem:s17+$0xC0] =	vst v0  }
0x456: {  	[tilespmem:s22], [sflag:$0x2] =	stream.linear.gather [hbm4b:s0+s3], $0x1400, $0x38;
	[tilespmem:$0x1F2F0] =	vst v63  }
0x457: {  	p0 =	seq.s32 s11, $0x18;
	s0 =	sadd.s32 $0x2, s13  }
0x458: {  	s16 =	simm.s32 $0x177A0;
	s0 =	smul.u32 @!p0 $0x28, s0  }
0x459: {  	[spmem:s2] =	stream.indirect.scatter.add.f32 [tilespmem:s14], [sflag:$0x4], $0x90, s16, s19, $0xb8;
	[tilespmem:$0x1F2F0] =	vst v63  }
0x45a: {  	_ =	swait.ge [sflag:s15], $0x1680;
	s12 =	sadd.s32 @!p0 s9, s0  }
0x45b: {  	s7 =	simm.s32 @!p0 $0x0;
	[sflag:s15] =	ssyncset.done $0x0;
	s6 =	sshrl.u32 @!p0 s12, $0x3  }
0x45c: {  	s10 =	simm.s32 @!p0 $0x177A0;
	[sflag:s15] =	ssyncadd.s32 $0xFFFFE980;
	s6 =	sadd.s32 @!p0 s8, s6  }
0x45d: {  	[tilespmem:s10], [sflag:$0x3] =	stream.linear.gather @!p0 [hbm4b:s6+s7], $0x28, $0x38;
	[tilespmem:$0x1F2F0] =	vst v63  }
0x45e: {  	s6 =	sadd.s32 @!p0 $0x16800, s0;
	s7 =	simm.s32 @!p0 $0x28;
	s10 =	simm.s32 @!p0 $0x177F0  }
0x45f: {  	[tilespmem:s10], [sflag:$0x1] =	stream.indirect.gather @!p0 [hbm4b:s1+s7], $0x80, s6, s7, $0xb8;
	[tilespmem:$0x1F2F0] =	vst v63  }
0x460: {  	s0 =	sadd.s32 @!p0 $0x16FD0, s0;
	s6 =	simm.s32 @!p0 $0x19FF0  }
0x461: {  	[tilespmem:s6], [sflag:$0x1] =	stream.indirect.gather @!p0 [hbm4b:s4+s7], $0x80, s0, s7, $0xb8;
	[tilespmem:$0x1F2F0] =	vst v63  }
0x462: {  	_ =	swait.ge [sflag:s26], $0x1400  }
0x463: {  	[sflag:s26] =	ssyncset.done $0x0  }
0x464: {  	[sflag:s26] =	ssyncadd.s32 $0xFFFFEC00  }
0x465: {  	_ =	swait.ge [sflag:s26], $0x1400  }
0x466: {  	[sflag:s26] =	ssyncset.done $0x0  }
0x467: {  	[sflag:s26] =	ssyncadd.s32 $0xFFFFEC00  }
0x468: {  	_ =	swait.ge [sflag:s28], $0x28  }
0x469: {  	[sflag:s28] =	ssyncset.done $0x0  }
0x46a: {  	[sflag:s28] =	ssyncadd.s32 $0xFFFFFFD8  }
0x46b: {  	_ =	swait.ge [sflag:s29], $0x1400  }
0x46c: {  	[sflag:s29] =	ssyncset.done $0x0  }
0x46d: {  	s17 =	simm.s32 $0x18D30;
	[sflag:s29] =	ssyncadd.s32 $0xFFFFEC00  }
0x46e: {  	s18 =	simm.s32 $0x1B530;
	v0 =	vld [tilespmem:s17+$0xC0]  }
0x46f: {  	v1 =	vld [tilespmem:s18+$0xC0]  }
0x470: {  	s25 =	simm.s32 $0x1C930  }
0x471: {  	v2 =	vld [tilespmem:s25+$0xC0];
	_ =	sdelay $0x2  }
0x472: {  	v1 =	vadd.f32 v1, v0;
	_ =	sdelay $0x1  }
0x473: {  	v49 =	vld [tilespmem:$0x1FF40];
	v1 =	vadd.f32 v2, v1;
	_ =	sdelay $0x1  }
0x474: {  	v2 =	vmul.f32 $2.000000030e-01, v1;
	_ =	sdelay $0x1  }
0x475: {  	v1 =	vmax.f32 v1, v2  }
0x476: {  	v1 =	vmul.f32 v1, v49;
	_ =	sdelay $0x1  }
0x477: {  	(xrf2) =	vadd.scan.msk.f32 $0xffff, v1;
	_ =	sdelay $0x8  }
0x478: {  	v2 =	vld [tilespmem:s17+$0xFFFFFEC0]  }
0x479: {  	v1 =	vld [tilespmem:s18+$0xFFFFFEC0];
	v38, _, _ =	vpop (xrf2)  }
0x47a: {  	v4 =	vmul.f32 $1.442695020e+00, v38  }
0x47b: {  	v3 =	vld [tilespmem:s25+$0xFFFFFEC0]  }
0x47c: {  	v4 =	vbroadcast v4, $0xF;
	_ =	sdelay $0x1  }
0x47d: {  	v1 =	vadd.f32 v1, v2;
	(erf) = vpow2.f32 v4;
	_ =	sdelay $0x1  }
0x47e: {  	v1 =	vadd.f32 v3, v1;
	_ =	sdelay $0x1  }
0x47f: {  	v40 =	vld [tilespmem:s18+$0xFFFFFF40];
	v39 =	vmul.f32 $2.000000030e-01, v1  }
0x480: {  	v6 =	vld [tilespmem:s17+$0xFFFFFFC0]  }
0x481: {  	v3 =	vld [tilespmem:s17+$0xFFFFFF40];
	v1 =	vmax.f32 v1, v39  }
0x482: {  	v41 =	vld [tilespmem:s18+$0xFFFFFFC0];
	v1 =	vmul.f32 v1, v49  }
0x483: {  	v7 =	vld [tilespmem:s25+$0xFFFFFF40]  }
0x484: {  	v14 =	vmov v10;
	(xrf2) =	vadd.scan.msk.f32 $0xffff, v1;
	v1 =	vld [tilespmem:s25+$0xFFFFFFC0];
	v10 =	vpop (erf)  }
0x485: {  	v8 =	vld [tilespmem:s17+$0x40];
	[tilespmem:$0x1FDA0] =	vst v10  }
0x486: {  	v5 =	vadd.f32 v40, v3;
	v9 =	vld [tilespmem:s18+$0x40]  }
0x487: {  	v4 =	vadd.f32 v41, v6;
	v0 =	vmul.f32 v10, v0  }
0x488: {  	s13 =	simm.s32 $0x1DD50;
	v5 =	vadd.f32 v7, v5  }
0x489: {  	v7 =	vld [tilespmem:s25+$0x40];
	[tilespmem:s13+$0xE0] =	vst v0;
	v0 =	vadd.f32 v1, v4  }
0x48a: {  	v1 =	vmul.f32 $2.000000030e-01, v5;
	v42 =	vld [tilespmem:s17+$0xD0]  }
0x48b: {  	v17 =	vld [tilespmem:s18+$0xD0];
	v18 =	vmul.f32 $2.000000030e-01, v0;
	v9 =	vadd.f32 v9, v8  }
0x48c: {  	v1 =	vmax.f32 v5, v1  }
0x48d: {  	v43 =	vld [tilespmem:s25+$0xD0];
	v1 =	vmul.f32 v1, v49;
	v0 =	vmax.f32 v0, v18  }
0x48e: {  	v0 =	vmul.f32 v0, v49;
	v7 =	vadd.f32 v7, v9  }
0x48f: {  	(xrf2) =	vadd.scan.msk.f32 $0xffff, v1;
	v9, _, _ =	vpop (xrf2)  }
0x490: {  	v17 =	vadd.f32 v17, v42;
	(xrf2) =	vadd.scan.msk.f32 $0xffff, v0;
	v1 =	vmul.f32 $1.442695020e+00, v9;
	v9 =	vmul.f32 $2.000000030e-01, v7;
	_ =	sdelay $0x1  }
0x491: {  	v10 =	vld [tilespmem:$0x1FF30];
	v5 =	vadd.f32 v43, v17;
	v0 =	vbroadcast v1, $0xF;
	v1 =	vmax.f32 v7, v9  }
0x492: {  	v1 =	vmul.f32 v1, v49  }
0x493: {  	(erf) = vpow2.f32 v0;
	v0 =	vmul.f32 $2.000000030e-01, v5  }
0x494: {  	(xrf2) =	vadd.scan.msk.f32 $0xffff, v1  }
0x495: {  	v0 =	vmax.f32 v5, v0  }
0x496: {  	v0 =	vmul.f32 v0, v10;
	_ =	sdelay $0x1  }
0x497: {  	v1, _, _ =	vpop (xrf2);
	(xrf2) =	vadd.scan.msk.f32 $0xffff, v0  }
0x498: {  	v0 =	vmul.f32 $1.442695020e+00, v1;
	v1, _, _ =	vpop (xrf2)  }
0x499: {  	v1 =	vmul.f32 $1.442695020e+00, v1;
	_ =	sdelay $0x1  }
0x49a: {  	v0 =	vbroadcast v0, $0xF;
	v20 =	vpop (erf)  }
0x49b: {  	v2 =	vmul.f32 v20, v2  }
0x49c: {  	(erf) = vpow2.f32 v0;
	v0 =	vbroadcast v1, $0xF;
	v1, _, _ =	vpop (xrf2)  }
0x49d: {  	[tilespmem:s13+$0xFFFFFEA0] =	vst v2;
	v1 =	vmul.f32 $1.442695020e+00, v1  }
0x49e: {  	v2 =	vld [tilespmem:s17+$0xFFFFFED0]  }
0x49f: {  	(erf) = vpow2.f32 v0;
	v0 =	vld [tilespmem:s18+$0xFFFFFED0];
	v1 =	vbroadcast v1, $0xF  }
0x4a0: {  	v7, _, _ =	vpop (xrf2)  }
0x4a1: {  	v44 =	vld [tilespmem:s25+$0xFFFFFED0];
	(erf) = vpow2.f32 v1;
	v1 =	vmul.f32 $1.442695020e+00, v7;
	_ =	sdelay $0x1  }
0x4a2: {  	v1 =	vbroadcast v1, $0xF  }
0x4a3: {  	v0 =	vadd.f32 v0, v2  }
0x4a4: {  	(erf) = vpow2.f32 v1  }
0x4a5: {  	v25 =	vpop (erf);
	v0 =	vadd.f32 v44, v0  }
0x4a6: {  	v1 =	vmul.f32 v25, v3  }
0x4a7: {  	v26 =	vpop (erf);
	v3 =	vmul.f32 $2.000000030e-01, v0  }
0x4a8: {  	[tilespmem:s13+$0xFFFFFF30] =	vst v1;
	v1 =	vmul.f32 v26, v6  }
0x4a9: {  	v45 =	vld [tilespmem:s17+$0xFFFFFF50];
	v0 =	vmax.f32 v0, v3  }
0x4aa: {  	v3 =	vld [tilespmem:s18+$0xFFFFFF50];
	[tilespmem:s13+$0xFFFFFFC0] =	vst v1;
	v27 =	vpop (erf);
	v0 =	vmul.f32 v0, v10  }
0x4ab: {  	v1 =	vld [tilespmem:s17+$0xFFFFFFD0];
	v6 =	vmul.f32 v27, v8  }
0x4ac: {  	(xrf2) =	vadd.scan.msk.f32 $0xffff, v0;
	v0 =	vld [tilespmem:s25+$0xFFFFFF50]  }
0x4ad: {  	v7 =	vld [tilespmem:s18+$0xFFFFFFD0];
	[tilespmem:s13+$0x50] =	vst v6;
	v9 =	vpop (erf)  }
0x4ae: {  	v6 =	vld [tilespmem:s17+$0x50];
	[tilespmem:$0x1FDB0] =	vst v9  }
0x4af: {  	v3 =	vadd.f32 v3, v45;
	v4 =	vmul.f32 v9, v42;
	v8 =	vld [tilespmem:s25+$0xFFFFFFD0]  }
0x4b0: {  	v9 =	vld [tilespmem:s18+$0x50]  }
0x4b1: {  	v17 =	vld [tilespmem:s25+$0x50];
	[tilespmem:s13+$0xF0] =	vst v4;
	v0 =	vadd.f32 v0, v3  }
0x4b2: {  	v3 =	vld [tilespmem:s17+$0xE0]  }
0x4b3: {  	v46 =	vadd.f32 v7, v1;
	v7 =	vld [tilespmem:s18+$0xE0];
	v18 =	vmul.f32 $2.000000030e-01, v0;
	_ =	sdelay $0x1  }
0x4b4: {  	v4 =	vadd.f32 v8, v46;
	v8 =	vld [tilespmem:s25+$0xE0];
	v0 =	vmax.f32 v0, v18  }
0x4b5: {  	v9 =	vadd.f32 v9, v6;
	v19, _, _ =	vpop (xrf2);
	v0 =	vmul.f32 v0, v10  }
0x4b6: {  	v18 =	vmul.f32 $2.000000030e-01, v4;
	v19 =	vmul.f32 $1.442695020e+00, v19  }
0x4b7: {  	v9 =	vadd.f32 v17, v9;
	v7 =	vadd.f32 v7, v3  }
0x4b8: {  	(xrf2) =	vadd.scan.msk.f32 $0xffff, v0;
	v4 =	vmax.f32 v4, v18;
	v0 =	vbroadcast v19, $0xF  }
0x4b9: {  	v12 =	vld [tilespmem:$0x1FF60];
	v17 =	vmul.f32 $2.000000030e-01, v9;
	v4 =	vmul.f32 v4, v10;
	v7 =	vadd.f32 v8, v7  }
0x4ba: {  	(erf) = vpow2.f32 v0  }
0x4bb: {  	v0 =	vmax.f32 v9, v17;
	(xrf2) =	vadd.scan.msk.f32 $0xffff, v4;
	v47 =	vmul.f32 $2.000000030e-01, v7  }
0x4bc: {  	v0 =	vmul.f32 v0, v10  }
0x4bd: {  	v4 =	vmax.f32 v7, v47  }
0x4be: {  	(xrf2) =	vadd.scan.msk.f32 $0xffff, v0;
	v0 =	vmul.f32 v4, v12;
	_ =	sdelay $0x1  }
0x4bf: {  	(xrf2) =	vadd.scan.msk.f32 $0xffff, v0;
	_ =	sdelay $0x1  }
0x4c0: {  	v0, _, _ =	vpop (xrf2)  }
0x4c1: {  	v0 =	vmul.f32 $1.442695020e+00, v0;
	v29 =	vpop (erf)  }
0x4c2: {  	v2 =	vmul.f32 v29, v2  }
0x4c3: {  	v48, _, _ =	vpop (xrf2);
	v0 =	vbroadcast v0, $0xF  }
0x4c4: {  	v4 =	vmul.f32 $1.442695020e+00, v48;
	[tilespmem:s13+$0xFFFFFEB0] =	vst v2  }
0x4c5: {  	(erf) = vpow2.f32 v0;
	v2 =	vld [tilespmem:s17+$0xFFFFFEE0]  }
0x4c6: {  	v50, _, _ =	vpop (xrf2);
	v7 =	vld [tilespmem:s18+$0xFFFFFEE0];
	v0 =	vbroadcast v4, $0xF  }
0x4c7: {  	v4 =	vmul.f32 $1.442695020e+00, v50  }
0x4c8: {  	(erf) = vpow2.f32 v0;
	v8, _, _ =	vpop (xrf2)  }
0x4c9: {  	v0 =	vld [tilespmem:s25+$0xFFFFFEE0];
	v4 =	vbroadcast v4, $0xF;
	v8 =	vmul.f32 $1.442695020e+00, v8;
	_ =	sdelay $0x1  }
0x4ca: {  	(erf) = vpow2.f32 v4;
	v51 =	vadd.f32 v7, v2;
	v7 =	vbroadcast v8, $0xF;
	_ =	sdelay $0x1  }
0x4cb: {  	(erf) = vpow2.f32 v7  }
0x4cc: {  	v0 =	vadd.f32 v0, v51;
	v31 =	vpop (erf)  }
0x4cd: {  	v52 =	vmul.f32 v31, v45  }
0x4ce: {  	v53 =	vmul.f32 $2.000000030e-01, v0  }
0x4cf: {  	v30 =	vpop (erf);
	[tilespmem:s13+$0xFFFFFF40] =	vst v52  }
0x4d0: {  	v0 =	vmax.f32 v0, v53;
	v1 =	vmul.f32 v30, v1;
	v4 =	vld [tilespmem:s17+$0xFFFFFF60]  }
0x4d1: {  	v0 =	vmul.f32 v0, v12;
	v54 =	vld [tilespmem:s18+$0xFFFFFF60]  }
0x4d2: {  	v7 =	vld [tilespmem:s25+$0xFFFFFF60];
	v32 =	vpop (erf);
	[tilespmem:s13+$0xFFFFFFD0] =	vst v1  }
0x4d3: {  	(xrf2) =	vadd.scan.msk.f32 $0xffff, v0;
	v6 =	vmul.f32 v32, v6;
	v1 =	vld [tilespmem:s17+$0xFFFFFFE0]  }
0x4d4: {  	v0 =	vld [tilespmem:s18+$0xFFFFFFE0];
	v23 =	vpop (erf)  }
0x4d5: {  	v8 =	vld [tilespmem:s25+$0xFFFFFFE0];
	[tilespmem:s13+$0x60] =	vst v6;
	v3 =	vmul.f32 v23, v3  }
0x4d6: {  	v6 =	vld [tilespmem:s17+$0x60]  }
0x4d7: {  	v9 =	vld [tilespmem:s18+$0x60];
	[tilespmem:s13+$0x100] =	vst v3  }
0x4d8: {  	v3 =	vld [tilespmem:s17+$0xF0]  }
0x4d9: {  	v17 =	vld [tilespmem:s18+$0xF0]  }
0x4da: {  	v18 =	vld [tilespmem:s25+$0x60];
	v5 =	vadd.f32 v54, v4  }
0x4db: {  	v19 =	vld [tilespmem:s25+$0xF0];
	v0 =	vadd.f32 v0, v1  }
0x4dc: {  	v5 =	vadd.f32 v7, v5  }
0x4dd: {  	v7 =	vadd.f32 v9, v6;
	v0 =	vadd.f32 v8, v0;
	v24, _, _ =	vpop (xrf2)  }
0x4de: {  	v9 =	vmul.f32 $1.442695020e+00, v24;
	v8 =	vadd.f32 v17, v3;
	v17 =	vmul.f32 $2.000000030e-01, v5  }
0x4df: {  	v7 =	vadd.f32 v18, v7;
	v18 =	vmul.f32 $2.000000030e-01, v0  }
0x4e0: {  	v21 =	vld [tilespmem:$0x1FF00];
	v9 =	vbroadcast v9, $0xF;
	v8 =	vadd.f32 v19, v8;
	v5 =	vmax.f32 v5, v17  }
0x4e1: {  	v17 =	vmul.f32 $2.000000030e-01, v7;
	v5 =	vmul.f32 v5, v12  }
0x4e2: {  	v0 =	vmax.f32 v0, v18;
	(erf) = vpow2.f32 v9;
	v9 =	vmul.f32 $2.000000030e-01, v8  }
0x4e3: {  	v0 =	vmul.f32 v0, v12;
	v7 =	vmax.f32 v7, v17  }
0x4e4: {  	(xrf2) =	vadd.scan.msk.f32 $0xffff, v5;
	v55 =	vmul.f32 v7, v12;
	v7 =	vmax.f32 v8, v9  }
0x4e5: {  	(xrf2) =	vadd.scan.msk.f32 $0xffff, v0;
	v0 =	vmul.f32 v7, v21  }
0x4e6: {  	(xrf2) =	vadd.scan.msk.f32 $0xffff, v55  }
0x4e7: {  	(xrf2) =	vadd.scan.msk.f32 $0xffff, v0;
	_ =	sdelay $0x3  }
0x4e8: {  	v33 =	vpop (erf)  }
0x4e9: {  	v0 =	vmul.f32 v33, v2  }
0x4ea: {  	s20 =	simm.s32 $0x1B7B0  }
0x4eb: {  	v18 =	vld [tilespmem:s20+$0xC0];
	v2, _, _ =	vpop (xrf2);
	[tilespmem:s13+$0xFFFFFEC0] =	vst v0  }
0x4ec: {  	v2 =	vmul.f32 $1.442695020e+00, v2;
	v56, _, _ =	vpop (xrf2);
	v0 =	vld [tilespmem:s17+$0xFFFFFEF0]  }
0x4ed: {  	s30 =	simm.s32 $0x18FB0;
	v7 =	vld [tilespmem:s18+$0xFFFFFEF0];
	v5 =	vmul.f32 $1.442695020e+00, v56;
	v8, _, _ =	vpop (xrf2)  }
0x4ee: {  	v9 =	vld [tilespmem:s30+$0xC0];
	v2 =	vbroadcast v2, $0xF;
	v8 =	vmul.f32 $1.442695020e+00, v8;
	v17, _, _ =	vpop (xrf2)  }
0x4ef: {  	s21 =	simm.s32 $0x1CBB0;
	v19 =	vld [tilespmem:s25+$0xFFFFFEF0];
	v5 =	vbroadcast v5, $0xF;
	v17 =	vmul.f32 $1.442695020e+00, v17  }
0x4f0: {  	(erf) = vpow2.f32 v2;
	v2 =	vbroadcast v8, $0xF;
	v8 =	vld [tilespmem:s21+$0xC0]  }
0x4f1: {  	(erf) = vpow2.f32 v5  }
0x4f2: {  	v57 =	vbroadcast v17, $0xF;
	(erf) = vpow2.f32 v2;
	v2 =	vadd.f32 v7, v0  }
0x4f3: {  	v58 =	vadd.f32 v18, v9  }
0x4f4: {  	(erf) = vpow2.f32 v57;
	v2 =	vadd.f32 v19, v2  }
0x4f5: {  	v5 =	vadd.f32 v8, v58  }
0x4f6: {  	v7 =	vmul.f32 $2.000000030e-01, v2  }
0x4f7: {  	v8 =	vmul.f32 $2.000000030e-01, v5  }
0x4f8: {  	v2 =	vmax.f32 v2, v7  }
0x4f9: {  	v2 =	vmul.f32 v2, v21;
	v5 =	vmax.f32 v5, v8  }
0x4fa: {  	v35 =	vpop (erf);
	v5 =	vmul.f32 v5, v49  }
0x4fb: {  	v59 =	vld [tilespmem:s30+$0xFFFFFEC0];
	v36 =	vpop (erf);
	(xrf2) =	vadd.scan.msk.f32 $0xffff, v2  }
0x4fc: {  	v39 =	vld [tilespmem:s30+$0xFFFFFF40];
	v34 =	vpop (erf);
	(xrf2) =	vadd.scan.msk.f32 $0xffff, v5  }
0x4fd: {  	v60 =	vld [tilespmem:s21+$0xFFFFFF40];
	v24 =	vpop (erf)  }
0x4fe: {  	v2 =	vld [tilespmem:s20+$0xFFFFFEC0];
	v3 =	vmul.f32 v24, v3  }
0x4ff: {  	v17 =	vld [tilespmem:s20+$0xFFFFFF40]  }
0x500: {  	v7 =	vld [tilespmem:s21+$0xFFFFFEC0];
	[tilespmem:s13+$0x110] =	vst v3  }
0x501: {  	v3 =	vld [tilespmem:s17+$0x100]  }
0x502: {  	v8 =	vld [tilespmem:s18+$0x100]  }
0x503: {  	v43 =	vld [tilespmem:s30+$0xFFFFFFC0];
	v2 =	vadd.f32 v2, v59  }
0x504: {  	v4 =	vmul.f32 v35, v4;
	v19 =	vld [tilespmem:s25+$0x100]  }
0x505: {  	v62 =	vld [tilespmem:s20+$0xFFFFFFC0];
	v2 =	vadd.f32 v7, v2;
	v7, _, _ =	vpop (xrf2)  }
0x506: {  	v37 =	vld [tilespmem:s30+$0x40];
	v17 =	vadd.f32 v17, v39;
	[tilespmem:s13+$0xFFFFFF50] =	vst v4;
	v61, _, _ =	vpop (xrf2)  }
0x507: {  	v18 =	vld [tilespmem:s17+$0xFFFFFF70];
	v28 =	vmul.f32 $2.000000030e-01, v2;
	v8 =	vadd.f32 v8, v3;
	v45 =	vmul.f32 $1.442695020e+00, v61  }
0x508: {  	v4 =	vadd.f32 v60, v17;
	v47 =	vld [tilespmem:s18+$0xFFFFFF70]  }
0x509: {  	v22 =	vld [tilespmem:$0x1FF50];
	v2 =	vmax.f32 v2, v28;
	v8 =	vadd.f32 v19, v8;
	v17 =	vbroadcast v45, $0xF  }
0x50a: {  	v2 =	vmul.f32 v2, v49;
	v19 =	vld [tilespmem:s20+$0x40]  }
0x50b: {  	v28 =	vld [tilespmem:s21+$0xFFFFFFC0];
	v46 =	vmul.f32 $2.000000030e-01, v8;
	(erf) = vpow2.f32 v17  }
0x50c: {  	(xrf2) =	vadd.scan.msk.f32 $0xffff, v2;
	v2 =	vld [tilespmem:s21+$0x40]  }
0x50d: {  	v1 =	vmul.f32 v36, v1;
	v8 =	vmax.f32 v8, v46  }
0x50e: {  	v38 =	vadd.f32 v62, v43;
	v17 =	vld [tilespmem:s25+$0xFFFFFF70];
	v8 =	vmul.f32 v8, v22  }
0x50f: {  	v6 =	vmul.f32 v34, v6;
	v48 =	vmul.f32 $2.000000030e-01, v4;
	[tilespmem:s13+$0xFFFFFFE0] =	vst v1;
	v1 =	vadd.f32 v19, v37  }
0x510: {  	(xrf2) =	vadd.scan.msk.f32 $0xffff, v8;
	v8 =	vadd.f32 v28, v38  }
0x511: {  	v4 =	vmax.f32 v4, v48;
	[tilespmem:s13+$0x70] =	vst v6;
	v40 =	vld [tilespmem:s17+$0xFFFFFFF0];
	v19 =	vadd.f32 v47, v18;
	v1 =	vadd.f32 v2, v1  }
0x512: {  	v4 =	vmul.f32 v4, v49;
	v51 =	vld [tilespmem:s18+$0x70];
	v50 =	vmul.f32 $2.000000030e-01, v8  }
0x513: {  	v2 =	vld [tilespmem:s18+$0xFFFFFFF0];
	v6 =	vadd.f32 v17, v19;
	v28 =	vmul.f32 $2.000000030e-01, v1  }
0x514: {  	v7 =	vmul.f32 $1.442695020e+00, v7;
	(xrf2) =	vadd.scan.msk.f32 $0xffff, v4;
	v19 =	vld [tilespmem:s17+$0x70];
	v4 =	vmax.f32 v8, v50;
	v17 =	vpop (erf)  }
0x515: {  	v8 =	vmul.f32 $2.000000030e-01, v6;
	v1 =	vmax.f32 v1, v28;
	v28 =	vld [tilespmem:s25+$0xFFFFFFF0];
	[tilespmem:$0x1FD80] =	vst v17;
	v9 =	vmul.f32 v17, v9  }
0x516: {  	s10 =	simm.s32 $0x1E020;
	v7 =	vbroadcast v7, $0xF;
	v52, _, _ =	vpop (xrf2);
	v4 =	vmul.f32 v4, v49;
	v53 =	vld [tilespmem:s25+$0x70]  }
0x517: {  	v1 =	vmul.f32 v1, v49;
	v6 =	vmax.f32 v6, v8;
	v8 =	vmul.f32 $1.442695020e+00, v52;
	[tilespmem:s10+$0xE0] =	vst v9  }
0x518: {  	(erf) = vpow2.f32 v7;
	v2 =	vadd.f32 v2, v40;
	v45 =	vld [tilespmem:s30+$0xD0]  }
0x519: {  	v7 =	vadd.f32 v51, v19;
	v6 =	vmul.f32 v6, v21;
	(xrf2) =	vadd.scan.msk.f32 $0xffff, v4;
	v54 =	vbroadcast v8, $0xF;
	v8 =	vld [tilespmem:s20+$0xD0]  }
0x51a: {  	(xrf2) =	vadd.scan.msk.f32 $0xffff, v1  }
0x51b: {  	v2 =	vadd.f32 v28, v2;
	(xrf2) =	vadd.scan.msk.f32 $0xffff, v6;
	v1, _, _ =	vpop (xrf2);
	v6 =	vadd.f32 v53, v7;
	v7 =	vld [tilespmem:s21+$0xD0]  }
0x51c: {  	v1 =	vmul.f32 $1.442695020e+00, v1  }
0x51d: {  	v9 =	vmul.f32 $2.000000030e-01, v2  }
0x51e: {  	v1 =	vbroadcast v1, $0xF;
	v8 =	vadd.f32 v8, v45  }
0x51f: {  	(erf) = vpow2.f32 v54;
	v2 =	vmax.f32 v2, v9  }
0x520: {  	v55, _, _ =	vpop (xrf2);
	v28 =	vmul.f32 $2.000000030e-01, v6;
	(erf) = vpow2.f32 v1;
	v1 =	vadd.f32 v7, v8  }
0x521: {  	v38 =	vpop (erf);
	v4 =	vmul.f32 $1.442695020e+00, v55;
	v2 =	vmul.f32 v2, v21  }
0x522: {  	v0 =	vmul.f32 v38, v0;
	v6 =	vmax.f32 v6, v28;
	v7 =	vmul.f32 $2.000000030e-01, v1  }
0x523: {  	(xrf2) =	vadd.scan.msk.f32 $0xffff, v2;
	v2 =	vbroadcast v4, $0xF;
	v6 =	vmul.f32 v6, v21;
	v56, _, _ =	vpop (xrf2)  }
0x524: {  	[tilespmem:s13+$0xFFFFFED0] =	vst v0;
	v4 =	vmul.f32 $1.442695020e+00, v56;
	v0 =	vmax.f32 v1, v7  }
0x525: {  	(erf) = vpow2.f32 v2;
	(xrf2) =	vadd.scan.msk.f32 $0xffff, v6;
	v0 =	vmul.f32 v0, v10;
	_ =	sdelay $0x1  }
0x526: {  	v48 =	vld [tilespmem:s17+$0xFFFFFF00];
	v1 =	vbroadcast v4, $0xF  }
0x527: {  	v2 =	vld [tilespmem:s18+$0xFFFFFF00];
	v57, _, _ =	vpop (xrf2)  }
0x528: {  	(erf) = vpow2.f32 v1;
	v1 =	vmul.f32 $1.442695020e+00, v57;
	(xrf2) =	vadd.scan.msk.f32 $0xffff, v0;
	v0 =	vpop (erf)  }
0x529: {  	v58 =	vld [tilespmem:s25+$0xFFFFFF00];
	v5 =	vmul.f32 v0, v59;
	v28 =	vpop (erf)  }
0x52a: {  	v6, _, _ =	vpop (xrf2);
	v1 =	vbroadcast v1, $0xF;
	v3 =	vmul.f32 v28, v3  }
0x52b: {  	v6 =	vmul.f32 $1.442695020e+00, v6;
	[tilespmem:s10+$0xFFFFFEA0] =	vst v5  }
0x52c: {  	v2 =	vadd.f32 v2, v48;
	v59, _, _ =	vpop (xrf2);
	(erf) = vpow2.f32 v1;
	v46 =	vld [tilespmem:s30+$0xFFFFFED0];
	[tilespmem:s13+$0x120] =	vst v3  }
0x52d: {  	v41 =	vpop (erf);
	v3 =	vbroadcast v6, $0xF;
	v51 =	vld [tilespmem:s17+$0x110]  }
0x52e: {  	v2 =	vadd.f32 v58, v2;
	v1 =	vmul.f32 $1.442695020e+00, v59;
	v61, _, _ =	vpop (xrf2);
	v6 =	vld [tilespmem:s18+$0x110]  }
0x52f: {  	v60 =	vmul.f32 v41, v39;
	v7 =	vld [tilespmem:s20+$0xFFFFFED0];
	(erf) = vpow2.f32 v3  }
0x530: {  	v3 =	vmul.f32 $2.000000030e-01, v2  }
0x531: {  	v1 =	vbroadcast v1, $0xF;
	[tilespmem:s10+$0xFFFFFF30] =	vst v60  }
0x532: {  	v5 =	vmul.f32 $1.442695020e+00, v61;
	v54 =	vld [tilespmem:s30+$0xFFFFFF50]  }
0x533: {  	v42 =	vpop (erf);
	(erf) = vpow2.f32 v1;
	v1 =	vld [tilespmem:s25+$0x110]  }
0x534: {  	v5 =	vbroadcast v5, $0xF;
	v9 =	vld [tilespmem:s20+$0xFFFFFF50];
	v62 =	vmul.f32 v42, v43;
	v2 =	vmax.f32 v2, v3;
	v3, _, _ =	vpop (xrf2)  }
0x535: {  	v8 =	vld [tilespmem:s21+$0xFFFFFED0];
	v2 =	vmul.f32 v2, v22;
	v43 =	vpop (erf);
	v3 =	vmul.f32 $1.442695020e+00, v3  }
0x536: {  	v39 =	vld [tilespmem:s21+$0xFFFFFF50];
	[tilespmem:s10+$0xFFFFFFC0] =	vst v62;
	v15 =	vadd.f32 v6, v51;
	v52 =	vmul.f32 v43, v37  }
0x537: {  	(erf) = vpow2.f32 v5;
	v47 =	vld [tilespmem:s30+$0xFFFFFFD0];
	(xrf2) =	vadd.scan.msk.f32 $0xffff, v2;
	v2 =	vbroadcast v3, $0xF  }
0x538: {  	v6 =	vld [tilespmem:s20+$0xFFFFFFD0];
	v1 =	vadd.f32 v1, v15;
	v3 =	vadd.f32 v7, v46;
	[tilespmem:s10+$0x50] =	vst v52;
	v44 =	vpop (erf)  }
0x539: {  	v53 =	vadd.f32 v9, v54;
	(erf) = vpow2.f32 v2;
	v9 =	vmul.f32 v44, v18;
	v18 =	vld [tilespmem:$0x1FF20]  }
0x53a: {  	v7 =	vld [tilespmem:s21+$0xFFFFFFD0];
	v2 =	vadd.f32 v8, v3;
	v3 =	vmul.f32 $2.000000030e-01, v1  }
0x53b: {  	v50 =	vld [tilespmem:s30+$0x50]  }
0x53c: {  	v4 =	vadd.f32 v39, v53;
	v1 =	vmax.f32 v1, v3;
	v3 =	vld [tilespmem:s20+$0x50]  }
0x53d: {  	v8 =	vmul.f32 $2.000000030e-01, v2  }
0x53e: {  	v55 =	vadd.f32 v6, v47;
	v6 =	vld [tilespmem:s21+$0x50];
	v39 =	vpop (erf);
	[tilespmem:s13+$0xFFFFFF60] =	vst v9;
	v9 =	vmul.f32 $2.000000030e-01, v4;
	v1 =	vmul.f32 v1, v18  }
0x53f: {  	v2 =	vmax.f32 v2, v8;
	v8 =	vmul.f32 v39, v40  }
0x540: {  	v58 =	vld [tilespmem:s17+$0xFFFFFF80];
	v40 =	vpop (erf);
	(xrf2) =	vadd.scan.msk.f32 $0xffff, v1;
	v1 =	vmul.f32 v2, v10;
	v2 =	vadd.f32 v7, v55  }
0x541: {  	v57 =	vld [tilespmem:s18+$0xFFFFFF80];
	[tilespmem:s13+$0xFFFFFFF0] =	vst v8;
	v3 =	vadd.f32 v3, v50;
	v7, _, _ =	vpop (xrf2)  }
0x542: {  	v4 =	vmax.f32 v4, v9;
	v53 =	vld [tilespmem:s17+$0x0];
	v9 =	vpop (erf);
	v7 =	vmul.f32 $1.442695020e+00, v7;
	v8 =	vmul.f32 $2.000000030e-01, v2  }
0x543: {  	v3 =	vadd.f32 v6, v3;
	(xrf2) =	vadd.scan.msk.f32 $0xffff, v1;
	v1 =	vld [tilespmem:s18+$0x0];
	[tilespmem:$0x1FD90] =	vst v9;
	v9 =	vmul.f32 v9, v45  }
0x544: {  	v4 =	vmul.f32 v4, v10;
	v6 =	vld [tilespmem:s25+$0xFFFFFF80];
	v59 =	vbroadcast v7, $0xF;
	v2 =	vmax.f32 v2, v8  }
0x545: {  	v7 =	vld [tilespmem:s25+$0x0];
	[tilespmem:s10+$0xF0] =	vst v9;
	v8 =	vmul.f32 $2.000000030e-01, v3;
	v2 =	vmul.f32 v2, v10  }
0x546: {  	(xrf2) =	vadd.scan.msk.f32 $0xffff, v4;
	v60 =	vld [tilespmem:s30+$0xE0]  }
0x547: {  	v5 =	vadd.f32 v57, v58;
	v3 =	vmax.f32 v3, v8;
	(xrf2) =	vadd.scan.msk.f32 $0xffff, v2;
	v2 =	vld [tilespmem:s20+$0xE0]  }
0x548: {  	(erf) = vpow2.f32 v59;
	v3 =	vmul.f32 v3, v10  }
0x549: {  	v15 =	vadd.f32 v6, v5;
	v6 =	vld [tilespmem:s21+$0xE0]  }
0x54a: {  	v1 =	vadd.f32 v1, v53;
	v37, _, _ =	vpop (xrf2);
	(xrf2) =	vadd.scan.msk.f32 $0xffff, v3  }
0x54b: {  	v3 =	vmul.f32 $2.000000030e-01, v15;
	v5 =	vmul.f32 $1.442695020e+00, v37  }
0x54c: {  	v1 =	vadd.f32 v7, v1;
	v7 =	vmul.f32 v40, v19;
	v2 =	vadd.f32 v2, v60  }
0x54d: {  	v3 =	vmax.f32 v15, v3;
	v5 =	vbroadcast v5, $0xF  }
0x54e: {  	v9 =	vmul.f32 $2.000000030e-01, v1;
	[tilespmem:s13+$0x80] =	vst v7;
	v3 =	vmul.f32 v3, v22;
	v2 =	vadd.f32 v6, v2  }
0x54f: {  	v8, _, _ =	vpop (xrf2);
	v56 =	vld [tilespmem:s17+$0x80];
	(erf) = vpow2.f32 v5  }
0x550: {  	v8 =	vmul.f32 $1.442695020e+00, v8;
	v45, _, _ =	vpop (xrf2);
	v1 =	vmax.f32 v1, v9;
	v6 =	vld [tilespmem:s18+$0x80];
	(xrf2) =	vadd.scan.msk.f32 $0xffff, v3;
	v3 =	vmul.f32 $2.000000030e-01, v2  }
0x551: {  	v4 =	vmul.f32 $1.442695020e+00, v45;
	v1 =	vmul.f32 v1, v22;
	v45 =	vpop (erf)  }
0x552: {  	v52 =	vbroadcast v8, $0xF;
	v7 =	vmul.f32 v45, v48;
	v2 =	vmax.f32 v2, v3;
	v3 =	vld [tilespmem:s25+$0x80]  }
0x553: {  	v4 =	vbroadcast v4, $0xF;
	v57, _, _ =	vpop (xrf2);
	(xrf2) =	vadd.scan.msk.f32 $0xffff, v1;
	v1 =	vmul.f32 v2, v12  }
0x554: {  	(erf) = vpow2.f32 v52;
	[tilespmem:s13+$0xFFFFFEE0] =	vst v7;
	v5 =	vmul.f32 $1.442695020e+00, v57;
	v59, _, _ =	vpop (xrf2)  }
0x555: {  	(erf) = vpow2.f32 v4;
	(xrf2) =	vadd.scan.msk.f32 $0xffff, v1;
	v1 =	vadd.f32 v6, v56;
	v4 =	vmul.f32 $1.442695020e+00, v59  }
0x556: {  	v17 =	vld [tilespmem:s17+$0xFFFFFF10];
	v2 =	vbroadcast v5, $0xF  }
0x557: {  	v61 =	vld [tilespmem:s18+$0xFFFFFF10];
	v1 =	vadd.f32 v3, v1;
	v3 =	vbroadcast v4, $0xF  }
0x558: {  	(erf) = vpow2.f32 v2;
	v37 =	vpop (erf)  }
0x559: {  	v62 =	vmul.f32 v37, v51  }
0x55a: {  	v2 =	vld [tilespmem:s25+$0xFFFFFF10];
	(erf) = vpow2.f32 v3  }
0x55b: {  	v6 =	vmul.f32 $2.000000030e-01, v1;
	[tilespmem:s13+$0x130] =	vst v62;
	v3, _, _ =	vpop (xrf2)  }
0x55c: {  	v15 =	vadd.f32 v61, v17;
	v61 =	vld [tilespmem:s17+$0x120];
	v3 =	vmul.f32 $1.442695020e+00, v3  }
0x55d: {  	v51 =	vpop (erf);
	v1 =	vmax.f32 v1, v6;
	v6 =	vld [tilespmem:s18+$0x120]  }
0x55e: {  	v46 =	vmul.f32 v51, v46;
	v52 =	vpop (erf);
	v3 =	vbroadcast v3, $0xF  }
0x55f: {  	v2 =	vadd.f32 v2, v15;
	v1 =	vmul.f32 v1, v22;
	v55 =	vmul.f32 v52, v54;
	v7 =	vld [tilespmem:s25+$0x120]  }
0x560: {  	v48, _, _ =	vpop (xrf2)  }
0x561: {  	[tilespmem:s10+$0xFFFFFEB0] =	vst v46;
	v4 =	vmul.f32 $1.442695020e+00, v48;
	v8 =	vmul.f32 $2.000000030e-01, v2;
	(xrf2) =	vadd.scan.msk.f32 $0xffff, v1;
	v54 =	vpop (erf)  }
0x562: {  	v59 =	vld [tilespmem:s30+$0xFFFFFEE0];
	(erf) = vpow2.f32 v3;
	v62 =	vmul.f32 v54, v47;
	v6 =	vadd.f32 v6, v61;
	v3, _, _ =	vpop (xrf2)  }
0x563: {  	v1 =	vld [tilespmem:s20+$0xFFFFFEE0];
	[tilespmem:s10+$0xFFFFFF40] =	vst v55;
	v4 =	vbroadcast v4, $0xF;
	v2 =	vmax.f32 v2, v8;
	v55 =	vpop (erf)  }
0x564: {  	v46 =	vld [tilespmem:s30+$0xFFFFFF60];
	[tilespmem:s10+$0xFFFFFFD0] =	vst v62;
	v3 =	vmul.f32 $1.442695020e+00, v3;
	v62 =	vadd.f32 v7, v6;
	v6 =	vmul.f32 v55, v50  }
0x565: {  	v8 =	vld [tilespmem:s21+$0xFFFFFEE0];
	v2 =	vmul.f32 v2, v18  }
0x566: {  	v15 =	vld [tilespmem:s20+$0xFFFFFF60];
	(erf) = vpow2.f32 v4;
	v3 =	vbroadcast v3, $0xF;
	[tilespmem:s10+$0x60] =	vst v6  }
0x567: {  	v6 =	vld [tilespmem:$0x1FF70]  }
0x568: {  	(xrf2) =	vadd.scan.msk.f32 $0xffff, v2;
	v2 =	vld [tilespmem:s21+$0xFFFFFF60];
	v1 =	vadd.f32 v1, v59;
	(erf) = vpow2.f32 v3  }
0x569: {  	v47 =	vld [tilespmem:s30+$0xFFFFFFE0];
	v7 =	vmul.f32 $2.000000030e-01, v62  }
0x56a: {  	v1 =	vadd.f32 v8, v1;
	v48 =	vld [tilespmem:s30+$0x60]  }
0x56b: {  	v3 =	vld [tilespmem:s20+$0xFFFFFFE0];
	v5 =	vmax.f32 v62, v7;
	v19, _, _ =	vpop (xrf2)  }
0x56c: {  	v8 =	vmul.f32 $2.000000030e-01, v1;
	v57 =	vpop (erf);
	v5 =	vmul.f32 v5, v6;
	v6 =	vld [tilespmem:s20+$0x60]  }
0x56d: {  	v7 =	vld [tilespmem:s21+$0xFFFFFFE0];
	v19 =	vmul.f32 $1.442695020e+00, v19;
	v9 =	vmul.f32 v57, v58  }
0x56e: {  	v62 =	vld [tilespmem:s21+$0x60]  }
0x56f: {  	v4 =	vadd.f32 v15, v46;
	v1 =	vmax.f32 v1, v8;
	v58 =	vpop (erf);
	[tilespmem:s13+$0xFFFFFF70] =	vst v9;
	(xrf2) =	vadd.scan.msk.f32 $0xffff, v5  }
0x570: {  	v1 =	vmul.f32 v1, v12;
	v15 =	vmul.f32 v58, v53;
	v3 =	vadd.f32 v3, v47;
	v50 =	vld [tilespmem:s17+$0xFFFFFF90]  }
0x571: {  	v2 =	vadd.f32 v2, v4;
	v8 =	vbroadcast v19, $0xF;
	v53 =	vadd.f32 v6, v48;
	v6 =	vld [tilespmem:s18+$0xFFFFFF90];
	v19 =	vpop (erf)  }
0x572: {  	[tilespmem:s13+$0x0] =	vst v15;
	v3 =	vadd.f32 v7, v3;
	(xrf2) =	vadd.scan.msk.f32 $0xffff, v1;
	v1 =	vld [tilespmem:s25+$0xFFFFFF90];
	v15 =	vmul.f32 v19, v60  }
0x573: {  	(erf) = vpow2.f32 v8;
	v4 =	vadd.f32 v62, v53;
	v53 =	vld [tilespmem:s17+$0x10]  }
0x574: {  	v7 =	vmul.f32 $2.000000030e-01, v2;
	v9, _, _ =	vpop (xrf2);
	v8 =	vmul.f32 $2.000000030e-01, v3;
	v62 =	vld [tilespmem:s18+$0x10];
	[tilespmem:s10+$0x100] =	vst v15  }
0x575: {  	v15 =	vmul.f32 $1.442695020e+00, v9;
	v9 =	vmul.f32 $2.000000030e-01, v4;
	v60 =	vld [tilespmem:s30+$0xF0]  }
0x576: {  	v2 =	vmax.f32 v2, v7;
	v7 =	vld [tilespmem:s20+$0xF0];
	v6 =	vadd.f32 v6, v50  }
0x577: {  	v3 =	vmax.f32 v3, v8;
	v8 =	vmul.f32 v63, v20;
	v4 =	vmax.f32 v4, v9;
	v9 =	vld [tilespmem:s25+$0x10]  }
0x578: {  	v20 =	vmul.f32 v63, v25;
	v5 =	vbroadcast v15, $0xF;
	v1 =	vadd.f32 v1, v6;
	v6 =	vld [tilespmem:s21+$0xF0]  }
0x579: {  	v25 =	vmul.f32 v63, v26;
	v26 =	vmul.f32 v63, v27;
	v15, _, _ =	vpop (xrf2)  }
0x57a: {  	(erf) = vpow2.f32 v5;
	v27 =	vadd.f32 v62, v53;
	v5 =	vmul.f32 $1.442695020e+00, v15  }
0x57b: {  	v7 =	vadd.f32 v7, v60  }
0x57c: {  	v2 =	vmul.f32 v2, v12;
	v5 =	vbroadcast v5, $0xF;
	v9 =	vadd.f32 v9, v27  }
0x57d: {  	v3 =	vmul.f32 v3, v12;
	v15 =	vld [tilespmem:$0x1FFB0];
	v6 =	vadd.f32 v6, v7  }
0x57e: {  	(xrf2) =	vadd.scan.msk.f32 $0xffff, v2;
	(erf) = vpow2.f32 v5;
	v62 =	vmul.f32 $2.000000030e-01, v9  }
0x57f: {  	(xrf2) =	vadd.scan.msk.f32 $0xffff, v3;
	v3 =	vadd.f32 $0.0e+00, v20;
	v4 =	vmul.f32 v4, v12;
	v27, _, _ =	vpop (xrf2);
	v20 =	vmul.f32 $2.000000030e-01, v6  }
0x580: {  	v7 =	vmul.f32 $2.000000030e-01, v1;
	v27 =	vmul.f32 $1.442695020e+00, v27;
	v5 =	vmax.f32 v9, v62  }
0x581: {  	v8 =	vadd.f32 $0.0e+00, v8;
	(xrf2) =	vadd.scan.msk.f32 $0xffff, v4;
	v4 =	vmul.f32 v5, v18;
	v5 =	vmax.f32 v6, v20;
	v20 =	vld [tilespmem:$0x1FF80]  }
0x582: {  	v2 =	vmul.f32 v15, v29;
	v1 =	vmax.f32 v1, v7;
	v7 =	vbroadcast v27, $0xF  }
0x583: {  	v1 =	vmul.f32 v1, v18  }
0x584: {  	v27 =	vmul.f32 v15, v31;
	v2 =	vadd.f32 v2, v8;
	(erf) = vpow2.f32 v7  }
0x585: {  	v6 =	vadd.f32 $0.0e+00, v25;
	v25 =	vld [tilespmem:$0x1FF80];
	(xrf2) =	vadd.scan.msk.f32 $0xffff, v1;
	v1 =	vmul.f32 v5, v21;
	v5 =	vadd.f32 $0.0e+00, v26;
	v26 =	vpop (erf)  }
0x586: {  	v16 =	vld [tilespmem:$0x1FFC0];
	v3 =	vadd.f32 v27, v3;
	v27 =	vmul.f32 v26, v56;
	v29 =	vpop (erf);
	v20 =	vmul.f32 v20, v33  }
0x587: {  	v8 =	vld [tilespmem:$0x1FF80];
	v56 =	vpop (erf)  }
0x588: {  	(xrf2) =	vadd.scan.msk.f32 $0xffff, v4;
	v2 =	vadd.f32 v20, v2;
	v20 =	vmul.f32 v56, v61  }
0x589: {  	v9 =	vmul.f32 v15, v32;
	(xrf2) =	vadd.scan.msk.f32 $0xffff, v1;
	v33 =	vld [tilespmem:$0x1FF80];
	v1, _, _ =	vpop (xrf2);
	[tilespmem:s13+$0x90] =	vst v27  }
0x58a: {  	v7 =	vmul.f32 v15, v30;
	v25 =	vmul.f32 v25, v34;
	v27, _, _ =	vpop (xrf2);
	[tilespmem:s13+$0x140] =	vst v20  }
0x58b: {  	v62 =	vmov v18;
	v1 =	vmul.f32 $1.442695020e+00, v1;
	v27 =	vmul.f32 $1.442695020e+00, v27;
	v18 =	vld [tilespmem:s17+$0x130]  }
0x58c: {  	v6 =	vadd.f32 v7, v6;
	v7 =	vmul.f32 v16, v38;
	v8 =	vmul.f32 v8, v36  }
0x58d: {  	v5 =	vadd.f32 v9, v5;
	v31 =	vld [tilespmem:s18+$0x90];
	v1 =	vbroadcast v1, $0xF;
	v34 =	vpop (erf);
	v20 =	vbroadcast v27, $0xF  }
0x58e: {  	v4 =	vmul.f32 v33, v35;
	v33 =	vld [tilespmem:s17+$0x90];
	v27 =	vmul.f32 v34, v59  }
0x58f: {  	v6 =	vadd.f32 v8, v6;
	v8 =	vmul.f32 v16, v44;
	v5 =	vadd.f32 v25, v5;
	v25, _, _ =	vpop (xrf2)  }
0x590: {  	v44 =	vld [tilespmem:s25+$0x90];
	v2 =	vadd.f32 v7, v2;
	(erf) = vpow2.f32 v1;
	v1 =	vmul.f32 $1.442695020e+00, v25;
	v7, _, _ =	vpop (xrf2);
	[tilespmem:$0x1FDD0] =	vst v18  }
0x591: {  	v7 =	vmul.f32 $1.442695020e+00, v7;
	v25 =	vld [tilespmem:s18+$0x130]  }
0x592: {  	(erf) = vpow2.f32 v20;
	v1 =	vbroadcast v1, $0xF;
	[tilespmem:s10+$0xFFFFFEC0] =	vst v27;
	v27, _, _ =	vpop (xrf2)  }
0x593: {  	s7 =	simm.s32 $0x19230;
	v7 =	vbroadcast v7, $0xF;
	v31 =	vadd.f32 v31, v33;
	v20 =	vld [tilespmem:s25+$0x130];
	v27 =	vmul.f32 $1.442695020e+00, v27;
	v61, _, _ =	vpop (xrf2)  }
0x594: {  	s0 =	simm.s32 $0x1BA30;
	v3 =	vadd.f32 v4, v3;
	(erf) = vpow2.f32 v1;
	v59 =	vld [tilespmem:s7+$0xC0];
	v36 =	vmul.f32 $1.442695020e+00, v61  }
0x595: {  	(erf) = vpow2.f32 v7;
	v7 =	vld [tilespmem:s0+$0xC0];
	v1 =	vbroadcast v27, $0xF;
	v27 =	vadd.f32 v44, v31  }
0x596: {  	s16 =	simm.s32 $0x1CE30;
	v0 =	vmul.f32 v63, v0;
	v31 =	vbroadcast v36, $0xF;
	v25 =	vadd.f32 v25, v18  }
0x597: {  	(erf) = vpow2.f32 v1;
	v1 =	vadd.f32 v8, v3;
	v3 =	vmul.f32 $2.000000030e-01, v27;
	v8 =	vld [tilespmem:s16+$0xC0]  }
0x598: {  	v0 =	vadd.f32 $0.0e+00, v0;
	v61 =	vmul.f32 v15, v51;
	v20 =	vadd.f32 v20, v25  }
0x599: {  	v44 =	vmul.f32 v29, v17;
	(erf) = vpow2.f32 v31;
	v3 =	vmax.f32 v27, v3  }
0x59a: {  	v7 =	vadd.f32 v7, v59;
	v3 =	vmul.f32 v3, v62;
	v62 =	vmul.f32 $2.000000030e-01, v20  }
0x59b: {  	v43 =	vmul.f32 v63, v43;
	v30 =	vmul.f32 v63, v42;
	v35 =	vld [tilespmem:s30+$0xFFFFFEF0];
	[tilespmem:s13+$0xFFFFFEF0] =	vst v44  }
0x59c: {  	v32 =	vadd.f32 v61, v0;
	v7 =	vadd.f32 v8, v7;
	v0 =	vmax.f32 v20, v62;
	v62 =	vld [tilespmem:$0x1FF10]  }
0x59d: {  	v42 =	vmul.f32 v16, v39;
	v9 =	vmul.f32 v63, v41;
	v41 =	vld [tilespmem:s20+$0xFFFFFEF0];
	v39 =	vpop (erf)  }
0x59e: {  	(xrf2) =	vadd.scan.msk.f32 $0xffff, v3;
	v3 =	vpop (erf);
	v20 =	vmul.f32 $2.000000030e-01, v7  }
0x59f: {  	v4 =	vadd.f32 $0.0e+00, v43;
	v43 =	vld [tilespmem:s21+$0xFFFFFEF0];
	v44 =	vpop (erf)  }
0x5a0: {  	v61 =	vpop (erf)  }
0x5a1: {  	v51 =	vmul.f32 v15, v54;
	v54 =	vpop (erf);
	v0 =	vmul.f32 v0, v62  }
0x5a2: {  	v31 =	vmul.f32 v16, v40;
	v27 =	vadd.f32 v41, v35;
	v7 =	vmax.f32 v7, v20;
	v20 =	vpop (erf)  }
0x5a3: {  	v38 =	vld [tilespmem:s7+$0xFFFFFF40];
	(xrf2) =	vadd.scan.msk.f32 $0xffff, v0;
	v0 =	vmul.f32 v7, v49;
	v7 =	vmul.f32 v20, v60  }
0x5a4: {  	v36 =	vld [tilespmem:s7+$0xFFFFFFC0];
	v5 =	vadd.f32 v31, v5;
	v31 =	vmul.f32 v11, v45;
	v27 =	vadd.f32 v43, v27  }
0x5a5: {  	v9 =	vadd.f32 $0.0e+00, v9;
	v40 =	vld [tilespmem:s18+$0xFFFFFF20];
	[tilespmem:s10+$0x110] =	vst v7  }
0x5a6: {  	v2 =	vadd.f32 v31, v2;
	v8 =	vmul.f32 v15, v52;
	v31 =	vmul.f32 $2.000000030e-01, v27;
	v43 =	vld [tilespmem:$0x1FF90]  }
0x5a7: {  	v30 =	vadd.f32 $0.0e+00, v30;
	v25 =	vld [tilespmem:s17+$0xFFFFFF20]  }
0x5a8: {  	v17 =	vmov v11;
	v45 =	vld [tilespmem:s0+$0xFFFFFEC0];
	v8 =	vadd.f32 v8, v9;
	v27 =	vmax.f32 v27, v31  }
0x5a9: {  	v52 =	vld [tilespmem:s7+$0xFFFFFEC0];
	v9 =	vadd.f32 v51, v30;
	v30 =	vmul.f32 v17, v57;
	v27 =	vmul.f32 v27, v21  }
0x5aa: {  	v6 =	vadd.f32 v42, v6;
	v41 =	vmul.f32 v17, v58;
	v57 =	vld [tilespmem:s0+$0xFFFFFFC0]  }
0x5ab: {  	v31 =	vmul.f32 v15, v55;
	v55 =	vld [tilespmem:s0+$0xFFFFFF40];
	v30 =	vadd.f32 v30, v1;
	(xrf2) =	vadd.scan.msk.f32 $0xffff, v27;
	v1 =	vmul.f32 v43, v29  }
0x5ac: {  	(xrf2) =	vadd.scan.msk.f32 $0xffff, v0;
	v0 =	vadd.f32 v41, v6;
	v41 =	vld [tilespmem:$0x1FF80]  }
0x5ad: {  	v1 =	vadd.f32 v1, v2;
	v2 =	vld [tilespmem:$0x1FF80]  }
0x5ae: {  	v51 =	vld [tilespmem:s30+$0x100]  }
0x5af: {  	v6 =	vld [tilespmem:s20+$0x100]  }
0x5b0: {  	v60 =	vmul.f32 v17, v26;
	[tilespmem:$0x1FDC0] =	vst v1;
	v1 =	vld [tilespmem:$0x1FF80]  }
0x5b1: {  	v42 =	vadd.f32 v31, v4;
	v58 =	vld [tilespmem:s16+$0xFFFFFEC0]  }
0x5b2: {  	v31 =	vadd.f32 v60, v5;
	v7, _, _ =	vpop (xrf2);
	v4 =	vmul.f32 v41, v34;
	v60 =	vld [tilespmem:s21+$0x100];
	v2 =	vmul.f32 v2, v3  }
0x5b3: {  	v7 =	vmul.f32 $1.442695020e+00, v7;
	v41 =	vld [tilespmem:s7+$0x40]  }
0x5b4: {  	v5 =	vmul.f32 v39, v46;
	v32 =	vadd.f32 v4, v32;
	v27 =	vadd.f32 v2, v9;
	v9 =	vld [tilespmem:$0x1FF80]  }
0x5b5: {  	v4 =	vadd.f32 v40, v25;
	v40 =	vld [tilespmem:s16+$0xFFFFFF40];
	v1 =	vmul.f32 v1, v39;
	v2 =	vbroadcast v7, $0xF  }
0x5b6: {  	v6 =	vadd.f32 v6, v51;
	v46 =	vmul.f32 v43, v61;
	v34 =	vadd.f32 v55, v38;
	v7 =	vld [tilespmem:s0+$0x40];
	[tilespmem:s10+$0xFFFFFF50] =	vst v5  }
0x5b7: {  	v3 =	vmul.f32 v3, v47;
	v18 =	vld [tilespmem:$0x1FDA0];
	v29 =	vadd.f32 v1, v8;
	v8 =	vadd.f32 v45, v52  }
0x5b8: {  	v26 =	vmovc v17;
	v6 =	vadd.f32 v60, v6;
	v1 =	vmul.f32 v44, v48;
	(erf) = vpow2.f32 v2  }
0x5b9: {  	[tilespmem:s10+$0xFFFFFFE0] =	vst v3;
	v3 =	vld [tilespmem:s20+$0xFFFFFF70];
	v2, _, _ =	vpop (xrf2);
	v8 =	vadd.f32 v58, v8;
	v17 =	vmul.f32 v9, v44;
	v9 =	vmul.f32 v61, v50  }
0x5ba: {  	v11 =	vmovc v21;
	[tilespmem:s10+$0x70] =	vst v1;
	v1 =	vadd.f32 v40, v34;
	v44 =	vmul.f32 v54, v53;
	v50 =	vld [tilespmem:s16+$0xFFFFFFC0];
	v2 =	vmul.f32 $1.442695020e+00, v2  }
0x5bb: {  	v48, _, _ =	vpop (xrf2);
	v58 =	vadd.f32 v7, v41;
	v7 =	vld [tilespmem:s16+$0x40];
	v61 =	vmul.f32 $2.000000030e-01, v6;
	v47 =	vmul.f32 $2.000000030e-01, v8  }
0x5bc: {  	v39 =	vadd.f32 v57, v36;
	v57, _, _ =	vpop (xrf2);
	v21 =	vmul.f32 v63, v18;
	v18 =	vld [tilespmem:$0x1FDB0];
	v34 =	vmul.f32 $2.000000030e-01, v1  }
0x5bd: {  	v45 =	vld [tilespmem:s30+$0xFFFFFF70];
	v60 =	vmul.f32 $1.442695020e+00, v57;
	v2 =	vbroadcast v2, $0xF;
	v8 =	vmax.f32 v8, v47  }
0x5be: {  	v6 =	vmax.f32 v6, v61;
	v57 =	vld [tilespmem:s21+$0xFFFFFF70];
	v21 =	vadd.f32 $0.0e+00, v21;
	v8 =	vmul.f32 v8, v49  }
0x5bf: {  	v47 =	vld [tilespmem:s30+$0xFFFFFFF0];
	v1 =	vmax.f32 v1, v34;
	v53 =	vbroadcast v60, $0xF;
	(erf) = vpow2.f32 v2  }
0x5c0: {  	v2 =	vmul.f32 v6, v22;
	v6 =	vld [tilespmem:s20+$0xFFFFFFF0];
	v1 =	vmul.f32 v1, v49;
	v5 =	vadd.f32 v7, v58  }
0x5c1: {  	v7 =	vld [tilespmem:$0x1FF80];
	v60 =	vmovc v22;
	v22 =	vmul.f32 v15, v18;
	(xrf2) =	vadd.scan.msk.f32 $0xffff, v8;
	(erf) = vpow2.f32 v53;
	v8 =	vadd.f32 v50, v39  }
0x5c2: {  	v3 =	vadd.f32 v3, v45;
	(xrf2) =	vadd.scan.msk.f32 $0xffff, v2  }
0x5c3: {  	v40 =	vmul.f32 v43, v54;
	v58 =	vld [tilespmem:s21+$0xFFFFFFF0];
	v2 =	vadd.f32 v22, v21;
	v22 =	vmul.f32 $2.000000030e-01, v8  }
0x5c4: {  	v39 =	vld [tilespmem:s30+$0x70];
	v50 =	vmul.f32 v43, v37;
	v37 =	vmul.f32 v14, v56;
	v3 =	vadd.f32 v57, v3;
	(xrf2) =	vadd.scan.msk.f32 $0xffff, v1;
	v1 =	vpop (erf)  }
0x5c5: {  	v21 =	vld [tilespmem:s20+$0x70];
	v33 =	vmul.f32 v1, v33;
	v8 =	vmax.f32 v8, v22;
	v22 =	vmul.f32 $1.442695020e+00, v48  }
0x5c6: {  	v6 =	vadd.f32 v6, v47;
	v7 =	vmul.f32 v7, v23;
	v23 =	vmul.f32 $2.000000030e-01, v5  }
0x5c7: {  	[tilespmem:s13+$0xFFFFFF80] =	vst v9;
	v9 =	vld [tilespmem:s21+$0x70];
	v48 =	vmul.f32 $2.000000030e-01, v3;
	v22 =	vbroadcast v22, $0xF  }
0x5c8: {  	v34 =	vld [tilespmem:s17+$0xFFFFFFA0];
	v8 =	vmul.f32 v8, v49;
	v6 =	vadd.f32 v58, v6;
	v5 =	vmax.f32 v5, v23  }
0x5c9: {  	[tilespmem:s13+$0x10] =	vst v44;
	v2 =	vadd.f32 v7, v2;
	v7 =	vmul.f32 v16, v24;
	v23 =	vld [tilespmem:s18+$0xFFFFFFA0];
	v44 =	vpop (erf);
	v5 =	vmul.f32 v5, v49  }
0x5ca: {  	v61 =	vadd.f32 v21, v39;
	(xrf2) =	vadd.scan.msk.f32 $0xffff, v8;
	v8 =	vld [tilespmem:s25+$0xFFFFFF20];
	v58 =	vmul.f32 $2.000000030e-01, v6;
	(erf) = vpow2.f32 v22;
	v21 =	vpop (erf)  }
0x5cb: {  	v55 =	vld [tilespmem:s18+$0x20];
	v3 =	vmax.f32 v3, v48;
	v24 =	vmul.f32 v13, v44;
	v22, _, _ =	vpop (xrf2);
	v13 =	vmul.f32 v21, v59  }
0x5cc: {  	s31 =	simm.s32 $0x1E2F0;
	v56 =	vld [tilespmem:s25+$0xFFFFFFA0];
	v2 =	vadd.f32 v7, v2;
	v7 =	vmul.f32 v26, v28;
	v22 =	vmul.f32 $1.442695020e+00, v22;
	v49, _, _ =	vpop (xrf2)  }
0x5cd: {  	v28 =	vld [tilespmem:s17+$0x20];
	v9 =	vadd.f32 v9, v61;
	(xrf2) =	vadd.scan.msk.f32 $0xffff, v5;
	[tilespmem:s31+$0xE0] =	vst v13;
	v61 =	vmul.f32 $1.442695020e+00, v49  }
0x5ce: {  	v3 =	vmul.f32 v3, v11;
	v13 =	vadd.f32 v23, v34;
	v22 =	vbroadcast v22, $0xF;
	v54 =	vld [tilespmem:s7+$0xD0]  }
0x5cf: {  	v23 =	vmul.f32 $2.000000030e-01, v9;
	v4 =	vadd.f32 v8, v4;
	v8, _, _ =	vpop (xrf2);
	v59 =	vld [tilespmem:s0+$0xD0];
	v5 =	vbroadcast v61, $0xF  }
0x5d0: {  	v57 =	vld [tilespmem:s25+$0x20];
	v6 =	vmax.f32 v6, v58;
	v8 =	vmul.f32 $1.442695020e+00, v8;
	(erf) = vpow2.f32 v22  }
0x5d1: {  	[tilespmem:s13+$0xA0] =	vst v33;
	v6 =	vmul.f32 v6, v11;
	v61 =	vmax.f32 v9, v23;
	v22 =	vld [tilespmem:s16+$0xD0];
	(erf) = vpow2.f32 v5  }
0x5d2: {  	(xrf2) =	vadd.scan.msk.f32 $0xffff, v3;
	v23 =	vld [tilespmem:s17+$0xA0];
	v5 =	vmul.f32 v61, v11;
	v61 =	vmul.f32 $2.000000030e-01, v4  }
0x5d3: {  	(xrf2) =	vadd.scan.msk.f32 $0xffff, v6;
	v9 =	vadd.f32 v55, v28;
	v55 =	vld [tilespmem:s18+$0xA0];
	v6 =	vbroadcast v8, $0xF;
	v3 =	vpop (erf)  }
0x5d4: {  	v13 =	vadd.f32 v56, v13;
	v8, _, _ =	vpop (xrf2);
	v48 =	vadd.f32 v59, v54;
	v4 =	vmax.f32 v4, v61;
	v61 =	vld [tilespmem:$0x1FF70]  }
0x5d5: {  	v35 =	vmul.f32 v3, v35;
	v8 =	vmul.f32 $1.442695020e+00, v8  }
0x5d6: {  	v53 =	vld [tilespmem:s25+$0xA0];
	v9 =	vadd.f32 v57, v9;
	v56 =	vmul.f32 $2.000000030e-01, v13;
	v22 =	vadd.f32 v22, v48  }
0x5d7: {  	(erf) = vpow2.f32 v6;
	(xrf2) =	vadd.scan.msk.f32 $0xffff, v5;
	[tilespmem:s10+$0xFFFFFED0] =	vst v35;
	v5 =	vbroadcast v8, $0xF;
	v6, _, _ =	vpop (xrf2)  }
0x5d8: {  	v8 =	vmax.f32 v13, v56;
	v48 =	vld [tilespmem:s30+$0xFFFFFF00];
	v6 =	vmul.f32 $1.442695020e+00, v6;
	v13 =	vmul.f32 $2.000000030e-01, v22  }
0x5d9: {  	v55 =	vadd.f32 v55, v23;
	v56 =	vld [tilespmem:s20+$0xFFFFFF00];
	(erf) = vpow2.f32 v5;
	v4 =	vmul.f32 v4, v61;
	v57 =	vpop (erf)  }
0x5da: {  	v6 =	vbroadcast v6, $0xF;
	v33 =	vmax.f32 v22, v13;
	v59 =	vmul.f32 v57, v52;
	v22 =	vpop (erf)  }
0x5db: {  	v49 =	vmul.f32 $2.000000030e-01, v9;
	v53 =	vadd.f32 v53, v55;
	v55 =	vld [tilespmem:s21+$0xFFFFFF00];
	v13 =	vmul.f32 v22, v51  }
0x5dc: {  	(xrf2) =	vadd.scan.msk.f32 $0xffff, v4;
	v4 =	vmul.f32 v33, v10;
	(erf) = vpow2.f32 v6  }
0x5dd: {  	v9 =	vmax.f32 v9, v49;
	v58 =	vmul.f32 $2.000000030e-01, v53  }
0x5de: {  	[tilespmem:s31+$0xFFFFFEA0] =	vst v59;
	v59, _, _ =	vpop (xrf2);
	(xrf2) =	vadd.scan.msk.f32 $0xffff, v4;
	v4 =	vmul.f32 v9, v61;
	v9 =	vadd.f32 v56, v48  }
0x5df: {  	v8 =	vmul.f32 v8, v61;
	v5 =	vmax.f32 v53, v58;
	[tilespmem:s10+$0x120] =	vst v13;
	v6 =	vmul.f32 $1.442695020e+00, v59;
	v13, _, _ =	vpop (xrf2)  }
0x5e0: {  	v52 =	vld [tilespmem:s30+$0x110];
	v56 =	vmul.f32 v5, v61;
	v59 =	vpop (erf);
	v33 =	vmul.f32 $1.442695020e+00, v13;
	v9 =	vadd.f32 v55, v9  }
0x5e1: {  	v2 =	vadd.f32 v7, v2;
	v58 =	vld [tilespmem:s20+$0x110];
	v7 =	vmul.f32 v59, v38;
	v38, _, _ =	vpop (xrf2);
	v49 =	vbroadcast v6, $0xF  }
0x5e2: {  	v35 =	vld [tilespmem:s7+$0xFFFFFED0];
	v5 =	vpop (erf);
	v38 =	vmul.f32 $1.442695020e+00, v38;
	v13 =	vmul.f32 $2.000000030e-01, v9  }
0x5e3: {  	v55 =	vld [tilespmem:s21+$0x110];
	v33 =	vbroadcast v33, $0xF;
	[tilespmem:s31+$0xFFFFFF30] =	vst v7;
	v7 =	vmul.f32 v5, v36  }
0x5e4: {  	(xrf2) =	vadd.scan.msk.f32 $0xffff, v8;
	v6 =	vld [tilespmem:s0+$0xFFFFFED0];
	(erf) = vpow2.f32 v49;
	v8 =	vmax.f32 v9, v13;
	v13 =	vbroadcast v38, $0xF  }
0x5e5: {  	v53 =	vadd.f32 v17, v42;
	v42 =	vld [tilespmem:s16+$0xFFFFFED0];
	[tilespmem:s31+$0xFFFFFFC0] =	vst v7;
	v7 =	vmul.f32 v8, v60;
	v8 =	vmul.f32 v63, v57;
	v57 =	vpop (erf)  }
0x5e6: {  	v51 =	vld [tilespmem:s7+$0xFFFFFF50];
	v9 =	vadd.f32 v58, v52;
	v58 =	vmul.f32 v57, v41  }
0x5e7: {  	v2 =	vadd.f32 v50, v2;
	v49 =	vadd.f32 v46, v30;
	(erf) = vpow2.f32 v33;
	v50, _, _ =	vpop (xrf2);
	v38 =	vld [tilespmem:s0+$0xFFFFFF50]  }
0x5e8: {  	v36 =	vmul.f32 $1.442695020e+00, v50;
	(erf) = vpow2.f32 v13;
	(xrf2) =	vadd.scan.msk.f32 $0xffff, v7;
	v7 =	vld [tilespmem:s16+$0xFFFFFF50];
	v13, _, _ =	vpop (xrf2);
	[tilespmem:s31+$0x50] =	vst v58  }
0x5e9: {  	v6 =	vadd.f32 v6, v35;
	v9 =	vadd.f32 v55, v9;
	v30 =	vmul.f32 $1.442695020e+00, v13;
	v13 =	vld [tilespmem:$0x1FF20]  }
0x5ea: {  	v2 =	vadd.f32 v37, v2;
	v50 =	vld [tilespmem:s7+$0xFFFFFFD0];
	v36 =	vbroadcast v36, $0xF  }
0x5eb: {  	v6 =	vadd.f32 v42, v6;
	v42 =	vld [tilespmem:s0+$0xFFFFFFD0];
	v46 =	vmul.f32 $2.000000030e-01, v9  }
0x5ec: {  	v33 =	vadd.f32 v38, v51;
	v38 =	vld [tilespmem:s16+$0xFFFFFFD0];
	(erf) = vpow2.f32 v36  }
0x5ed: {  	(xrf2) =	vadd.scan.msk.f32 $0xffff, v4;
	v37 =	vmul.f32 $2.000000030e-01, v6;
	v9 =	vmax.f32 v9, v46;
	v46 =	vld [tilespmem:s7+$0x50];
	v58 =	vbroadcast v30, $0xF  }
0x5ee: {  	v30 =	vadd.f32 v24, v2;
	v24 =	vld [tilespmem:s0+$0x50];
	v2 =	vpop (erf);
	v7 =	vadd.f32 v7, v33;
	v9 =	vmul.f32 v9, v13  }
0x5ef: {  	v6 =	vmax.f32 v6, v37;
	v37 =	vmul.f32 v63, v57;
	v41 =	vmul.f32 v2, v45  }
0x5f0: {  	(erf) = vpow2.f32 v58;
	v45 =	vmul.f32 v63, v59;
	v33 =	vadd.f32 v42, v50;
	v59, _, _ =	vpop (xrf2);
	(xrf2) =	vadd.scan.msk.f32 $0xffff, v9;
	v9 =	vld [tilespmem:s16+$0x50]  }
0x5f1: {  	v55 =	vmul.f32 $2.000000030e-01, v7;
	v42 =	vmul.f32 $1.442695020e+00, v59;
	v58 =	vpop (erf)  }
0x5f2: {  	v6 =	vmul.f32 v6, v10;
	[tilespmem:s10+$0xFFFFFF60] =	vst v41;
	v33 =	vadd.f32 v38, v33;
	v47 =	vmul.f32 v58, v47  }
0x5f3: {  	v41 =	vld [tilespmem:s30+$0xFFFFFF80];
	v4 =	vmax.f32 v7, v55;
	v7 =	vadd.f32 v24, v46;
	v57 =	vbroadcast v42, $0xF  }
0x5f4: {  	v1 =	vmul.f32 v43, v1;
	v5 =	vmul.f32 v63, v5;
	v24, _, _ =	vpop (xrf2);
	[tilespmem:s10+$0xFFFFFFF0] =	vst v47;
	v47 =	vld [tilespmem:s20+$0xFFFFFF80]  }
0x5f5: {  	v38 =	vpop (erf);
	v42 =	vld [tilespmem:s21+$0xFFFFFF80];
	v63 =	vmul.f32 $2.000000030e-01, v33;
	(xrf2) =	vadd.scan.msk.f32 $0xffff, v6;
	v24 =	vmul.f32 $1.442695020e+00, v24;
	v7 =	vadd.f32 v9, v7  }
0x5f6: {  	v4 =	vmul.f32 v4, v10;
	v6 =	vmul.f32 v38, v39;
	v36 =	vld [tilespmem:s30+$0x0]  }
0x5f7: {  	(erf) = vpow2.f32 v57;
	v39 =	vld [tilespmem:s20+$0x0];
	v57, _, _ =	vpop (xrf2);
	v9 =	vmax.f32 v33, v63;
	v59 =	vmul.f32 $2.000000030e-01, v7  }
0x5f8: {  	(xrf2) =	vadd.scan.msk.f32 $0xffff, v4;
	v33 =	vadd.f32 v1, v31;
	v1 =	vpop (erf);
	v4 =	vmul.f32 v9, v10;
	v9 =	vbroadcast v24, $0xF  }
0x5f9: {  	v31 =	vld [tilespmem:s21+$0x0];
	v24 =	vpop (erf);
	v63 =	vadd.f32 v47, v41;
	v59 =	vmax.f32 v7, v59;
	v7 =	vmul.f32 $1.442695020e+00, v57  }
0x5fa: {  	v0 =	vadd.f32 v40, v0;
	v54 =	vmul.f32 v24, v54;
	(xrf2) =	vadd.scan.msk.f32 $0xffff, v4  }
0x5fb: {  	v3 =	vmul.f32 v16, v3;
	[tilespmem:s10+$0x80] =	vst v6;
	v40 =	vadd.f32 v42, v63;
	v7 =	vbroadcast v7, $0xF  }
0x5fc: {  	v25 =	vmul.f32 v1, v25;
	(erf) = vpow2.f32 v9;
	v6 =	vadd.f32 v39, v36;
	[tilespmem:s31+$0xF0] =	vst v54;
	v9, _, _ =	vpop (xrf2)  }
0x5fd: {  	v3 =	vadd.f32 v3, v32;
	v39 =	vld [tilespmem:s7+$0xE0];
	v9 =	vmul.f32 $1.442695020e+00, v9;
	v42 =	vmul.f32 $2.000000030e-01, v40  }
0x5fe: {  	v54 =	vadd.f32 $0.0e+00, v8;
	v4 =	vmul.f32 v59, v10;
	v6 =	vadd.f32 v31, v6;
	v8 =	vld [tilespmem:s0+$0xE0]  }
0x5ff: {  	v32 =	vld [tilespmem:s30+$0x80];
	v9 =	vbroadcast v9, $0xF;
	(erf) = vpow2.f32 v7;
	v40 =	vmax.f32 v40, v42;
	v7, _, _ =	vpop (xrf2)  }
0x600: {  	[tilespmem:s13+$0xFFFFFF00] =	vst v25;
	v25 =	vmul.f32 v40, v60;
	(xrf2) =	vadd.scan.msk.f32 $0xffff, v4;
	v4 =	vmul.f32 $1.442695020e+00, v7;
	v7 =	vld [tilespmem:s16+$0xE0]  }
0x601: {  	v31 =	vadd.f32 $0.0e+00, v45;
	v45 =	vld [tilespmem:s20+$0x80];
	v47 =	vmul.f32 $2.000000030e-01, v6;
	(erf) = vpow2.f32 v9  }
0x602: {  	v55 =	vadd.f32 $0.0e+00, v5;
	v5 =	vmul.f32 v16, v58;
	v63, _, _ =	vpop (xrf2)  }
0x603: {  	v6 =	vmax.f32 v6, v47;
	v9 =	vld [tilespmem:s21+$0x80];
	v8 =	vadd.f32 v8, v39;
	(xrf2) =	vadd.scan.msk.f32 $0xffff, v56;
	v40 =	vmul.f32 $1.442695020e+00, v63  }
0x604: {  	v6 =	vmul.f32 v6, v60;
	(xrf2) =	vadd.scan.msk.f32 $0xffff, v25;
	v4 =	vbroadcast v4, $0xF;
	v25, _, _ =	vpop (xrf2)  }
0x605: {  	v58 =	vbroadcast v40, $0xF;
	v7 =	vadd.f32 v7, v8;
	v8 =	vmul.f32 $1.442695020e+00, v25  }
0x606: {  	v2 =	vmul.f32 v16, v2;
	v57 =	vpop (erf);
	v47 =	vmul.f32 v16, v38;
	v38 =	vld [tilespmem:s17+$0xFFFFFF30];
	v63 =	vadd.f32 v45, v32  }
0x607: {  	v56 =	vpop (erf);
	v45 =	vld [tilespmem:s18+$0xFFFFFF30];
	(xrf2) =	vadd.scan.msk.f32 $0xffff, v6;
	(erf) = vpow2.f32 v4;
	v6 =	vbroadcast v8, $0xF  }
0x608: {  	v59 =	vmul.f32 v56, v48;
	v9 =	vadd.f32 v9, v63;
	(erf) = vpow2.f32 v58  }
0x609: {  	v25 =	vld [tilespmem:s25+$0xFFFFFF30];
	v63 =	vmul.f32 $2.000000030e-01, v7;
	v8 =	vmul.f32 v57, v34;
	v58 =	vpop (erf)  }
0x60a: {  	v40 =	vadd.f32 v2, v29;
	[tilespmem:s10+$0xFFFFFEE0] =	vst v59;
	v2 =	vmul.f32 $2.000000030e-01, v9;
	v29 =	vpop (erf)  }
0x60b: {  	v42 =	vld [tilespmem:s30+$0xFFFFFF10];
	v4 =	vmax.f32 v7, v63;
	(erf) = vpow2.f32 v6;
	[tilespmem:s13+$0xFFFFFF90] =	vst v8;
	v8 =	vmul.f32 v29, v52;
	v6, _, _ =	vpop (xrf2)  }
0x60c: {  	v59 =	vld [tilespmem:s20+$0xFFFFFF10];
	v48 =	vadd.f32 v45, v38;
	v4 =	vmul.f32 v4, v12;
	v6 =	vmul.f32 $1.442695020e+00, v6  }
0x60d: {  	v1 =	vmul.f32 v14, v1;
	v45 =	vmul.f32 v26, v56;
	v2 =	vmax.f32 v9, v2;
	v7 =	vld [tilespmem:s21+$0xFFFFFF10]  }
0x60e: {  	v9 =	vadd.f32 v25, v48;
	v25 =	vld [tilespmem:s17+$0xFFFFFFB0];
	[tilespmem:s10+$0x130] =	vst v8;
	v63, _, _ =	vpop (xrf2);
	(xrf2) =	vadd.scan.msk.f32 $0xffff, v4;
	v4 =	vbroadcast v6, $0xF  }
0x60f: {  	v56 =	vadd.f32 v47, v53;
	v2 =	vmul.f32 v2, v60;
	v10 =	vld [tilespmem:$0x1FDC0];
	v8 =	vmul.f32 $1.442695020e+00, v63;
	v63, _, _ =	vpop (xrf2)  }
0x610: {  	v34 =	vadd.f32 v5, v27;
	v60 =	vld [tilespmem:s18+$0xFFFFFFB0];
	v5 =	vmul.f32 $2.000000030e-01, v9;
	v6 =	vpop (erf);
	(erf) = vpow2.f32 v4  }
0x611: {  	v18 =	vmovc v11;
	v45 =	vadd.f32 v45, v3;
	v52 =	vld [tilespmem:s30+$0x120];
	v3 =	vmul.f32 $1.442695020e+00, v63;
	v27 =	vmul.f32 v6, v35  }
0x612: {  	v11 =	vmovc v26;
	v28 =	vmul.f32 v58, v28;
	v53 =	vld [tilespmem:s20+$0x120];
	(xrf2) =	vadd.scan.msk.f32 $0xffff, v2;
	v5 =	vmax.f32 v9, v5;
	v2 =	vbroadcast v8, $0xF  }
0x613: {  	v26 =	vld [tilespmem:s25+$0xFFFFFFB0];
	v63 =	vadd.f32 v59, v42;
	v5 =	vmul.f32 v5, v62;
	v3 =	vbroadcast v3, $0xF;
	v4 =	vpop (erf);
	[tilespmem:s31+$0xFFFFFEB0] =	vst v27  }
0x614: {  	v48 =	vadd.f32 v1, v10;
	v1 =	vmul.f32 v14, v57;
	v27 =	vmul.f32 v4, v51;
	v51 =	vld [tilespmem:s7+$0xFFFFFEE0]  }
0x615: {  	v7 =	vadd.f32 v7, v63;
	v57 =	vmul.f32 v14, v58;
	v8, _, _ =	vpop (xrf2);
	v6 =	vmul.f32 v15, v6;
	v9 =	vld [tilespmem:s0+$0xFFFFFEE0]  }
0x616: {  	v35 =	vld [tilespmem:s21+$0x120];
	v8 =	vmul.f32 $1.442695020e+00, v8;
	(erf) = vpow2.f32 v3  }
0x617: {  	v3 =	vadd.f32 v53, v52;
	v53 =	vadd.f32 v60, v25;
	v58 =	vmul.f32 $2.000000030e-01, v7;
	v59 =	vpop (erf);
	v60 =	vld [tilespmem:s16+$0xFFFFFEE0];
	[tilespmem:s31+$0xFFFFFF40] =	vst v27  }
0x618: {  	(erf) = vpow2.f32 v2;
	v27 =	vmul.f32 v59, v50;
	v47 =	vld [tilespmem:s7+$0xFFFFFF60]  }
0x619: {  	[tilespmem:s13+$0x20] =	vst v28;
	v4 =	vmul.f32 v15, v4;
	v8 =	vbroadcast v8, $0xF;
	v50 =	vld [tilespmem:s0+$0xFFFFFF60];
	v28 =	vpop (erf)  }
0x61a: {  	[tilespmem:s31+$0xFFFFFFD0] =	vst v27;
	v27 =	vadd.f32 v1, v49;
	v1, _, _ =	vpop (xrf2);
	v63 =	vadd.f32 v9, v51;
	v9 =	vmul.f32 v28, v46  }
0x61b: {  	v10 =	vmovc v62;
	v2 =	vadd.f32 v35, v3;
	v3 =	vmax.f32 v7, v58;
	v62 =	vld [tilespmem:s16+$0xFFFFFF60];
	v1 =	vmul.f32 $1.442695020e+00, v1  }
0x61c: {  	(erf) = vpow2.f32 v8;
	v8 =	vadd.f32 v26, v53;
	v3 =	vmul.f32 v3, v13;
	v49 =	vld [tilespmem:s7+$0xFFFFFFE0]  }
0x61d: {  	(xrf2) =	vadd.scan.msk.f32 $0xffff, v5;
	v58 =	vadd.f32 v6, v54;
	v7 =	vld [tilespmem:s0+$0xFFFFFFE0];
	v35 =	vmul.f32 $2.000000030e-01, v2;
	v1 =	vbroadcast v1, $0xF  }
0x61e: {  	(xrf2) =	vadd.scan.msk.f32 $0xffff, v3;
	v3 =	vld [tilespmem:s16+$0xFFFFFFE0];
	v50 =	vadd.f32 v50, v47;
	v5 =	vadd.f32 v60, v63;
	[tilespmem:s31+$0x60] =	vst v9;
	v9, _, _ =	vpop (xrf2)  }
0x61f: {  	v2 =	vmax.f32 v2, v35;
	(erf) = vpow2.f32 v1;
	v54 =	vld [tilespmem:s7+$0x60];
	v1 =	vmul.f32 $1.442695020e+00, v9  }
0x620: {  	v2 =	vmul.f32 v2, v61;
	v6 =	vld [tilespmem:s0+$0x60];
	v53 =	vadd.f32 v62, v50;
	v50 =	vmul.f32 $2.000000030e-01, v5;
	v9 =	vpop (erf)  }
0x621: {  	v41 =	vmul.f32 v9, v41;
	v1 =	vbroadcast v1, $0xF  }
0x622: {  	v26 =	vld [tilespmem:s17+$0x30];
	v46 =	vmul.f32 $2.000000030e-01, v8;
	v7 =	vadd.f32 v7, v49;
	(xrf2) =	vadd.scan.msk.f32 $0xffff, v2;
	v5 =	vmax.f32 v5, v50  }
0x623: {  	v28 =	vmul.f32 v15, v28;
	v60 =	vadd.f32 $0.0e+00, v37;
	v2 =	vld [tilespmem:s16+$0x60];
	v5 =	vmul.f32 v5, v12;
	[tilespmem:s10+$0xFFFFFF70] =	vst v41  }
0x624: {  	v8 =	vmax.f32 v8, v46;
	v3 =	vadd.f32 v3, v7;
	v7 =	vmul.f32 $2.000000030e-01, v53;
	v61 =	vpop (erf);
	v50 =	vld [tilespmem:s30+$0xFFFFFF90]  }
0x625: {  	v62 =	vmul.f32 v15, v59;
	v6 =	vadd.f32 v6, v54;
	(xrf2) =	vadd.scan.msk.f32 $0xffff, v5;
	(erf) = vpow2.f32 v1;
	v5 =	vld [tilespmem:s20+$0xFFFFFF90];
	v1 =	vpop (erf)  }
0x626: {  	v35 =	vld [tilespmem:s18+$0x30];
	v7 =	vmax.f32 v53, v7;
	v53 =	vmul.f32 $2.000000030e-01, v3;
	v37 =	vmul.f32 v1, v36  }
0x627: {  	v59 =	vmul.f32 v8, v10;
	v63, _, _ =	vpop (xrf2);
	v23 =	vmul.f32 v61, v23;
	v41 =	vld [tilespmem:s25+$0x30]  }
0x628: {  	v7 =	vmul.f32 v7, v12;
	v8 =	vld [tilespmem:s21+$0xFFFFFF90];
	v3 =	vmax.f32 v3, v53;
	v36 =	vadd.f32 v4, v31;
	v31 =	vpop (erf);
	[tilespmem:s10+$0x0] =	vst v37  }
0x629: {  	v2 =	vadd.f32 v2, v6;
	v3 =	vmul.f32 v3, v12;
	v4 =	vmul.f32 $1.442695020e+00, v63;
	v6, _, _ =	vpop (xrf2);
	v53 =	vld [tilespmem:s30+$0x10]  }
0x62a: {  	(xrf2) =	vadd.scan.msk.f32 $0xffff, v7;
	v7 =	vmul.f32 v31, v39;
	v6 =	vmul.f32 $1.442695020e+00, v6;
	v5 =	vadd.f32 v5, v50;
	v46 =	vld [tilespmem:s20+$0x10]  }
0x62b: {  	v1 =	vmul.f32 v11, v1;
	v37 =	vadd.f32 v62, v55;
	v55 =	vmul.f32 $2.000000030e-01, v2  }
0x62c: {  	v35 =	vadd.f32 v35, v26;
	v4 =	vbroadcast v4, $0xF;
	v62, _, _ =	vpop (xrf2);
	[tilespmem:s31+$0x100] =	vst v7;
	v7 =	vld [tilespmem:s21+$0x10];
	v6 =	vbroadcast v6, $0xF  }
0x62d: {  	(xrf2) =	vadd.scan.msk.f32 $0xffff, v3;
	v63 =	vmul.f32 $1.442695020e+00, v62;
	v2 =	vmax.f32 v2, v55;
	v3 =	vadd.f32 v8, v5  }
0x62e: {  	v35 =	vadd.f32 v41, v35;
	v55 =	vld [tilespmem:s7+$0xF0];
	(erf) = vpow2.f32 v4;
	v2 =	vmul.f32 v2, v12;
	v5 =	vpop (erf)  }
0x62f: {  	[tilespmem:s13+$0xB0] =	vst v23;
	v8 =	vld [tilespmem:s0+$0xF0];
	v23 =	vmul.f32 $2.000000030e-01, v3;
	v32 =	vmul.f32 v5, v32;
	v12 =	vadd.f32 v46, v53  }
0x630: {  	v39 =	vadd.f32 v28, v60;
	v28 =	vld [tilespmem:s17+$0xB0];
	v62 =	vmul.f32 $2.000000030e-01, v35;
	(erf) = vpow2.f32 v6  }
0x631: {  	v15 =	vld [tilespmem:s16+$0xF0];
	v6, _, _ =	vpop (xrf2);
	(xrf2) =	vadd.scan.msk.f32 $0xffff, v2;
	v2 =	vmax.f32 v3, v23;
	[tilespmem:s10+$0x90] =	vst v32;
	v7 =	vadd.f32 v7, v12  }
0x632: {  	v3 =	vmul.f32 $1.442695020e+00, v6;
	v2 =	vmul.f32 v2, v13;
	v46 =	vld [tilespmem:s30+$0x90]  }
0x633: {  	v4 =	vbroadcast v63, $0xF;
	v12 =	vld [tilespmem:s20+$0x90];
	v6 =	vmul.f32 $2.000000030e-01, v7  }
0x634: {  	v63 =	vadd.f32 v8, v55;
	v8, _, _ =	vpop (xrf2);
	v3 =	vbroadcast v3, $0xF;
	(xrf2) =	vadd.scan.msk.f32 $0xffff, v2;
	v2 =	vmul.f32 v11, v9;
	v9 =	vld [tilespmem:s18+$0xB0]  }
0x635: {  	(erf) = vpow2.f32 v4;
	v8 =	vmul.f32 $1.442695020e+00, v8;
	v6 =	vmax.f32 v7, v6;
	v7 =	vld [tilespmem:s21+$0x90]  }
0x636: {  	v34 =	vadd.f32 v1, v34;
	v5 =	vmul.f32 v11, v5;
	(erf) = vpow2.f32 v3  }
0x637: {  	v1 =	vld [tilespmem:s25+$0xB0];
	v23 =	vmax.f32 v35, v62;
	v4 =	vadd.f32 v15, v63;
	v3 =	vbroadcast v8, $0xF  }
0x638: {  	v35 =	vadd.f32 v5, v56;
	v15 =	vmul.f32 v23, v10;
	v23 =	vadd.f32 v12, v46  }
0x639: {  	v41 =	vadd.f32 v2, v40;
	v8, _, _ =	vpop (xrf2);
	v2 =	vmul.f32 v6, v13;
	v6 =	vmul.f32 $2.000000030e-01, v4  }
0x63a: {  	v56 =	vld [tilespmem:$0x1FFF0];
	v8 =	vmul.f32 $1.442695020e+00, v8;
	v9 =	vadd.f32 v9, v28;
	v7 =	vadd.f32 v7, v23  }
0x63b: {  	(erf) = vpow2.f32 v3;
	v3 =	vpop (erf);
	v4 =	vmax.f32 v4, v6  }
0x63c: {  	v8 =	vbroadcast v8, $0xF;
	v32, _, _ =	vpop (xrf2);
	v1 =	vadd.f32 v1, v9;
	v9 =	vmul.f32 $2.000000030e-01, v7  }
0x63d: {  	v6 =	vmul.f32 v14, v61;
	(xrf2) =	vadd.scan.msk.f32 $0xffff, v2;
	v4 =	vmul.f32 v4, v18;
	v2 =	vpop (erf)  }
0x63e: {  	v5 =	vmul.f32 $1.442695020e+00, v32;
	v32 =	vadd.f32 v57, v0;
	v40 =	vpop (erf);
	(erf) = vpow2.f32 v8  }
0x63f: {  	v33 =	vadd.f32 v6, v33;
	(xrf2) =	vadd.scan.msk.f32 $0xffff, v4;
	v4 =	vmul.f32 v56, v3;
	v0 =	vmul.f32 v2, v42;
	v61 =	vpop (erf)  }
0x640: {  	[tilespmem:s13+$0x160] =	vst v30;
	v8 =	vmul.f32 v40, v52;
	v6 =	vmul.f32 v61, v51;
	v7 =	vmax.f32 v7, v9;
	v9, _, _ =	vpop (xrf2)  }
0x641: {  	v4 =	vadd.f32 v4, v48;
	[tilespmem:s10+$0xFFFFFEF0] =	vst v0;
	v0 =	vmul.f32 $1.442695020e+00, v9  }
0x642: {  	v5 =	vbroadcast v5, $0xF;
	[tilespmem:s10+$0x140] =	vst v8;
	v8 =	vmul.f32 $2.000000030e-01, v1  }
0x643: {  	v2 =	vmul.f32 v43, v2;
	v42 =	vld [tilespmem:s30+$0xFFFFFF20];
	[tilespmem:s13+$0xFFFFFF20] =	vst v4;
	v0 =	vbroadcast v0, $0xF  }
0x644: {  	v3 =	vmul.f32 v3, v38;
	(erf) = vpow2.f32 v5;
	v1 =	vmax.f32 v1, v8;
	v8 =	vld [tilespmem:$0x1FF80];
	[tilespmem:s31+$0xFFFFFEC0] =	vst v6;
	v6 =	vpop (erf)  }
0x645: {  	v23 =	vld [tilespmem:s30+$0x130];
	(erf) = vpow2.f32 v0;
	v0 =	vmul.f32 v6, v47  }
0x646: {  	[tilespmem:s13+$0xFFFFFF10] =	vst v3;
	v9 =	vld [tilespmem:s20+$0x130]  }
0x647: {  	v62 =	vld [tilespmem:s21+$0x130];
	[tilespmem:s31+$0xFFFFFF50] =	vst v0  }
0x648: {  	v0 =	vld [tilespmem:$0x1FDD0]  }
0x649: {  	v30 =	vadd.f32 v2, v45;
	v51 =	vld [tilespmem:s20+$0xFFFFFF20];
	v7 =	vmul.f32 v7, v13;
	v2, _, _ =	vpop (xrf2)  }
0x64a: {  	v56 =	vld [tilespmem:s7+$0xFFFFFEF0];
	v52 =	vmul.f32 v1, v10;
	v1 =	vmul.f32 $1.442695020e+00, v2  }
0x64b: {  	(xrf2) =	vadd.scan.msk.f32 $0xffff, v7;
	v57 =	vld [tilespmem:s16+$0xFFFFFEF0];
	v48 =	vpop (erf);
	v63 =	vmul.f32 v8, v61;
	v47 =	vmul.f32 v8, v6;
	v2 =	vadd.f32 v9, v23  }
0x64c: {  	s24 =	simm.s32 $0x1BA30;
	s6 =	simm.s32 $0x1CE30;
	(xrf2) =	vadd.scan.msk.f32 $0xffff, v59;
	v59 =	vld [tilespmem:s0+$0xFFFFFEF0];
	v49 =	vmul.f32 v48, v49;
	v60 =	vbroadcast v1, $0xF  }
0x64d: {  	s17 =	simm.s32 $0x1E2F0;
	s25 =	simm.s32 $0xA;
	s18 =	simm.s32 $0x194B0;
	(xrf2) =	vadd.scan.msk.f32 $0xffff, v15;
	v38 =	vadd.f32 v63, v58;
	v58, _, _ =	vpop (xrf2);
	v45 =	vld [tilespmem:s7+$0xFFFFFF70];
	v43 =	vmul.f32 v44, v0;
	v0 =	vadd.f32 v62, v2  }
.LBB2_8:
0x64e: {  	v44 =	vld [tilespmem:s18+$0xC0]  }
0x64f: {  	v9 =	vld [tilespmem:$0x1FF80]  }
0x650: {  	(xrf2) =	vadd.scan.msk.f32 $0xffff, v52;
	v52 =	vld [tilespmem:s18+$0xFFFFFF40]  }
0x651: {  	v1 =	vmul.f32 v8, v48;
	v7 =	vmul.f32 $1.442695020e+00, v58;
	v18 =	vld [tilespmem:$0x1FF10]  }
0x652: {  	v17 =	vld [tilespmem:$0x1FF00]  }
0x653: {  	s0 =	sadd.s32 $0x280, s0;
	v12 =	vld [tilespmem:$0x1FF40];
	[tilespmem:s13+$0x150] =	vst v43;
	v10 =	vmul.f32 $2.000000030e-01, v0;
	v48 =	vadd.f32 v1, v37;
	v1 =	vbroadcast v7, $0xF  }
0x654: {  	(erf) = vpow2.f32 v60;
	v3 =	vld [tilespmem:s0+$0xC0];
	v6 =	vadd.f32 v59, v56  }
0x655: {  	s16 =	sadd.s32 $0x280, s16;
	v15 =	vld [tilespmem:$0x1FFA0];
	v0 =	vmax.f32 v0, v10;
	v2 =	vpop (erf);
	(erf) = vpow2.f32 v1  }
0x656: {  	[tilespmem:$0x1FC10] =	vst v23;
	v7 =	vld [tilespmem:s16+$0xC0];
	v6 =	vadd.f32 v57, v6;
	v8 =	vmul.f32 v2, v54;
	v2 =	vmul.f32 v9, v2  }
0x657: {  	v23 =	vld [tilespmem:$0x1FFF0];
	[tilespmem:s31+$0xFFFFFFE0] =	vst v49;
	v4, _, _ =	vpop (xrf2)  }
0x658: {  	v5 =	vld [tilespmem:s0+$0xFFFFFEC0];
	[tilespmem:s31+$0x70] =	vst v8;
	v37 =	vadd.f32 v2, v39;
	v2 =	vmul.f32 $1.442695020e+00, v4;
	v54 =	vpop (erf);
	v8 =	vmul.f32 $2.000000030e-01, v6  }
0x659: {  	v62 =	vld [tilespmem:s16+$0xFFFFFFC0];
	v10 =	vmul.f32 v0, v18;
	v3 =	vadd.f32 v3, v44;
	v0, _, _ =	vpop (xrf2);
	v9 =	vmul.f32 v54, v50  }
0x65a: {  	v58 =	vadd.f32 v51, v42;
	v51 =	vld [tilespmem:s18+$0xFFFFFFC0];
	v59 =	vmul.f32 $1.442695020e+00, v0;
	v0 =	vmax.f32 v6, v8  }
0x65b: {  	v1 =	vld [tilespmem:s0+$0xFFFFFF40];
	v3 =	vadd.f32 v7, v3;
	v7 =	vmul.f32 v0, v17  }
0x65c: {  	v57 =	vld [tilespmem:s0+$0xFFFFFFC0];
	(xrf2) =	vadd.scan.msk.f32 $0xffff, v10;
	v11 =	vbroadcast v2, $0xF;
	v2, _, _ =	vpop (xrf2)  }
0x65d: {  	v10 =	vld [tilespmem:$0x1FF90];
	[tilespmem:s10+$0xFFFFFF80] =	vst v9;
	v9 =	vpop (erf);
	(xrf2) =	vadd.scan.msk.f32 $0xffff, v7;
	v7 =	vbroadcast v59, $0xF  }
0x65e: {  	v49 =	vld [tilespmem:s18+$0x40];
	(erf) = vpow2.f32 v11;
	v11 =	vmul.f32 $2.000000030e-01, v3;
	v59 =	vpop (erf)  }
0x65f: {  	v13 =	vmul.f32 v59, v55;
	(erf) = vpow2.f32 v7;
	v7 =	vld [tilespmem:$0x1FD80]  }
0x660: {  	v3 =	vmax.f32 v3, v11;
	v11 =	vld [tilespmem:$0x1FD90]  }
0x661: {  	[tilespmem:s31+$0x110] =	vst v13;
	v13 =	vld [tilespmem:$0x1FFB0]  }
0x662: {  	v6 =	vld [tilespmem:s0+$0x40]  }
0x663: {  	v0 =	vld [tilespmem:s18+$0xFFFFFEC0];
	v4 =	vmul.f32 v10, v54;
	v2 =	vmul.f32 $1.442695020e+00, v2  }
0x664: {  	v54 =	vld [tilespmem:s16+$0xFFFFFEC0];
	v8, _, _ =	vpop (xrf2);
	v60 =	vmul.f32 v9, v53;
	v7 =	vmul.f32 v15, v7  }
0x665: {  	v39 =	vadd.f32 v57, v51;
	v61 =	vld [tilespmem:s16+$0xFFFFFF40];
	v63 =	vmul.f32 $1.442695020e+00, v8;
	v53 =	vmul.f32 v10, v9  }
0x666: {  	v8 =	vld [tilespmem:s16+$0x40];
	v9 =	vmovc v21;
	v3 =	vmul.f32 v3, v12;
	v7 =	vadd.f32 $0.0e+00, v7;
	v14 =	vmul.f32 v13, v11  }
0x667: {  	v2 =	vbroadcast v2, $0xF;
	[tilespmem:$0x1FD80] =	vst v9;
	v9 =	vadd.f32 v62, v39;
	v62 =	vld [tilespmem:s24+$0x70]  }
0x668: {  	v16 =	vmovc v59;
	v5 =	vadd.f32 v5, v0;
	(xrf2) =	vadd.scan.msk.f32 $0xffff, v3;
	v7 =	vadd.f32 v14, v7;
	v14 =	vld [tilespmem:$0x1FF80]  }
0x669: {  	v1 =	vadd.f32 v1, v52;
	[tilespmem:$0x1FC00] =	vst v16;
	v16 =	vld [tilespmem:$0x1FFE0]  }
0x66a: {  	v6 =	vadd.f32 v6, v49;
	v5 =	vadd.f32 v54, v5;
	v54 =	vld [tilespmem:s7+$0x100]  }
0x66b: {  	v4 =	vadd.f32 v4, v41;
	(erf) = vpow2.f32 v2;
	v21 =	vld [tilespmem:s24+$0x100];
	v2, _, _ =	vpop (xrf2)  }
0x66c: {  	v1 =	vadd.f32 v61, v1;
	v6 =	vadd.f32 v8, v6;
	v8 =	vld [tilespmem:s6+$0x100];
	v2 =	vmul.f32 $1.442695020e+00, v2  }
0x66d: {  	[tilespmem:$0x1FBF0] =	vst v4;
	v4 =	vbroadcast v63, $0xF;
	v11 =	vmov v24;
	v39 =	vmul.f32 v14, v19;
	v14 =	vld [tilespmem:$0x1FFC0]  }
0x66e: {  	v43 =	vmul.f32 $2.000000030e-01, v1;
	v2 =	vbroadcast v2, $0xF;
	[tilespmem:$0x1FD90] =	vst v11;
	v11 =	vld [tilespmem:$0x1FFD0]  }
0x66f: {  	[tilespmem:s10+$0x10] =	vst v60;
	v3 =	vld [tilespmem:s24+$0xFFFFFF70];
	v57 =	vmul.f32 $2.000000030e-01, v5;
	v55 =	vpop (erf);
	(erf) = vpow2.f32 v4  }
0x670: {  	v50 =	vld [tilespmem:s7+$0xFFFFFFF0];
	v1 =	vmax.f32 v1, v43;
	v21 =	vadd.f32 v21, v54;
	(erf) = vpow2.f32 v2  }
0x671: {  	v4 =	vld [tilespmem:s24+$0xFFFFFFF0];
	v60, _, _ =	vpop (xrf2);
	v2 =	vmax.f32 v5, v57;
	v5 =	vmul.f32 $2.000000030e-01, v9;
	v57 =	vmul.f32 $2.000000030e-01, v6  }
0x672: {  	v24 =	vld [tilespmem:s7+$0x70];
	v8 =	vadd.f32 v8, v21;
	v43, _, _ =	vpop (xrf2);
	v7 =	vadd.f32 v39, v7;
	v20 =	vmul.f32 v14, v20  }
0x673: {  	v5 =	vmax.f32 v9, v5;
	v9 =	vld [tilespmem:s6+$0xFFFFFFF0];
	v21 =	vmul.f32 v11, v22;
	v22 =	vmul.f32 $1.442695020e+00, v43  }
0x674: {  	v2 =	vmul.f32 v2, v12;
	v19 =	vld [tilespmem:$0x1FF50];
	v7 =	vadd.f32 v20, v7;
	v20 =	vmul.f32 $2.000000030e-01, v8  }
0x675: {  	v47 =	vadd.f32 v47, v36;
	v36 =	vmovc v31;
	v31 =	vld [tilespmem:s6+$0xFFFFFF70];
	v3 =	vadd.f32 v3, v45;
	v22 =	vbroadcast v22, $0xF  }
0x676: {  	v63 =	vld [tilespmem:s6+$0x70];
	v61 =	vpop (erf);
	(xrf2) =	vadd.scan.msk.f32 $0xffff, v2;
	v7 =	vadd.f32 v21, v7;
	v21 =	vmul.f32 v10, v29;
	v43 =	vmax.f32 v8, v20  }
0x677: {  	v1 =	vmul.f32 v1, v12;
	v6 =	vmax.f32 v6, v57;
	v2 =	vadd.f32 v4, v50;
	v57 =	vpop (erf)  }
0x678: {  	v59 =	vld [tilespmem:s20+$0xFFFFFFA0];
	v41 =	vpop (erf);
	(erf) = vpow2.f32 v22;
	v7 =	vadd.f32 v21, v7;
	v21 =	vmul.f32 v16, v40  }
0x679: {  	v39 =	vld [tilespmem:s30+$0xFFFFFFA0];
	v2 =	vadd.f32 v9, v2;
	v22 =	vadd.f32 v62, v24;
	v4 =	vmul.f32 v43, v19;
	v43 =	vpop (erf)  }
0x67a: {  	v3 =	vadd.f32 v31, v3;
	v62 =	vld [tilespmem:s21+$0xFFFFFFA0];
	v7 =	vadd.f32 v21, v7;
	v21 =	vmul.f32 v23, v43  }
0x67b: {  	v9 =	vmul.f32 $1.442695020e+00, v60;
	v31 =	vmul.f32 $2.000000030e-01, v2;
	v22 =	vadd.f32 v63, v22;
	v29 =	vld [tilespmem:s30+$0x20];
	(xrf2) =	vadd.scan.msk.f32 $0xffff, v4  }
0x67c: {  	v5 =	vmul.f32 v5, v12;
	v40 =	vld [tilespmem:s21+$0xFFFFFF20];
	(xrf2) =	vadd.scan.msk.f32 $0xffff, v1;
	v7 =	vadd.f32 v21, v7;
	v21 =	vmul.f32 $2.000000030e-01, v3  }
0x67d: {  	v2 =	vmax.f32 v2, v31;
	v8 =	vld [tilespmem:s20+$0x20];
	v1 =	vbroadcast v9, $0xF;
	v9 =	vmul.f32 $2.000000030e-01, v22  }
0x67e: {  	v6 =	vmul.f32 v6, v12;
	v59 =	vadd.f32 v59, v39;
	v2 =	vmul.f32 v2, v17  }
0x67f: {  	v4 =	vld [tilespmem:s21+$0x20];
	v9 =	vmax.f32 v22, v9;
	(erf) = vpow2.f32 v1;
	[tilespmem:s10+$0x160] =	vst v7;
	v7 =	vmul.f32 v55, v46  }
0x680: {  	v22 =	vadd.f32 v62, v59;
	v59 =	vmul.f32 v10, v55;
	v3 =	vmax.f32 v3, v21;
	v21, _, _ =	vpop (xrf2)  }
0x681: {  	v20 =	vld [tilespmem:$0x1FF70];
	(xrf2) =	vadd.scan.msk.f32 $0xffff, v5;
	[tilespmem:s10+$0xA0] =	vst v7;
	v7 =	vadd.f32 v40, v58;
	v1 =	vmul.f32 $1.442695020e+00, v21;
	v21 =	vpop (erf)  }
0x682: {  	v8 =	vadd.f32 v8, v29;
	v3 =	vmul.f32 v3, v17;
	v31 =	vld [tilespmem:s30+$0xA0];
	v58 =	vmul.f32 v21, v44  }
0x683: {  	s31 =	sadd.s32 $0x2D0, s31;
	v60 =	vld [tilespmem:s20+$0xA0];
	(xrf2) =	vadd.scan.msk.f32 $0xffff, v6;
	v6 =	vmul.f32 $2.000000030e-01, v7;
	v1 =	vbroadcast v1, $0xF  }
0x684: {  	v4 =	vadd.f32 v4, v8;
	v62 =	vmul.f32 $2.000000030e-01, v22;
	v5 =	vmul.f32 v9, v17;
	v8 =	vld [tilespmem:s21+$0xA0];
	[tilespmem:s31+$0xE0] =	vst v58  }
0x685: {  	v44 =	vadd.f32 v59, v35;
	v9, _, _ =	vpop (xrf2);
	(xrf2) =	vadd.scan.msk.f32 $0xffff, v3;
	v6 =	vmax.f32 v7, v6;
	v59 =	vld [tilespmem:s18+$0xD0];
	(erf) = vpow2.f32 v1  }
0x686: {  	v1 =	vmul.f32 $1.442695020e+00, v9;
	v7 =	vld [tilespmem:s0+$0xD0];
	v3 =	vmul.f32 v6, v20;
	v6 =	vmax.f32 v22, v62;
	v22, _, _ =	vpop (xrf2)  }
0x687: {  	v9 =	vmul.f32 $2.000000030e-01, v4;
	v22 =	vmul.f32 $1.442695020e+00, v22  }
0x688: {  	v46 =	vld [tilespmem:s16+$0xD0];
	v63 =	vadd.f32 v60, v31;
	v1 =	vbroadcast v1, $0xF  }
0x689: {  	(xrf2) =	vadd.scan.msk.f32 $0xffff, v2;
	v60 =	vpop (erf);
	v58 =	vmax.f32 v4, v9;
	v9 =	vmul.f32 v23, v61;
	v2 =	vbroadcast v22, $0xF  }
0x68a: {  	(erf) = vpow2.f32 v1;
	v1 =	vadd.f32 v8, v63;
	v8 =	vmul.f32 v60, v56  }
0x68b: {  	v40 =	vadd.f32 v53, v34;
	v62, _, _ =	vpop (xrf2);
	v63 =	vadd.f32 v7, v59;
	(erf) = vpow2.f32 v2  }
0x68c: {  	v9 =	vadd.f32 v9, v27;
	v4 =	vmul.f32 $1.442695020e+00, v62;
	v22 =	vmul.f32 $2.000000030e-01, v1;
	[tilespmem:s17+$0xFFFFFED0] =	vst v8  }
0x68d: {  	v6 =	vmul.f32 v6, v20;
	v2 =	vmul.f32 v14, v60;
	(xrf2) =	vadd.scan.msk.f32 $0xffff, v5;
	v7, _, _ =	vpop (xrf2);
	v35 =	vadd.f32 v46, v63;
	v55 =	vld [tilespmem:s7+$0xFFFFFF00]  }
0x68e: {  	[tilespmem:s13+$0xFFFFFFB0] =	vst v9;
	v9 =	vmul.f32 $1.442695020e+00, v7;
	v63 =	vld [tilespmem:$0x1FF30];
	v4 =	vbroadcast v4, $0xF;
	v1 =	vmax.f32 v1, v22  }
0x68f: {  	v53 =	vadd.f32 v2, v38;
	v2 =	vld [tilespmem:s24+$0xFFFFFF00];
	v7, _, _ =	vpop (xrf2);
	v60 =	vmul.f32 v1, v20;
	v1 =	vmul.f32 $2.000000030e-01, v35  }
0x690: {  	(xrf2) =	vadd.scan.msk.f32 $0xffff, v3;
	v8 =	vpop (erf);
	v3 =	vbroadcast v9, $0xF;
	(erf) = vpow2.f32 v4  }
0x691: {  	v46 =	vld [tilespmem:s6+$0xFFFFFF00];
	v56 =	vmul.f32 $1.442695020e+00, v7;
	v0 =	vmul.f32 v8, v0  }
0x692: {  	v8 =	vmul.f32 v15, v8;
	v1 =	vmax.f32 v35, v1;
	(erf) = vpow2.f32 v3  }
0x693: {  	v7, _, _ =	vpop (xrf2);
	v3 =	vbroadcast v56, $0xF;
	v1 =	vmul.f32 v1, v63  }
0x694: {  	v34 =	vmul.f32 v58, v20;
	v62 =	vmul.f32 v61, v25;
	[tilespmem:s31+$0xFFFFFEA0] =	vst v0;
	v2 =	vadd.f32 v2, v55;
	v22 =	vpop (erf)  }
0x695: {  	v0 =	vadd.f32 $0.0e+00, v8;
	v27 =	vld [tilespmem:s18+$0xFFFFFED0];
	v58 =	vmul.f32 v22, v54;
	(xrf2) =	vadd.scan.msk.f32 $0xffff, v1;
	v35 =	vpop (erf);
	(erf) = vpow2.f32 v3  }
0x696: {  	v8 =	vld [tilespmem:s0+$0xFFFFFED0];
	v1 =	vmul.f32 $1.442695020e+00, v7;
	v7 =	vmul.f32 v23, v57;
	v2 =	vadd.f32 v46, v2  }
0x697: {  	v9 =	vld [tilespmem:s16+$0xFFFFFED0];
	v54 =	vmul.f32 v23, v41;
	v25 =	vmul.f32 v35, v52;
	[tilespmem:s17+$0x120] =	vst v58  }
0x698: {  	[tilespmem:s13+$0xFFFFFFA0] =	vst v62;
	v56, _, _ =	vpop (xrf2);
	v1 =	vbroadcast v1, $0xF;
	v62 =	vmul.f32 $2.000000030e-01, v2;
	v58 =	vld [tilespmem:s7+$0x110]  }
0x699: {  	(xrf2) =	vadd.scan.msk.f32 $0xffff, v6;
	v7 =	vadd.f32 v7, v32;
	v61 =	vmul.f32 $1.442695020e+00, v56;
	v3 =	vadd.f32 v54, v33;
	v38 =	vld [tilespmem:s24+$0x110];
	v4 =	vpop (erf)  }
0x69a: {  	[tilespmem:s31+$0xFFFFFF30] =	vst v25;
	v25 =	vld [tilespmem:s6+$0x110];
	v2 =	vmax.f32 v2, v62;
	(erf) = vpow2.f32 v1;
	v51 =	vmul.f32 v4, v51  }
0x69b: {  	v52, _, _ =	vpop (xrf2);
	[tilespmem:s13+$0x40] =	vst v7;
	v56 =	vld [tilespmem:s18+$0xFFFFFF50];
	v1 =	vadd.f32 v8, v27;
	v8 =	vbroadcast v61, $0xF;
	v2 =	vmul.f32 v2, v19  }
0x69c: {  	v7 =	vmul.f32 v15, v35;
	[tilespmem:s13+$0xD0] =	vst v3;
	v3 =	vld [tilespmem:s0+$0xFFFFFF50];
	v61 =	vmul.f32 $1.442695020e+00, v52;
	v6 =	vpop (erf)  }
0x69d: {  	(erf) = vpow2.f32 v8;
	v62 =	vmul.f32 v6, v49;
	(xrf2) =	vadd.scan.msk.f32 $0xffff, v2;
	v2 =	vld [tilespmem:s16+$0xFFFFFF50];
	[tilespmem:s31+$0xFFFFFFC0] =	vst v51  }
0x69e: {  	v4 =	vmul.f32 v15, v4;
	v1 =	vadd.f32 v9, v1;
	v5 =	vbroadcast v61, $0xF;
	v54 =	vld [tilespmem:s18+$0xFFFFFFD0];
	v51 =	vpop (erf)  }
0x69f: {  	v49 =	vadd.f32 $0.0e+00, v7;
	v9 =	vadd.f32 v38, v58;
	v7 =	vld [tilespmem:s0+$0xFFFFFFD0];
	[tilespmem:s31+$0x50] =	vst v62;
	v8, _, _ =	vpop (xrf2);
	v62 =	vmul.f32 v51, v45  }
0x6a0: {  	v6 =	vmul.f32 v15, v6;
	v52 =	vld [tilespmem:s18+$0x50];
	v8 =	vmul.f32 $1.442695020e+00, v8  }
0x6a1: {  	v46 =	vmul.f32 $2.000000030e-01, v1;
	(erf) = vpow2.f32 v5;
	v9 =	vadd.f32 v25, v9;
	[tilespmem:s17+$0xFFFFFF60] =	vst v62;
	v62 =	vld [tilespmem:$0x1FF20]  }
0x6a2: {  	v3 =	vadd.f32 v3, v56;
	v25 =	vmul.f32 v57, v26;
	v5 =	vld [tilespmem:s0+$0x50];
	(xrf2) =	vadd.scan.msk.f32 $0xffff, v34;
	v61 =	vbroadcast v8, $0xF  }
0x6a3: {  	v1 =	vmax.f32 v1, v46;
	v46 =	vadd.f32 $0.0e+00, v4;
	v4 =	vld [tilespmem:s16+$0xFFFFFFD0];
	v12 =	vmul.f32 $2.000000030e-01, v9  }
0x6a4: {  	v35 =	vadd.f32 $0.0e+00, v6;
	v6 =	vmul.f32 v14, v51;
	[tilespmem:s13+$0x30] =	vst v25;
	v25 =	vld [tilespmem:s16+$0x50];
	v45 =	vpop (erf);
	(erf) = vpow2.f32 v61  }
0x6a5: {  	v26, _, _ =	vpop (xrf2);
	v2 =	vadd.f32 v2, v3;
	v9 =	vmax.f32 v9, v12;
	v57 =	vmul.f32 v45, v50  }
0x6a6: {  	v7 =	vadd.f32 v7, v54;
	v32 =	vld [tilespmem:s24+$0xFFFFFF80];
	v8 =	vpop (erf);
	v3 =	vmul.f32 v9, v62;
	v9 =	vmul.f32 $1.442695020e+00, v26  }
0x6a7: {  	v1 =	vmul.f32 v1, v63;
	v50 =	vld [tilespmem:s7+$0xFFFFFF80];
	v5 =	vadd.f32 v5, v52;
	[tilespmem:s17+$0xFFFFFFF0] =	vst v57;
	v33 =	vmul.f32 v8, v24  }
0x6a8: {  	v26 =	vmul.f32 $2.000000030e-01, v2;
	v51 =	vld [tilespmem:s7+$0x0];
	(xrf2) =	vadd.scan.msk.f32 $0xffff, v3;
	v3 =	vadd.f32 v4, v7;
	v7 =	vbroadcast v9, $0xF  }
0x6a9: {  	v38 =	vmul.f32 v14, v45;
	v5 =	vadd.f32 v25, v5;
	v24, _, _ =	vpop (xrf2);
	[tilespmem:s17+$0x80] =	vst v33;
	v9 =	vld [tilespmem:s24+$0x0]  }
0x6aa: {  	v57 =	vmul.f32 $1.442695020e+00, v24;
	v2 =	vmax.f32 v2, v26;
	v45 =	vld [tilespmem:s7+$0x80];
	(xrf2) =	vadd.scan.msk.f32 $0xffff, v1;
	v25 =	vmul.f32 $2.000000030e-01, v3  }
0x6ab: {  	v34 =	vadd.f32 v6, v47;
	v6 =	vmul.f32 $2.000000030e-01, v5;
	v61 =	vld [tilespmem:s24+$0x80];
	v2 =	vmul.f32 v2, v63;
	v1 =	vpop (erf)  }
0x6ac: {  	v8 =	vmul.f32 v14, v8;
	v26 =	vld [tilespmem:s6+$0xFFFFFF80];
	(erf) = vpow2.f32 v7;
	v3 =	vmax.f32 v3, v25;
	v7, _, _ =	vpop (xrf2)  }
0x6ad: {  	v5 =	vmax.f32 v5, v6;
	v6 =	vld [tilespmem:s6+$0x0];
	(xrf2) =	vadd.scan.msk.f32 $0xffff, v2;
	v2 =	vbroadcast v57, $0xF;
	v24 =	vpop (erf);
	v3 =	vmul.f32 v3, v63  }
0x6ae: {  	v33 =	vadd.f32 v38, v48;
	v5 =	vmul.f32 v5, v63;
	v15 =	vmul.f32 v24, v59  }
0x6af: {  	v25 =	vadd.f32 v32, v50;
	v63 =	vld [tilespmem:s6+$0x80];
	v7 =	vmul.f32 $1.442695020e+00, v7;
	(erf) = vpow2.f32 v2;
	(xrf2) =	vadd.scan.msk.f32 $0xffff, v3  }
0x6b0: {  	v32 =	vadd.f32 v8, v37;
	v9 =	vadd.f32 v9, v51;
	v3 =	vmul.f32 v1, v42;
	[tilespmem:s31+$0xF0] =	vst v15  }
0x6b1: {  	v42 =	vbroadcast v7, $0xF;
	v7 =	vadd.f32 v26, v25;
	v25 =	vmul.f32 v41, v28;
	v28 =	vld [tilespmem:s18+$0xE0]  }
0x6b2: {  	v48 =	vmul.f32 v16, v1;
	v2 =	vadd.f32 v61, v45;
	v6 =	vadd.f32 v6, v9;
	[tilespmem:s10+$0xFFFFFF00] =	vst v3;
	v3 =	vld [tilespmem:s0+$0xE0];
	v8, _, _ =	vpop (xrf2)  }
0x6b3: {  	v57 =	vmul.f32 $2.000000030e-01, v7;
	v8 =	vmul.f32 $1.442695020e+00, v8  }
0x6b4: {  	v9 =	vld [tilespmem:s16+$0xE0];
	(erf) = vpow2.f32 v42;
	v59 =	vmul.f32 $2.000000030e-01, v6;
	v2 =	vadd.f32 v63, v2;
	v1, _, _ =	vpop (xrf2)  }
0x6b5: {  	(xrf2) =	vadd.scan.msk.f32 $0xffff, v5;
	v4 =	vmax.f32 v7, v57;
	v1 =	vmul.f32 $1.442695020e+00, v1  }
0x6b6: {  	v38 =	vld [tilespmem:s30+$0xFFFFFF30];
	v63 =	vpop (erf);
	v5 =	vmax.f32 v6, v59;
	(xrf2) =	vadd.scan.msk.f32 $0xffff, v60;
	v7 =	vmul.f32 $2.000000030e-01, v2;
	v61 =	vbroadcast v8, $0xF  }
0x6b7: {  	v6 =	vld [tilespmem:s20+$0xFFFFFF30];
	v4 =	vmul.f32 v4, v19;
	v1 =	vbroadcast v1, $0xF;
	v3 =	vadd.f32 v3, v28;
	v8, _, _ =	vpop (xrf2)  }
0x6b8: {  	v30 =	vadd.f32 v48, v30;
	[tilespmem:s13+$0xC0] =	vst v25;
	(erf) = vpow2.f32 v61;
	v25 =	vpop (erf);
	v48 =	vmul.f32 $1.442695020e+00, v8  }
0x6b9: {  	v12 =	vld [tilespmem:$0x1FF60];
	(erf) = vpow2.f32 v1;
	v1 =	vmul.f32 v25, v55;
	v3 =	vadd.f32 v9, v3;
	v8, _, _ =	vpop (xrf2)  }
0x6ba: {  	s13 =	smov.u32 s10;
	s10 =	smov.u32 s17;
	v2 =	vmax.f32 v2, v7;
	v7 =	vld [tilespmem:s21+$0xFFFFFF30];
	v57 =	vbroadcast v48, $0xF;
	v8 =	vmul.f32 $1.442695020e+00, v8  }
0x6bb: {  	(xrf2) =	vadd.scan.msk.f32 $0xffff, v4;
	[tilespmem:s10+$0xFFFFFEE0] =	vst v1;
	v1 =	vmul.f32 v11, v25;
	v25 =	vmul.f32 $2.000000030e-01, v3  }
0x6bc: {  	v5 =	vmul.f32 v5, v19;
	v9 =	vmul.f32 v63, v39;
	v6 =	vadd.f32 v6, v38;
	v42 =	vld [tilespmem:s7+$0xFFFFFF10]  }
0x6bd: {  	v59 =	vpop (erf);
	(erf) = vpow2.f32 v57;
	v41 =	vbroadcast v8, $0xF;
	v8 =	vld [tilespmem:s24+$0xFFFFFF10];
	v3 =	vmax.f32 v3, v25  }
0x6be: {  	(xrf2) =	vadd.scan.msk.f32 $0xffff, v5;
	v3 =	vmul.f32 v3, v12  }
0x6bf: {  	[tilespmem:s13+$0xFFFFFF90] =	vst v9;
	v6 =	vadd.f32 v7, v6;
	v7 =	vmul.f32 v59, v29;
	v48, _, _ =	vpop (xrf2);
	v47 =	vadd.f32 v1, v53;
	v1 =	vld [tilespmem:s6+$0xFFFFFF10]  }
0x6c0: {  	v2 =	vmul.f32 v2, v19;
	v63 =	vmul.f32 v16, v63;
	v25 =	vld [tilespmem:s30+$0xFFFFFFB0];
	v9, _, _ =	vpop (xrf2);
	(xrf2) =	vadd.scan.msk.f32 $0xffff, v3  }
0x6c1: {  	v5 =	vmul.f32 $1.442695020e+00, v48;
	[tilespmem:s13+$0x20] =	vst v7;
	v7 =	vld [tilespmem:s20+$0xFFFFFFB0];
	(erf) = vpow2.f32 v41;
	v29 =	vpop (erf)  }
0x6c2: {  	v26 =	vld [tilespmem:s30+$0x30];
	v9 =	vmul.f32 $1.442695020e+00, v9;
	v60 =	vmul.f32 v29, v58;
	v8 =	vadd.f32 v8, v42  }
0x6c3: {  	v37 =	vld [tilespmem:s20+$0x30];
	v55 =	vbroadcast v5, $0xF;
	v3 =	vmul.f32 $2.000000030e-01, v6;
	v61 =	vpop (erf)  }
0x6c4: {  	v27 =	vmul.f32 v61, v27;
	[tilespmem:s10+$0x130] =	vst v60;
	v1 =	vadd.f32 v1, v8;
	v8 =	vmul.f32 v13, v61;
	v61 =	vld [tilespmem:$0x1FBF0]  }
0x6c5: {  	(erf) = vpow2.f32 v55;
	v39, _, _ =	vpop (xrf2);
	v3 =	vmax.f32 v6, v3;
	(xrf2) =	vadd.scan.msk.f32 $0xffff, v2;
	v2 =	vbroadcast v9, $0xF;
	v58 =	vld [tilespmem:s7+$0x120]  }
0x6c6: {  	v4 =	vmul.f32 $1.442695020e+00, v39;
	v3 =	vmul.f32 v3, v18;
	v6 =	vld [tilespmem:s24+$0x120];
	v9 =	vpop (erf)  }
0x6c7: {  	v39 =	vld [tilespmem:s21+$0xFFFFFFB0];
	v5 =	vmul.f32 $2.000000030e-01, v1;
	v41 =	vmul.f32 v9, v56  }
0x6c8: {  	v55 =	vadd.f32 v37, v26;
	[tilespmem:s31+$0xFFFFFEB0] =	vst v27;
	v4 =	vbroadcast v4, $0xF;
	v53 =	vld [tilespmem:s6+$0x120];
	v60, _, _ =	vpop (xrf2)  }
0x6c9: {  	v37 =	vld [tilespmem:s0+$0xFFFFFEE0];
	(xrf2) =	vadd.scan.msk.f32 $0xffff, v3;
	v1 =	vmax.f32 v1, v5;
	v27 =	vadd.f32 v63, v61;
	v63 =	vmul.f32 $1.442695020e+00, v60  }
0x6ca: {  	v7 =	vadd.f32 v7, v25;
	v56 =	vld [tilespmem:s18+$0xFFFFFEE0];
	v9 =	vmul.f32 v13, v9;
	[tilespmem:s31+$0xFFFFFF40] =	vst v41;
	v1 =	vmul.f32 v1, v62;
	v3, _, _ =	vpop (xrf2)  }
0x6cb: {  	v48 =	vld [tilespmem:s18+$0xFFFFFF60];
	v6 =	vadd.f32 v6, v58;
	v41 =	vpop (erf);
	(erf) = vpow2.f32 v4;
	v60 =	vbroadcast v63, $0xF  }
0x6cc: {  	v61 =	vld [tilespmem:s0+$0xFFFFFF60];
	v63 =	vadd.f32 v39, v7;
	v3 =	vmul.f32 $1.442695020e+00, v3;
	v57 =	vmul.f32 v41, v54  }
0x6cd: {  	(xrf2) =	vadd.scan.msk.f32 $0xffff, v1;
	v1 =	vld [tilespmem:s16+$0xFFFFFF60];
	(erf) = vpow2.f32 v2;
	v41 =	vmul.f32 v13, v41  }
0x6ce: {  	v2 =	vld [tilespmem:s16+$0xFFFFFEE0];
	v6 =	vadd.f32 v53, v6;
	v4 =	vpop (erf);
	(erf) = vpow2.f32 v60;
	v7 =	vmul.f32 $2.000000030e-01, v63  }
0x6cf: {  	v39 =	vmul.f32 v4, v52;
	v3 =	vbroadcast v3, $0xF;
	[tilespmem:s31+$0xFFFFFFD0] =	vst v57  }
0x6d0: {  	v4 =	vmul.f32 v13, v4;
	v57 =	vadd.f32 v8, v0;
	v14 =	vmul.f32 $2.000000030e-01, v6;
	v0 =	vld [tilespmem:s18+$0xFFFFFFE0]  }
0x6d1: {  	v15, _, _ =	vpop (xrf2);
	v8 =	vadd.f32 v37, v56;
	v37 =	vld [tilespmem:s0+$0xFFFFFFE0];
	v5 =	vmax.f32 v63, v7;
	v7 =	vadd.f32 v61, v48  }
0x6d2: {  	v60 =	vld [tilespmem:s16+$0xFFFFFFE0];
	[tilespmem:s31+$0x60] =	vst v39;
	v63 =	vmul.f32 $1.442695020e+00, v15;
	(erf) = vpow2.f32 v3;
	v6 =	vmax.f32 v6, v14  }
0x6d3: {  	v54 =	vld [tilespmem:s18+$0x60];
	v2 =	vadd.f32 v2, v8;
	v53 =	vmul.f32 v6, v20;
	v3, _, _ =	vpop (xrf2);
	v1 =	vadd.f32 v1, v7  }
0x6d4: {  	v19 =	vmov v36;
	v6 =	vld [tilespmem:s0+$0x60];
	v8 =	vbroadcast v63, $0xF;
	v3 =	vmul.f32 $1.442695020e+00, v3  }
0x6d5: {  	v36 =	vadd.f32 v9, v49;
	v39 =	vld [tilespmem:s16+$0x60];
	v61 =	vmul.f32 $2.000000030e-01, v2;
	v63 =	vmul.f32 $2.000000030e-01, v1;
	v9 =	vpop (erf)  }
0x6d6: {  	v49 =	vmul.f32 v5, v18;
	v7 =	vld [tilespmem:s21+$0x30];
	(xrf2) =	vadd.scan.msk.f32 $0xffff, v53;
	v37 =	vadd.f32 v37, v0;
	v50 =	vmul.f32 v9, v50  }
0x6d7: {  	v3 =	vbroadcast v3, $0xF;
	v52 =	vpop (erf);
	v2 =	vmax.f32 v2, v61;
	v1 =	vmax.f32 v1, v63  }
0x6d8: {  	v5 =	vadd.f32 v60, v37;
	v60 =	vpop (erf);
	(erf) = vpow2.f32 v8;
	v2 =	vmul.f32 v2, v12;
	[tilespmem:s10+$0xFFFFFF70] =	vst v50  }
0x6d9: {  	v6 =	vadd.f32 v6, v54;
	v15 =	vmul.f32 v52, v31;
	v51 =	vmul.f32 v60, v51;
	v50 =	vld [tilespmem:s7+$0xFFFFFF90]  }
0x6da: {  	v37 =	vadd.f32 v41, v46;
	v8, _, _ =	vpop (xrf2);
	v1 =	vmul.f32 v1, v12;
	v41 =	vmul.f32 $2.000000030e-01, v5;
	v14 =	vld [tilespmem:s24+$0xFFFFFF90];
	(xrf2) =	vadd.scan.msk.f32 $0xffff, v2  }
0x6db: {  	v7 =	vadd.f32 v7, v55;
	v8 =	vmul.f32 $1.442695020e+00, v8;
	v2 =	vld [tilespmem:s6+$0xFFFFFF90];
	v6 =	vadd.f32 v39, v6;
	v31 =	vpop (erf);
	[tilespmem:s10+$0x0] =	vst v51  }
0x6dc: {  	(erf) = vpow2.f32 v3;
	v28 =	vmul.f32 v31, v28;
	v5 =	vmax.f32 v5, v41;
	v53 =	vld [tilespmem:s7+$0x10]  }
0x6dd: {  	(xrf2) =	vadd.scan.msk.f32 $0xffff, v1;
	v55 =	vmul.f32 $2.000000030e-01, v6;
	v1 =	vld [tilespmem:s24+$0x10];
	v5 =	vmul.f32 v5, v12  }
0x6de: {  	v59 =	vmul.f32 v16, v59;
	[tilespmem:s13+$0xB0] =	vst v15;
	v63 =	vmul.f32 $2.000000030e-01, v7;
	v46 =	vld [tilespmem:s6+$0x10]  }
0x6df: {  	v39 =	vadd.f32 v4, v35;
	v8 =	vbroadcast v8, $0xF;
	[tilespmem:s31+$0x100] =	vst v28;
	v28 =	vld [tilespmem:s30+$0xB0];
	v4 =	vmax.f32 v6, v55  }
0x6e0: {  	v7 =	vmax.f32 v7, v63;
	v6 =	vmul.f32 v11, v9;
	v55 =	vld [tilespmem:s18+$0xF0];
	v9, _, _ =	vpop (xrf2);
	v3 =	vmul.f32 v4, v12  }
0x6e1: {  	v61 =	vadd.f32 v14, v50;
	(xrf2) =	vadd.scan.msk.f32 $0xffff, v5;
	v14 =	vmul.f32 v11, v60;
	v13 =	vmul.f32 $1.442695020e+00, v9;
	v9 =	vld [tilespmem:s0+$0xF0];
	v5 =	vpop (erf)  }
0x6e2: {  	v60 =	vld [tilespmem:s20+$0xB0];
	v41 =	vadd.f32 v6, v34;
	v6 =	vmul.f32 v7, v18;
	v45 =	vmul.f32 v5, v45  }
0x6e3: {  	v2 =	vadd.f32 v2, v61;
	v1 =	vadd.f32 v1, v53;
	v61 =	vld [tilespmem:s16+$0xF0];
	(erf) = vpow2.f32 v8  }
0x6e4: {  	s30 =	smov.u32 s7;
	v34 =	vadd.f32 v14, v33;
	v4 =	vbroadcast v13, $0xF;
	v5 =	vmul.f32 v11, v5;
	[tilespmem:s10+$0x90] =	vst v45;
	v7, _, _ =	vpop (xrf2)  }
0x6e5: {  	s20 =	smov.u32 s24;
	v15 =	vmul.f32 $2.000000030e-01, v2;
	v1 =	vadd.f32 v46, v1;
	v8 =	vpop (erf);
	(xrf2) =	vadd.scan.msk.f32 $0xffff, v3;
	v46 =	vld [tilespmem:s30+$0x90];
	v3 =	vmul.f32 $1.442695020e+00, v7  }
0x6e6: {  	(erf) = vpow2.f32 v4;
	v13 =	vmul.f32 v23, v8;
	v4 =	vld [tilespmem:s20+$0x90];
	v7 =	vadd.f32 v9, v55  }
0x6e7: {  	v2 =	vmax.f32 v2, v15;
	v63 =	vmul.f32 $2.000000030e-01, v1;
	v9 =	vld [tilespmem:s6+$0x90];
	v14, _, _ =	vpop (xrf2);
	v3 =	vbroadcast v3, $0xF  }
0x6e8: {  	v15 =	vadd.f32 v60, v28;
	v60 =	vld [tilespmem:s21+$0xB0];
	v33 =	vmul.f32 $1.442695020e+00, v14;
	v7 =	vadd.f32 v61, v7  }
0x6e9: {  	v35 =	vadd.f32 v5, v32;
	v2 =	vmul.f32 v2, v62;
	(erf) = vpow2.f32 v3  }
0x6ea: {  	v1 =	vmax.f32 v1, v63;
	v3 =	vbroadcast v33, $0xF;
	v61 =	vmul.f32 $2.000000030e-01, v7  }
0x6eb: {  	(xrf2) =	vadd.scan.msk.f32 $0xffff, v2;
	v2 =	vmul.f32 v16, v52;
	v1 =	vmul.f32 v1, v62;
	v63, _, _ =	vpop (xrf2);
	v11 =	vadd.f32 v4, v46  }
0x6ec: {  	v12 =	vmul.f32 $1.442695020e+00, v63;
	v14 =	vpop (erf);
	v5 =	vmax.f32 v7, v61;
	(erf) = vpow2.f32 v3  }
0x6ed: {  	v7 =	vadd.f32 v60, v15;
	v60 =	vmul.f32 v14, v42;
	v3 =	vadd.f32 v9, v11  }
0x6ee: {  	(xrf2) =	vadd.scan.msk.f32 $0xffff, v1;
	v4 =	vmul.f32 v10, v14;
	v1 =	vbroadcast v12, $0xF;
	v11 =	vadd.f32 v13, v30  }
0x6ef: {  	v32 =	vadd.f32 v59, v40;
	v5 =	vmul.f32 v5, v17;
	v12 =	vld [tilespmem:$0x1FF80];
	v40 =	vpop (erf);
	v15 =	vmul.f32 $2.000000030e-01, v3  }
0x6f0: {  	v20 =	vld [tilespmem:$0x1FC00];
	v33 =	vadd.f32 v2, v44;
	v9, _, _ =	vpop (xrf2);
	v59 =	vmul.f32 v40, v58;
	(erf) = vpow2.f32 v1;
	[tilespmem:s13+$0xFFFFFF20] =	vst v11  }
0x6f1: {  	v14 =	vmul.f32 v8, v38;
	v8 =	vld [tilespmem:$0x1FF80];
	(xrf2) =	vadd.scan.msk.f32 $0xffff, v5;
	v2 =	vmul.f32 $1.442695020e+00, v9;
	[tilespmem:s10+$0xFFFFFEF0] =	vst v60  }
0x6f2: {  	v9 =	vmul.f32 $2.000000030e-01, v7;
	v3 =	vmax.f32 v3, v15;
	[tilespmem:s10+$0x140] =	vst v59;
	v42 =	vld [tilespmem:s30+$0xFFFFFF20]  }
0x6f3: {  	v2 =	vbroadcast v2, $0xF;
	v3 =	vmul.f32 v3, v62;
	v61 =	vld [tilespmem:s30+$0x130];
	v1 =	vpop (erf)  }
0x6f4: {  	s21 =	smov.u32 s6;
	v63 =	vld [tilespmem:s20+$0x130];
	v7 =	vmax.f32 v7, v9;
	v9 =	vmul.f32 v1, v56;
	v1 =	vmul.f32 v12, v1  }
0x6f5: {  	s25 =	sadd.s32 $0x5, s25;
	v30, _, _ =	vpop (xrf2);
	(xrf2) =	vadd.scan.msk.f32 $0xffff, v3;
	v3 =	vld [tilespmem:s21+$0x130]  }
0x6f6: {  	p1 =	slt.u32 s25, $0x23;
	v62 =	vmul.f32 $1.442695020e+00, v30;
	[tilespmem:s31+$0xFFFFFEC0] =	vst v9;
	v38 =	vadd.f32 v1, v57;
	v1 =	vld [tilespmem:$0x1FC10]  }
.Ltmp2:
0x6f7: {  	v52 =	vmul.f32 v7, v18;
	(erf) = vpow2.f32 v2;
	v13 =	vpop (erf);
	v51 =	vld [tilespmem:s20+$0xFFFFFF20];
	(pc) =	sbr.rel @p1 .LBB2_8-.Ltmp2, $4  }
0x6f8: {  	v30 =	vadd.f32 v4, v47;
	v10 =	vbroadcast v62, $0xF;
	v7 =	vmul.f32 v13, v48;
	v2, _, _ =	vpop (xrf2);
	v56 =	vld [tilespmem:s18+$0xFFFFFEF0]  }
0x6f9: {  	v47 =	vmul.f32 v8, v13;
	v59 =	vld [tilespmem:s0+$0xFFFFFEF0];
	v2 =	vmul.f32 $1.442695020e+00, v2;
	v15 =	vadd.f32 v63, v61;
	[tilespmem:s13+$0xFFFFFF10] =	vst v14;
	v48 =	vpop (erf)  }
0x6fa: {  	s17 =	smov.u32 s31;
	s7 =	smov.u32 s18;
	(xrf2) =	vadd.scan.msk.f32 $0xffff, v49;
	v23 =	vmovc v61;
	(erf) = vpow2.f32 v10;
	v57 =	vld [tilespmem:s16+$0xFFFFFEF0];
	[tilespmem:s31+$0xFFFFFF50] =	vst v7;
	v49 =	vmul.f32 v48, v0  }
0x6fb: {  	s24 =	smov.u32 s0;
	s6 =	smov.u32 s16;
	s18 =	sadd.s32 $0x280, s18;
	v45 =	vld [tilespmem:s7+$0xFFFFFF70];
	v58, _, _ =	vpop (xrf2);
	v60 =	vbroadcast v2, $0xF;
	v0 =	vadd.f32 v3, v15;
	(xrf2) =	vadd.scan.msk.f32 $0xffff, v6;
	v43 =	vmul.f32 v43, v1  }
0x6fc: {  	v1 =	vmul.f32 $1.442695020e+00, v58;
	_ =	sdelay $0x1  }
0x6fd: {  	v1 =	vbroadcast v1, $0xF  }
0x6fe: {  	(erf) = vpow2.f32 v60  }
0x6ff: {  	(erf) = vpow2.f32 v1;
	_ =	sdelay $0x5  }
0x700: {  	v16 =	vpop (erf)  }
0x701: {  	v12 =	vpop (erf)  }
0x702: {  	v11 =	vpop (erf)  }
0x703: {  	[tilespmem:$0x1FA70] =	vst v12;
	v1 =	vpop (erf)  }
0x704: {  	[tilespmem:$0x1FB80] =	vst v1;
	v1 =	vmul.f32 v1, v55  }
0x705: {  	[tilespmem:$0x1FA90] =	vst v11  }
0x706: {  	[tilespmem:s31+$0x110] =	vst v1  }
0x707: {  	v1 =	vld [tilespmem:s7+$0x100]  }
0x708: {  	v2 =	vld [tilespmem:s24+$0x100];
	_ =	sdelay $0x1  }
0x709: {  	v3 =	vadd.f32 v59, v56;
	[tilespmem:s31+$0xFFFFFFE0] =	vst v49;
	v4 =	vld [tilespmem:s6+$0x100]  }
0x70a: {  	v17 =	vld [tilespmem:$0x1FF10]  }
0x70b: {  	v3 =	vadd.f32 v57, v3;
	v10 =	vld [tilespmem:$0x1FF00]  }
0x70c: {  	v5 =	vmul.f32 $2.000000030e-01, v0;
	v2 =	vadd.f32 v2, v1  }
0x70d: {  	v7 =	vmul.f32 $2.000000030e-01, v3;
	v6 =	vld [tilespmem:s24+$0xFFFFFF70]  }
0x70e: {  	v0 =	vmax.f32 v0, v5;
	v2 =	vadd.f32 v4, v2;
	v4 =	vmul.f32 v16, v54  }
0x70f: {  	(xrf2) =	vadd.scan.msk.f32 $0xffff, v52;
	v3 =	vmax.f32 v3, v7;
	v7 =	vld [tilespmem:s6+$0xFFFFFF70];
	v0 =	vmul.f32 v0, v17  }
0x710: {  	v8 =	vld [tilespmem:s7+$0xFFFFFFF0];
	v3 =	vmul.f32 v3, v10;
	[tilespmem:s31+$0x70] =	vst v4  }
0x711: {  	(xrf2) =	vadd.scan.msk.f32 $0xffff, v0;
	v58 =	vld [tilespmem:$0x1FF50]  }
0x712: {  	v5 =	vld [tilespmem:s24+$0xFFFFFFF0];
	(xrf2) =	vadd.scan.msk.f32 $0xffff, v3;
	v3 =	vadd.f32 v6, v45  }
0x713: {  	v44, _, _ =	vpop (xrf2);
	v0 =	vld [tilespmem:s6+$0xFFFFFFF0];
	v9 =	vmul.f32 $2.000000030e-01, v2  }
0x714: {  	v4 =	vmul.f32 $1.442695020e+00, v44;
	v6 =	vld [tilespmem:s7+$0x70];
	v3 =	vadd.f32 v7, v3;
	v7, _, _ =	vpop (xrf2)  }
0x715: {  	v2 =	vmax.f32 v2, v9;
	v9 =	vld [tilespmem:s24+$0x70];
	v7 =	vmul.f32 $1.442695020e+00, v7  }
0x716: {  	v4 =	vbroadcast v4, $0xF;
	v2 =	vmul.f32 v2, v58  }
0x717: {  	v5 =	vadd.f32 v5, v8;
	v57 =	vld [tilespmem:s6+$0x70]  }
0x718: {  	v55, _, _ =	vpop (xrf2);
	(erf) = vpow2.f32 v4;
	(xrf2) =	vadd.scan.msk.f32 $0xffff, v2;
	v2 =	vmul.f32 $2.000000030e-01, v3  }
0x719: {  	v0 =	vadd.f32 v0, v5;
	v4 =	vmul.f32 $1.442695020e+00, v55;
	v5 =	vbroadcast v7, $0xF;
	v7, _, _ =	vpop (xrf2)  }
0x71a: {  	v2 =	vmax.f32 v3, v2;
	v3 =	vmul.f32 $1.442695020e+00, v7;
	v7 =	vadd.f32 v9, v6  }
0x71b: {  	v4 =	vbroadcast v4, $0xF  }
0x71c: {  	v59 =	vmul.f32 $2.000000030e-01, v0;
	v2 =	vmul.f32 v2, v10;
	v7 =	vadd.f32 v57, v7  }
0x71d: {  	(erf) = vpow2.f32 v5;
	v5, _, _ =	vpop (xrf2);
	v3 =	vbroadcast v3, $0xF  }
0x71e: {  	v0 =	vmax.f32 v0, v59;
	(xrf2) =	vadd.scan.msk.f32 $0xffff, v2;
	v2 =	vmul.f32 $1.442695020e+00, v5;
	v5 =	vmul.f32 $2.000000030e-01, v7  }
0x71f: {  	v0 =	vmul.f32 v0, v10;
	(erf) = vpow2.f32 v4;
	v4, _, _ =	vpop (xrf2)  }
0x720: {  	v4 =	vmul.f32 $1.442695020e+00, v4;
	(erf) = vpow2.f32 v3;
	v3 =	vmax.f32 v7, v5  }
0x721: {  	(xrf2) =	vadd.scan.msk.f32 $0xffff, v0;
	v0 =	vbroadcast v2, $0xF  }
0x722: {  	v2 =	vbroadcast v4, $0xF  }
0x723: {  	(erf) = vpow2.f32 v0;
	v0 =	vmul.f32 v3, v10;
	v3, _, _ =	vpop (xrf2)  }
0x724: {  	(erf) = vpow2.f32 v2;
	v2 =	vmul.f32 $1.442695020e+00, v3;
	_ =	sdelay $0x1  }
0x725: {  	v10 =	vpop (erf);
	(xrf2) =	vadd.scan.msk.f32 $0xffff, v0;
	v0 =	vbroadcast v2, $0xF  }
0x726: {  	v3 =	vpop (erf);
	v2 =	vmul.f32 v12, v50  }
0x727: {  	[tilespmem:$0x1FAA0] =	vst v3;
	v3 =	vpop (erf)  }
0x728: {  	v5 =	vpop (erf);
	(erf) = vpow2.f32 v0;
	[tilespmem:s10+$0xFFFFFF80] =	vst v2;
	v2 =	vmul.f32 v11, v53  }
0x729: {  	[tilespmem:$0x1FAC0] =	vst v3;
	v0, _, _ =	vpop (xrf2)  }
0x72a: {  	[tilespmem:s10+$0x10] =	vst v2;
	v2 =	vld [tilespmem:s20+$0xFFFFFFA0];
	v3 =	vmul.f32 $1.442695020e+00, v0;
	v4, _, _ =	vpop (xrf2)  }
0x72b: {  	v0 =	vld [tilespmem:s30+$0xFFFFFFA0];
	[tilespmem:$0x1FAD0] =	vst v5;
	v5 =	vpop (erf)  }
0x72c: {  	v4 =	vmul.f32 $1.442695020e+00, v4;
	v44 =	vld [tilespmem:s30+$0x20];
	[tilespmem:$0x1FA80] =	vst v5;
	v7 =	vpop (erf);
	v3 =	vbroadcast v3, $0xF  }
0x72d: {  	v5 =	vld [tilespmem:s20+$0x20];
	[tilespmem:$0x1FAB0] =	vst v7;
	v7 =	vmul.f32 v7, v56  }
0x72e: {  	v4 =	vbroadcast v4, $0xF;
	(erf) = vpow2.f32 v3  }
0x72f: {  	v60, _, _ =	vpop (xrf2);
	v9 =	vld [tilespmem:s21+$0xFFFFFFA0]  }
0x730: {  	v3 =	vld [tilespmem:s21+$0xFFFFFF20];
	[tilespmem:s17+$0xFFFFFED0] =	vst v7;
	v7 =	vmul.f32 $1.442695020e+00, v60;
	(erf) = vpow2.f32 v4  }
0x731: {  	v46 =	vmul.f32 v10, v46;
	v11 =	vmov v10;
	v4 =	vld [tilespmem:s21+$0x20];
	v10 =	vpop (erf)  }
0x732: {  	v49 =	vld [tilespmem:s7+$0xFFFFFF00];
	v7 =	vbroadcast v7, $0xF;
	[tilespmem:$0x1FBA0] =	vst v10  }
0x733: {  	v1 =	vmul.f32 v10, v1;
	v62 =	vld [tilespmem:s24+$0xFFFFFF00]  }
0x734: {  	v61 =	vadd.f32 v51, v42;
	[tilespmem:s10+$0xA0] =	vst v46;
	v63 =	vld [tilespmem:s6+$0xFFFFFF00];
	(erf) = vpow2.f32 v7  }
0x735: {  	v46 =	vld [tilespmem:s30+$0xA0];
	[tilespmem:s17+$0x120] =	vst v1  }
0x736: {  	v3 =	vadd.f32 v3, v61;
	v15 =	vld [tilespmem:$0x1FF70]  }
0x737: {  	v1 =	vld [tilespmem:s7+$0x110];
	v10 =	vpop (erf)  }
0x738: {  	v18 =	vld [tilespmem:s24+$0x110];
	v7 =	vmul.f32 $2.000000030e-01, v3;
	[tilespmem:$0x1FAE0] =	vst v10  }
0x739: {  	v2 =	vadd.f32 v2, v0;
	v57 =	vmul.f32 v10, v45;
	v10 =	vpop (erf);
	v56 =	vld [tilespmem:s20+$0xA0]  }
0x73a: {  	v5 =	vadd.f32 v5, v44;
	v51 =	vadd.f32 v62, v49;
	v3 =	vmax.f32 v3, v7;
	v7 =	vld [tilespmem:s6+$0x110];
	[tilespmem:$0x1FAF0] =	vst v10  }
0x73b: {  	v2 =	vadd.f32 v9, v2;
	v3 =	vmul.f32 v3, v15;
	v8 =	vmul.f32 v10, v8;
	v9 =	vld [tilespmem:s21+$0xA0];
	[tilespmem:s17+$0xFFFFFF60] =	vst v57  }
0x73c: {  	v50 =	vadd.f32 v63, v51;
	v45 =	vld [tilespmem:s7+$0xFFFFFF80]  }
0x73d: {  	v4 =	vadd.f32 v4, v5;
	v5 =	vmul.f32 $2.000000030e-01, v2;
	(xrf2) =	vadd.scan.msk.f32 $0xffff, v3;
	[tilespmem:s17+$0xFFFFFFF0] =	vst v8;
	v8 =	vld [tilespmem:s24+$0xFFFFFF80];
	v10 =	vpop (erf)  }
0x73e: {  	v3 =	vmul.f32 $2.000000030e-01, v50;
	v60 =	vld [tilespmem:s7+$0x0];
	[tilespmem:$0x1FB00] =	vst v10;
	v6 =	vmul.f32 v10, v6  }
0x73f: {  	v2 =	vmax.f32 v2, v5;
	v59 =	vadd.f32 v18, v1;
	v61 =	vld [tilespmem:s6+$0xFFFFFF80];
	v53 =	vadd.f32 v56, v46  }
0x740: {  	v5 =	vmul.f32 $2.000000030e-01, v4;
	v2 =	vmul.f32 v2, v15;
	v3 =	vmax.f32 v50, v3;
	v62 =	vld [tilespmem:s24+$0x0];
	[tilespmem:s17+$0x80] =	vst v6  }
0x741: {  	v7 =	vadd.f32 v7, v59;
	v3 =	vmul.f32 v3, v58;
	v54 =	vld [tilespmem:$0x1FF20];
	v6 =	vadd.f32 v9, v53  }
0x742: {  	v4 =	vmax.f32 v4, v5;
	(xrf2) =	vadd.scan.msk.f32 $0xffff, v2  }
0x743: {  	v5 =	vld [tilespmem:s6+$0x0];
	v2 =	vmul.f32 $2.000000030e-01, v7;
	(xrf2) =	vadd.scan.msk.f32 $0xffff, v3;
	v3 =	vadd.f32 v8, v45;
	v9 =	vmul.f32 $2.000000030e-01, v6  }
0x744: {  	v4 =	vmul.f32 v4, v15  }
0x745: {  	v2 =	vmax.f32 v7, v2;
	v3 =	vadd.f32 v61, v3  }
0x746: {  	v8 =	vld [tilespmem:s24+$0x80];
	(xrf2) =	vadd.scan.msk.f32 $0xffff, v4;
	v4 =	vadd.f32 v62, v60;
	v2 =	vmul.f32 v2, v54  }
0x747: {  	v7 =	vld [tilespmem:s7+$0x80];
	v50 =	vmul.f32 $2.000000030e-01, v3;
	v6 =	vmax.f32 v6, v9;
	v9, _, _ =	vpop (xrf2)  }
0x748: {  	v4 =	vadd.f32 v5, v4;
	v5 =	vmul.f32 v6, v15;
	(xrf2) =	vadd.scan.msk.f32 $0xffff, v2;
	v6 =	vmul.f32 $1.442695020e+00, v9  }
0x749: {  	v2 =	vld [tilespmem:s6+$0x80]  }
0x74a: {  	v3 =	vmax.f32 v3, v50;
	v9 =	vmul.f32 $2.000000030e-01, v4  }
0x74b: {  	v3 =	vmul.f32 v3, v58  }
0x74c: {  	v8 =	vadd.f32 v8, v7;
	(xrf2) =	vadd.scan.msk.f32 $0xffff, v5;
	v5 =	vbroadcast v6, $0xF;
	v4 =	vmax.f32 v4, v9;
	v6, _, _ =	vpop (xrf2)  }
0x74d: {  	(xrf2) =	vadd.scan.msk.f32 $0xffff, v3;
	v4 =	vmul.f32 v4, v58;
	v3 =	vmul.f32 $1.442695020e+00, v6;
	v6, _, _ =	vpop (xrf2)  }
0x74e: {  	v2 =	vadd.f32 v2, v8;
	(erf) = vpow2.f32 v5;
	v6 =	vmul.f32 $1.442695020e+00, v6  }
0x74f: {  	v3 =	vbroadcast v3, $0xF  }
0x750: {  	v8 =	vmul.f32 $2.000000030e-01, v2;
	v5 =	vbroadcast v6, $0xF  }
0x751: {  	(xrf2) =	vadd.scan.msk.f32 $0xffff, v4;
	v4, _, _ =	vpop (xrf2);
	(erf) = vpow2.f32 v3  }
0x752: {  	v2 =	vmax.f32 v2, v8;
	v6, _, _ =	vpop (xrf2);
	(erf) = vpow2.f32 v5  }
0x753: {  	v2 =	vmul.f32 v2, v58;
	v3 =	vmul.f32 $1.442695020e+00, v6  }
0x754: {  	v4 =	vmul.f32 $1.442695020e+00, v4  }
0x755: {  	(xrf2) =	vadd.scan.msk.f32 $0xffff, v2;
	v2 =	vbroadcast v3, $0xF  }
0x756: {  	v4 =	vbroadcast v4, $0xF  }
0x757: {  	v5 =	vpop (erf)  }
0x758: {  	(erf) = vpow2.f32 v4;
	v3, _, _ =	vpop (xrf2)  }
0x759: {  	(erf) = vpow2.f32 v2;
	v2, _, _ =	vpop (xrf2)  }
0x75a: {  	[tilespmem:$0x1FB10] =	vst v5;
	v10 =	vpop (erf)  }
0x75b: {  	v5 =	vmul.f32 v5, v42;
	v2 =	vmul.f32 $1.442695020e+00, v2;
	[tilespmem:$0x1FB30] =	vst v10;
	v6 =	vpop (erf)  }
0x75c: {  	v3 =	vmul.f32 $1.442695020e+00, v3;
	[tilespmem:$0x1FB20] =	vst v6  }
0x75d: {  	v4, _, _ =	vpop (xrf2);
	v2 =	vbroadcast v2, $0xF;
	[tilespmem:s10+$0xFFFFFF00] =	vst v5  }
0x75e: {  	v3 =	vbroadcast v3, $0xF;
	v4 =	vmul.f32 $1.442695020e+00, v4;
	v8 =	vld [tilespmem:s30+$0xFFFFFF30]  }
0x75f: {  	(erf) = vpow2.f32 v2  }
0x760: {  	v2 =	vbroadcast v4, $0xF  }
0x761: {  	v12 =	vpop (erf);
	(erf) = vpow2.f32 v3  }
0x762: {  	[tilespmem:$0x1FB50] =	vst v12;
	v3, _, _ =	vpop (xrf2);
	(erf) = vpow2.f32 v2  }
0x763: {  	v4 =	vmul.f32 v6, v49;
	v2 =	vmul.f32 $1.442695020e+00, v3;
	v6 =	vpop (erf);
	[tilespmem:$0x1FB90] =	vst v8  }
0x764: {  	v3 =	vld [tilespmem:s20+$0xFFFFFF30];
	[tilespmem:$0x1FBB0] =	vst v6  }
0x765: {  	v1 =	vmul.f32 v6, v1;
	v2 =	vbroadcast v2, $0xF;
	v5 =	vld [tilespmem:s21+$0xFFFFFF30];
	[tilespmem:s17+$0xFFFFFEE0] =	vst v4  }
0x766: {  	v4 =	vld [tilespmem:s7+$0xFFFFFF10]  }
0x767: {  	(erf) = vpow2.f32 v2;
	[tilespmem:s17+$0x130] =	vst v1;
	v6 =	vld [tilespmem:s24+$0xFFFFFF10]  }
0x768: {  	v1 =	vld [tilespmem:s7+$0x120];
	v9 =	vpop (erf)  }
0x769: {  	v2 =	vadd.f32 v3, v8;
	v3 =	vld [tilespmem:s24+$0x120];
	[tilespmem:$0x1FB40] =	vst v9  }
0x76a: {  	v13 =	vpop (erf);
	v9 =	vmul.f32 v9, v45;
	v8 =	vld [tilespmem:s6+$0xFFFFFF10]  }
0x76b: {  	v14 =	vpop (erf);
	v2 =	vadd.f32 v5, v2;
	v5 =	vld [tilespmem:s6+$0x120];
	[tilespmem:$0x1FB70] =	vst v13  }
0x76c: {  	v63 =	vmul.f32 v14, v60;
	[tilespmem:s17+$0xFFFFFF70] =	vst v9  }
0x76d: {  	[tilespmem:$0x1FB60] =	vst v14  }
0x76e: {  	v6 =	vadd.f32 v6, v4;
	v18 =	vld [tilespmem:s7+$0xFFFFFF90]  }
0x76f: {  	v9 =	vmul.f32 $2.000000030e-01, v2;
	v3 =	vadd.f32 v3, v1;
	v59 =	vld [tilespmem:s24+$0xFFFFFF90]  }
0x770: {  	[tilespmem:s17+$0x0] =	vst v63;
	v63 =	vpop (erf);
	v6 =	vadd.f32 v8, v6;
	v8 =	vld [tilespmem:s6+$0xFFFFFF90]  }
0x771: {  	v2 =	vmax.f32 v2, v9;
	v7 =	vmul.f32 v63, v7;
	v42 =	vld [tilespmem:s24+$0x10];
	v3 =	vadd.f32 v5, v3  }
0x772: {  	v2 =	vmul.f32 v2, v17;
	v5 =	vld [tilespmem:s7+$0x10];
	v9 =	vmul.f32 $2.000000030e-01, v6  }
0x773: {  	v61 =	vmul.f32 $2.000000030e-01, v3  }
0x774: {  	[tilespmem:s17+$0x90] =	vst v7;
	v7 =	vld [tilespmem:s6+$0x10];
	(xrf2) =	vadd.scan.msk.f32 $0xffff, v2;
	v2 =	vmax.f32 v6, v9;
	v6 =	vadd.f32 v59, v18  }
0x775: {  	v9 =	vld [tilespmem:s7+$0x90];
	v3 =	vmax.f32 v3, v61;
	v2 =	vmul.f32 v2, v54  }
0x776: {  	v6 =	vadd.f32 v8, v6;
	v3 =	vmul.f32 v3, v15;
	v8 =	vld [tilespmem:s24+$0x90]  }
0x777: {  	(xrf2) =	vadd.scan.msk.f32 $0xffff, v2;
	v2 =	vadd.f32 v42, v5  }
0x778: {  	v62 =	vld [tilespmem:s6+$0x90];
	(xrf2) =	vadd.scan.msk.f32 $0xffff, v3;
	v3 =	vmul.f32 $2.000000030e-01, v6  }
0x779: {  	v2 =	vadd.f32 v7, v2  }
0x77a: {  	v3 =	vmax.f32 v6, v3  }
0x77b: {  	v3 =	vmul.f32 v3, v54;
	v6 =	vadd.f32 v8, v9;
	v7 =	vmul.f32 $2.000000030e-01, v2;
	_ =	sdelay $0x1  }
0x77c: {  	(xrf2) =	vadd.scan.msk.f32 $0xffff, v3;
	v2 =	vmax.f32 v2, v7;
	v3 =	vadd.f32 v62, v6  }
0x77d: {  	v2 =	vmul.f32 v2, v54  }
0x77e: {  	v7 =	vmul.f32 $2.000000030e-01, v3  }
0x77f: {  	v6, _, _ =	vpop (xrf2)  }
0x780: {  	v6 =	vmul.f32 $1.442695020e+00, v6  }
0x781: {  	v0 =	vmul.f32 v10, v0;
	(xrf2) =	vadd.scan.msk.f32 $0xffff, v2;
	v2, _, _ =	vpop (xrf2)  }
0x782: {  	v3 =	vmax.f32 v3, v7;
	v6 =	vbroadcast v6, $0xF;
	v2 =	vmul.f32 $1.442695020e+00, v2;
	v7, _, _ =	vpop (xrf2)  }
0x783: {  	v3 =	vmul.f32 v3, v54;
	v7 =	vmul.f32 $1.442695020e+00, v7  }
0x784: {  	[tilespmem:s10+$0xFFFFFF90] =	vst v0;
	v2 =	vbroadcast v2, $0xF  }
0x785: {  	v14 =	vld [tilespmem:s30+$0xFFFFFFB0];
	(erf) = vpow2.f32 v6;
	(xrf2) =	vadd.scan.msk.f32 $0xffff, v3;
	v3 =	vbroadcast v7, $0xF  }
0x786: {  	(erf) = vpow2.f32 v2  }
0x787: {  	(erf) = vpow2.f32 v3;
	_ =	sdelay $0x1  }
0x788: {  	v0 =	vmul.f32 v12, v44  }
0x789: {  	[tilespmem:$0x1FBC0] =	vst v14  }
0x78a: {  	[tilespmem:s10+$0x20] =	vst v0;
	v2, _, _ =	vpop (xrf2)  }
0x78b: {  	v10 =	vld [tilespmem:s30+$0x30];
	v2 =	vmul.f32 $1.442695020e+00, v2  }
0x78c: {  	v3, _, _ =	vpop (xrf2)  }
0x78d: {  	v2 =	vbroadcast v2, $0xF;
	v55 =	vpop (erf)  }
0x78e: {  	v3 =	vmul.f32 $1.442695020e+00, v3;
	v61 =	vpop (erf)  }
0x78f: {  	v6 =	vmul.f32 v13, v46;
	(erf) = vpow2.f32 v2;
	v56 =	vpop (erf)  }
0x790: {  	v0 =	vld [tilespmem:s20+$0xFFFFFFB0];
	[tilespmem:$0x1FBD0] =	vst v10;
	v2 =	vbroadcast v3, $0xF;
	v1 =	vmul.f32 v56, v1  }
0x791: {  	[tilespmem:s10+$0xB0] =	vst v6;
	v7, _, _ =	vpop (xrf2)  }
0x792: {  	v6 =	vld [tilespmem:s21+$0x30];
	(erf) = vpow2.f32 v2;
	v2 =	vmul.f32 $1.442695020e+00, v7;
	[tilespmem:s17+$0x140] =	vst v1  }
0x793: {  	v12 =	vld [tilespmem:s7+$0x130]  }
0x794: {  	v62 =	vld [tilespmem:s30+$0xB0];
	v2 =	vbroadcast v2, $0xF  }
0x795: {  	v8 =	vld [tilespmem:s20+$0xB0]  }
0x796: {  	v3 =	vld [tilespmem:s20+$0x30];
	(erf) = vpow2.f32 v2  }
0x797: {  	v7 =	vld [tilespmem:s21+$0xFFFFFFB0];
	v1 =	vmul.f32 v61, v4  }
0x798: {  	v2 =	vld [tilespmem:s21+$0xB0];
	[tilespmem:$0x1FBE0] =	vst v12  }
0x799: {  	v60 =	vpop (erf);
	[tilespmem:s17+$0xFFFFFEF0] =	vst v1;
	v1 =	vld [tilespmem:s24+$0x130]  }
0x79a: {  	v0 =	vadd.f32 v0, v14;
	v4 =	vmul.f32 v60, v18;
	v18 =	vld [tilespmem:s6+$0x130]  }
0x79b: {  	v59 =	vpop (erf);
	v51 =	vld [tilespmem:s7+$0xFFFFFF20]  }
0x79c: {  	v0 =	vadd.f32 v7, v0;
	v5 =	vmul.f32 v59, v5;
	[tilespmem:s17+$0xFFFFFF80] =	vst v4;
	v7 =	vld [tilespmem:s24+$0xFFFFFF20]  }
0x79d: {  	v3 =	vadd.f32 v3, v10;
	v49 =	vld [tilespmem:s7+$0xFFFFFFA0]  }
0x79e: {  	v53 =	vld [tilespmem:s24+$0xFFFFFFA0];
	[tilespmem:s17+$0x10] =	vst v5;
	v5 =	vadd.f32 v8, v62  }
0x79f: {  	v3 =	vadd.f32 v6, v3;
	v52 =	vmul.f32 $2.000000030e-01, v0;
	v8 =	vld [tilespmem:s6+$0xFFFFFF20];
	v57 =	vpop (erf)  }
0x7a0: {  	v46 =	vld [tilespmem:s7+$0x20];
	v2 =	vadd.f32 v2, v5;
	v5 =	vmul.f32 v57, v9;
	v1 =	vadd.f32 v1, v12  }
0x7a1: {  	v0 =	vmax.f32 v0, v52;
	v6 =	vld [tilespmem:s24+$0x20]  }
0x7a2: {  	v9 =	vld [tilespmem:s6+$0xFFFFFFA0];
	[tilespmem:s17+$0xA0] =	vst v5;
	v5 =	vmul.f32 $2.000000030e-01, v3;
	v7 =	vadd.f32 v7, v51;
	v1 =	vadd.f32 v18, v1  }
0x7a3: {  	v0 =	vmul.f32 v0, v17;
	v4 =	vld [tilespmem:s6+$0x20];
	v18 =	vmul.f32 $2.000000030e-01, v2  }
0x7a4: {  	v44 =	vld [tilespmem:s7+$0xA0];
	v3 =	vmax.f32 v3, v5;
	v7 =	vadd.f32 v8, v7;
	v8 =	vmul.f32 $2.000000030e-01, v1  }
0x7a5: {  	(xrf2) =	vadd.scan.msk.f32 $0xffff, v0;
	v0 =	vadd.f32 v53, v49;
	v5 =	vld [tilespmem:s24+$0xA0];
	v3 =	vmul.f32 v3, v17  }
0x7a6: {  	v2 =	vmax.f32 v2, v18;
	v1 =	vmax.f32 v1, v8;
	v8 =	vmul.f32 $2.000000030e-01, v7  }
0x7a7: {  	v6 =	vadd.f32 v6, v46;
	v0 =	vadd.f32 v9, v0;
	v9 =	vld [tilespmem:s6+$0xA0];
	v2 =	vmul.f32 v2, v17  }
0x7a8: {  	(xrf2) =	vadd.scan.msk.f32 $0xffff, v3;
	v1 =	vmul.f32 v1, v17;
	v3 =	vmax.f32 v7, v8  }
0x7a9: {  	(xrf2) =	vadd.scan.msk.f32 $0xffff, v2;
	v2 =	vadd.f32 v4, v6;
	v4 =	vmul.f32 $2.000000030e-01, v0;
	v3 =	vmul.f32 v3, v15  }
0x7aa: {  	(xrf2) =	vadd.scan.msk.f32 $0xffff, v1;
	v1 =	vadd.f32 v5, v44  }
0x7ab: {  	v0 =	vmax.f32 v0, v4;
	(xrf2) =	vadd.scan.msk.f32 $0xffff, v3;
	v3 =	vmul.f32 $2.000000030e-01, v2  }
0x7ac: {  	v0 =	vmul.f32 v0, v15;
	v1 =	vadd.f32 v9, v1  }
0x7ad: {  	v2 =	vmax.f32 v2, v3  }
0x7ae: {  	(xrf2) =	vadd.scan.msk.f32 $0xffff, v0;
	v0 =	vmul.f32 v2, v15;
	v2 =	vmul.f32 $2.000000030e-01, v1  }
0x7af: {  	v3, _, _ =	vpop (xrf2)  }
0x7b0: {  	v1 =	vmax.f32 v1, v2;
	(xrf2) =	vadd.scan.msk.f32 $0xffff, v0;
	v0 =	vmul.f32 $1.442695020e+00, v3  }
0x7b1: {  	v1 =	vmul.f32 v1, v15  }
0x7b2: {  	v0 =	vbroadcast v0, $0xF;
	v2, _, _ =	vpop (xrf2)  }
0x7b3: {  	(xrf2) =	vadd.scan.msk.f32 $0xffff, v1;
	v1 =	vmul.f32 $1.442695020e+00, v2;
	v2, _, _ =	vpop (xrf2)  }
0x7b4: {  	(erf) = vpow2.f32 v0;
	v0 =	vmul.f32 $1.442695020e+00, v2;
	v2, _, _ =	vpop (xrf2)  }
0x7b5: {  	v1 =	vbroadcast v1, $0xF;
	v3, _, _ =	vpop (xrf2)  }
0x7b6: {  	v0 =	vbroadcast v0, $0xF;
	v3 =	vmul.f32 $1.442695020e+00, v3  }
0x7b7: {  	v2 =	vmul.f32 $1.442695020e+00, v2;
	(erf) = vpow2.f32 v1  }
0x7b8: {  	(erf) = vpow2.f32 v0;
	v0 =	vbroadcast v3, $0xF  }
0x7b9: {  	v1 =	vbroadcast v2, $0xF;
	_ =	sdelay $0x1  }
0x7ba: {  	v2, _, _ =	vpop (xrf2);
	(erf) = vpow2.f32 v1  }
0x7bb: {  	v1 =	vmul.f32 $1.442695020e+00, v2;
	(erf) = vpow2.f32 v0;
	v0, _, _ =	vpop (xrf2)  }
0x7bc: {  	v0 =	vmul.f32 $1.442695020e+00, v0  }
0x7bd: {  	v1 =	vbroadcast v1, $0xF  }
0x7be: {  	v0 =	vbroadcast v0, $0xF  }
0x7bf: {  	v42 =	vld [tilespmem:$0x1FFA0];
	(erf) = vpow2.f32 v1  }
0x7c0: {  	(erf) = vpow2.f32 v0;
	v0 =	vld [tilespmem:$0x1FD80]  }
0x7c1: {  	v18 =	vld [tilespmem:$0x1FFB0]  }
0x7c2: {  	v3 =	vld [tilespmem:$0x1FD90];
	_ =	sdelay $0x1  }
0x7c3: {  	v1, _, _ =	vpop (xrf2)  }
0x7c4: {  	v1 =	vmul.f32 $1.442695020e+00, v1;
	v0 =	vmul.f32 v42, v0;
	_ =	sdelay $0x1  }
0x7c5: {  	v45 =	vpop (erf);
	v3 =	vmul.f32 v18, v3;
	v2 =	vbroadcast v1, $0xF;
	v0 =	vadd.f32 $0.0e+00, v0  }
0x7c6: {  	v50 =	vpop (erf)  }
0x7c7: {  	v52 =	vpop (erf);
	(erf) = vpow2.f32 v2;
	v2 =	vadd.f32 v3, v0;
	v0 =	vld [tilespmem:$0x1FF80];
	_ =	sdelay $0x1  }
0x7c8: {  	v53 =	vpop (erf)  }
0x7c9: {  	v14 =	vpop (erf)  }
0x7ca: {  	v4 =	vmul.f32 v14, v51  }
0x7cb: {  	v12 =	vld [tilespmem:$0x1FFC0];
	v3 =	vmul.f32 v0, v19;
	v19 =	vpop (erf)  }
0x7cc: {  	[tilespmem:s17+$0xFFFFFF00] =	vst v4;
	v4 =	vmul.f32 v19, v49  }
0x7cd: {  	v13 =	vld [tilespmem:$0x1FFD0]  }
0x7ce: {  	[tilespmem:s17+$0xFFFFFF90] =	vst v4  }
0x7cf: {  	v51 =	vld [tilespmem:$0x1FF90]  }
0x7d0: {  	v2 =	vadd.f32 v3, v2;
	v3 =	vmul.f32 v12, v20;
	_ =	sdelay $0x1  }
0x7d1: {  	v49 =	vpop (erf);
	v2 =	vadd.f32 v3, v2;
	v3 =	vmul.f32 v13, v22  }
0x7d2: {  	v4 =	vmul.f32 v49, v46  }
0x7d3: {  	v2 =	vadd.f32 v3, v2;
	v3 =	vmul.f32 v51, v29  }
0x7d4: {  	v8 =	vld [tilespmem:$0x1FF80];
	[tilespmem:s17+$0x20] =	vst v4  }
0x7d5: {  	v2 =	vadd.f32 v3, v2;
	v3 =	vld [tilespmem:$0x1FF80];
	_ =	sdelay $0x4  }
0x7d6: {  	v3 =	vmul.f32 v3, v16;
	v16 =	vld [tilespmem:$0x1FFE0];
	_ =	sdelay $0x3  }
0x7d7: {  	v0 =	vld [tilespmem:$0x1FA70]  }
0x7d8: {  	v4 =	vmul.f32 v16, v40;
	v40 =	vpop (erf)  }
0x7d9: {  	v7 =	vadd.f32 v47, v36;
	v47 =	vmul.f32 v40, v44  }
0x7da: {  	v10 =	vld [tilespmem:$0x1FA80]  }
0x7db: {  	v8 =	vmul.f32 v8, v48;
	v48 =	vld [tilespmem:$0x1FFF0];
	[tilespmem:s17+$0xB0] =	vst v47  }
0x7dc: {  	v46 =	vmul.f32 v51, v0;
	v0 =	vld [tilespmem:$0x1FA90];
	_ =	sdelay $0x1  }
0x7dd: {  	v5 =	vld [tilespmem:s24+$0xFFFFFF30]  }
0x7de: {  	v6 =	vld [tilespmem:s6+$0xFFFFFF30]  }
0x7df: {  	v22 =	vld [tilespmem:s7+$0xFFFFFF30]  }
0x7e0: {  	v8 =	vadd.f32 v8, v37;
	v37 =	vmul.f32 v51, v0;
	v0 =	vld [tilespmem:$0x1FAB0]  }
0x7e1: {  	v9 =	vld [tilespmem:s24+$0xFFFFFFB0];
	v2 =	vadd.f32 v4, v2;
	v4 =	vmul.f32 v48, v10  }
0x7e2: {  	v29 =	vld [tilespmem:s7+$0xFFFFFFB0]  }
0x7e3: {  	v44 =	vmul.f32 v51, v11;
	v11 =	vadd.f32 v4, v2;
	v2 =	vld [tilespmem:$0x1FAC0]  }
0x7e4: {  	v41 =	vadd.f32 v46, v41;
	v46 =	vld [tilespmem:s6+$0xFFFFFFB0]  }
0x7e5: {  	v4 =	vadd.f32 v5, v22;
	v34 =	vadd.f32 v37, v34;
	v37 =	vmul.f32 v12, v0;
	v0 =	vld [tilespmem:$0x1FAD0];
	_ =	sdelay $0x1  }
0x7e6: {  	v9 =	vadd.f32 v9, v29;
	v1 =	vld [tilespmem:$0x1FAA0];
	v4 =	vadd.f32 v6, v4  }
0x7e7: {  	v6 =	vmul.f32 v48, v2  }
0x7e8: {  	v9 =	vadd.f32 v46, v9;
	v47 =	vmul.f32 $2.000000030e-01, v4  }
0x7e9: {  	v6 =	vadd.f32 v6, v32;
	v32 =	vmul.f32 v48, v0;
	v28 =	vmul.f32 v0, v28;
	v0 =	vld [tilespmem:$0x1FAF0];
	_ =	sdelay $0x1  }
0x7ea: {  	v46 =	vmul.f32 $2.000000030e-01, v9;
	v5 =	vmul.f32 v48, v1;
	v4 =	vmax.f32 v4, v47  }
0x7eb: {  	v25 =	vmul.f32 v1, v25;
	v1 =	vld [tilespmem:$0x1FAE0];
	v4 =	vmul.f32 v4, v17  }
0x7ec: {  	v20 =	vld [tilespmem:s7+$0x30]  }
0x7ed: {  	(xrf2) =	vadd.scan.msk.f32 $0xffff, v4;
	v4 =	vmax.f32 v9, v46;
	v46 =	vmul.f32 v12, v0;
	v0 =	vld [tilespmem:$0x1FB00]  }
0x7ee: {  	v3 =	vadd.f32 v3, v39;
	v39 =	vld [tilespmem:s24+$0x30];
	_ =	sdelay $0x1  }
0x7ef: {  	v5 =	vadd.f32 v5, v27;
	v27 =	vld [tilespmem:s6+$0x30];
	v47 =	vmul.f32 v12, v1;
	_ =	sdelay $0x1  }
0x7f0: {  	v7 =	vadd.f32 v47, v7;
	v47 =	vmul.f32 v12, v0;
	v0 =	vld [tilespmem:$0x1FB10]  }
0x7f1: {  	v39 =	vadd.f32 v39, v20;
	_ =	sdelay $0x1  }
0x7f2: {  	v4 =	vmul.f32 v4, v17;
	v27 =	vadd.f32 v27, v39;
	_ =	sdelay $0x1  }
0x7f3: {  	(xrf2) =	vadd.scan.msk.f32 $0xffff, v4;
	v9 =	vmul.f32 $2.000000030e-01, v27;
	v4 =	vmul.f32 v16, v0;
	v0 =	vld [tilespmem:$0x1FB20];
	_ =	sdelay $0x1  }
0x7f4: {  	v9 =	vmax.f32 v27, v9  }
0x7f5: {  	v36 =	vld [tilespmem:s7+$0xB0];
	v9 =	vmul.f32 v9, v17  }
0x7f6: {  	v35 =	vadd.f32 v44, v35;
	v44 =	vld [tilespmem:s24+$0xB0]  }
0x7f7: {  	(xrf2) =	vadd.scan.msk.f32 $0xffff, v9;
	v9 =	vmul.f32 v13, v0;
	v0 =	vld [tilespmem:$0x1FB30]  }
0x7f8: {  	v37 =	vadd.f32 v37, v38;
	v38 =	vld [tilespmem:s6+$0xB0];
	_ =	sdelay $0x2  }
0x7f9: {  	v44 =	vadd.f32 v44, v36  }
0x7fa: {  	v39 =	vmul.f32 v16, v0;
	v0 =	vld [tilespmem:$0x1FB40]  }
0x7fb: {  	v32 =	vadd.f32 v32, v33;
	v33 =	vadd.f32 v38, v44;
	_ =	sdelay $0x1  }
0x7fc: {  	v44 =	vmul.f32 $2.000000030e-01, v33;
	_ =	sdelay $0x1  }
0x7fd: {  	v33 =	vmax.f32 v33, v44;
	v44 =	vmul.f32 v13, v0;
	v0 =	vld [tilespmem:$0x1FB50]  }
0x7fe: {  	v21 =	vmul.f32 v42, v21;
	_ =	sdelay $0x1  }
0x7ff: {  	v21 =	vadd.f32 $0.0e+00, v21;
	v24 =	vmul.f32 v18, v24;
	_ =	sdelay $0x1  }
0x800: {  	v21 =	vadd.f32 v24, v21;
	v24 =	vmul.f32 v16, v0;
	v0 =	vld [tilespmem:$0x1FB60];
	_ =	sdelay $0x4  }
0x801: {  	v3 =	vadd.f32 v47, v3;
	v47 =	vmul.f32 v13, v0;
	v0 =	vld [tilespmem:$0x1FB70];
	_ =	sdelay $0x1  }
0x802: {  	v8 =	vadd.f32 v46, v8;
	v46 =	vld [tilespmem:$0x1FF80]  }
0x803: {  	v27 =	vadd.f32 v39, v41;
	v39 =	vld [tilespmem:$0x1FB80];
	[tilespmem:s13+$0x150] =	vst v43  }
0x804: {  	[tilespmem:s10+$0x160] =	vst v11  }
0x805: {  	v9 =	vadd.f32 v9, v37;
	v37 =	vmul.f32 v16, v0;
	v0 =	vld [tilespmem:$0x1FB90];
	_ =	sdelay $0x2  }
0x806: {  	v31 =	vmul.f32 v46, v31;
	v46 =	vld [tilespmem:$0x1FBA0];
	[tilespmem:s13+$0xFFFFFFB0] =	vst v5  }
0x807: {  	[tilespmem:s13+$0xFFFFFFA0] =	vst v25  }
0x808: {  	v26 =	vmul.f32 v2, v26;
	v2 =	vmul.f32 v55, v0;
	v0 =	vld [tilespmem:$0x1FBB0]  }
0x809: {  	v21 =	vadd.f32 v31, v21;
	v31 =	vmul.f32 v12, v39;
	_ =	sdelay $0x1  }
0x80a: {  	v63 =	vmul.f32 v13, v63;
	v21 =	vadd.f32 v31, v21;
	v31 =	vmul.f32 v13, v46;
	_ =	sdelay $0x1  }
0x80b: {  	v3 =	vadd.f32 v63, v3;
	v21 =	vadd.f32 v31, v21;
	v63 =	vmul.f32 v51, v0  }
0x80c: {  	v4 =	vadd.f32 v4, v30;
	v7 =	vadd.f32 v44, v7;
	v44 =	vmul.f32 v48, v55;
	[tilespmem:s13+$0x40] =	vst v6  }
0x80d: {  	v6 =	vadd.f32 v24, v34;
	v34 =	vmul.f32 v16, v56;
	[tilespmem:s13+$0xD0] =	vst v32;
	v21 =	vadd.f32 v63, v21  }
0x80e: {  	v38 =	vmul.f32 v33, v17;
	v4 =	vadd.f32 v44, v4;
	[tilespmem:s13+$0x30] =	vst v26  }
0x80f: {  	v41, _, _ =	vpop (xrf2);
	v43 =	vmul.f32 v48, v53;
	[tilespmem:s13+$0xC0] =	vst v28;
	v21 =	vadd.f32 v34, v21  }
0x810: {  	(xrf2) =	vadd.scan.msk.f32 $0xffff, v38;
	v38 =	vmul.f32 $1.442695020e+00, v41;
	v5 =	vmul.f32 v10, v23;
	[tilespmem:s10+$0xFFFFFF20] =	vst v4  }
0x811: {  	[tilespmem:s10+$0xFFFFFF10] =	vst v2;
	v2 =	vadd.f32 v43, v21  }
0x812: {  	v8 =	vadd.f32 v47, v8;
	v47 =	vbroadcast v38, $0xF;
	[tilespmem:s10+$0x150] =	vst v5  }
0x813: {  	[tilespmem:s17+$0x160] =	vst v2  }
0x814: {  	(erf) = vpow2.f32 v47;
	v4 =	vmul.f32 v48, v45;
	v0 =	vld [tilespmem:$0x1FBC0];
	_ =	sdelay $0x1  }
0x815: {  	v5 =	vmul.f32 v48, v50;
	v4 =	vadd.f32 v4, v27;
	_ =	sdelay $0x1  }
0x816: {  	v55, _, _ =	vpop (xrf2);
	[tilespmem:s10+$0xFFFFFFB0] =	vst v4;
	v4 =	vadd.f32 v5, v6  }
0x817: {  	v33 =	vmul.f32 $1.442695020e+00, v55;
	v2 =	vmul.f32 v45, v0  }
0x818: {  	v55 =	vmul.f32 v51, v61;
	[tilespmem:s10+$0x40] =	vst v4  }
0x819: {  	v46 =	vadd.f32 v37, v35;
	v56 =	vmul.f32 v48, v52;
	v38, _, _ =	vpop (xrf2);
	v39 =	vbroadcast v33, $0xF;
	[tilespmem:s10+$0xFFFFFFA0] =	vst v2  }
0x81a: {  	v23 =	vmul.f32 $1.442695020e+00, v38;
	v41, _, _ =	vpop (xrf2);
	v9 =	vadd.f32 v55, v9;
	v0 =	vmul.f32 v16, v14;
	v1 =	vld [tilespmem:$0x1FBD0]  }
0x81b: {  	v44 =	vmul.f32 $1.442695020e+00, v41;
	(erf) = vpow2.f32 v39;
	v63 =	vpop (erf);
	v2 =	vadd.f32 v56, v46  }
0x81c: {  	v23 =	vbroadcast v23, $0xF;
	v4 =	vmul.f32 v48, v63;
	v0 =	vadd.f32 v0, v9  }
0x81d: {  	v47 =	vbroadcast v44, $0xF;
	[tilespmem:s10+$0xD0] =	vst v2;
	v2 =	vmul.f32 v52, v62  }
0x81e: {  	(erf) = vpow2.f32 v23;
	v0 =	vadd.f32 v4, v0  }
0x81f: {  	(erf) = vpow2.f32 v47;
	[tilespmem:s10+$0xC0] =	vst v2;
	v1 =	vmul.f32 v50, v1  }
0x820: {  	[tilespmem:s17+$0xFFFFFF20] =	vst v0  }
0x821: {  	[tilespmem:s10+$0x30] =	vst v1  }
0x822: {  	v61 =	vmul.f32 v51, v60;
	v5 =	vmul.f32 v51, v59;
	v0 =	vld [tilespmem:$0x1FBE0]  }
0x823: {  	v9 =	vmul.f32 v16, v19  }
0x824: {  	v7 =	vadd.f32 v61, v7;
	v5 =	vadd.f32 v5, v8;
	v4 =	vpop (erf)  }
0x825: {  	v6 =	vmul.f32 v51, v57;
	v8 =	vmul.f32 v48, v4  }
0x826: {  	v2 =	vadd.f32 v9, v7;
	v7 =	vmul.f32 v63, v22;
	v1 =	vmul.f32 v16, v49  }
0x827: {  	v3 =	vadd.f32 v6, v3;
	v6 =	vmul.f32 v16, v40;
	v9 =	vpop (erf);
	v0 =	vmul.f32 v53, v0  }
0x828: {  	v2 =	vadd.f32 v8, v2;
	[tilespmem:s17+$0xFFFFFF10] =	vst v7;
	v7 =	vmul.f32 v48, v9;
	v1 =	vadd.f32 v1, v5;
	v5 =	vpop (erf)  }
0x829: {  	v3 =	vadd.f32 v6, v3;
	v8 =	vld [tilespmem:$0x1FF80];
	[tilespmem:s17+$0x150] =	vst v0;
	v0 =	vmul.f32 v4, v29;
	v4 =	vmul.f32 v48, v5  }
0x82a: {  	[tilespmem:s17+$0xFFFFFFB0] =	vst v2;
	v1 =	vadd.f32 v7, v1  }
0x82b: {  	[tilespmem:s17+$0xFFFFFFA0] =	vst v0;
	v0 =	vadd.f32 v4, v3  }
0x82c: {  	[tilespmem:s17+$0x40] =	vst v1;
	v1 =	vmul.f32 v9, v20  }
0x82d: {  	s0 =	sshll.u32 @!p0 s12, $0x4;
	[tilespmem:s17+$0xD0] =	vst v0;
	v0 =	vmul.f32 v5, v36  }
0x82e: {  	s11 =	sadd.s32 $0x1, s11;
	s0 =	sand.u32 @!p0 $0x1FFFFF00, s0;
	[tilespmem:s17+$0x30] =	vst v1  }
0x82f: {  	s0 =	sadd.s32 @!p0 s5, s0;
	s7 =	simm.s32 @!p0 $0x1C7F0;
	s6 =	simm.s32 @!p0 $0x0;
	[tilespmem:s17+$0xC0] =	vst v0  }
0x830: {  	[tilespmem:s7], [sflag:$0x2] =	stream.linear.gather @!p0 [hbm4b:s0+s6], $0x1400, $0x38;
	[tilespmem:$0x1F2F0] =	vst v63  }
0x831: {  	p0 =	sne.s32 s11, $0x19  }
0x832: {  	[spmem:s2] =	stream.indirect.scatter.add.f32 [tilespmem:s14], [sflag:$0x4], $0x90, s23, s19, $0xb8;
	[tilespmem:$0x1F2F0] =	vst v63  }
.Ltmp3:
0x833: {  	_ =	swait.ge [sflag:s15], $0x1680;
	(pc) =	sbr.rel @p0 .LBB2_5-.Ltmp3, $4  }
0x834: {  	v5 =	vld [tilespmem:$0x1FF40]  }
0x835: {  	v2 =	vld [tilespmem:$0x1FF30]  }
0x836: {  	v11 =	vmov v15;
	v10 =	vmov v58;
	[sflag:s15] =	ssyncset.done $0x0;
	v3 =	vld [tilespmem:$0x1FF60]  }
0x837: {  	v6 =	vmovc v42;
	v49 =	vmovc v51;
	v7 =	vmov v18;
	v9 =	vmov v17;
	v1 =	vmov v54;
	v4 =	vld [tilespmem:$0x1FF00];
	[sflag:s15] =	ssyncadd.s32 $0xFFFFE980  }
0x838: {  	s0 =	sld [smem:$0x7FB];
	_ =	sdelay $0x2  }
0x839: {  	s0 =	sadd.s32 $0x1, s0  }
0x83a: {  	p0 =	sne.s32 s0, $0x5  }
.Ltmp4:
0x83b: {  	_ = 	snop;
	(pc) =	sbr.rel @p0 .LBB2_4-.Ltmp4, $1  }
0x83c: {  	_ =	sdelay $0x3  }
0x83d: {  	s0 =	stileid.u32;
	[bflag:$0x0] =	sbarrier.arrive $0xFFFF  }
0x83e: {  	s0 =	sshll.u32 s0, $0x6;
	s17 =	rddreg [dreg:$0x6]  }
0x83f: {  	s7 =	rddreg [dreg:$0x9];
	s0 =	sor.u32 $0x1C04, s0;
	s6 =	sshrl.u32 s17, $0x3  }
0x840: {  	[hbm:s7], [sflag:s0] =	dma.local [spmem:s6], $0x900  }
0x841: {  	_ =	swait.ge [sflag:s15], $0x900  }
0x842: {  	[sflag:s15] =	ssyncset.done $0x0;
	s12 =	rddreg [dreg:$0xa]  }
0x843: {  	s13 =	rddreg [dreg:$0x1d];
	[sflag:s15] =	ssyncadd.s32 $0xFFFFF700  }
0x844: {  	[hbm:s12], [sflag:s0] =	dma.local [spmem:s13], $0x900  }
0x845: {  	_ =	swait.ge [sflag:s15], $0x900  }
0x846: {  	[sflag:s15] =	ssyncset.done $0x0;
	s16 =	rddreg [dreg:$0xb]  }
0x847: {  	s18 =	rddreg [dreg:$0x1e];
	[sflag:s15] =	ssyncadd.s32 $0xFFFFF700  }
0x848: {  	[hbm:s16], [sflag:s0] =	dma.local [spmem:s18], $0x900  }
0x849: {  	_ =	swait.ge [sflag:s15], $0x900  }
0x84a: {  	[sflag:s15] =	ssyncset.done $0x0;
	s20 =	rddreg [dreg:$0xc]  }
0x84b: {  	s21 =	rddreg [dreg:$0x1f];
	[sflag:s15] =	ssyncadd.s32 $0xFFFFF700  }
0x84c: {  	[hbm:s20], [sflag:s0] =	dma.local [spmem:s21], $0x900  }
0x84d: {  	_ =	swait.ge [sflag:s15], $0x900  }
0x84e: {  	s25 =	sld [smem:$0x7FD]  }
0x84f: {  	[sflag:s15] =	ssyncset.done $0x0  }
0x850: {  	s24 =	rddreg [dreg:$0xd];
	[sflag:s15] =	ssyncadd.s32 $0xFFFFF700  }
0x851: {  	[hbm:s24], [sflag:s0] =	dma.local [spmem:s25], $0x900  }
0x852: {  	_ =	swait.ge [sflag:s15], $0x900  }
0x853: {  	s30 =	sld [smem:$0x7FC];
	_ =	sdelay $0x2  }
0x854: {  	s31 =	rddreg [dreg:$0x1c];
	s6 =	sadd.s32 $0x1, s30  }
0x855: {  	p0 =	sne.s32 s6, s31  }
.Ltmp5:
0x856: {  	_ = 	snop;
	(pc) =	sbr.rel @p0 .LBB2_1-.Ltmp5, $3  }
0x857: {  	_ =	sdelay $0x1  }
0x858: {  	[sflag:s15] =	ssyncset.done $0x0  }
0x859: {  	v0 =	vimm.f32 $0.0e+00;
	[sflag:s15] =	ssyncadd.s32 $0xFFFFF700  }
0x85a: {  	_ =	sfence.sel $0x180000  }
0x85b: {  	[bflag:$0x0] =	sbarrier.arrive $0xFFFF  }
0x85c: {  	_ =	strace $0x90000047  }
0x85d: {  	s0 =	stileid.u32;
	[bflag:$0x2] =	sbarrier.arrive $0xFFFF  }
0x85e: {  	p0 =	sne.s32 s0, $0x0;
	s0 =	rddreg [dreg:$0x3]  }
0x85f: {  	s0 =	sadd.s32 @!p0 $0x100000, s0  }
0x860: {  	[sflag:s0] =	ssyncadd.tile.s32 @!p0 $0x1;
	_ =	shalt  }
.Lfunc_end2:
_tile_overlayer_lowered:
.L_overlay_start_2:
0x861: {  	(tag) =	ssettag $0x2  }
0x862: {  	s0 =	rddreg [dreg:$0x0];
	s2 =	stileid.u32  }
0x863: {  	s1 =	rddreg [dreg:$0x1];
	p0 =	sne.s32 s2, $0x0  }
0x864: {  	s3 =	rddreg [dreg:$0x2];
	[bflag:$0x3] =	sbarrier.arrive $0xFFFF;
	s2 =	simm.s32 @!p0 $0x1C04  }
0x865: {  	[timem:s3], [sflag:s2] =	dma.local @!p0 [hbm:s0], s1  }
0x866: {  	s0 =	simm.s32 @!p0 $0x4  }
0x867: {  	_ =	swait.ge @!p0 [sflag:s0], s1  }
0x868: {  	s1 =	ssub.s32 @!p0 $0x0, s1;
	[sflag:s0] =	ssyncset.done @!p0 $0x0  }
0x869: {  	[sflag:s0] =	ssyncadd.s32 @!p0 s1  }
0x86a: {  	[bflag:$0x3] =	sbarrier.arrive $0xFFFF  }
0x86b: {  	_ =	shalt  }

</sc_bundles>
